<compile_context>
chip_gen: v7x
topology: tpu7x:2x2x1
jax: 0.10.2.dev20260603
libtpu: 0.0.44.dev20260713+nightly
codegen_flags: <defaults>
</compile_context>

<pallas_src>
import functools

import jax
import jax.numpy as jnp
from jax import lax
from jax.experimental import pallas as pl
from jax.experimental.pallas import tpu as pltpu
from jax.experimental.pallas import tpu_sc as plsc

EMBED = 128
BLOCKS = 5
HIDDEN = 32

NC = 2
NS = 16
NW = NC * NS
CHUNK = 128
GC = 16
NGA = 15
NGB = 5


def _sc_mesh():
    return plsc.VectorSubcoreMesh(core_axis_name="c", subcore_axis_name="s")


def _make_count_kernel(n_pad, nch):
    rows_per = n_pad // NS

    @functools.partial(
        pl.kernel,
        out_type=jax.ShapeDtypeStruct((NC, n_pad, EMBED), jnp.float32),
        mesh=_sc_mesh(),
        scratch_types=[
            pltpu.VMEM((nch, CHUNK), jnp.int32),
            pltpu.VMEM((CHUNK, EMBED), jnp.float32),
            pltpu.VMEM_SHARED((n_pad, EMBED), jnp.float32),
            pltpu.SemaphoreType.DMA,
        ],
    )
    def count_kernel(col_hbm, ones_hbm, zeros_hbm, out_hbm, colv, onesv, accum, sem):
        c = lax.axis_index("c")
        s = lax.axis_index("s")
        wid = s * NC + c
        pltpu.sync_copy(zeros_hbm.at[pl.ds(s * rows_per, rows_per)],
                        accum.at[pl.ds(s * rows_per, rows_per)])
        pltpu.sync_copy(col_hbm.at[wid], colv)
        pltpu.sync_copy(ones_hbm, onesv)
        plsc.subcore_barrier()

        def body(j, carry):
            pltpu.sync_copy(onesv, accum.at[colv.at[j]], add=True)
            return carry

        lax.fori_loop(0, nch, body, 0)
        plsc.subcore_barrier()
        pltpu.sync_copy(accum.at[pl.ds(s * rows_per, rows_per)],
                        out_hbm.at[c, pl.ds(s * rows_per, rows_per)])

    return count_kernel


NBUF = 2


def _make_agg_kernel(n_pad):
    rows_per = n_pad // NS

    @functools.partial(
        pl.kernel,
        out_type=jax.ShapeDtypeStruct((NC, n_pad, EMBED), jnp.float32),
        mesh=_sc_mesh(),
        scratch_types=[
            pltpu.VMEM((GC, CHUNK), jnp.int32),
            pltpu.VMEM((GC, CHUNK), jnp.int32),
        ] + [pltpu.VMEM((CHUNK, EMBED), jnp.float32) for _ in range(NBUF)] + [
            pltpu.VMEM_SHARED((n_pad, EMBED), jnp.float32),
        ] + [pltpu.SemaphoreType.DMA for _ in range(NBUF)],
    )
    def agg_kernel(hs_hbm, row_hbm, col_hbm, zeros_hbm, out_hbm,
                   rowv, colv, *rest):
        gb = rest[:NBUF]
        accum = rest[NBUF]
        sem = rest[NBUF + 1:]
        c = lax.axis_index("c")
        s = lax.axis_index("s")

        pltpu.sync_copy(zeros_hbm.at[pl.ds(s * rows_per, rows_per)],
                        accum.at[pl.ds(s * rows_per, rows_per)])
        plsc.subcore_barrier()

        def make_group(base):
            def group(g, carry):
                pltpu.sync_copy(row_hbm.at[base + g], rowv)
                pltpu.sync_copy(col_hbm.at[base + g], colv)
                for b in range(NBUF):
                    pltpu.async_copy(hs_hbm.at[rowv.at[b]], gb[b], sem[b])

                def body(j, carry2):
                    for b in range(NBUF):
                        @pl.when(j % NBUF == b)
                        def _(b=b):
                            pltpu.make_async_copy(hs_hbm.at[rowv.at[j]],
                                                  gb[b], sem[b]).wait()
                            pltpu.sync_copy(gb[b], accum.at[colv.at[j]],
                                            add=True)

                            @pl.when(j + NBUF < GC)
                            def _():
                                pltpu.async_copy(hs_hbm.at[rowv.at[j + NBUF]],
                                                 gb[b], sem[b])
                    return carry2

                lax.fori_loop(0, GC, body, 0)
                return carry
            return group

        @pl.when(c == 0)
        def _():
            lax.fori_loop(0, NGA, make_group(s * NGA), 0)

        @pl.when(c == 1)
        def _():
            lax.fori_loop(0, NGB, make_group(NS * NGA + s * NGB), 0)

        plsc.subcore_barrier()
        pltpu.sync_copy(accum.at[pl.ds(s * rows_per, rows_per)],
                        out_hbm.at[c, pl.ds(s * rows_per, rows_per)])

    return agg_kernel


BR = 2048


def _embed_body(x_ref, counts_ref, wet_ref, be_ref, h_ref, hs_ref, deg_ref):
    x = x_ref[...]
    cnt = counts_ref[0, :, 0:1] + counts_ref[1, :, 0:1]
    deg = lax.rsqrt(cnt + 1.0)
    h = jnp.maximum(jnp.dot(x, wet_ref[...],
                            preferred_element_type=jnp.float32) + be_ref[...], 0.0)
    h_ref[...] = h
    hs_ref[...] = deg * h
    deg_ref[...] = deg


def _gru_body(h_ref, p_ref, deg_ref, maxh_ref, wih_ref, whh_ref, bih_ref,
              bhh_ref, h_out, hs_out, maxh_out):
    h = h_ref[...]
    deg = deg_ref[...]
    aggr = deg * (p_ref[0] + p_ref[1])
    gi = jnp.dot(h, wih_ref[...], preferred_element_type=jnp.float32) + bih_ref[...]
    gh = jnp.dot(aggr, whh_ref[...], preferred_element_type=jnp.float32) + bhh_ref[...]
    r = jax.nn.sigmoid(gi[:, :EMBED] + gh[:, :EMBED])
    z = jax.nn.sigmoid(gi[:, EMBED:2 * EMBED] + gh[:, EMBED:2 * EMBED])
    n = jnp.tanh(gi[:, 2 * EMBED:] + r * gh[:, 2 * EMBED:])
    hn = (1.0 - z) * n + z * aggr
    h_out[...] = hn
    hs_out[...] = deg * hn
    maxh_out[...] = jnp.maximum(maxh_ref[...], hn)


def _dec_body(maxh_ref, wdh_ref, bdh_ref, wdo_ref, bdo_ref, out_ref):
    zz = jnp.maximum(jnp.dot(maxh_ref[...], wdh_ref[...],
                             preferred_element_type=jnp.float32) + bdh_ref[...], 0.0)
    out_ref[...] = jnp.dot(zz, wdo_ref[...],
                           preferred_element_type=jnp.float32) + bdo_ref[...]


def _row_spec(width):
    return pl.BlockSpec((BR, width), lambda i: (i, 0))


def _full_spec(shape):
    nd = len(shape)
    return pl.BlockSpec(shape, lambda i, _n=nd: (0,) * _n)


def kernel(x, edge_idx, W_embed, b_embed, W_ih, W_hh, b_ih, b_hh,
           W_dh, b_dh, W_do, b_do):
    N = x.shape[0]
    E = edge_idx.shape[1]
    n_pad = ((N + BR - 1) // BR) * BR
    tot_groups = NS * (NGA + NGB)
    e_pad = tot_groups * GC * CHUNK
    nch = e_pad // (NW * CHUNK)

    row = edge_idx[0]
    col = edge_idx[1]
    pad_idx = jnp.full((e_pad - E,), N, dtype=jnp.int32)
    row_g = jnp.concatenate([row, pad_idx]).reshape(tot_groups, GC, CHUNK)
    col_g = jnp.concatenate([col, pad_idx]).reshape(tot_groups, GC, CHUNK)
    col3 = col_g.reshape(NW, nch, CHUNK)

    x_pad = jnp.zeros((n_pad, 3), jnp.float32).at[:N].set(x)
    zeros_nd = jnp.zeros((n_pad, EMBED), jnp.float32)
    ones_w = jnp.ones((CHUNK, EMBED), jnp.float32)

    wet = W_embed.T
    be = b_embed.reshape(1, EMBED)
    wih = W_ih.T
    whh = W_hh.T
    bih = b_ih.reshape(1, 3 * EMBED)
    bhh = b_hh.reshape(1, 3 * EMBED)
    wdh = W_dh.T
    bdh = b_dh.reshape(1, HIDDEN)
    wdo = W_do.T
    bdo = b_do.reshape(1, 1)

    counts = _make_count_kernel(n_pad, nch)(col3, ones_w, zeros_nd)

    grid = n_pad // BR
    h, hs, deg = pl.pallas_call(
        _embed_body,
        grid=(grid,),
        in_specs=[
            _row_spec(3),
            pl.BlockSpec((NC, BR, EMBED), lambda i: (0, i, 0)),
            _full_spec((3, EMBED)),
            _full_spec((1, EMBED)),
        ],
        out_specs=[_row_spec(EMBED), _row_spec(EMBED), _row_spec(1)],
        out_shape=[
            jax.ShapeDtypeStruct((n_pad, EMBED), jnp.float32),
            jax.ShapeDtypeStruct((n_pad, EMBED), jnp.float32),
            jax.ShapeDtypeStruct((n_pad, 1), jnp.float32),
        ],
    )(x_pad, counts, wet, be)

    agg = _make_agg_kernel(n_pad)
    gru = pl.pallas_call(
        _gru_body,
        grid=(grid,),
        in_specs=[
            _row_spec(EMBED),
            pl.BlockSpec((NC, BR, EMBED), lambda i: (0, i, 0)),
            _row_spec(1),
            _row_spec(EMBED),
            _full_spec((EMBED, 3 * EMBED)),
            _full_spec((EMBED, 3 * EMBED)),
            _full_spec((1, 3 * EMBED)),
            _full_spec((1, 3 * EMBED)),
        ],
        out_specs=[_row_spec(EMBED), _row_spec(EMBED), _row_spec(EMBED)],
        out_shape=[
            jax.ShapeDtypeStruct((n_pad, EMBED), jnp.float32),
            jax.ShapeDtypeStruct((n_pad, EMBED), jnp.float32),
            jax.ShapeDtypeStruct((n_pad, EMBED), jnp.float32),
        ],
    )

    maxh = h
    for _ in range(BLOCKS):
        partials = agg(hs, row_g, col_g, zeros_nd)
        h, hs, maxh = gru(h, partials, deg, maxh, wih, whh, bih, bhh)

    out = pl.pallas_call(
        _dec_body,
        grid=(grid,),
        in_specs=[
            _row_spec(EMBED),
            _full_spec((EMBED, HIDDEN)),
            _full_spec((1, HIDDEN)),
            _full_spec((HIDDEN, 1)),
            _full_spec((1, 1)),
        ],
        out_specs=_row_spec(1),
        out_shape=jax.ShapeDtypeStruct((n_pad, 1), jnp.float32),
    )(maxh, wdh, bdh, wdo, bdo)

    return out[:N]

# --- scband reference (transcript-rebuilt; emitter-appended) ---
"""Pipeline reference for scband-dr-bc-84490596647625 (READ-ONLY COPY).

The authoritative reference and input builder live on the scoring server;
editing this copy changes nothing except your own understanding.
"""

import jax, jax.numpy as jnp
import numpy as np

EMBED = 128
BLOCKS = 5
HIDDEN = 32

def _glorot(key, shape):
    fan_in = shape[-1]
    return jax.random.normal(key, shape, dtype=jnp.float32) / np.sqrt(fan_in)

def setup_inputs(seed: int = 0) -> dict:
    key = jax.random.key(seed)
    ks = jax.random.split(key, 12)
    N = 10000
    E = 640000
    x = jax.random.normal(ks[0], (N, 3), dtype=jnp.float32)
    edge_idx = jax.random.randint(ks[1], (2, E), 0, N, dtype=jnp.int64 if jax.config.jax_enable_x64 else jnp.int32).astype(jnp.int32)
    W_embed = _glorot(ks[2], (EMBED, 3))
    b_embed = jnp.zeros((EMBED,), dtype=jnp.float32)
    W_ih = _glorot(ks[3], (3 * EMBED, EMBED))
    W_hh = _glorot(ks[4], (3 * EMBED, EMBED))
    b_ih = jnp.zeros((3 * EMBED,), dtype=jnp.float32)
    b_hh = jnp.zeros((3 * EMBED,), dtype=jnp.float32)
    W_dh = _glorot(ks[5], (HIDDEN, EMBED))
    b_dh = jnp.zeros((HIDDEN,), dtype=jnp.float32)
    W_do = _glorot(ks[6], (1, HIDDEN))
    b_do = jnp.zeros((1,), dtype=jnp.float32)
    return {"x": x, "edge_idx": edge_idx, "W_embed": W_embed, "b_embed": b_embed,
            "W_ih": W_ih, "W_hh": W_hh, "b_ih": b_ih, "b_hh": b_hh,
            "W_dh": W_dh, "b_dh": b_dh, "W_do": W_do, "b_do": b_do}

def _gru_cell(inp, h, W_ih, W_hh, b_ih, b_hh):
    gi = inp @ W_ih.T + b_ih
    gh = h @ W_hh.T + b_hh
    i_r, i_z, i_n = jnp.split(gi, 3, axis=1)
    h_r, h_z, h_n = jnp.split(gh, 3, axis=1)
    r = jax.nn.sigmoid(i_r + h_r)
    z = jax.nn.sigmoid(i_z + h_z)
    n = jnp.tanh(i_n + r * h_n)
    return (1.0 - z) * n + z * h

def reference(x, edge_idx, W_embed, b_embed, W_ih, W_hh, b_ih, b_hh, W_dh, b_dh, W_do, b_do):
    N = x.shape[0]
    row = edge_idx[0]
    col = edge_idx[1]
    deg = jnp.bincount(col, length=N).astype(jnp.float32)
    deg = jnp.power(deg + 1.0, -0.5)
    norm = deg[row] * deg[col]
    h = jax.nn.relu(x @ W_embed.T + b_embed)
    layers = [h]
    for _ in range(BLOCKS):
        msg = norm[:, None] * jnp.take(h, row, axis=0)
        aggr = jnp.zeros_like(h).at[col].add(msg)
        h = _gru_cell(h, aggr, W_ih, W_hh, b_ih, b_hh)
        layers.append(h)
    z = jnp.max(jnp.stack(layers, axis=-1), axis=-1)
    z = jax.nn.relu(z @ W_dh.T + b_dh)
    out = z @ W_do.T + b_do
    return out

if __name__ == "__main__":
    import jax
    _d = setup_inputs()
    print(jax.jit(kernel)(*tuple(_d.values())))

</pallas_src>

<mosaic_0001>
#map = affine_map<(d0, d1) -> (0, 0, 0)>
#map1 = affine_map<(d0, d1) -> (0, 0)>
module attributes {stable_mosaic.version = 14 : i64} {
  func.func @count_kernel(%arg0: i32, %arg1: i32, %arg2: memref<32x160x128xi32, #tpu.memory_space<hbm>>, %arg3: memref<128x128xf32, #tpu.memory_space<hbm>>, %arg4: memref<10240x128xf32, #tpu.memory_space<hbm>>, %arg5: memref<2x10240x128xf32, #tpu.memory_space<hbm>>, %arg6: memref<160x128xi32, #tpu.memory_space<vmem>>, %arg7: memref<128x128xf32, #tpu.memory_space<vmem>>, %arg8: memref<10240x128xf32, #tpu.memory_space<vmem_shared>>, %arg9: memref<!tpu.dma_semaphore, #tpu.memory_space<semaphore_mem>>) attributes {dimension_semantics = [#tpu.dimension_semantics<core_parallel>, #tpu.dimension_semantics<subcore_parallel>], iteration_bounds = array<i64: 2, 16>, scalar_prefetch = 0 : i64, scratch_operands = 4 : i64, tpu.core_type = #tpu.core_type<sc_vector_subcore>, window_params = [{transform_indices = #map}, {transform_indices = #map1}, {transform_indices = #map1}, {transform_indices = #map}]} {
    %mul3A = arith.constant 2 : i32
    %mul3A_0 = arith.muli %arg1, %mul3A : i32
    %add3A = arith.addi %mul3A_0, %arg0 : i32
    %mul3A_1 = arith.constant 640 : i32
    %mul3A_2 = arith.muli %arg1, %mul3A_1 : i32
    %mul3A_3 = arith.constant 640 : i32
    %mul3A_4 = arith.muli %arg1, %mul3A_3 : i32
    "tpu.region"() ({
      %run_scoped3A = tpu.sem_alloc : memref<!tpu.dma_semaphore, #tpu.memory_space<semaphore_mem>>
      %dma_start3A = arith.constant 0 : i32
      %dma_start3A_15 = tpu.memref_slice %arg8[%mul3A_4, %dma_start3A] : memref<10240x128xf32, #tpu.memory_space<vmem_shared>> -> memref<640x128xf32, #tpu.memory_space<vmem_shared>>
      %dma_start3A_16 = arith.constant 0 : i32
      %dma_start3A_17 = tpu.memref_slice %arg4[%mul3A_2, %dma_start3A_16] : memref<10240x128xf32, #tpu.memory_space<hbm>> -> memref<640x128xf32, #tpu.memory_space<hbm>>
      tpu.enqueue_dma source(%dma_start3A_17 : memref<640x128xf32, #tpu.memory_space<hbm>>) target(%dma_start3A_15 : memref<640x128xf32, #tpu.memory_space<vmem_shared>>) target_semaphore(%run_scoped3A : memref<!tpu.dma_semaphore, #tpu.memory_space<semaphore_mem>>)
      %dma_wait3A = arith.constant 0 : i32
      %dma_wait3A_18 = tpu.memref_slice %arg8[%mul3A_4, %dma_wait3A] : memref<10240x128xf32, #tpu.memory_space<vmem_shared>> -> memref<640x128xf32, #tpu.memory_space<vmem_shared>>
      %dma_wait3A_19 = arith.constant 0 : i32
      %dma_wait3A_20 = tpu.memref_slice %arg4[%mul3A_2, %dma_wait3A_19] : memref<10240x128xf32, #tpu.memory_space<hbm>> -> memref<640x128xf32, #tpu.memory_space<hbm>>
      tpu.wait_dma2 semaphore(%run_scoped3A : memref<!tpu.dma_semaphore, #tpu.memory_space<semaphore_mem>>) src(%dma_wait3A_20 : memref<640x128xf32, #tpu.memory_space<hbm>>) dst(%dma_wait3A_18 : memref<640x128xf32, #tpu.memory_space<vmem_shared>>)
      tpu.yield
    }) : () -> ()
    "tpu.region"() ({
      %run_scoped3A = tpu.sem_alloc : memref<!tpu.dma_semaphore, #tpu.memory_space<semaphore_mem>>
      %dma_start3A = arith.constant 0 : i32
      %dma_start3A_15 = arith.constant 0 : i32
      %dma_start3A_16 = tpu.memref_slice %arg2[%add3A, %dma_start3A, %dma_start3A_15] : memref<32x160x128xi32, #tpu.memory_space<hbm>> -> memref<1x160x128xi32, #tpu.memory_space<hbm>>
      %dma_start3A_17 = tpu.memref_squeeze %dma_start3A_16 : memref<1x160x128xi32, #tpu.memory_space<hbm>> -> memref<160x128xi32, #tpu.memory_space<hbm>>
      %dma_start3A_18 = arith.constant 0 : i32
      %dma_start3A_19 = arith.constant 0 : i32
      %dma_start3A_20 = tpu.memref_slice %arg2[%add3A, %dma_start3A_18, %dma_start3A_19] : memref<32x160x128xi32, #tpu.memory_space<hbm>> -> memref<1x160x128xi32, #tpu.memory_space<hbm>>
      %dma_start3A_21 = tpu.memref_squeeze %dma_start3A_20 : memref<1x160x128xi32, #tpu.memory_space<hbm>> -> memref<160x128xi32, #tpu.memory_space<hbm>>
      tpu.enqueue_dma source(%dma_start3A_21 : memref<160x128xi32, #tpu.memory_space<hbm>>) target(%arg6 : memref<160x128xi32, #tpu.memory_space<vmem>>) target_semaphore(%run_scoped3A : memref<!tpu.dma_semaphore, #tpu.memory_space<semaphore_mem>>)
      %dma_wait3A = arith.constant 0 : i32
      %dma_wait3A_22 = arith.constant 0 : i32
      %dma_wait3A_23 = tpu.memref_slice %arg2[%add3A, %dma_wait3A, %dma_wait3A_22] : memref<32x160x128xi32, #tpu.memory_space<hbm>> -> memref<1x160x128xi32, #tpu.memory_space<hbm>>
      %dma_wait3A_24 = tpu.memref_squeeze %dma_wait3A_23 : memref<1x160x128xi32, #tpu.memory_space<hbm>> -> memref<160x128xi32, #tpu.memory_space<hbm>>
      %dma_wait3A_25 = arith.constant 0 : i32
      %dma_wait3A_26 = arith.constant 0 : i32
      %dma_wait3A_27 = tpu.memref_slice %arg2[%add3A, %dma_wait3A_25, %dma_wait3A_26] : memref<32x160x128xi32, #tpu.memory_space<hbm>> -> memref<1x160x128xi32, #tpu.memory_space<hbm>>
      %dma_wait3A_28 = tpu.memref_squeeze %dma_wait3A_27 : memref<1x160x128xi32, #tpu.memory_space<hbm>> -> memref<160x128xi32, #tpu.memory_space<hbm>>
      tpu.wait_dma2 semaphore(%run_scoped3A : memref<!tpu.dma_semaphore, #tpu.memory_space<semaphore_mem>>) src(%dma_wait3A_28 : memref<160x128xi32, #tpu.memory_space<hbm>>) dst(%arg6 : memref<160x128xi32, #tpu.memory_space<vmem>>)
      tpu.yield
    }) : () -> ()
    "tpu.region"() ({
      %run_scoped3A = tpu.sem_alloc : memref<!tpu.dma_semaphore, #tpu.memory_space<semaphore_mem>>
      tpu.enqueue_dma source(%arg3 : memref<128x128xf32, #tpu.memory_space<hbm>>) target(%arg7 : memref<128x128xf32, #tpu.memory_space<vmem>>) target_semaphore(%run_scoped3A : memref<!tpu.dma_semaphore, #tpu.memory_space<semaphore_mem>>)
      tpu.wait_dma2 semaphore(%run_scoped3A : memref<!tpu.dma_semaphore, #tpu.memory_space<semaphore_mem>>) src(%arg3 : memref<128x128xf32, #tpu.memory_space<hbm>>) dst(%arg7 : memref<128x128xf32, #tpu.memory_space<vmem>>)
      tpu.yield
    }) : () -> ()
    %barrier3A = arith.constant 0 : index
    tpu.barrier barrier_id(%barrier3A)
    %scan3A = arith.constant 0 : i32
    %scan3A_5 = arith.constant 0 : i32
    %scan3A_6 = arith.constant 160 : i32
    %scan3A_7 = arith.addi %scan3A_5, %scan3A_6 : i32
    %scan3A_8 = arith.constant 1 : i32
    scf.for %scan3A_15 = %scan3A_5 to %scan3A_7 step %scan3A_8  : i32 {
      "tpu.region"() ({
        %run_scoped3A = tpu.sem_alloc : memref<!tpu.dma_semaphore, #tpu.memory_space<semaphore_mem>>
        %dma_start3A = arith.constant 0 : i32
        %dma_start3A_16 = tpu.memref_slice %arg6[%scan3A_15, %dma_start3A] : memref<160x128xi32, #tpu.memory_space<vmem>> -> memref<1x128xi32, #tpu.memory_space<vmem>>
        %dma_start3A_17 = tpu.memref_squeeze %dma_start3A_16 : memref<1x128xi32, #tpu.memory_space<vmem>> -> memref<128xi32, #tpu.memory_space<vmem>>
        %dma_start3A_18 = arith.constant 0 : i32
        %dma_start3A_19 = arith.constant 0 : i32
        %dma_start3A_20 = tpu.memref_slice %arg8[%dma_start3A_18, %dma_start3A_19] : memref<10240x128xf32, #tpu.memory_space<vmem_shared>> -> memref<10240x128xf32, #tpu.memory_space<vmem_shared>>
        tpu.enqueue_indirect_dma source(%arg7 : memref<128x128xf32, #tpu.memory_space<vmem>>) target(%dma_start3A_20 : memref<10240x128xf32, #tpu.memory_space<vmem_shared>>) offsets(%dma_start3A_17 : memref<128xi32, #tpu.memory_space<vmem>>) semaphore(%run_scoped3A : memref<!tpu.dma_semaphore, #tpu.memory_space<semaphore_mem>>) {add = true}
        %dma_wait3A = arith.constant 0 : i32
        %dma_wait3A_21 = tpu.memref_slice %arg6[%scan3A_15, %dma_wait3A] : memref<160x128xi32, #tpu.memory_space<vmem>> -> memref<1x128xi32, #tpu.memory_space<vmem>>
        %dma_wait3A_22 = tpu.memref_squeeze %dma_wait3A_21 : memref<1x128xi32, #tpu.memory_space<vmem>> -> memref<128xi32, #tpu.memory_space<vmem>>
        %dma_wait3A_23 = arith.constant 0 : i32
        %dma_wait3A_24 = arith.constant 0 : i32
        %dma_wait3A_25 = tpu.memref_slice %arg8[%dma_wait3A_23, %dma_wait3A_24] : memref<10240x128xf32, #tpu.memory_space<vmem_shared>> -> memref<10240x128xf32, #tpu.memory_space<vmem_shared>>
        tpu.wait_indirect_dma semaphore(%run_scoped3A : memref<!tpu.dma_semaphore, #tpu.memory_space<semaphore_mem>>) src(%arg7 : memref<128x128xf32, #tpu.memory_space<vmem>>) dst(%dma_wait3A_25 : memref<10240x128xf32, #tpu.memory_space<vmem_shared>>)
        tpu.yield
      }) : () -> ()
    }
    %scan3A_9 = arith.constant 160 : i32
    %barrier3A_10 = arith.constant 0 : index
    tpu.barrier barrier_id(%barrier3A_10)
    %mul3A_11 = arith.constant 640 : i32
    %mul3A_12 = arith.muli %arg1, %mul3A_11 : i32
    %mul3A_13 = arith.constant 640 : i32
    %mul3A_14 = arith.muli %arg1, %mul3A_13 : i32
    "tpu.region"() ({
      %run_scoped3A = tpu.sem_alloc : memref<!tpu.dma_semaphore, #tpu.memory_space<semaphore_mem>>
      %dma_start3A = arith.constant 0 : i32
      %dma_start3A_15 = tpu.memref_slice %arg5[%arg0, %mul3A_14, %dma_start3A] : memref<2x10240x128xf32, #tpu.memory_space<hbm>> -> memref<1x640x128xf32, #tpu.memory_space<hbm>>
      %dma_start3A_16 = tpu.memref_squeeze %dma_start3A_15 : memref<1x640x128xf32, #tpu.memory_space<hbm>> -> memref<640x128xf32, #tpu.memory_space<hbm>>
      %dma_start3A_17 = arith.constant 0 : i32
      %dma_start3A_18 = tpu.memref_slice %arg8[%mul3A_12, %dma_start3A_17] : memref<10240x128xf32, #tpu.memory_space<vmem_shared>> -> memref<640x128xf32, #tpu.memory_space<vmem_shared>>
      tpu.enqueue_dma source(%dma_start3A_18 : memref<640x128xf32, #tpu.memory_space<vmem_shared>>) target(%dma_start3A_16 : memref<640x128xf32, #tpu.memory_space<hbm>>) target_semaphore(%run_scoped3A : memref<!tpu.dma_semaphore, #tpu.memory_space<semaphore_mem>>)
      %dma_wait3A = arith.constant 0 : i32
      %dma_wait3A_19 = tpu.memref_slice %arg5[%arg0, %mul3A_14, %dma_wait3A] : memref<2x10240x128xf32, #tpu.memory_space<hbm>> -> memref<1x640x128xf32, #tpu.memory_space<hbm>>
      %dma_wait3A_20 = tpu.memref_squeeze %dma_wait3A_19 : memref<1x640x128xf32, #tpu.memory_space<hbm>> -> memref<640x128xf32, #tpu.memory_space<hbm>>
      %dma_wait3A_21 = arith.constant 0 : i32
      %dma_wait3A_22 = tpu.memref_slice %arg8[%mul3A_12, %dma_wait3A_21] : memref<10240x128xf32, #tpu.memory_space<vmem_shared>> -> memref<640x128xf32, #tpu.memory_space<vmem_shared>>
      tpu.wait_dma2 semaphore(%run_scoped3A : memref<!tpu.dma_semaphore, #tpu.memory_space<semaphore_mem>>) src(%dma_wait3A_22 : memref<640x128xf32, #tpu.memory_space<vmem_shared>>) dst(%dma_wait3A_20 : memref<640x128xf32, #tpu.memory_space<hbm>>)
      tpu.yield
    }) : () -> ()
    return
  }
}

#map = affine_map<(d0, d1) -> (0, 0)>
#map1 = affine_map<(d0, d1) -> (0, 0, 0)>
module attributes {stable_mosaic.version = 14 : i64} {
  func.func @agg_kernel(%arg0: i32, %arg1: i32, %arg2: memref<10240x128xf32, #tpu.memory_space<hbm>>, %arg3: memref<320x16x128xi32, #tpu.memory_space<hbm>>, %arg4: memref<320x16x128xi32, #tpu.memory_space<hbm>>, %arg5: memref<10240x128xf32, #tpu.memory_space<hbm>>, %arg6: memref<2x10240x128xf32, #tpu.memory_space<hbm>>, %arg7: memref<16x128xi32, #tpu.memory_space<vmem>>, %arg8: memref<16x128xi32, #tpu.memory_space<vmem>>, %arg9: memref<128x128xf32, #tpu.memory_space<vmem>>, %arg10: memref<128x128xf32, #tpu.memory_space<vmem>>, %arg11: memref<10240x128xf32, #tpu.memory_space<vmem_shared>>, %arg12: memref<!tpu.dma_semaphore, #tpu.memory_space<semaphore_mem>>, %arg13: memref<!tpu.dma_semaphore, #tpu.memory_space<semaphore_mem>>) attributes {dimension_semantics = [#tpu.dimension_semantics<core_parallel>, #tpu.dimension_semantics<subcore_parallel>], iteration_bounds = array<i64: 2, 16>, scalar_prefetch = 0 : i64, scratch_operands = 7 : i64, tpu.core_type = #tpu.core_type<sc_vector_subcore>, window_params = [{transform_indices = #map}, {transform_indices = #map1}, {transform_indices = #map1}, {transform_indices = #map}, {transform_indices = #map1}]} {
    %mul3A = arith.constant 640 : i32
    %mul3A_0 = arith.muli %arg1, %mul3A : i32
    %mul3A_1 = arith.constant 640 : i32
    %mul3A_2 = arith.muli %arg1, %mul3A_1 : i32
    "tpu.region"() ({
      %run_scoped3A = tpu.sem_alloc : memref<!tpu.dma_semaphore, #tpu.memory_space<semaphore_mem>>
      %dma_start3A = arith.constant 0 : i32
      %dma_start3A_15 = tpu.memref_slice %arg11[%mul3A_2, %dma_start3A] : memref<10240x128xf32, #tpu.memory_space<vmem_shared>> -> memref<640x128xf32, #tpu.memory_space<vmem_shared>>
      %dma_start3A_16 = arith.constant 0 : i32
      %dma_start3A_17 = tpu.memref_slice %arg5[%mul3A_0, %dma_start3A_16] : memref<10240x128xf32, #tpu.memory_space<hbm>> -> memref<640x128xf32, #tpu.memory_space<hbm>>
      tpu.enqueue_dma source(%dma_start3A_17 : memref<640x128xf32, #tpu.memory_space<hbm>>) target(%dma_start3A_15 : memref<640x128xf32, #tpu.memory_space<vmem_shared>>) target_semaphore(%run_scoped3A : memref<!tpu.dma_semaphore, #tpu.memory_space<semaphore_mem>>)
      %dma_wait3A = arith.constant 0 : i32
      %dma_wait3A_18 = tpu.memref_slice %arg11[%mul3A_2, %dma_wait3A] : memref<10240x128xf32, #tpu.memory_space<vmem_shared>> -> memref<640x128xf32, #tpu.memory_space<vmem_shared>>
      %dma_wait3A_19 = arith.constant 0 : i32
      %dma_wait3A_20 = tpu.memref_slice %arg5[%mul3A_0, %dma_wait3A_19] : memref<10240x128xf32, #tpu.memory_space<hbm>> -> memref<640x128xf32, #tpu.memory_space<hbm>>
      tpu.wait_dma2 semaphore(%run_scoped3A : memref<!tpu.dma_semaphore, #tpu.memory_space<semaphore_mem>>) src(%dma_wait3A_20 : memref<640x128xf32, #tpu.memory_space<hbm>>) dst(%dma_wait3A_18 : memref<640x128xf32, #tpu.memory_space<vmem_shared>>)
      tpu.yield
    }) : () -> ()
    %barrier3A = arith.constant 0 : index
    tpu.barrier barrier_id(%barrier3A)
    %eq3A = arith.constant 0 : i32
    %eq3A_3 = arith.cmpi eq, %arg0, %eq3A : i32
    %convert_element_type3A = arith.extui %eq3A_3 : i1 to i32
    %cond3A = arith.constant 0 : i32
    %cond3A_4 = arith.cmpi ne, %convert_element_type3A, %cond3A : i32
    scf.if %cond3A_4 {
      %mul3A_15 = arith.constant 15 : i32
      %mul3A_16 = arith.muli %arg1, %mul3A_15 : i32
      %scan3A = arith.constant 0 : i32
      %scan3A_17 = arith.constant 0 : i32
      %scan3A_18 = arith.constant 15 : i32
      %scan3A_19 = arith.addi %scan3A_17, %scan3A_18 : i32
      %scan3A_20 = arith.constant 1 : i32
      scf.for %scan3A_22 = %scan3A_17 to %scan3A_19 step %scan3A_20  : i32 {
        %add3A = arith.addi %mul3A_16, %scan3A_22 : i32
        "tpu.region"() ({
          %run_scoped3A = tpu.sem_alloc : memref<!tpu.dma_semaphore, #tpu.memory_space<semaphore_mem>>
          %dma_start3A_43 = arith.constant 0 : i32
          %dma_start3A_44 = arith.constant 0 : i32
          %dma_start3A_45 = tpu.memref_slice %arg3[%add3A, %dma_start3A_43, %dma_start3A_44] : memref<320x16x128xi32, #tpu.memory_space<hbm>> -> memref<1x16x128xi32, #tpu.memory_space<hbm>>
          %dma_start3A_46 = tpu.memref_squeeze %dma_start3A_45 : memref<1x16x128xi32, #tpu.memory_space<hbm>> -> memref<16x128xi32, #tpu.memory_space<hbm>>
          %dma_start3A_47 = arith.constant 0 : i32
          %dma_start3A_48 = arith.constant 0 : i32
          %dma_start3A_49 = tpu.memref_slice %arg3[%add3A, %dma_start3A_47, %dma_start3A_48] : memref<320x16x128xi32, #tpu.memory_space<hbm>> -> memref<1x16x128xi32, #tpu.memory_space<hbm>>
          %dma_start3A_50 = tpu.memref_squeeze %dma_start3A_49 : memref<1x16x128xi32, #tpu.memory_space<hbm>> -> memref<16x128xi32, #tpu.memory_space<hbm>>
          tpu.enqueue_dma source(%dma_start3A_50 : memref<16x128xi32, #tpu.memory_space<hbm>>) target(%arg7 : memref<16x128xi32, #tpu.memory_space<vmem>>) target_semaphore(%run_scoped3A : memref<!tpu.dma_semaphore, #tpu.memory_space<semaphore_mem>>)
          %dma_wait3A = arith.constant 0 : i32
          %dma_wait3A_51 = arith.constant 0 : i32
          %dma_wait3A_52 = tpu.memref_slice %arg3[%add3A, %dma_wait3A, %dma_wait3A_51] : memref<320x16x128xi32, #tpu.memory_space<hbm>> -> memref<1x16x128xi32, #tpu.memory_space<hbm>>
          %dma_wait3A_53 = tpu.memref_squeeze %dma_wait3A_52 : memref<1x16x128xi32, #tpu.memory_space<hbm>> -> memref<16x128xi32, #tpu.memory_space<hbm>>
          %dma_wait3A_54 = arith.constant 0 : i32
          %dma_wait3A_55 = arith.constant 0 : i32
          %dma_wait3A_56 = tpu.memref_slice %arg3[%add3A, %dma_wait3A_54, %dma_wait3A_55] : memref<320x16x128xi32, #tpu.memory_space<hbm>> -> memref<1x16x128xi32, #tpu.memory_space<hbm>>
          %dma_wait3A_57 = tpu.memref_squeeze %dma_wait3A_56 : memref<1x16x128xi32, #tpu.memory_space<hbm>> -> memref<16x128xi32, #tpu.memory_space<hbm>>
          tpu.wait_dma2 semaphore(%run_scoped3A : memref<!tpu.dma_semaphore, #tpu.memory_space<semaphore_mem>>) src(%dma_wait3A_57 : memref<16x128xi32, #tpu.memory_space<hbm>>) dst(%arg7 : memref<16x128xi32, #tpu.memory_space<vmem>>)
          tpu.yield
        }) : () -> ()
        %add3A_23 = arith.addi %mul3A_16, %scan3A_22 : i32
        "tpu.region"() ({
          %run_scoped3A = tpu.sem_alloc : memref<!tpu.dma_semaphore, #tpu.memory_space<semaphore_mem>>
          %dma_start3A_43 = arith.constant 0 : i32
          %dma_start3A_44 = arith.constant 0 : i32
          %dma_start3A_45 = tpu.memref_slice %arg4[%add3A_23, %dma_start3A_43, %dma_start3A_44] : memref<320x16x128xi32, #tpu.memory_space<hbm>> -> memref<1x16x128xi32, #tpu.memory_space<hbm>>
          %dma_start3A_46 = tpu.memref_squeeze %dma_start3A_45 : memref<1x16x128xi32, #tpu.memory_space<hbm>> -> memref<16x128xi32, #tpu.memory_space<hbm>>
          %dma_start3A_47 = arith.constant 0 : i32
          %dma_start3A_48 = arith.constant 0 : i32
          %dma_start3A_49 = tpu.memref_slice %arg4[%add3A_23, %dma_start3A_47, %dma_start3A_48] : memref<320x16x128xi32, #tpu.memory_space<hbm>> -> memref<1x16x128xi32, #tpu.memory_space<hbm>>
          %dma_start3A_50 = tpu.memref_squeeze %dma_start3A_49 : memref<1x16x128xi32, #tpu.memory_space<hbm>> -> memref<16x128xi32, #tpu.memory_space<hbm>>
          tpu.enqueue_dma source(%dma_start3A_50 : memref<16x128xi32, #tpu.memory_space<hbm>>) target(%arg8 : memref<16x128xi32, #tpu.memory_space<vmem>>) target_semaphore(%run_scoped3A : memref<!tpu.dma_semaphore, #tpu.memory_space<semaphore_mem>>)
          %dma_wait3A = arith.constant 0 : i32
          %dma_wait3A_51 = arith.constant 0 : i32
          %dma_wait3A_52 = tpu.memref_slice %arg4[%add3A_23, %dma_wait3A, %dma_wait3A_51] : memref<320x16x128xi32, #tpu.memory_space<hbm>> -> memref<1x16x128xi32, #tpu.memory_space<hbm>>
          %dma_wait3A_53 = tpu.memref_squeeze %dma_wait3A_52 : memref<1x16x128xi32, #tpu.memory_space<hbm>> -> memref<16x128xi32, #tpu.memory_space<hbm>>
          %dma_wait3A_54 = arith.constant 0 : i32
          %dma_wait3A_55 = arith.constant 0 : i32
          %dma_wait3A_56 = tpu.memref_slice %arg4[%add3A_23, %dma_wait3A_54, %dma_wait3A_55] : memref<320x16x128xi32, #tpu.memory_space<hbm>> -> memref<1x16x128xi32, #tpu.memory_space<hbm>>
          %dma_wait3A_57 = tpu.memref_squeeze %dma_wait3A_56 : memref<1x16x128xi32, #tpu.memory_space<hbm>> -> memref<16x128xi32, #tpu.memory_space<hbm>>
          tpu.wait_dma2 semaphore(%run_scoped3A : memref<!tpu.dma_semaphore, #tpu.memory_space<semaphore_mem>>) src(%dma_wait3A_57 : memref<16x128xi32, #tpu.memory_space<hbm>>) dst(%arg8 : memref<16x128xi32, #tpu.memory_space<vmem>>)
          tpu.yield
        }) : () -> ()
        %dma_start3A = arith.constant 0 : i32
        %dma_start3A_24 = arith.constant 0 : i32
        %dma_start3A_25 = tpu.memref_slice %arg7[%dma_start3A, %dma_start3A_24] : memref<16x128xi32, #tpu.memory_space<vmem>> -> memref<1x128xi32, #tpu.memory_space<vmem>>
        %dma_start3A_26 = tpu.memref_squeeze %dma_start3A_25 : memref<1x128xi32, #tpu.memory_space<vmem>> -> memref<128xi32, #tpu.memory_space<vmem>>
        %dma_start3A_27 = arith.constant 0 : i32
        %dma_start3A_28 = arith.constant 0 : i32
        %dma_start3A_29 = tpu.memref_slice %arg2[%dma_start3A_27, %dma_start3A_28] : memref<10240x128xf32, #tpu.memory_space<hbm>> -> memref<10240x128xf32, #tpu.memory_space<hbm>>
        tpu.enqueue_indirect_dma source(%dma_start3A_29 : memref<10240x128xf32, #tpu.memory_space<hbm>>) target(%arg9 : memref<128x128xf32, #tpu.memory_space<vmem>>) offsets(%dma_start3A_26 : memref<128xi32, #tpu.memory_space<vmem>>) semaphore(%arg12 : memref<!tpu.dma_semaphore, #tpu.memory_space<semaphore_mem>>)
        %dma_start3A_30 = arith.constant 1 : i32
        %dma_start3A_31 = arith.constant 0 : i32
        %dma_start3A_32 = tpu.memref_slice %arg7[%dma_start3A_30, %dma_start3A_31] : memref<16x128xi32, #tpu.memory_space<vmem>> -> memref<1x128xi32, #tpu.memory_space<vmem>>
        %dma_start3A_33 = tpu.memref_squeeze %dma_start3A_32 : memref<1x128xi32, #tpu.memory_space<vmem>> -> memref<128xi32, #tpu.memory_space<vmem>>
        %dma_start3A_34 = arith.constant 0 : i32
        %dma_start3A_35 = arith.constant 0 : i32
        %dma_start3A_36 = tpu.memref_slice %arg2[%dma_start3A_34, %dma_start3A_35] : memref<10240x128xf32, #tpu.memory_space<hbm>> -> memref<10240x128xf32, #tpu.memory_space<hbm>>
        tpu.enqueue_indirect_dma source(%dma_start3A_36 : memref<10240x128xf32, #tpu.memory_space<hbm>>) target(%arg10 : memref<128x128xf32, #tpu.memory_space<vmem>>) offsets(%dma_start3A_33 : memref<128xi32, #tpu.memory_space<vmem>>) semaphore(%arg13 : memref<!tpu.dma_semaphore, #tpu.memory_space<semaphore_mem>>)
        %scan3A_37 = arith.constant 0 : i32
        %scan3A_38 = arith.constant 0 : i32
        %scan3A_39 = arith.constant 16 : i32
        %scan3A_40 = arith.addi %scan3A_38, %scan3A_39 : i32
        %scan3A_41 = arith.constant 1 : i32
        scf.for %scan3A_43 = %scan3A_38 to %scan3A_40 step %scan3A_41  : i32 {
          %jit3A = arith.constant 2 : i32
          %eq3A_44 = arith.constant 0 : i32
          %eq3A_45 = arith.cmpi eq, %jit3A, %eq3A_44 : i32
          %jit3A_46 = arith.constant 1 : i32
          %select_n3A = arith.select %eq3A_45, %jit3A_46, %jit3A : i32
          %rem3A = arith.remsi %scan3A_43, %select_n3A : i32
          %ne3A = arith.constant 0 : i32
          %ne3A_47 = arith.cmpi ne, %rem3A, %ne3A : i32
          %lt3A = arith.constant 0 : i32
          %lt3A_48 = arith.cmpi slt, %rem3A, %lt3A : i32
          %lt3A_49 = arith.constant 0 : i32
          %lt3A_50 = arith.cmpi slt, %select_n3A, %lt3A_49 : i32
          %ne3A_51 = arith.xori %lt3A_48, %lt3A_50 : i1
          %and3A = arith.andi %ne3A_51, %ne3A_47 : i1
          %add3A_52 = arith.addi %rem3A, %select_n3A : i32
          %select_n3A_53 = arith.select %and3A, %add3A_52, %rem3A : i32
          %eq3A_54 = arith.constant 0 : i32
          %eq3A_55 = arith.cmpi eq, %select_n3A_53, %eq3A_54 : i32
          %convert_element_type3A_56 = arith.extui %eq3A_55 : i1 to i32
          %cond3A_57 = arith.constant 0 : i32
          %cond3A_58 = arith.cmpi ne, %convert_element_type3A_56, %cond3A_57 : i32
          scf.if %cond3A_58 {
            %dma_wait3A = arith.constant 0 : i32
            %dma_wait3A_80 = tpu.memref_slice %arg7[%scan3A_43, %dma_wait3A] : memref<16x128xi32, #tpu.memory_space<vmem>> -> memref<1x128xi32, #tpu.memory_space<vmem>>
            %dma_wait3A_81 = tpu.memref_squeeze %dma_wait3A_80 : memref<1x128xi32, #tpu.memory_space<vmem>> -> memref<128xi32, #tpu.memory_space<vmem>>
            %dma_wait3A_82 = arith.constant 0 : i32
            %dma_wait3A_83 = arith.constant 0 : i32
            %dma_wait3A_84 = tpu.memref_slice %arg2[%dma_wait3A_82, %dma_wait3A_83] : memref<10240x128xf32, #tpu.memory_space<hbm>> -> memref<10240x128xf32, #tpu.memory_space<hbm>>
            tpu.wait_indirect_dma semaphore(%arg12 : memref<!tpu.dma_semaphore, #tpu.memory_space<semaphore_mem>>) src(%dma_wait3A_84 : memref<10240x128xf32, #tpu.memory_space<hbm>>) dst(%arg9 : memref<128x128xf32, #tpu.memory_space<vmem>>)
            "tpu.region"() ({
              %run_scoped3A = tpu.sem_alloc : memref<!tpu.dma_semaphore, #tpu.memory_space<semaphore_mem>>
              %dma_start3A_92 = arith.constant 0 : i32
              %dma_start3A_93 = tpu.memref_slice %arg8[%scan3A_43, %dma_start3A_92] : memref<16x128xi32, #tpu.memory_space<vmem>> -> memref<1x128xi32, #tpu.memory_space<vmem>>
              %dma_start3A_94 = tpu.memref_squeeze %dma_start3A_93 : memref<1x128xi32, #tpu.memory_space<vmem>> -> memref<128xi32, #tpu.memory_space<vmem>>
              %dma_start3A_95 = arith.constant 0 : i32
              %dma_start3A_96 = arith.constant 0 : i32
              %dma_start3A_97 = tpu.memref_slice %arg11[%dma_start3A_95, %dma_start3A_96] : memref<10240x128xf32, #tpu.memory_space<vmem_shared>> -> memref<10240x128xf32, #tpu.memory_space<vmem_shared>>
              tpu.enqueue_indirect_dma source(%arg9 : memref<128x128xf32, #tpu.memory_space<vmem>>) target(%dma_start3A_97 : memref<10240x128xf32, #tpu.memory_space<vmem_shared>>) offsets(%dma_start3A_94 : memref<128xi32, #tpu.memory_space<vmem>>) semaphore(%run_scoped3A : memref<!tpu.dma_semaphore, #tpu.memory_space<semaphore_mem>>) {add = true}
              %dma_wait3A_98 = arith.constant 0 : i32
              %dma_wait3A_99 = tpu.memref_slice %arg8[%scan3A_43, %dma_wait3A_98] : memref<16x128xi32, #tpu.memory_space<vmem>> -> memref<1x128xi32, #tpu.memory_space<vmem>>
              %dma_wait3A_100 = tpu.memref_squeeze %dma_wait3A_99 : memref<1x128xi32, #tpu.memory_space<vmem>> -> memref<128xi32, #tpu.memory_space<vmem>>
              %dma_wait3A_101 = arith.constant 0 : i32
              %dma_wait3A_102 = arith.constant 0 : i32
              %dma_wait3A_103 = tpu.memref_slice %arg11[%dma_wait3A_101, %dma_wait3A_102] : memref<10240x128xf32, #tpu.memory_space<vmem_shared>> -> memref<10240x128xf32, #tpu.memory_space<vmem_shared>>
              tpu.wait_indirect_dma semaphore(%run_scoped3A : memref<!tpu.dma_semaphore, #tpu.memory_space<semaphore_mem>>) src(%arg9 : memref<128x128xf32, #tpu.memory_space<vmem>>) dst(%dma_wait3A_103 : memref<10240x128xf32, #tpu.memory_space<vmem_shared>>)
              tpu.yield
            }) : () -> ()
            %add3A_85 = arith.constant 2 : i32
            %add3A_86 = arith.addi %scan3A_43, %add3A_85 : i32
            %lt3A_87 = arith.constant 16 : i32
            %lt3A_88 = arith.cmpi slt, %add3A_86, %lt3A_87 : i32
            %convert_element_type3A_89 = arith.extui %lt3A_88 : i1 to i32
            %cond3A_90 = arith.constant 0 : i32
            %cond3A_91 = arith.cmpi ne, %convert_element_type3A_89, %cond3A_90 : i32
            scf.if %cond3A_91 {
              %add3A_92 = arith.constant 2 : i32
              %add3A_93 = arith.addi %scan3A_43, %add3A_92 : i32
              %dma_start3A_94 = arith.constant 0 : i32
              %dma_start3A_95 = tpu.memref_slice %arg7[%add3A_93, %dma_start3A_94] : memref<16x128xi32, #tpu.memory_space<vmem>> -> memref<1x128xi32, #tpu.memory_space<vmem>>
              %dma_start3A_96 = tpu.memref_squeeze %dma_start3A_95 : memref<1x128xi32, #tpu.memory_space<vmem>> -> memref<128xi32, #tpu.memory_space<vmem>>
              %dma_start3A_97 = arith.constant 0 : i32
              %dma_start3A_98 = arith.constant 0 : i32
              %dma_start3A_99 = tpu.memref_slice %arg2[%dma_start3A_97, %dma_start3A_98] : memref<10240x128xf32, #tpu.memory_space<hbm>> -> memref<10240x128xf32, #tpu.memory_space<hbm>>
              tpu.enqueue_indirect_dma source(%dma_start3A_99 : memref<10240x128xf32, #tpu.memory_space<hbm>>) target(%arg9 : memref<128x128xf32, #tpu.memory_space<vmem>>) offsets(%dma_start3A_96 : memref<128xi32, #tpu.memory_space<vmem>>) semaphore(%arg12 : memref<!tpu.dma_semaphore, #tpu.memory_space<semaphore_mem>>)
            } else {
            }
          } else {
          }
          %jit3A_59 = arith.constant 2 : i32
          %eq3A_60 = arith.constant 0 : i32
          %eq3A_61 = arith.cmpi eq, %jit3A_59, %eq3A_60 : i32
          %jit3A_62 = arith.constant 1 : i32
          %select_n3A_63 = arith.select %eq3A_61, %jit3A_62, %jit3A_59 : i32
          %rem3A_64 = arith.remsi %scan3A_43, %select_n3A_63 : i32
          %ne3A_65 = arith.constant 0 : i32
          %ne3A_66 = arith.cmpi ne, %rem3A_64, %ne3A_65 : i32
          %lt3A_67 = arith.constant 0 : i32
          %lt3A_68 = arith.cmpi slt, %rem3A_64, %lt3A_67 : i32
          %lt3A_69 = arith.constant 0 : i32
          %lt3A_70 = arith.cmpi slt, %select_n3A_63, %lt3A_69 : i32
          %ne3A_71 = arith.xori %lt3A_68, %lt3A_70 : i1
          %and3A_72 = arith.andi %ne3A_71, %ne3A_66 : i1
          %add3A_73 = arith.addi %rem3A_64, %select_n3A_63 : i32
          %select_n3A_74 = arith.select %and3A_72, %add3A_73, %rem3A_64 : i32
          %eq3A_75 = arith.constant 1 : i32
          %eq3A_76 = arith.cmpi eq, %select_n3A_74, %eq3A_75 : i32
          %convert_element_type3A_77 = arith.extui %eq3A_76 : i1 to i32
          %cond3A_78 = arith.constant 0 : i32
          %cond3A_79 = arith.cmpi ne, %convert_element_type3A_77, %cond3A_78 : i32
          scf.if %cond3A_79 {
            %dma_wait3A = arith.constant 0 : i32
            %dma_wait3A_80 = tpu.memref_slice %arg7[%scan3A_43, %dma_wait3A] : memref<16x128xi32, #tpu.memory_space<vmem>> -> memref<1x128xi32, #tpu.memory_space<vmem>>
            %dma_wait3A_81 = tpu.memref_squeeze %dma_wait3A_80 : memref<1x128xi32, #tpu.memory_space<vmem>> -> memref<128xi32, #tpu.memory_space<vmem>>
            %dma_wait3A_82 = arith.constant 0 : i32
            %dma_wait3A_83 = arith.constant 0 : i32
            %dma_wait3A_84 = tpu.memref_slice %arg2[%dma_wait3A_82, %dma_wait3A_83] : memref<10240x128xf32, #tpu.memory_space<hbm>> -> memref<10240x128xf32, #tpu.memory_space<hbm>>
            tpu.wait_indirect_dma semaphore(%arg13 : memref<!tpu.dma_semaphore, #tpu.memory_space<semaphore_mem>>) src(%dma_wait3A_84 : memref<10240x128xf32, #tpu.memory_space<hbm>>) dst(%arg10 : memref<128x128xf32, #tpu.memory_space<vmem>>)
            "tpu.region"() ({
              %run_scoped3A = tpu.sem_alloc : memref<!tpu.dma_semaphore, #tpu.memory_space<semaphore_mem>>
              %dma_start3A_92 = arith.constant 0 : i32
              %dma_start3A_93 = tpu.memref_slice %arg8[%scan3A_43, %dma_start3A_92] : memref<16x128xi32, #tpu.memory_space<vmem>> -> memref<1x128xi32, #tpu.memory_space<vmem>>
              %dma_start3A_94 = tpu.memref_squeeze %dma_start3A_93 : memref<1x128xi32, #tpu.memory_space<vmem>> -> memref<128xi32, #tpu.memory_space<vmem>>
              %dma_start3A_95 = arith.constant 0 : i32
              %dma_start3A_96 = arith.constant 0 : i32
              %dma_start3A_97 = tpu.memref_slice %arg11[%dma_start3A_95, %dma_start3A_96] : memref<10240x128xf32, #tpu.memory_space<vmem_shared>> -> memref<10240x128xf32, #tpu.memory_space<vmem_shared>>
              tpu.enqueue_indirect_dma source(%arg10 : memref<128x128xf32, #tpu.memory_space<vmem>>) target(%dma_start3A_97 : memref<10240x128xf32, #tpu.memory_space<vmem_shared>>) offsets(%dma_start3A_94 : memref<128xi32, #tpu.memory_space<vmem>>) semaphore(%run_scoped3A : memref<!tpu.dma_semaphore, #tpu.memory_space<semaphore_mem>>) {add = true}
              %dma_wait3A_98 = arith.constant 0 : i32
              %dma_wait3A_99 = tpu.memref_slice %arg8[%scan3A_43, %dma_wait3A_98] : memref<16x128xi32, #tpu.memory_space<vmem>> -> memref<1x128xi32, #tpu.memory_space<vmem>>
              %dma_wait3A_100 = tpu.memref_squeeze %dma_wait3A_99 : memref<1x128xi32, #tpu.memory_space<vmem>> -> memref<128xi32, #tpu.memory_space<vmem>>
              %dma_wait3A_101 = arith.constant 0 : i32
              %dma_wait3A_102 = arith.constant 0 : i32
              %dma_wait3A_103 = tpu.memref_slice %arg11[%dma_wait3A_101, %dma_wait3A_102] : memref<10240x128xf32, #tpu.memory_space<vmem_shared>> -> memref<10240x128xf32, #tpu.memory_space<vmem_shared>>
              tpu.wait_indirect_dma semaphore(%run_scoped3A : memref<!tpu.dma_semaphore, #tpu.memory_space<semaphore_mem>>) src(%arg10 : memref<128x128xf32, #tpu.memory_space<vmem>>) dst(%dma_wait3A_103 : memref<10240x128xf32, #tpu.memory_space<vmem_shared>>)
              tpu.yield
            }) : () -> ()
            %add3A_85 = arith.constant 2 : i32
            %add3A_86 = arith.addi %scan3A_43, %add3A_85 : i32
            %lt3A_87 = arith.constant 16 : i32
            %lt3A_88 = arith.cmpi slt, %add3A_86, %lt3A_87 : i32
            %convert_element_type3A_89 = arith.extui %lt3A_88 : i1 to i32
            %cond3A_90 = arith.constant 0 : i32
            %cond3A_91 = arith.cmpi ne, %convert_element_type3A_89, %cond3A_90 : i32
            scf.if %cond3A_91 {
              %add3A_92 = arith.constant 2 : i32
              %add3A_93 = arith.addi %scan3A_43, %add3A_92 : i32
              %dma_start3A_94 = arith.constant 0 : i32
              %dma_start3A_95 = tpu.memref_slice %arg7[%add3A_93, %dma_start3A_94] : memref<16x128xi32, #tpu.memory_space<vmem>> -> memref<1x128xi32, #tpu.memory_space<vmem>>
              %dma_start3A_96 = tpu.memref_squeeze %dma_start3A_95 : memref<1x128xi32, #tpu.memory_space<vmem>> -> memref<128xi32, #tpu.memory_space<vmem>>
              %dma_start3A_97 = arith.constant 0 : i32
              %dma_start3A_98 = arith.constant 0 : i32
              %dma_start3A_99 = tpu.memref_slice %arg2[%dma_start3A_97, %dma_start3A_98] : memref<10240x128xf32, #tpu.memory_space<hbm>> -> memref<10240x128xf32, #tpu.memory_space<hbm>>
              tpu.enqueue_indirect_dma source(%dma_start3A_99 : memref<10240x128xf32, #tpu.memory_space<hbm>>) target(%arg10 : memref<128x128xf32, #tpu.memory_space<vmem>>) offsets(%dma_start3A_96 : memref<128xi32, #tpu.memory_space<vmem>>) semaphore(%arg13 : memref<!tpu.dma_semaphore, #tpu.memory_space<semaphore_mem>>)
            } else {
            }
          } else {
          }
        }
        %scan3A_42 = arith.constant 16 : i32
      }
      %scan3A_21 = arith.constant 15 : i32
    } else {
    }
    %eq3A_5 = arith.constant 1 : i32
    %eq3A_6 = arith.cmpi eq, %arg0, %eq3A_5 : i32
    %convert_element_type3A_7 = arith.extui %eq3A_6 : i1 to i32
    %cond3A_8 = arith.constant 0 : i32
    %cond3A_9 = arith.cmpi ne, %convert_element_type3A_7, %cond3A_8 : i32
    scf.if %cond3A_9 {
      %mul3A_15 = arith.constant 5 : i32
      %mul3A_16 = arith.muli %arg1, %mul3A_15 : i32
      %add3A = arith.constant 240 : i32
      %add3A_17 = arith.addi %add3A, %mul3A_16 : i32
      %scan3A = arith.constant 0 : i32
      %scan3A_18 = arith.constant 0 : i32
      %scan3A_19 = arith.constant 5 : i32
      %scan3A_20 = arith.addi %scan3A_18, %scan3A_19 : i32
      %scan3A_21 = arith.constant 1 : i32
      scf.for %scan3A_23 = %scan3A_18 to %scan3A_20 step %scan3A_21  : i32 {
        %add3A_24 = arith.addi %add3A_17, %scan3A_23 : i32
        "tpu.region"() ({
          %run_scoped3A = tpu.sem_alloc : memref<!tpu.dma_semaphore, #tpu.memory_space<semaphore_mem>>
          %dma_start3A_45 = arith.constant 0 : i32
          %dma_start3A_46 = arith.constant 0 : i32
          %dma_start3A_47 = tpu.memref_slice %arg3[%add3A_24, %dma_start3A_45, %dma_start3A_46] : memref<320x16x128xi32, #tpu.memory_space<hbm>> -> memref<1x16x128xi32, #tpu.memory_space<hbm>>
          %dma_start3A_48 = tpu.memref_squeeze %dma_start3A_47 : memref<1x16x128xi32, #tpu.memory_space<hbm>> -> memref<16x128xi32, #tpu.memory_space<hbm>>
          %dma_start3A_49 = arith.constant 0 : i32
          %dma_start3A_50 = arith.constant 0 : i32
          %dma_start3A_51 = tpu.memref_slice %arg3[%add3A_24, %dma_start3A_49, %dma_start3A_50] : memref<320x16x128xi32, #tpu.memory_space<hbm>> -> memref<1x16x128xi32, #tpu.memory_space<hbm>>
          %dma_start3A_52 = tpu.memref_squeeze %dma_start3A_51 : memref<1x16x128xi32, #tpu.memory_space<hbm>> -> memref<16x128xi32, #tpu.memory_space<hbm>>
          tpu.enqueue_dma source(%dma_start3A_52 : memref<16x128xi32, #tpu.memory_space<hbm>>) target(%arg7 : memref<16x128xi32, #tpu.memory_space<vmem>>) target_semaphore(%run_scoped3A : memref<!tpu.dma_semaphore, #tpu.memory_space<semaphore_mem>>)
          %dma_wait3A = arith.constant 0 : i32
          %dma_wait3A_53 = arith.constant 0 : i32
          %dma_wait3A_54 = tpu.memref_slice %arg3[%add3A_24, %dma_wait3A, %dma_wait3A_53] : memref<320x16x128xi32, #tpu.memory_space<hbm>> -> memref<1x16x128xi32, #tpu.memory_space<hbm>>
          %dma_wait3A_55 = tpu.memref_squeeze %dma_wait3A_54 : memref<1x16x128xi32, #tpu.memory_space<hbm>> -> memref<16x128xi32, #tpu.memory_space<hbm>>
          %dma_wait3A_56 = arith.constant 0 : i32
          %dma_wait3A_57 = arith.constant 0 : i32
          %dma_wait3A_58 = tpu.memref_slice %arg3[%add3A_24, %dma_wait3A_56, %dma_wait3A_57] : memref<320x16x128xi32, #tpu.memory_space<hbm>> -> memref<1x16x128xi32, #tpu.memory_space<hbm>>
          %dma_wait3A_59 = tpu.memref_squeeze %dma_wait3A_58 : memref<1x16x128xi32, #tpu.memory_space<hbm>> -> memref<16x128xi32, #tpu.memory_space<hbm>>
          tpu.wait_dma2 semaphore(%run_scoped3A : memref<!tpu.dma_semaphore, #tpu.memory_space<semaphore_mem>>) src(%dma_wait3A_59 : memref<16x128xi32, #tpu.memory_space<hbm>>) dst(%arg7 : memref<16x128xi32, #tpu.memory_space<vmem>>)
          tpu.yield
        }) : () -> ()
        %add3A_25 = arith.addi %add3A_17, %scan3A_23 : i32
        "tpu.region"() ({
          %run_scoped3A = tpu.sem_alloc : memref<!tpu.dma_semaphore, #tpu.memory_space<semaphore_mem>>
          %dma_start3A_45 = arith.constant 0 : i32
          %dma_start3A_46 = arith.constant 0 : i32
          %dma_start3A_47 = tpu.memref_slice %arg4[%add3A_25, %dma_start3A_45, %dma_start3A_46] : memref<320x16x128xi32, #tpu.memory_space<hbm>> -> memref<1x16x128xi32, #tpu.memory_space<hbm>>
          %dma_start3A_48 = tpu.memref_squeeze %dma_start3A_47 : memref<1x16x128xi32, #tpu.memory_space<hbm>> -> memref<16x128xi32, #tpu.memory_space<hbm>>
          %dma_start3A_49 = arith.constant 0 : i32
          %dma_start3A_50 = arith.constant 0 : i32
          %dma_start3A_51 = tpu.memref_slice %arg4[%add3A_25, %dma_start3A_49, %dma_start3A_50] : memref<320x16x128xi32, #tpu.memory_space<hbm>> -> memref<1x16x128xi32, #tpu.memory_space<hbm>>
          %dma_start3A_52 = tpu.memref_squeeze %dma_start3A_51 : memref<1x16x128xi32, #tpu.memory_space<hbm>> -> memref<16x128xi32, #tpu.memory_space<hbm>>
          tpu.enqueue_dma source(%dma_start3A_52 : memref<16x128xi32, #tpu.memory_space<hbm>>) target(%arg8 : memref<16x128xi32, #tpu.memory_space<vmem>>) target_semaphore(%run_scoped3A : memref<!tpu.dma_semaphore, #tpu.memory_space<semaphore_mem>>)
          %dma_wait3A = arith.constant 0 : i32
          %dma_wait3A_53 = arith.constant 0 : i32
          %dma_wait3A_54 = tpu.memref_slice %arg4[%add3A_25, %dma_wait3A, %dma_wait3A_53] : memref<320x16x128xi32, #tpu.memory_space<hbm>> -> memref<1x16x128xi32, #tpu.memory_space<hbm>>
          %dma_wait3A_55 = tpu.memref_squeeze %dma_wait3A_54 : memref<1x16x128xi32, #tpu.memory_space<hbm>> -> memref<16x128xi32, #tpu.memory_space<hbm>>
          %dma_wait3A_56 = arith.constant 0 : i32
          %dma_wait3A_57 = arith.constant 0 : i32
          %dma_wait3A_58 = tpu.memref_slice %arg4[%add3A_25, %dma_wait3A_56, %dma_wait3A_57] : memref<320x16x128xi32, #tpu.memory_space<hbm>> -> memref<1x16x128xi32, #tpu.memory_space<hbm>>
          %dma_wait3A_59 = tpu.memref_squeeze %dma_wait3A_58 : memref<1x16x128xi32, #tpu.memory_space<hbm>> -> memref<16x128xi32, #tpu.memory_space<hbm>>
          tpu.wait_dma2 semaphore(%run_scoped3A : memref<!tpu.dma_semaphore, #tpu.memory_space<semaphore_mem>>) src(%dma_wait3A_59 : memref<16x128xi32, #tpu.memory_space<hbm>>) dst(%arg8 : memref<16x128xi32, #tpu.memory_space<vmem>>)
          tpu.yield
        }) : () -> ()
        %dma_start3A = arith.constant 0 : i32
        %dma_start3A_26 = arith.constant 0 : i32
        %dma_start3A_27 = tpu.memref_slice %arg7[%dma_start3A, %dma_start3A_26] : memref<16x128xi32, #tpu.memory_space<vmem>> -> memref<1x128xi32, #tpu.memory_space<vmem>>
        %dma_start3A_28 = tpu.memref_squeeze %dma_start3A_27 : memref<1x128xi32, #tpu.memory_space<vmem>> -> memref<128xi32, #tpu.memory_space<vmem>>
        %dma_start3A_29 = arith.constant 0 : i32
        %dma_start3A_30 = arith.constant 0 : i32
        %dma_start3A_31 = tpu.memref_slice %arg2[%dma_start3A_29, %dma_start3A_30] : memref<10240x128xf32, #tpu.memory_space<hbm>> -> memref<10240x128xf32, #tpu.memory_space<hbm>>
        tpu.enqueue_indirect_dma source(%dma_start3A_31 : memref<10240x128xf32, #tpu.memory_space<hbm>>) target(%arg9 : memref<128x128xf32, #tpu.memory_space<vmem>>) offsets(%dma_start3A_28 : memref<128xi32, #tpu.memory_space<vmem>>) semaphore(%arg12 : memref<!tpu.dma_semaphore, #tpu.memory_space<semaphore_mem>>)
        %dma_start3A_32 = arith.constant 1 : i32
        %dma_start3A_33 = arith.constant 0 : i32
        %dma_start3A_34 = tpu.memref_slice %arg7[%dma_start3A_32, %dma_start3A_33] : memref<16x128xi32, #tpu.memory_space<vmem>> -> memref<1x128xi32, #tpu.memory_space<vmem>>
        %dma_start3A_35 = tpu.memref_squeeze %dma_start3A_34 : memref<1x128xi32, #tpu.memory_space<vmem>> -> memref<128xi32, #tpu.memory_space<vmem>>
        %dma_start3A_36 = arith.constant 0 : i32
        %dma_start3A_37 = arith.constant 0 : i32
        %dma_start3A_38 = tpu.memref_slice %arg2[%dma_start3A_36, %dma_start3A_37] : memref<10240x128xf32, #tpu.memory_space<hbm>> -> memref<10240x128xf32, #tpu.memory_space<hbm>>
        tpu.enqueue_indirect_dma source(%dma_start3A_38 : memref<10240x128xf32, #tpu.memory_space<hbm>>) target(%arg10 : memref<128x128xf32, #tpu.memory_space<vmem>>) offsets(%dma_start3A_35 : memref<128xi32, #tpu.memory_space<vmem>>) semaphore(%arg13 : memref<!tpu.dma_semaphore, #tpu.memory_space<semaphore_mem>>)
        %scan3A_39 = arith.constant 0 : i32
        %scan3A_40 = arith.constant 0 : i32
        %scan3A_41 = arith.constant 16 : i32
        %scan3A_42 = arith.addi %scan3A_40, %scan3A_41 : i32
        %scan3A_43 = arith.constant 1 : i32
        scf.for %scan3A_45 = %scan3A_40 to %scan3A_42 step %scan3A_43  : i32 {
          %jit3A = arith.constant 2 : i32
          %eq3A_46 = arith.constant 0 : i32
          %eq3A_47 = arith.cmpi eq, %jit3A, %eq3A_46 : i32
          %jit3A_48 = arith.constant 1 : i32
          %select_n3A = arith.select %eq3A_47, %jit3A_48, %jit3A : i32
          %rem3A = arith.remsi %scan3A_45, %select_n3A : i32
          %ne3A = arith.constant 0 : i32
          %ne3A_49 = arith.cmpi ne, %rem3A, %ne3A : i32
          %lt3A = arith.constant 0 : i32
          %lt3A_50 = arith.cmpi slt, %rem3A, %lt3A : i32
          %lt3A_51 = arith.constant 0 : i32
          %lt3A_52 = arith.cmpi slt, %select_n3A, %lt3A_51 : i32
          %ne3A_53 = arith.xori %lt3A_50, %lt3A_52 : i1
          %and3A = arith.andi %ne3A_53, %ne3A_49 : i1
          %add3A_54 = arith.addi %rem3A, %select_n3A : i32
          %select_n3A_55 = arith.select %and3A, %add3A_54, %rem3A : i32
          %eq3A_56 = arith.constant 0 : i32
          %eq3A_57 = arith.cmpi eq, %select_n3A_55, %eq3A_56 : i32
          %convert_element_type3A_58 = arith.extui %eq3A_57 : i1 to i32
          %cond3A_59 = arith.constant 0 : i32
          %cond3A_60 = arith.cmpi ne, %convert_element_type3A_58, %cond3A_59 : i32
          scf.if %cond3A_60 {
            %dma_wait3A = arith.constant 0 : i32
            %dma_wait3A_82 = tpu.memref_slice %arg7[%scan3A_45, %dma_wait3A] : memref<16x128xi32, #tpu.memory_space<vmem>> -> memref<1x128xi32, #tpu.memory_space<vmem>>
            %dma_wait3A_83 = tpu.memref_squeeze %dma_wait3A_82 : memref<1x128xi32, #tpu.memory_space<vmem>> -> memref<128xi32, #tpu.memory_space<vmem>>
            %dma_wait3A_84 = arith.constant 0 : i32
            %dma_wait3A_85 = arith.constant 0 : i32
            %dma_wait3A_86 = tpu.memref_slice %arg2[%dma_wait3A_84, %dma_wait3A_85] : memref<10240x128xf32, #tpu.memory_space<hbm>> -> memref<10240x128xf32, #tpu.memory_space<hbm>>
            tpu.wait_indirect_dma semaphore(%arg12 : memref<!tpu.dma_semaphore, #tpu.memory_space<semaphore_mem>>) src(%dma_wait3A_86 : memref<10240x128xf32, #tpu.memory_space<hbm>>) dst(%arg9 : memref<128x128xf32, #tpu.memory_space<vmem>>)
            "tpu.region"() ({
              %run_scoped3A = tpu.sem_alloc : memref<!tpu.dma_semaphore, #tpu.memory_space<semaphore_mem>>
              %dma_start3A_94 = arith.constant 0 : i32
              %dma_start3A_95 = tpu.memref_slice %arg8[%scan3A_45, %dma_start3A_94] : memref<16x128xi32, #tpu.memory_space<vmem>> -> memref<1x128xi32, #tpu.memory_space<vmem>>
              %dma_start3A_96 = tpu.memref_squeeze %dma_start3A_95 : memref<1x128xi32, #tpu.memory_space<vmem>> -> memref<128xi32, #tpu.memory_space<vmem>>
              %dma_start3A_97 = arith.constant 0 : i32
              %dma_start3A_98 = arith.constant 0 : i32
              %dma_start3A_99 = tpu.memref_slice %arg11[%dma_start3A_97, %dma_start3A_98] : memref<10240x128xf32, #tpu.memory_space<vmem_shared>> -> memref<10240x128xf32, #tpu.memory_space<vmem_shared>>
              tpu.enqueue_indirect_dma source(%arg9 : memref<128x128xf32, #tpu.memory_space<vmem>>) target(%dma_start3A_99 : memref<10240x128xf32, #tpu.memory_space<vmem_shared>>) offsets(%dma_start3A_96 : memref<128xi32, #tpu.memory_space<vmem>>) semaphore(%run_scoped3A : memref<!tpu.dma_semaphore, #tpu.memory_space<semaphore_mem>>) {add = true}
              %dma_wait3A_100 = arith.constant 0 : i32
              %dma_wait3A_101 = tpu.memref_slice %arg8[%scan3A_45, %dma_wait3A_100] : memref<16x128xi32, #tpu.memory_space<vmem>> -> memref<1x128xi32, #tpu.memory_space<vmem>>
              %dma_wait3A_102 = tpu.memref_squeeze %dma_wait3A_101 : memref<1x128xi32, #tpu.memory_space<vmem>> -> memref<128xi32, #tpu.memory_space<vmem>>
              %dma_wait3A_103 = arith.constant 0 : i32
              %dma_wait3A_104 = arith.constant 0 : i32
              %dma_wait3A_105 = tpu.memref_slice %arg11[%dma_wait3A_103, %dma_wait3A_104] : memref<10240x128xf32, #tpu.memory_space<vmem_shared>> -> memref<10240x128xf32, #tpu.memory_space<vmem_shared>>
              tpu.wait_indirect_dma semaphore(%run_scoped3A : memref<!tpu.dma_semaphore, #tpu.memory_space<semaphore_mem>>) src(%arg9 : memref<128x128xf32, #tpu.memory_space<vmem>>) dst(%dma_wait3A_105 : memref<10240x128xf32, #tpu.memory_space<vmem_shared>>)
              tpu.yield
            }) : () -> ()
            %add3A_87 = arith.constant 2 : i32
            %add3A_88 = arith.addi %scan3A_45, %add3A_87 : i32
            %lt3A_89 = arith.constant 16 : i32
            %lt3A_90 = arith.cmpi slt, %add3A_88, %lt3A_89 : i32
            %convert_element_type3A_91 = arith.extui %lt3A_90 : i1 to i32
            %cond3A_92 = arith.constant 0 : i32
            %cond3A_93 = arith.cmpi ne, %convert_element_type3A_91, %cond3A_92 : i32
            scf.if %cond3A_93 {
              %add3A_94 = arith.constant 2 : i32
              %add3A_95 = arith.addi %scan3A_45, %add3A_94 : i32
              %dma_start3A_96 = arith.constant 0 : i32
              %dma_start3A_97 = tpu.memref_slice %arg7[%add3A_95, %dma_start3A_96] : memref<16x128xi32, #tpu.memory_space<vmem>> -> memref<1x128xi32, #tpu.memory_space<vmem>>
              %dma_start3A_98 = tpu.memref_squeeze %dma_start3A_97 : memref<1x128xi32, #tpu.memory_space<vmem>> -> memref<128xi32, #tpu.memory_space<vmem>>
              %dma_start3A_99 = arith.constant 0 : i32
              %dma_start3A_100 = arith.constant 0 : i32
              %dma_start3A_101 = tpu.memref_slice %arg2[%dma_start3A_99, %dma_start3A_100] : memref<10240x128xf32, #tpu.memory_space<hbm>> -> memref<10240x128xf32, #tpu.memory_space<hbm>>
              tpu.enqueue_indirect_dma source(%dma_start3A_101 : memref<10240x128xf32, #tpu.memory_space<hbm>>) target(%arg9 : memref<128x128xf32, #tpu.memory_space<vmem>>) offsets(%dma_start3A_98 : memref<128xi32, #tpu.memory_space<vmem>>) semaphore(%arg12 : memref<!tpu.dma_semaphore, #tpu.memory_space<semaphore_mem>>)
            } else {
            }
          } else {
          }
          %jit3A_61 = arith.constant 2 : i32
          %eq3A_62 = arith.constant 0 : i32
          %eq3A_63 = arith.cmpi eq, %jit3A_61, %eq3A_62 : i32
          %jit3A_64 = arith.constant 1 : i32
          %select_n3A_65 = arith.select %eq3A_63, %jit3A_64, %jit3A_61 : i32
          %rem3A_66 = arith.remsi %scan3A_45, %select_n3A_65 : i32
          %ne3A_67 = arith.constant 0 : i32
          %ne3A_68 = arith.cmpi ne, %rem3A_66, %ne3A_67 : i32
          %lt3A_69 = arith.constant 0 : i32
          %lt3A_70 = arith.cmpi slt, %rem3A_66, %lt3A_69 : i32
          %lt3A_71 = arith.constant 0 : i32
          %lt3A_72 = arith.cmpi slt, %select_n3A_65, %lt3A_71 : i32
          %ne3A_73 = arith.xori %lt3A_70, %lt3A_72 : i1
          %and3A_74 = arith.andi %ne3A_73, %ne3A_68 : i1
          %add3A_75 = arith.addi %rem3A_66, %select_n3A_65 : i32
          %select_n3A_76 = arith.select %and3A_74, %add3A_75, %rem3A_66 : i32
          %eq3A_77 = arith.constant 1 : i32
          %eq3A_78 = arith.cmpi eq, %select_n3A_76, %eq3A_77 : i32
          %convert_element_type3A_79 = arith.extui %eq3A_78 : i1 to i32
          %cond3A_80 = arith.constant 0 : i32
          %cond3A_81 = arith.cmpi ne, %convert_element_type3A_79, %cond3A_80 : i32
          scf.if %cond3A_81 {
            %dma_wait3A = arith.constant 0 : i32
            %dma_wait3A_82 = tpu.memref_slice %arg7[%scan3A_45, %dma_wait3A] : memref<16x128xi32, #tpu.memory_space<vmem>> -> memref<1x128xi32, #tpu.memory_space<vmem>>
            %dma_wait3A_83 = tpu.memref_squeeze %dma_wait3A_82 : memref<1x128xi32, #tpu.memory_space<vmem>> -> memref<128xi32, #tpu.memory_space<vmem>>
            %dma_wait3A_84 = arith.constant 0 : i32
            %dma_wait3A_85 = arith.constant 0 : i32
            %dma_wait3A_86 = tpu.memref_slice %arg2[%dma_wait3A_84, %dma_wait3A_85] : memref<10240x128xf32, #tpu.memory_space<hbm>> -> memref<10240x128xf32, #tpu.memory_space<hbm>>
            tpu.wait_indirect_dma semaphore(%arg13 : memref<!tpu.dma_semaphore, #tpu.memory_space<semaphore_mem>>) src(%dma_wait3A_86 : memref<10240x128xf32, #tpu.memory_space<hbm>>) dst(%arg10 : memref<128x128xf32, #tpu.memory_space<vmem>>)
            "tpu.region"() ({
              %run_scoped3A = tpu.sem_alloc : memref<!tpu.dma_semaphore, #tpu.memory_space<semaphore_mem>>
              %dma_start3A_94 = arith.constant 0 : i32
              %dma_start3A_95 = tpu.memref_slice %arg8[%scan3A_45, %dma_start3A_94] : memref<16x128xi32, #tpu.memory_space<vmem>> -> memref<1x128xi32, #tpu.memory_space<vmem>>
              %dma_start3A_96 = tpu.memref_squeeze %dma_start3A_95 : memref<1x128xi32, #tpu.memory_space<vmem>> -> memref<128xi32, #tpu.memory_space<vmem>>
              %dma_start3A_97 = arith.constant 0 : i32
              %dma_start3A_98 = arith.constant 0 : i32
              %dma_start3A_99 = tpu.memref_slice %arg11[%dma_start3A_97, %dma_start3A_98] : memref<10240x128xf32, #tpu.memory_space<vmem_shared>> -> memref<10240x128xf32, #tpu.memory_space<vmem_shared>>
              tpu.enqueue_indirect_dma source(%arg10 : memref<128x128xf32, #tpu.memory_space<vmem>>) target(%dma_start3A_99 : memref<10240x128xf32, #tpu.memory_space<vmem_shared>>) offsets(%dma_start3A_96 : memref<128xi32, #tpu.memory_space<vmem>>) semaphore(%run_scoped3A : memref<!tpu.dma_semaphore, #tpu.memory_space<semaphore_mem>>) {add = true}
              %dma_wait3A_100 = arith.constant 0 : i32
              %dma_wait3A_101 = tpu.memref_slice %arg8[%scan3A_45, %dma_wait3A_100] : memref<16x128xi32, #tpu.memory_space<vmem>> -> memref<1x128xi32, #tpu.memory_space<vmem>>
              %dma_wait3A_102 = tpu.memref_squeeze %dma_wait3A_101 : memref<1x128xi32, #tpu.memory_space<vmem>> -> memref<128xi32, #tpu.memory_space<vmem>>
              %dma_wait3A_103 = arith.constant 0 : i32
              %dma_wait3A_104 = arith.constant 0 : i32
              %dma_wait3A_105 = tpu.memref_slice %arg11[%dma_wait3A_103, %dma_wait3A_104] : memref<10240x128xf32, #tpu.memory_space<vmem_shared>> -> memref<10240x128xf32, #tpu.memory_space<vmem_shared>>
              tpu.wait_indirect_dma semaphore(%run_scoped3A : memref<!tpu.dma_semaphore, #tpu.memory_space<semaphore_mem>>) src(%arg10 : memref<128x128xf32, #tpu.memory_space<vmem>>) dst(%dma_wait3A_105 : memref<10240x128xf32, #tpu.memory_space<vmem_shared>>)
              tpu.yield
            }) : () -> ()
            %add3A_87 = arith.constant 2 : i32
            %add3A_88 = arith.addi %scan3A_45, %add3A_87 : i32
            %lt3A_89 = arith.constant 16 : i32
            %lt3A_90 = arith.cmpi slt, %add3A_88, %lt3A_89 : i32
            %convert_element_type3A_91 = arith.extui %lt3A_90 : i1 to i32
            %cond3A_92 = arith.constant 0 : i32
            %cond3A_93 = arith.cmpi ne, %convert_element_type3A_91, %cond3A_92 : i32
            scf.if %cond3A_93 {
              %add3A_94 = arith.constant 2 : i32
              %add3A_95 = arith.addi %scan3A_45, %add3A_94 : i32
              %dma_start3A_96 = arith.constant 0 : i32
              %dma_start3A_97 = tpu.memref_slice %arg7[%add3A_95, %dma_start3A_96] : memref<16x128xi32, #tpu.memory_space<vmem>> -> memref<1x128xi32, #tpu.memory_space<vmem>>
              %dma_start3A_98 = tpu.memref_squeeze %dma_start3A_97 : memref<1x128xi32, #tpu.memory_space<vmem>> -> memref<128xi32, #tpu.memory_space<vmem>>
              %dma_start3A_99 = arith.constant 0 : i32
              %dma_start3A_100 = arith.constant 0 : i32
              %dma_start3A_101 = tpu.memref_slice %arg2[%dma_start3A_99, %dma_start3A_100] : memref<10240x128xf32, #tpu.memory_space<hbm>> -> memref<10240x128xf32, #tpu.memory_space<hbm>>
              tpu.enqueue_indirect_dma source(%dma_start3A_101 : memref<10240x128xf32, #tpu.memory_space<hbm>>) target(%arg10 : memref<128x128xf32, #tpu.memory_space<vmem>>) offsets(%dma_start3A_98 : memref<128xi32, #tpu.memory_space<vmem>>) semaphore(%arg13 : memref<!tpu.dma_semaphore, #tpu.memory_space<semaphore_mem>>)
            } else {
            }
          } else {
          }
        }
        %scan3A_44 = arith.constant 16 : i32
      }
      %scan3A_22 = arith.constant 5 : i32
    } else {
    }
    %barrier3A_10 = arith.constant 0 : index
    tpu.barrier barrier_id(%barrier3A_10)
    %mul3A_11 = arith.constant 640 : i32
    %mul3A_12 = arith.muli %arg1, %mul3A_11 : i32
    %mul3A_13 = arith.constant 640 : i32
    %mul3A_14 = arith.muli %arg1, %mul3A_13 : i32
    "tpu.region"() ({
      %run_scoped3A = tpu.sem_alloc : memref<!tpu.dma_semaphore, #tpu.memory_space<semaphore_mem>>
      %dma_start3A = arith.constant 0 : i32
      %dma_start3A_15 = tpu.memref_slice %arg6[%arg0, %mul3A_14, %dma_start3A] : memref<2x10240x128xf32, #tpu.memory_space<hbm>> -> memref<1x640x128xf32, #tpu.memory_space<hbm>>
      %dma_start3A_16 = tpu.memref_squeeze %dma_start3A_15 : memref<1x640x128xf32, #tpu.memory_space<hbm>> -> memref<640x128xf32, #tpu.memory_space<hbm>>
      %dma_start3A_17 = arith.constant 0 : i32
      %dma_start3A_18 = tpu.memref_slice %arg11[%mul3A_12, %dma_start3A_17] : memref<10240x128xf32, #tpu.memory_space<vmem_shared>> -> memref<640x128xf32, #tpu.memory_space<vmem_shared>>
      tpu.enqueue_dma source(%dma_start3A_18 : memref<640x128xf32, #tpu.memory_space<vmem_shared>>) target(%dma_start3A_16 : memref<640x128xf32, #tpu.memory_space<hbm>>) target_semaphore(%run_scoped3A : memref<!tpu.dma_semaphore, #tpu.memory_space<semaphore_mem>>)
      %dma_wait3A = arith.constant 0 : i32
      %dma_wait3A_19 = tpu.memref_slice %arg6[%arg0, %mul3A_14, %dma_wait3A] : memref<2x10240x128xf32, #tpu.memory_space<hbm>> -> memref<1x640x128xf32, #tpu.memory_space<hbm>>
      %dma_wait3A_20 = tpu.memref_squeeze %dma_wait3A_19 : memref<1x640x128xf32, #tpu.memory_space<hbm>> -> memref<640x128xf32, #tpu.memory_space<hbm>>
      %dma_wait3A_21 = arith.constant 0 : i32
      %dma_wait3A_22 = tpu.memref_slice %arg11[%mul3A_12, %dma_wait3A_21] : memref<10240x128xf32, #tpu.memory_space<vmem_shared>> -> memref<640x128xf32, #tpu.memory_space<vmem_shared>>
      tpu.wait_dma2 semaphore(%run_scoped3A : memref<!tpu.dma_semaphore, #tpu.memory_space<semaphore_mem>>) src(%dma_wait3A_22 : memref<640x128xf32, #tpu.memory_space<vmem_shared>>) dst(%dma_wait3A_20 : memref<640x128xf32, #tpu.memory_space<hbm>>)
      tpu.yield
    }) : () -> ()
    return
  }
}

#map = affine_map<(d0, d1) -> (0, 0)>
#map1 = affine_map<(d0, d1) -> (0, 0, 0)>
module attributes {stable_mosaic.version = 14 : i64} {
  func.func @agg_kernel(%arg0: i32, %arg1: i32, %arg2: memref<10240x128xf32, #tpu.memory_space<hbm>>, %arg3: memref<320x16x128xi32, #tpu.memory_space<hbm>>, %arg4: memref<320x16x128xi32, #tpu.memory_space<hbm>>, %arg5: memref<10240x128xf32, #tpu.memory_space<hbm>>, %arg6: memref<2x10240x128xf32, #tpu.memory_space<hbm>>, %arg7: memref<16x128xi32, #tpu.memory_space<vmem>>, %arg8: memref<16x128xi32, #tpu.memory_space<vmem>>, %arg9: memref<128x128xf32, #tpu.memory_space<vmem>>, %arg10: memref<128x128xf32, #tpu.memory_space<vmem>>, %arg11: memref<10240x128xf32, #tpu.memory_space<vmem_shared>>, %arg12: memref<!tpu.dma_semaphore, #tpu.memory_space<semaphore_mem>>, %arg13: memref<!tpu.dma_semaphore, #tpu.memory_space<semaphore_mem>>) attributes {dimension_semantics = [#tpu.dimension_semantics<core_parallel>, #tpu.dimension_semantics<subcore_parallel>], iteration_bounds = array<i64: 2, 16>, scalar_prefetch = 0 : i64, scratch_operands = 7 : i64, tpu.core_type = #tpu.core_type<sc_vector_subcore>, window_params = [{transform_indices = #map}, {transform_indices = #map1}, {transform_indices = #map1}, {transform_indices = #map}, {transform_indices = #map1}]} {
    %mul3A = arith.constant 640 : i32
    %mul3A_0 = arith.muli %arg1, %mul3A : i32
    %mul3A_1 = arith.constant 640 : i32
    %mul3A_2 = arith.muli %arg1, %mul3A_1 : i32
    "tpu.region"() ({
      %run_scoped3A = tpu.sem_alloc : memref<!tpu.dma_semaphore, #tpu.memory_space<semaphore_mem>>
      %dma_start3A = arith.constant 0 : i32
      %dma_start3A_15 = tpu.memref_slice %arg11[%mul3A_2, %dma_start3A] : memref<10240x128xf32, #tpu.memory_space<vmem_shared>> -> memref<640x128xf32, #tpu.memory_space<vmem_shared>>
      %dma_start3A_16 = arith.constant 0 : i32
      %dma_start3A_17 = tpu.memref_slice %arg5[%mul3A_0, %dma_start3A_16] : memref<10240x128xf32, #tpu.memory_space<hbm>> -> memref<640x128xf32, #tpu.memory_space<hbm>>
      tpu.enqueue_dma source(%dma_start3A_17 : memref<640x128xf32, #tpu.memory_space<hbm>>) target(%dma_start3A_15 : memref<640x128xf32, #tpu.memory_space<vmem_shared>>) target_semaphore(%run_scoped3A : memref<!tpu.dma_semaphore, #tpu.memory_space<semaphore_mem>>)
      %dma_wait3A = arith.constant 0 : i32
      %dma_wait3A_18 = tpu.memref_slice %arg11[%mul3A_2, %dma_wait3A] : memref<10240x128xf32, #tpu.memory_space<vmem_shared>> -> memref<640x128xf32, #tpu.memory_space<vmem_shared>>
      %dma_wait3A_19 = arith.constant 0 : i32
      %dma_wait3A_20 = tpu.memref_slice %arg5[%mul3A_0, %dma_wait3A_19] : memref<10240x128xf32, #tpu.memory_space<hbm>> -> memref<640x128xf32, #tpu.memory_space<hbm>>
      tpu.wait_dma2 semaphore(%run_scoped3A : memref<!tpu.dma_semaphore, #tpu.memory_space<semaphore_mem>>) src(%dma_wait3A_20 : memref<640x128xf32, #tpu.memory_space<hbm>>) dst(%dma_wait3A_18 : memref<640x128xf32, #tpu.memory_space<vmem_shared>>)
      tpu.yield
    }) : () -> ()
    %barrier3A = arith.constant 0 : index
    tpu.barrier barrier_id(%barrier3A)
    %eq3A = arith.constant 0 : i32
    %eq3A_3 = arith.cmpi eq, %arg0, %eq3A : i32
    %convert_element_type3A = arith.extui %eq3A_3 : i1 to i32
    %cond3A = arith.constant 0 : i32
    %cond3A_4 = arith.cmpi ne, %convert_element_type3A, %cond3A : i32
    scf.if %cond3A_4 {
      %mul3A_15 = arith.constant 15 : i32
      %mul3A_16 = arith.muli %arg1, %mul3A_15 : i32
      %scan3A = arith.constant 0 : i32
      %scan3A_17 = arith.constant 0 : i32
      %scan3A_18 = arith.constant 15 : i32
      %scan3A_19 = arith.addi %scan3A_17, %scan3A_18 : i32
      %scan3A_20 = arith.constant 1 : i32
      scf.for %scan3A_22 = %scan3A_17 to %scan3A_19 step %scan3A_20  : i32 {
        %add3A = arith.addi %mul3A_16, %scan3A_22 : i32
        "tpu.region"() ({
          %run_scoped3A = tpu.sem_alloc : memref<!tpu.dma_semaphore, #tpu.memory_space<semaphore_mem>>
          %dma_start3A_43 = arith.constant 0 : i32
          %dma_start3A_44 = arith.constant 0 : i32
          %dma_start3A_45 = tpu.memref_slice %arg3[%add3A, %dma_start3A_43, %dma_start3A_44] : memref<320x16x128xi32, #tpu.memory_space<hbm>> -> memref<1x16x128xi32, #tpu.memory_space<hbm>>
          %dma_start3A_46 = tpu.memref_squeeze %dma_start3A_45 : memref<1x16x128xi32, #tpu.memory_space<hbm>> -> memref<16x128xi32, #tpu.memory_space<hbm>>
          %dma_start3A_47 = arith.constant 0 : i32
          %dma_start3A_48 = arith.constant 0 : i32
          %dma_start3A_49 = tpu.memref_slice %arg3[%add3A, %dma_start3A_47, %dma_start3A_48] : memref<320x16x128xi32, #tpu.memory_space<hbm>> -> memref<1x16x128xi32, #tpu.memory_space<hbm>>
          %dma_start3A_50 = tpu.memref_squeeze %dma_start3A_49 : memref<1x16x128xi32, #tpu.memory_space<hbm>> -> memref<16x128xi32, #tpu.memory_space<hbm>>
          tpu.enqueue_dma source(%dma_start3A_50 : memref<16x128xi32, #tpu.memory_space<hbm>>) target(%arg7 : memref<16x128xi32, #tpu.memory_space<vmem>>) target_semaphore(%run_scoped3A : memref<!tpu.dma_semaphore, #tpu.memory_space<semaphore_mem>>)
          %dma_wait3A = arith.constant 0 : i32
          %dma_wait3A_51 = arith.constant 0 : i32
          %dma_wait3A_52 = tpu.memref_slice %arg3[%add3A, %dma_wait3A, %dma_wait3A_51] : memref<320x16x128xi32, #tpu.memory_space<hbm>> -> memref<1x16x128xi32, #tpu.memory_space<hbm>>
          %dma_wait3A_53 = tpu.memref_squeeze %dma_wait3A_52 : memref<1x16x128xi32, #tpu.memory_space<hbm>> -> memref<16x128xi32, #tpu.memory_space<hbm>>
          %dma_wait3A_54 = arith.constant 0 : i32
          %dma_wait3A_55 = arith.constant 0 : i32
          %dma_wait3A_56 = tpu.memref_slice %arg3[%add3A, %dma_wait3A_54, %dma_wait3A_55] : memref<320x16x128xi32, #tpu.memory_space<hbm>> -> memref<1x16x128xi32, #tpu.memory_space<hbm>>
          %dma_wait3A_57 = tpu.memref_squeeze %dma_wait3A_56 : memref<1x16x128xi32, #tpu.memory_space<hbm>> -> memref<16x128xi32, #tpu.memory_space<hbm>>
          tpu.wait_dma2 semaphore(%run_scoped3A : memref<!tpu.dma_semaphore, #tpu.memory_space<semaphore_mem>>) src(%dma_wait3A_57 : memref<16x128xi32, #tpu.memory_space<hbm>>) dst(%arg7 : memref<16x128xi32, #tpu.memory_space<vmem>>)
          tpu.yield
        }) : () -> ()
        %add3A_23 = arith.addi %mul3A_16, %scan3A_22 : i32
        "tpu.region"() ({
          %run_scoped3A = tpu.sem_alloc : memref<!tpu.dma_semaphore, #tpu.memory_space<semaphore_mem>>
          %dma_start3A_43 = arith.constant 0 : i32
          %dma_start3A_44 = arith.constant 0 : i32
          %dma_start3A_45 = tpu.memref_slice %arg4[%add3A_23, %dma_start3A_43, %dma_start3A_44] : memref<320x16x128xi32, #tpu.memory_space<hbm>> -> memref<1x16x128xi32, #tpu.memory_space<hbm>>
          %dma_start3A_46 = tpu.memref_squeeze %dma_start3A_45 : memref<1x16x128xi32, #tpu.memory_space<hbm>> -> memref<16x128xi32, #tpu.memory_space<hbm>>
          %dma_start3A_47 = arith.constant 0 : i32
          %dma_start3A_48 = arith.constant 0 : i32
          %dma_start3A_49 = tpu.memref_slice %arg4[%add3A_23, %dma_start3A_47, %dma_start3A_48] : memref<320x16x128xi32, #tpu.memory_space<hbm>> -> memref<1x16x128xi32, #tpu.memory_space<hbm>>
          %dma_start3A_50 = tpu.memref_squeeze %dma_start3A_49 : memref<1x16x128xi32, #tpu.memory_space<hbm>> -> memref<16x128xi32, #tpu.memory_space<hbm>>
          tpu.enqueue_dma source(%dma_start3A_50 : memref<16x128xi32, #tpu.memory_space<hbm>>) target(%arg8 : memref<16x128xi32, #tpu.memory_space<vmem>>) target_semaphore(%run_scoped3A : memref<!tpu.dma_semaphore, #tpu.memory_space<semaphore_mem>>)
          %dma_wait3A = arith.constant 0 : i32
          %dma_wait3A_51 = arith.constant 0 : i32
          %dma_wait3A_52 = tpu.memref_slice %arg4[%add3A_23, %dma_wait3A, %dma_wait3A_51] : memref<320x16x128xi32, #tpu.memory_space<hbm>> -> memref<1x16x128xi32, #tpu.memory_space<hbm>>
          %dma_wait3A_53 = tpu.memref_squeeze %dma_wait3A_52 : memref<1x16x128xi32, #tpu.memory_space<hbm>> -> memref<16x128xi32, #tpu.memory_space<hbm>>
          %dma_wait3A_54 = arith.constant 0 : i32
          %dma_wait3A_55 = arith.constant 0 : i32
          %dma_wait3A_56 = tpu.memref_slice %arg4[%add3A_23, %dma_wait3A_54, %dma_wait3A_55] : memref<320x16x128xi32, #tpu.memory_space<hbm>> -> memref<1x16x128xi32, #tpu.memory_space<hbm>>
          %dma_wait3A_57 = tpu.memref_squeeze %dma_wait3A_56 : memref<1x16x128xi32, #tpu.memory_space<hbm>> -> memref<16x128xi32, #tpu.memory_space<hbm>>
          tpu.wait_dma2 semaphore(%run_scoped3A : memref<!tpu.dma_semaphore, #tpu.memory_space<semaphore_mem>>) src(%dma_wait3A_57 : memref<16x128xi32, #tpu.memory_space<hbm>>) dst(%arg8 : memref<16x128xi32, #tpu.memory_space<vmem>>)
          tpu.yield
        }) : () -> ()
        %dma_start3A = arith.constant 0 : i32
        %dma_start3A_24 = arith.constant 0 : i32
        %dma_start3A_25 = tpu.memref_slice %arg7[%dma_start3A, %dma_start3A_24] : memref<16x128xi32, #tpu.memory_space<vmem>> -> memref<1x128xi32, #tpu.memory_space<vmem>>
        %dma_start3A_26 = tpu.memref_squeeze %dma_start3A_25 : memref<1x128xi32, #tpu.memory_space<vmem>> -> memref<128xi32, #tpu.memory_space<vmem>>
        %dma_start3A_27 = arith.constant 0 : i32
        %dma_start3A_28 = arith.constant 0 : i32
        %dma_start3A_29 = tpu.memref_slice %arg2[%dma_start3A_27, %dma_start3A_28] : memref<10240x128xf32, #tpu.memory_space<hbm>> -> memref<10240x128xf32, #tpu.memory_space<hbm>>
        tpu.enqueue_indirect_dma source(%dma_start3A_29 : memref<10240x128xf32, #tpu.memory_space<hbm>>) target(%arg9 : memref<128x128xf32, #tpu.memory_space<vmem>>) offsets(%dma_start3A_26 : memref<128xi32, #tpu.memory_space<vmem>>) semaphore(%arg12 : memref<!tpu.dma_semaphore, #tpu.memory_space<semaphore_mem>>)
        %dma_start3A_30 = arith.constant 1 : i32
        %dma_start3A_31 = arith.constant 0 : i32
        %dma_start3A_32 = tpu.memref_slice %arg7[%dma_start3A_30, %dma_start3A_31] : memref<16x128xi32, #tpu.memory_space<vmem>> -> memref<1x128xi32, #tpu.memory_space<vmem>>
        %dma_start3A_33 = tpu.memref_squeeze %dma_start3A_32 : memref<1x128xi32, #tpu.memory_space<vmem>> -> memref<128xi32, #tpu.memory_space<vmem>>
        %dma_start3A_34 = arith.constant 0 : i32
        %dma_start3A_35 = arith.constant 0 : i32
        %dma_start3A_36 = tpu.memref_slice %arg2[%dma_start3A_34, %dma_start3A_35] : memref<10240x128xf32, #tpu.memory_space<hbm>> -> memref<10240x128xf32, #tpu.memory_space<hbm>>
        tpu.enqueue_indirect_dma source(%dma_start3A_36 : memref<10240x128xf32, #tpu.memory_space<hbm>>) target(%arg10 : memref<128x128xf32, #tpu.memory_space<vmem>>) offsets(%dma_start3A_33 : memref<128xi32, #tpu.memory_space<vmem>>) semaphore(%arg13 : memref<!tpu.dma_semaphore, #tpu.memory_space<semaphore_mem>>)
        %scan3A_37 = arith.constant 0 : i32
        %scan3A_38 = arith.constant 0 : i32
        %scan3A_39 = arith.constant 16 : i32
        %scan3A_40 = arith.addi %scan3A_38, %scan3A_39 : i32
        %scan3A_41 = arith.constant 1 : i32
        scf.for %scan3A_43 = %scan3A_38 to %scan3A_40 step %scan3A_41  : i32 {
          %jit3A = arith.constant 2 : i32
          %eq3A_44 = arith.constant 0 : i32
          %eq3A_45 = arith.cmpi eq, %jit3A, %eq3A_44 : i32
          %jit3A_46 = arith.constant 1 : i32
          %select_n3A = arith.select %eq3A_45, %jit3A_46, %jit3A : i32
          %rem3A = arith.remsi %scan3A_43, %select_n3A : i32
          %ne3A = arith.constant 0 : i32
          %ne3A_47 = arith.cmpi ne, %rem3A, %ne3A : i32
          %lt3A = arith.constant 0 : i32
          %lt3A_48 = arith.cmpi slt, %rem3A, %lt3A : i32
          %lt3A_49 = arith.constant 0 : i32
          %lt3A_50 = arith.cmpi slt, %select_n3A, %lt3A_49 : i32
          %ne3A_51 = arith.xori %lt3A_48, %lt3A_50 : i1
          %and3A = arith.andi %ne3A_51, %ne3A_47 : i1
          %add3A_52 = arith.addi %rem3A, %select_n3A : i32
          %select_n3A_53 = arith.select %and3A, %add3A_52, %rem3A : i32
          %eq3A_54 = arith.constant 0 : i32
          %eq3A_55 = arith.cmpi eq, %select_n3A_53, %eq3A_54 : i32
          %convert_element_type3A_56 = arith.extui %eq3A_55 : i1 to i32
          %cond3A_57 = arith.constant 0 : i32
          %cond3A_58 = arith.cmpi ne, %convert_element_type3A_56, %cond3A_57 : i32
          scf.if %cond3A_58 {
            %dma_wait3A = arith.constant 0 : i32
            %dma_wait3A_80 = tpu.memref_slice %arg7[%scan3A_43, %dma_wait3A] : memref<16x128xi32, #tpu.memory_space<vmem>> -> memref<1x128xi32, #tpu.memory_space<vmem>>
            %dma_wait3A_81 = tpu.memref_squeeze %dma_wait3A_80 : memref<1x128xi32, #tpu.memory_space<vmem>> -> memref<128xi32, #tpu.memory_space<vmem>>
            %dma_wait3A_82 = arith.constant 0 : i32
            %dma_wait3A_83 = arith.constant 0 : i32
            %dma_wait3A_84 = tpu.memref_slice %arg2[%dma_wait3A_82, %dma_wait3A_83] : memref<10240x128xf32, #tpu.memory_space<hbm>> -> memref<10240x128xf32, #tpu.memory_space<hbm>>
            tpu.wait_indirect_dma semaphore(%arg12 : memref<!tpu.dma_semaphore, #tpu.memory_space<semaphore_mem>>) src(%dma_wait3A_84 : memref<10240x128xf32, #tpu.memory_space<hbm>>) dst(%arg9 : memref<128x128xf32, #tpu.memory_space<vmem>>)
            "tpu.region"() ({
              %run_scoped3A = tpu.sem_alloc : memref<!tpu.dma_semaphore, #tpu.memory_space<semaphore_mem>>
              %dma_start3A_92 = arith.constant 0 : i32
              %dma_start3A_93 = tpu.memref_slice %arg8[%scan3A_43, %dma_start3A_92] : memref<16x128xi32, #tpu.memory_space<vmem>> -> memref<1x128xi32, #tpu.memory_space<vmem>>
              %dma_start3A_94 = tpu.memref_squeeze %dma_start3A_93 : memref<1x128xi32, #tpu.memory_space<vmem>> -> memref<128xi32, #tpu.memory_space<vmem>>
              %dma_start3A_95 = arith.constant 0 : i32
              %dma_start3A_96 = arith.constant 0 : i32
              %dma_start3A_97 = tpu.memref_slice %arg11[%dma_start3A_95, %dma_start3A_96] : memref<10240x128xf32, #tpu.memory_space<vmem_shared>> -> memref<10240x128xf32, #tpu.memory_space<vmem_shared>>
              tpu.enqueue_indirect_dma source(%arg9 : memref<128x128xf32, #tpu.memory_space<vmem>>) target(%dma_start3A_97 : memref<10240x128xf32, #tpu.memory_space<vmem_shared>>) offsets(%dma_start3A_94 : memref<128xi32, #tpu.memory_space<vmem>>) semaphore(%run_scoped3A : memref<!tpu.dma_semaphore, #tpu.memory_space<semaphore_mem>>) {add = true}
              %dma_wait3A_98 = arith.constant 0 : i32
              %dma_wait3A_99 = tpu.memref_slice %arg8[%scan3A_43, %dma_wait3A_98] : memref<16x128xi32, #tpu.memory_space<vmem>> -> memref<1x128xi32, #tpu.memory_space<vmem>>
              %dma_wait3A_100 = tpu.memref_squeeze %dma_wait3A_99 : memref<1x128xi32, #tpu.memory_space<vmem>> -> memref<128xi32, #tpu.memory_space<vmem>>
              %dma_wait3A_101 = arith.constant 0 : i32
              %dma_wait3A_102 = arith.constant 0 : i32
              %dma_wait3A_103 = tpu.memref_slice %arg11[%dma_wait3A_101, %dma_wait3A_102] : memref<10240x128xf32, #tpu.memory_space<vmem_shared>> -> memref<10240x128xf32, #tpu.memory_space<vmem_shared>>
              tpu.wait_indirect_dma semaphore(%run_scoped3A : memref<!tpu.dma_semaphore, #tpu.memory_space<semaphore_mem>>) src(%arg9 : memref<128x128xf32, #tpu.memory_space<vmem>>) dst(%dma_wait3A_103 : memref<10240x128xf32, #tpu.memory_space<vmem_shared>>)
              tpu.yield
            }) : () -> ()
            %add3A_85 = arith.constant 2 : i32
            %add3A_86 = arith.addi %scan3A_43, %add3A_85 : i32
            %lt3A_87 = arith.constant 16 : i32
            %lt3A_88 = arith.cmpi slt, %add3A_86, %lt3A_87 : i32
            %convert_element_type3A_89 = arith.extui %lt3A_88 : i1 to i32
            %cond3A_90 = arith.constant 0 : i32
            %cond3A_91 = arith.cmpi ne, %convert_element_type3A_89, %cond3A_90 : i32
            scf.if %cond3A_91 {
              %add3A_92 = arith.constant 2 : i32
              %add3A_93 = arith.addi %scan3A_43, %add3A_92 : i32
              %dma_start3A_94 = arith.constant 0 : i32
              %dma_start3A_95 = tpu.memref_slice %arg7[%add3A_93, %dma_start3A_94] : memref<16x128xi32, #tpu.memory_space<vmem>> -> memref<1x128xi32, #tpu.memory_space<vmem>>
              %dma_start3A_96 = tpu.memref_squeeze %dma_start3A_95 : memref<1x128xi32, #tpu.memory_space<vmem>> -> memref<128xi32, #tpu.memory_space<vmem>>
              %dma_start3A_97 = arith.constant 0 : i32
              %dma_start3A_98 = arith.constant 0 : i32
              %dma_start3A_99 = tpu.memref_slice %arg2[%dma_start3A_97, %dma_start3A_98] : memref<10240x128xf32, #tpu.memory_space<hbm>> -> memref<10240x128xf32, #tpu.memory_space<hbm>>
              tpu.enqueue_indirect_dma source(%dma_start3A_99 : memref<10240x128xf32, #tpu.memory_space<hbm>>) target(%arg9 : memref<128x128xf32, #tpu.memory_space<vmem>>) offsets(%dma_start3A_96 : memref<128xi32, #tpu.memory_space<vmem>>) semaphore(%arg12 : memref<!tpu.dma_semaphore, #tpu.memory_space<semaphore_mem>>)
            } else {
            }
          } else {
          }
          %jit3A_59 = arith.constant 2 : i32
          %eq3A_60 = arith.constant 0 : i32
          %eq3A_61 = arith.cmpi eq, %jit3A_59, %eq3A_60 : i32
          %jit3A_62 = arith.constant 1 : i32
          %select_n3A_63 = arith.select %eq3A_61, %jit3A_62, %jit3A_59 : i32
          %rem3A_64 = arith.remsi %scan3A_43, %select_n3A_63 : i32
          %ne3A_65 = arith.constant 0 : i32
          %ne3A_66 = arith.cmpi ne, %rem3A_64, %ne3A_65 : i32
          %lt3A_67 = arith.constant 0 : i32
          %lt3A_68 = arith.cmpi slt, %rem3A_64, %lt3A_67 : i32
          %lt3A_69 = arith.constant 0 : i32
          %lt3A_70 = arith.cmpi slt, %select_n3A_63, %lt3A_69 : i32
          %ne3A_71 = arith.xori %lt3A_68, %lt3A_70 : i1
          %and3A_72 = arith.andi %ne3A_71, %ne3A_66 : i1
          %add3A_73 = arith.addi %rem3A_64, %select_n3A_63 : i32
          %select_n3A_74 = arith.select %and3A_72, %add3A_73, %rem3A_64 : i32
          %eq3A_75 = arith.constant 1 : i32
          %eq3A_76 = arith.cmpi eq, %select_n3A_74, %eq3A_75 : i32
          %convert_element_type3A_77 = arith.extui %eq3A_76 : i1 to i32
          %cond3A_78 = arith.constant 0 : i32
          %cond3A_79 = arith.cmpi ne, %convert_element_type3A_77, %cond3A_78 : i32
          scf.if %cond3A_79 {
            %dma_wait3A = arith.constant 0 : i32
            %dma_wait3A_80 = tpu.memref_slice %arg7[%scan3A_43, %dma_wait3A] : memref<16x128xi32, #tpu.memory_space<vmem>> -> memref<1x128xi32, #tpu.memory_space<vmem>>
            %dma_wait3A_81 = tpu.memref_squeeze %dma_wait3A_80 : memref<1x128xi32, #tpu.memory_space<vmem>> -> memref<128xi32, #tpu.memory_space<vmem>>
            %dma_wait3A_82 = arith.constant 0 : i32
            %dma_wait3A_83 = arith.constant 0 : i32
            %dma_wait3A_84 = tpu.memref_slice %arg2[%dma_wait3A_82, %dma_wait3A_83] : memref<10240x128xf32, #tpu.memory_space<hbm>> -> memref<10240x128xf32, #tpu.memory_space<hbm>>
            tpu.wait_indirect_dma semaphore(%arg13 : memref<!tpu.dma_semaphore, #tpu.memory_space<semaphore_mem>>) src(%dma_wait3A_84 : memref<10240x128xf32, #tpu.memory_space<hbm>>) dst(%arg10 : memref<128x128xf32, #tpu.memory_space<vmem>>)
            "tpu.region"() ({
              %run_scoped3A = tpu.sem_alloc : memref<!tpu.dma_semaphore, #tpu.memory_space<semaphore_mem>>
              %dma_start3A_92 = arith.constant 0 : i32
              %dma_start3A_93 = tpu.memref_slice %arg8[%scan3A_43, %dma_start3A_92] : memref<16x128xi32, #tpu.memory_space<vmem>> -> memref<1x128xi32, #tpu.memory_space<vmem>>
              %dma_start3A_94 = tpu.memref_squeeze %dma_start3A_93 : memref<1x128xi32, #tpu.memory_space<vmem>> -> memref<128xi32, #tpu.memory_space<vmem>>
              %dma_start3A_95 = arith.constant 0 : i32
              %dma_start3A_96 = arith.constant 0 : i32
              %dma_start3A_97 = tpu.memref_slice %arg11[%dma_start3A_95, %dma_start3A_96] : memref<10240x128xf32, #tpu.memory_space<vmem_shared>> -> memref<10240x128xf32, #tpu.memory_space<vmem_shared>>
              tpu.enqueue_indirect_dma source(%arg10 : memref<128x128xf32, #tpu.memory_space<vmem>>) target(%dma_start3A_97 : memref<10240x128xf32, #tpu.memory_space<vmem_shared>>) offsets(%dma_start3A_94 : memref<128xi32, #tpu.memory_space<vmem>>) semaphore(%run_scoped3A : memref<!tpu.dma_semaphore, #tpu.memory_space<semaphore_mem>>) {add = true}
              %dma_wait3A_98 = arith.constant 0 : i32
              %dma_wait3A_99 = tpu.memref_slice %arg8[%scan3A_43, %dma_wait3A_98] : memref<16x128xi32, #tpu.memory_space<vmem>> -> memref<1x128xi32, #tpu.memory_space<vmem>>
              %dma_wait3A_100 = tpu.memref_squeeze %dma_wait3A_99 : memref<1x128xi32, #tpu.memory_space<vmem>> -> memref<128xi32, #tpu.memory_space<vmem>>
              %dma_wait3A_101 = arith.constant 0 : i32
              %dma_wait3A_102 = arith.constant 0 : i32
              %dma_wait3A_103 = tpu.memref_slice %arg11[%dma_wait3A_101, %dma_wait3A_102] : memref<10240x128xf32, #tpu.memory_space<vmem_shared>> -> memref<10240x128xf32, #tpu.memory_space<vmem_shared>>
              tpu.wait_indirect_dma semaphore(%run_scoped3A : memref<!tpu.dma_semaphore, #tpu.memory_space<semaphore_mem>>) src(%arg10 : memref<128x128xf32, #tpu.memory_space<vmem>>) dst(%dma_wait3A_103 : memref<10240x128xf32, #tpu.memory_space<vmem_shared>>)
              tpu.yield
            }) : () -> ()
            %add3A_85 = arith.constant 2 : i32
            %add3A_86 = arith.addi %scan3A_43, %add3A_85 : i32
            %lt3A_87 = arith.constant 16 : i32
            %lt3A_88 = arith.cmpi slt, %add3A_86, %lt3A_87 : i32
            %convert_element_type3A_89 = arith.extui %lt3A_88 : i1 to i32
            %cond3A_90 = arith.constant 0 : i32
            %cond3A_91 = arith.cmpi ne, %convert_element_type3A_89, %cond3A_90 : i32
            scf.if %cond3A_91 {
              %add3A_92 = arith.constant 2 : i32
              %add3A_93 = arith.addi %scan3A_43, %add3A_92 : i32
              %dma_start3A_94 = arith.constant 0 : i32
              %dma_start3A_95 = tpu.memref_slice %arg7[%add3A_93, %dma_start3A_94] : memref<16x128xi32, #tpu.memory_space<vmem>> -> memref<1x128xi32, #tpu.memory_space<vmem>>
              %dma_start3A_96 = tpu.memref_squeeze %dma_start3A_95 : memref<1x128xi32, #tpu.memory_space<vmem>> -> memref<128xi32, #tpu.memory_space<vmem>>
              %dma_start3A_97 = arith.constant 0 : i32
              %dma_start3A_98 = arith.constant 0 : i32
              %dma_start3A_99 = tpu.memref_slice %arg2[%dma_start3A_97, %dma_start3A_98] : memref<10240x128xf32, #tpu.memory_space<hbm>> -> memref<10240x128xf32, #tpu.memory_space<hbm>>
              tpu.enqueue_indirect_dma source(%dma_start3A_99 : memref<10240x128xf32, #tpu.memory_space<hbm>>) target(%arg10 : memref<128x128xf32, #tpu.memory_space<vmem>>) offsets(%dma_start3A_96 : memref<128xi32, #tpu.memory_space<vmem>>) semaphore(%arg13 : memref<!tpu.dma_semaphore, #tpu.memory_space<semaphore_mem>>)
            } else {
            }
          } else {
          }
        }
        %scan3A_42 = arith.constant 16 : i32
      }
      %scan3A_21 = arith.constant 15 : i32
    } else {
    }
    %eq3A_5 = arith.constant 1 : i32
    %eq3A_6 = arith.cmpi eq, %arg0, %eq3A_5 : i32
    %convert_element_type3A_7 = arith.extui %eq3A_6 : i1 to i32
    %cond3A_8 = arith.constant 0 : i32
    %cond3A_9 = arith.cmpi ne, %convert_element_type3A_7, %cond3A_8 : i32
    scf.if %cond3A_9 {
      %mul3A_15 = arith.constant 5 : i32
      %mul3A_16 = arith.muli %arg1, %mul3A_15 : i32
      %add3A = arith.constant 240 : i32
      %add3A_17 = arith.addi %add3A, %mul3A_16 : i32
      %scan3A = arith.constant 0 : i32
      %scan3A_18 = arith.constant 0 : i32
      %scan3A_19 = arith.constant 5 : i32
      %scan3A_20 = arith.addi %scan3A_18, %scan3A_19 : i32
      %scan3A_21 = arith.constant 1 : i32
      scf.for %scan3A_23 = %scan3A_18 to %scan3A_20 step %scan3A_21  : i32 {
        %add3A_24 = arith.addi %add3A_17, %scan3A_23 : i32
        "tpu.region"() ({
          %run_scoped3A = tpu.sem_alloc : memref<!tpu.dma_semaphore, #tpu.memory_space<semaphore_mem>>
          %dma_start3A_45 = arith.constant 0 : i32
          %dma_start3A_46 = arith.constant 0 : i32
          %dma_start3A_47 = tpu.memref_slice %arg3[%add3A_24, %dma_start3A_45, %dma_start3A_46] : memref<320x16x128xi32, #tpu.memory_space<hbm>> -> memref<1x16x128xi32, #tpu.memory_space<hbm>>
          %dma_start3A_48 = tpu.memref_squeeze %dma_start3A_47 : memref<1x16x128xi32, #tpu.memory_space<hbm>> -> memref<16x128xi32, #tpu.memory_space<hbm>>
          %dma_start3A_49 = arith.constant 0 : i32
          %dma_start3A_50 = arith.constant 0 : i32
          %dma_start3A_51 = tpu.memref_slice %arg3[%add3A_24, %dma_start3A_49, %dma_start3A_50] : memref<320x16x128xi32, #tpu.memory_space<hbm>> -> memref<1x16x128xi32, #tpu.memory_space<hbm>>
          %dma_start3A_52 = tpu.memref_squeeze %dma_start3A_51 : memref<1x16x128xi32, #tpu.memory_space<hbm>> -> memref<16x128xi32, #tpu.memory_space<hbm>>
          tpu.enqueue_dma source(%dma_start3A_52 : memref<16x128xi32, #tpu.memory_space<hbm>>) target(%arg7 : memref<16x128xi32, #tpu.memory_space<vmem>>) target_semaphore(%run_scoped3A : memref<!tpu.dma_semaphore, #tpu.memory_space<semaphore_mem>>)
          %dma_wait3A = arith.constant 0 : i32
          %dma_wait3A_53 = arith.constant 0 : i32
          %dma_wait3A_54 = tpu.memref_slice %arg3[%add3A_24, %dma_wait3A, %dma_wait3A_53] : memref<320x16x128xi32, #tpu.memory_space<hbm>> -> memref<1x16x128xi32, #tpu.memory_space<hbm>>
          %dma_wait3A_55 = tpu.memref_squeeze %dma_wait3A_54 : memref<1x16x128xi32, #tpu.memory_space<hbm>> -> memref<16x128xi32, #tpu.memory_space<hbm>>
          %dma_wait3A_56 = arith.constant 0 : i32
          %dma_wait3A_57 = arith.constant 0 : i32
          %dma_wait3A_58 = tpu.memref_slice %arg3[%add3A_24, %dma_wait3A_56, %dma_wait3A_57] : memref<320x16x128xi32, #tpu.memory_space<hbm>> -> memref<1x16x128xi32, #tpu.memory_space<hbm>>
          %dma_wait3A_59 = tpu.memref_squeeze %dma_wait3A_58 : memref<1x16x128xi32, #tpu.memory_space<hbm>> -> memref<16x128xi32, #tpu.memory_space<hbm>>
          tpu.wait_dma2 semaphore(%run_scoped3A : memref<!tpu.dma_semaphore, #tpu.memory_space<semaphore_mem>>) src(%dma_wait3A_59 : memref<16x128xi32, #tpu.memory_space<hbm>>) dst(%arg7 : memref<16x128xi32, #tpu.memory_space<vmem>>)
          tpu.yield
        }) : () -> ()
        %add3A_25 = arith.addi %add3A_17, %scan3A_23 : i32
        "tpu.region"() ({
          %run_scoped3A = tpu.sem_alloc : memref<!tpu.dma_semaphore, #tpu.memory_space<semaphore_mem>>
          %dma_start3A_45 = arith.constant 0 : i32
          %dma_start3A_46 = arith.constant 0 : i32
          %dma_start3A_47 = tpu.memref_slice %arg4[%add3A_25, %dma_start3A_45, %dma_start3A_46] : memref<320x16x128xi32, #tpu.memory_space<hbm>> -> memref<1x16x128xi32, #tpu.memory_space<hbm>>
          %dma_start3A_48 = tpu.memref_squeeze %dma_start3A_47 : memref<1x16x128xi32, #tpu.memory_space<hbm>> -> memref<16x128xi32, #tpu.memory_space<hbm>>
          %dma_start3A_49 = arith.constant 0 : i32
          %dma_start3A_50 = arith.constant 0 : i32
          %dma_start3A_51 = tpu.memref_slice %arg4[%add3A_25, %dma_start3A_49, %dma_start3A_50] : memref<320x16x128xi32, #tpu.memory_space<hbm>> -> memref<1x16x128xi32, #tpu.memory_space<hbm>>
          %dma_start3A_52 = tpu.memref_squeeze %dma_start3A_51 : memref<1x16x128xi32, #tpu.memory_space<hbm>> -> memref<16x128xi32, #tpu.memory_space<hbm>>
          tpu.enqueue_dma source(%dma_start3A_52 : memref<16x128xi32, #tpu.memory_space<hbm>>) target(%arg8 : memref<16x128xi32, #tpu.memory_space<vmem>>) target_semaphore(%run_scoped3A : memref<!tpu.dma_semaphore, #tpu.memory_space<semaphore_mem>>)
          %dma_wait3A = arith.constant 0 : i32
          %dma_wait3A_53 = arith.constant 0 : i32
          %dma_wait3A_54 = tpu.memref_slice %arg4[%add3A_25, %dma_wait3A, %dma_wait3A_53] : memref<320x16x128xi32, #tpu.memory_space<hbm>> -> memref<1x16x128xi32, #tpu.memory_space<hbm>>
          %dma_wait3A_55 = tpu.memref_squeeze %dma_wait3A_54 : memref<1x16x128xi32, #tpu.memory_space<hbm>> -> memref<16x128xi32, #tpu.memory_space<hbm>>
          %dma_wait3A_56 = arith.constant 0 : i32
          %dma_wait3A_57 = arith.constant 0 : i32
          %dma_wait3A_58 = tpu.memref_slice %arg4[%add3A_25, %dma_wait3A_56, %dma_wait3A_57] : memref<320x16x128xi32, #tpu.memory_space<hbm>> -> memref<1x16x128xi32, #tpu.memory_space<hbm>>
          %dma_wait3A_59 = tpu.memref_squeeze %dma_wait3A_58 : memref<1x16x128xi32, #tpu.memory_space<hbm>> -> memref<16x128xi32, #tpu.memory_space<hbm>>
          tpu.wait_dma2 semaphore(%run_scoped3A : memref<!tpu.dma_semaphore, #tpu.memory_space<semaphore_mem>>) src(%dma_wait3A_59 : memref<16x128xi32, #tpu.memory_space<hbm>>) dst(%arg8 : memref<16x128xi32, #tpu.memory_space<vmem>>)
          tpu.yield
        }) : () -> ()
        %dma_start3A = arith.constant 0 : i32
        %dma_start3A_26 = arith.constant 0 : i32
        %dma_start3A_27 = tpu.memref_slice %arg7[%dma_start3A, %dma_start3A_26] : memref<16x128xi32, #tpu.memory_space<vmem>> -> memref<1x128xi32, #tpu.memory_space<vmem>>
        %dma_start3A_28 = tpu.memref_squeeze %dma_start3A_27 : memref<1x128xi32, #tpu.memory_space<vmem>> -> memref<128xi32, #tpu.memory_space<vmem>>
        %dma_start3A_29 = arith.constant 0 : i32
        %dma_start3A_30 = arith.constant 0 : i32
        %dma_start3A_31 = tpu.memref_slice %arg2[%dma_start3A_29, %dma_start3A_30] : memref<10240x128xf32, #tpu.memory_space<hbm>> -> memref<10240x128xf32, #tpu.memory_space<hbm>>
        tpu.enqueue_indirect_dma source(%dma_start3A_31 : memref<10240x128xf32, #tpu.memory_space<hbm>>) target(%arg9 : memref<128x128xf32, #tpu.memory_space<vmem>>) offsets(%dma_start3A_28 : memref<128xi32, #tpu.memory_space<vmem>>) semaphore(%arg12 : memref<!tpu.dma_semaphore, #tpu.memory_space<semaphore_mem>>)
        %dma_start3A_32 = arith.constant 1 : i32
        %dma_start3A_33 = arith.constant 0 : i32
        %dma_start3A_34 = tpu.memref_slice %arg7[%dma_start3A_32, %dma_start3A_33] : memref<16x128xi32, #tpu.memory_space<vmem>> -> memref<1x128xi32, #tpu.memory_space<vmem>>
        %dma_start3A_35 = tpu.memref_squeeze %dma_start3A_34 : memref<1x128xi32, #tpu.memory_space<vmem>> -> memref<128xi32, #tpu.memory_space<vmem>>
        %dma_start3A_36 = arith.constant 0 : i32
        %dma_start3A_37 = arith.constant 0 : i32
        %dma_start3A_38 = tpu.memref_slice %arg2[%dma_start3A_36, %dma_start3A_37] : memref<10240x128xf32, #tpu.memory_space<hbm>> -> memref<10240x128xf32, #tpu.memory_space<hbm>>
        tpu.enqueue_indirect_dma source(%dma_start3A_38 : memref<10240x128xf32, #tpu.memory_space<hbm>>) target(%arg10 : memref<128x128xf32, #tpu.memory_space<vmem>>) offsets(%dma_start3A_35 : memref<128xi32, #tpu.memory_space<vmem>>) semaphore(%arg13 : memref<!tpu.dma_semaphore, #tpu.memory_space<semaphore_mem>>)
        %scan3A_39 = arith.constant 0 : i32
        %scan3A_40 = arith.constant 0 : i32
        %scan3A_41 = arith.constant 16 : i32
        %scan3A_42 = arith.addi %scan3A_40, %scan3A_41 : i32
        %scan3A_43 = arith.constant 1 : i32
        scf.for %scan3A_45 = %scan3A_40 to %scan3A_42 step %scan3A_43  : i32 {
          %jit3A = arith.constant 2 : i32
          %eq3A_46 = arith.constant 0 : i32
          %eq3A_47 = arith.cmpi eq, %jit3A, %eq3A_46 : i32
          %jit3A_48 = arith.constant 1 : i32
          %select_n3A = arith.select %eq3A_47, %jit3A_48, %jit3A : i32
          %rem3A = arith.remsi %scan3A_45, %select_n3A : i32
          %ne3A = arith.constant 0 : i32
          %ne3A_49 = arith.cmpi ne, %rem3A, %ne3A : i32
          %lt3A = arith.constant 0 : i32
          %lt3A_50 = arith.cmpi slt, %rem3A, %lt3A : i32
          %lt3A_51 = arith.constant 0 : i32
          %lt3A_52 = arith.cmpi slt, %select_n3A, %lt3A_51 : i32
          %ne3A_53 = arith.xori %lt3A_50, %lt3A_52 : i1
          %and3A = arith.andi %ne3A_53, %ne3A_49 : i1
          %add3A_54 = arith.addi %rem3A, %select_n3A : i32
          %select_n3A_55 = arith.select %and3A, %add3A_54, %rem3A : i32
          %eq3A_56 = arith.constant 0 : i32
          %eq3A_57 = arith.cmpi eq, %select_n3A_55, %eq3A_56 : i32
          %convert_element_type3A_58 = arith.extui %eq3A_57 : i1 to i32
          %cond3A_59 = arith.constant 0 : i32
          %cond3A_60 = arith.cmpi ne, %convert_element_type3A_58, %cond3A_59 : i32
          scf.if %cond3A_60 {
            %dma_wait3A = arith.constant 0 : i32
            %dma_wait3A_82 = tpu.memref_slice %arg7[%scan3A_45, %dma_wait3A] : memref<16x128xi32, #tpu.memory_space<vmem>> -> memref<1x128xi32, #tpu.memory_space<vmem>>
            %dma_wait3A_83 = tpu.memref_squeeze %dma_wait3A_82 : memref<1x128xi32, #tpu.memory_space<vmem>> -> memref<128xi32, #tpu.memory_space<vmem>>
            %dma_wait3A_84 = arith.constant 0 : i32
            %dma_wait3A_85 = arith.constant 0 : i32
            %dma_wait3A_86 = tpu.memref_slice %arg2[%dma_wait3A_84, %dma_wait3A_85] : memref<10240x128xf32, #tpu.memory_space<hbm>> -> memref<10240x128xf32, #tpu.memory_space<hbm>>
            tpu.wait_indirect_dma semaphore(%arg12 : memref<!tpu.dma_semaphore, #tpu.memory_space<semaphore_mem>>) src(%dma_wait3A_86 : memref<10240x128xf32, #tpu.memory_space<hbm>>) dst(%arg9 : memref<128x128xf32, #tpu.memory_space<vmem>>)
            "tpu.region"() ({
              %run_scoped3A = tpu.sem_alloc : memref<!tpu.dma_semaphore, #tpu.memory_space<semaphore_mem>>
              %dma_start3A_94 = arith.constant 0 : i32
              %dma_start3A_95 = tpu.memref_slice %arg8[%scan3A_45, %dma_start3A_94] : memref<16x128xi32, #tpu.memory_space<vmem>> -> memref<1x128xi32, #tpu.memory_space<vmem>>
              %dma_start3A_96 = tpu.memref_squeeze %dma_start3A_95 : memref<1x128xi32, #tpu.memory_space<vmem>> -> memref<128xi32, #tpu.memory_space<vmem>>
              %dma_start3A_97 = arith.constant 0 : i32
              %dma_start3A_98 = arith.constant 0 : i32
              %dma_start3A_99 = tpu.memref_slice %arg11[%dma_start3A_97, %dma_start3A_98] : memref<10240x128xf32, #tpu.memory_space<vmem_shared>> -> memref<10240x128xf32, #tpu.memory_space<vmem_shared>>
              tpu.enqueue_indirect_dma source(%arg9 : memref<128x128xf32, #tpu.memory_space<vmem>>) target(%dma_start3A_99 : memref<10240x128xf32, #tpu.memory_space<vmem_shared>>) offsets(%dma_start3A_96 : memref<128xi32, #tpu.memory_space<vmem>>) semaphore(%run_scoped3A : memref<!tpu.dma_semaphore, #tpu.memory_space<semaphore_mem>>) {add = true}
              %dma_wait3A_100 = arith.constant 0 : i32
              %dma_wait3A_101 = tpu.memref_slice %arg8[%scan3A_45, %dma_wait3A_100] : memref<16x128xi32, #tpu.memory_space<vmem>> -> memref<1x128xi32, #tpu.memory_space<vmem>>
              %dma_wait3A_102 = tpu.memref_squeeze %dma_wait3A_101 : memref<1x128xi32, #tpu.memory_space<vmem>> -> memref<128xi32, #tpu.memory_space<vmem>>
              %dma_wait3A_103 = arith.constant 0 : i32
              %dma_wait3A_104 = arith.constant 0 : i32
              %dma_wait3A_105 = tpu.memref_slice %arg11[%dma_wait3A_103, %dma_wait3A_104] : memref<10240x128xf32, #tpu.memory_space<vmem_shared>> -> memref<10240x128xf32, #tpu.memory_space<vmem_shared>>
              tpu.wait_indirect_dma semaphore(%run_scoped3A : memref<!tpu.dma_semaphore, #tpu.memory_space<semaphore_mem>>) src(%arg9 : memref<128x128xf32, #tpu.memory_space<vmem>>) dst(%dma_wait3A_105 : memref<10240x128xf32, #tpu.memory_space<vmem_shared>>)
              tpu.yield
            }) : () -> ()
            %add3A_87 = arith.constant 2 : i32
            %add3A_88 = arith.addi %scan3A_45, %add3A_87 : i32
            %lt3A_89 = arith.constant 16 : i32
            %lt3A_90 = arith.cmpi slt, %add3A_88, %lt3A_89 : i32
            %convert_element_type3A_91 = arith.extui %lt3A_90 : i1 to i32
            %cond3A_92 = arith.constant 0 : i32
            %cond3A_93 = arith.cmpi ne, %convert_element_type3A_91, %cond3A_92 : i32
            scf.if %cond3A_93 {
              %add3A_94 = arith.constant 2 : i32
              %add3A_95 = arith.addi %scan3A_45, %add3A_94 : i32
              %dma_start3A_96 = arith.constant 0 : i32
              %dma_start3A_97 = tpu.memref_slice %arg7[%add3A_95, %dma_start3A_96] : memref<16x128xi32, #tpu.memory_space<vmem>> -> memref<1x128xi32, #tpu.memory_space<vmem>>
              %dma_start3A_98 = tpu.memref_squeeze %dma_start3A_97 : memref<1x128xi32, #tpu.memory_space<vmem>> -> memref<128xi32, #tpu.memory_space<vmem>>
              %dma_start3A_99 = arith.constant 0 : i32
              %dma_start3A_100 = arith.constant 0 : i32
              %dma_start3A_101 = tpu.memref_slice %arg2[%dma_start3A_99, %dma_start3A_100] : memref<10240x128xf32, #tpu.memory_space<hbm>> -> memref<10240x128xf32, #tpu.memory_space<hbm>>
              tpu.enqueue_indirect_dma source(%dma_start3A_101 : memref<10240x128xf32, #tpu.memory_space<hbm>>) target(%arg9 : memref<128x128xf32, #tpu.memory_space<vmem>>) offsets(%dma_start3A_98 : memref<128xi32, #tpu.memory_space<vmem>>) semaphore(%arg12 : memref<!tpu.dma_semaphore, #tpu.memory_space<semaphore_mem>>)
            } else {
            }
          } else {
          }
          %jit3A_61 = arith.constant 2 : i32
          %eq3A_62 = arith.constant 0 : i32
          %eq3A_63 = arith.cmpi eq, %jit3A_61, %eq3A_62 : i32
          %jit3A_64 = arith.constant 1 : i32
          %select_n3A_65 = arith.select %eq3A_63, %jit3A_64, %jit3A_61 : i32
          %rem3A_66 = arith.remsi %scan3A_45, %select_n3A_65 : i32
          %ne3A_67 = arith.constant 0 : i32
          %ne3A_68 = arith.cmpi ne, %rem3A_66, %ne3A_67 : i32
          %lt3A_69 = arith.constant 0 : i32
          %lt3A_70 = arith.cmpi slt, %rem3A_66, %lt3A_69 : i32
          %lt3A_71 = arith.constant 0 : i32
          %lt3A_72 = arith.cmpi slt, %select_n3A_65, %lt3A_71 : i32
          %ne3A_73 = arith.xori %lt3A_70, %lt3A_72 : i1
          %and3A_74 = arith.andi %ne3A_73, %ne3A_68 : i1
          %add3A_75 = arith.addi %rem3A_66, %select_n3A_65 : i32
          %select_n3A_76 = arith.select %and3A_74, %add3A_75, %rem3A_66 : i32
          %eq3A_77 = arith.constant 1 : i32
          %eq3A_78 = arith.cmpi eq, %select_n3A_76, %eq3A_77 : i32
          %convert_element_type3A_79 = arith.extui %eq3A_78 : i1 to i32
          %cond3A_80 = arith.constant 0 : i32
          %cond3A_81 = arith.cmpi ne, %convert_element_type3A_79, %cond3A_80 : i32
          scf.if %cond3A_81 {
            %dma_wait3A = arith.constant 0 : i32
            %dma_wait3A_82 = tpu.memref_slice %arg7[%scan3A_45, %dma_wait3A] : memref<16x128xi32, #tpu.memory_space<vmem>> -> memref<1x128xi32, #tpu.memory_space<vmem>>
            %dma_wait3A_83 = tpu.memref_squeeze %dma_wait3A_82 : memref<1x128xi32, #tpu.memory_space<vmem>> -> memref<128xi32, #tpu.memory_space<vmem>>
            %dma_wait3A_84 = arith.constant 0 : i32
            %dma_wait3A_85 = arith.constant 0 : i32
            %dma_wait3A_86 = tpu.memref_slice %arg2[%dma_wait3A_84, %dma_wait3A_85] : memref<10240x128xf32, #tpu.memory_space<hbm>> -> memref<10240x128xf32, #tpu.memory_space<hbm>>
            tpu.wait_indirect_dma semaphore(%arg13 : memref<!tpu.dma_semaphore, #tpu.memory_space<semaphore_mem>>) src(%dma_wait3A_86 : memref<10240x128xf32, #tpu.memory_space<hbm>>) dst(%arg10 : memref<128x128xf32, #tpu.memory_space<vmem>>)
            "tpu.region"() ({
              %run_scoped3A = tpu.sem_alloc : memref<!tpu.dma_semaphore, #tpu.memory_space<semaphore_mem>>
              %dma_start3A_94 = arith.constant 0 : i32
              %dma_start3A_95 = tpu.memref_slice %arg8[%scan3A_45, %dma_start3A_94] : memref<16x128xi32, #tpu.memory_space<vmem>> -> memref<1x128xi32, #tpu.memory_space<vmem>>
              %dma_start3A_96 = tpu.memref_squeeze %dma_start3A_95 : memref<1x128xi32, #tpu.memory_space<vmem>> -> memref<128xi32, #tpu.memory_space<vmem>>
              %dma_start3A_97 = arith.constant 0 : i32
              %dma_start3A_98 = arith.constant 0 : i32
              %dma_start3A_99 = tpu.memref_slice %arg11[%dma_start3A_97, %dma_start3A_98] : memref<10240x128xf32, #tpu.memory_space<vmem_shared>> -> memref<10240x128xf32, #tpu.memory_space<vmem_shared>>
              tpu.enqueue_indirect_dma source(%arg10 : memref<128x128xf32, #tpu.memory_space<vmem>>) target(%dma_start3A_99 : memref<10240x128xf32, #tpu.memory_space<vmem_shared>>) offsets(%dma_start3A_96 : memref<128xi32, #tpu.memory_space<vmem>>) semaphore(%run_scoped3A : memref<!tpu.dma_semaphore, #tpu.memory_space<semaphore_mem>>) {add = true}
              %dma_wait3A_100 = arith.constant 0 : i32
              %dma_wait3A_101 = tpu.memref_slice %arg8[%scan3A_45, %dma_wait3A_100] : memref<16x128xi32, #tpu.memory_space<vmem>> -> memref<1x128xi32, #tpu.memory_space<vmem>>
              %dma_wait3A_102 = tpu.memref_squeeze %dma_wait3A_101 : memref<1x128xi32, #tpu.memory_space<vmem>> -> memref<128xi32, #tpu.memory_space<vmem>>
              %dma_wait3A_103 = arith.constant 0 : i32
              %dma_wait3A_104 = arith.constant 0 : i32
              %dma_wait3A_105 = tpu.memref_slice %arg11[%dma_wait3A_103, %dma_wait3A_104] : memref<10240x128xf32, #tpu.memory_space<vmem_shared>> -> memref<10240x128xf32, #tpu.memory_space<vmem_shared>>
              tpu.wait_indirect_dma semaphore(%run_scoped3A : memref<!tpu.dma_semaphore, #tpu.memory_space<semaphore_mem>>) src(%arg10 : memref<128x128xf32, #tpu.memory_space<vmem>>) dst(%dma_wait3A_105 : memref<10240x128xf32, #tpu.memory_space<vmem_shared>>)
              tpu.yield
            }) : () -> ()
            %add3A_87 = arith.constant 2 : i32
            %add3A_88 = arith.addi %scan3A_45, %add3A_87 : i32
            %lt3A_89 = arith.constant 16 : i32
            %lt3A_90 = arith.cmpi slt, %add3A_88, %lt3A_89 : i32
            %convert_element_type3A_91 = arith.extui %lt3A_90 : i1 to i32
            %cond3A_92 = arith.constant 0 : i32
            %cond3A_93 = arith.cmpi ne, %convert_element_type3A_91, %cond3A_92 : i32
            scf.if %cond3A_93 {
              %add3A_94 = arith.constant 2 : i32
              %add3A_95 = arith.addi %scan3A_45, %add3A_94 : i32
              %dma_start3A_96 = arith.constant 0 : i32
              %dma_start3A_97 = tpu.memref_slice %arg7[%add3A_95, %dma_start3A_96] : memref<16x128xi32, #tpu.memory_space<vmem>> -> memref<1x128xi32, #tpu.memory_space<vmem>>
              %dma_start3A_98 = tpu.memref_squeeze %dma_start3A_97 : memref<1x128xi32, #tpu.memory_space<vmem>> -> memref<128xi32, #tpu.memory_space<vmem>>
              %dma_start3A_99 = arith.constant 0 : i32
              %dma_start3A_100 = arith.constant 0 : i32
              %dma_start3A_101 = tpu.memref_slice %arg2[%dma_start3A_99, %dma_start3A_100] : memref<10240x128xf32, #tpu.memory_space<hbm>> -> memref<10240x128xf32, #tpu.memory_space<hbm>>
              tpu.enqueue_indirect_dma source(%dma_start3A_101 : memref<10240x128xf32, #tpu.memory_space<hbm>>) target(%arg10 : memref<128x128xf32, #tpu.memory_space<vmem>>) offsets(%dma_start3A_98 : memref<128xi32, #tpu.memory_space<vmem>>) semaphore(%arg13 : memref<!tpu.dma_semaphore, #tpu.memory_space<semaphore_mem>>)
            } else {
            }
          } else {
          }
        }
        %scan3A_44 = arith.constant 16 : i32
      }
      %scan3A_22 = arith.constant 5 : i32
    } else {
    }
    %barrier3A_10 = arith.constant 0 : index
    tpu.barrier barrier_id(%barrier3A_10)
    %mul3A_11 = arith.constant 640 : i32
    %mul3A_12 = arith.muli %arg1, %mul3A_11 : i32
    %mul3A_13 = arith.constant 640 : i32
    %mul3A_14 = arith.muli %arg1, %mul3A_13 : i32
    "tpu.region"() ({
      %run_scoped3A = tpu.sem_alloc : memref<!tpu.dma_semaphore, #tpu.memory_space<semaphore_mem>>
      %dma_start3A = arith.constant 0 : i32
      %dma_start3A_15 = tpu.memref_slice %arg6[%arg0, %mul3A_14, %dma_start3A] : memref<2x10240x128xf32, #tpu.memory_space<hbm>> -> memref<1x640x128xf32, #tpu.memory_space<hbm>>
      %dma_start3A_16 = tpu.memref_squeeze %dma_start3A_15 : memref<1x640x128xf32, #tpu.memory_space<hbm>> -> memref<640x128xf32, #tpu.memory_space<hbm>>
      %dma_start3A_17 = arith.constant 0 : i32
      %dma_start3A_18 = tpu.memref_slice %arg11[%mul3A_12, %dma_start3A_17] : memref<10240x128xf32, #tpu.memory_space<vmem_shared>> -> memref<640x128xf32, #tpu.memory_space<vmem_shared>>
      tpu.enqueue_dma source(%dma_start3A_18 : memref<640x128xf32, #tpu.memory_space<vmem_shared>>) target(%dma_start3A_16 : memref<640x128xf32, #tpu.memory_space<hbm>>) target_semaphore(%run_scoped3A : memref<!tpu.dma_semaphore, #tpu.memory_space<semaphore_mem>>)
      %dma_wait3A = arith.constant 0 : i32
      %dma_wait3A_19 = tpu.memref_slice %arg6[%arg0, %mul3A_14, %dma_wait3A] : memref<2x10240x128xf32, #tpu.memory_space<hbm>> -> memref<1x640x128xf32, #tpu.memory_space<hbm>>
      %dma_wait3A_20 = tpu.memref_squeeze %dma_wait3A_19 : memref<1x640x128xf32, #tpu.memory_space<hbm>> -> memref<640x128xf32, #tpu.memory_space<hbm>>
      %dma_wait3A_21 = arith.constant 0 : i32
      %dma_wait3A_22 = tpu.memref_slice %arg11[%mul3A_12, %dma_wait3A_21] : memref<10240x128xf32, #tpu.memory_space<vmem_shared>> -> memref<640x128xf32, #tpu.memory_space<vmem_shared>>
      tpu.wait_dma2 semaphore(%run_scoped3A : memref<!tpu.dma_semaphore, #tpu.memory_space<semaphore_mem>>) src(%dma_wait3A_22 : memref<640x128xf32, #tpu.memory_space<vmem_shared>>) dst(%dma_wait3A_20 : memref<640x128xf32, #tpu.memory_space<hbm>>)
      tpu.yield
    }) : () -> ()
    return
  }
}

#map = affine_map<(d0, d1) -> (0, 0)>
#map1 = affine_map<(d0, d1) -> (0, 0, 0)>
module attributes {stable_mosaic.version = 14 : i64} {
  func.func @agg_kernel(%arg0: i32, %arg1: i32, %arg2: memref<10240x128xf32, #tpu.memory_space<hbm>>, %arg3: memref<320x16x128xi32, #tpu.memory_space<hbm>>, %arg4: memref<320x16x128xi32, #tpu.memory_space<hbm>>, %arg5: memref<10240x128xf32, #tpu.memory_space<hbm>>, %arg6: memref<2x10240x128xf32, #tpu.memory_space<hbm>>, %arg7: memref<16x128xi32, #tpu.memory_space<vmem>>, %arg8: memref<16x128xi32, #tpu.memory_space<vmem>>, %arg9: memref<128x128xf32, #tpu.memory_space<vmem>>, %arg10: memref<128x128xf32, #tpu.memory_space<vmem>>, %arg11: memref<10240x128xf32, #tpu.memory_space<vmem_shared>>, %arg12: memref<!tpu.dma_semaphore, #tpu.memory_space<semaphore_mem>>, %arg13: memref<!tpu.dma_semaphore, #tpu.memory_space<semaphore_mem>>) attributes {dimension_semantics = [#tpu.dimension_semantics<core_parallel>, #tpu.dimension_semantics<subcore_parallel>], iteration_bounds = array<i64: 2, 16>, scalar_prefetch = 0 : i64, scratch_operands = 7 : i64, tpu.core_type = #tpu.core_type<sc_vector_subcore>, window_params = [{transform_indices = #map}, {transform_indices = #map1}, {transform_indices = #map1}, {transform_indices = #map}, {transform_indices = #map1}]} {
    %mul3A = arith.constant 640 : i32
    %mul3A_0 = arith.muli %arg1, %mul3A : i32
    %mul3A_1 = arith.constant 640 : i32
    %mul3A_2 = arith.muli %arg1, %mul3A_1 : i32
    "tpu.region"() ({
      %run_scoped3A = tpu.sem_alloc : memref<!tpu.dma_semaphore, #tpu.memory_space<semaphore_mem>>
      %dma_start3A = arith.constant 0 : i32
      %dma_start3A_15 = tpu.memref_slice %arg11[%mul3A_2, %dma_start3A] : memref<10240x128xf32, #tpu.memory_space<vmem_shared>> -> memref<640x128xf32, #tpu.memory_space<vmem_shared>>
      %dma_start3A_16 = arith.constant 0 : i32
      %dma_start3A_17 = tpu.memref_slice %arg5[%mul3A_0, %dma_start3A_16] : memref<10240x128xf32, #tpu.memory_space<hbm>> -> memref<640x128xf32, #tpu.memory_space<hbm>>
      tpu.enqueue_dma source(%dma_start3A_17 : memref<640x128xf32, #tpu.memory_space<hbm>>) target(%dma_start3A_15 : memref<640x128xf32, #tpu.memory_space<vmem_shared>>) target_semaphore(%run_scoped3A : memref<!tpu.dma_semaphore, #tpu.memory_space<semaphore_mem>>)
      %dma_wait3A = arith.constant 0 : i32
      %dma_wait3A_18 = tpu.memref_slice %arg11[%mul3A_2, %dma_wait3A] : memref<10240x128xf32, #tpu.memory_space<vmem_shared>> -> memref<640x128xf32, #tpu.memory_space<vmem_shared>>
      %dma_wait3A_19 = arith.constant 0 : i32
      %dma_wait3A_20 = tpu.memref_slice %arg5[%mul3A_0, %dma_wait3A_19] : memref<10240x128xf32, #tpu.memory_space<hbm>> -> memref<640x128xf32, #tpu.memory_space<hbm>>
      tpu.wait_dma2 semaphore(%run_scoped3A : memref<!tpu.dma_semaphore, #tpu.memory_space<semaphore_mem>>) src(%dma_wait3A_20 : memref<640x128xf32, #tpu.memory_space<hbm>>) dst(%dma_wait3A_18 : memref<640x128xf32, #tpu.memory_space<vmem_shared>>)
      tpu.yield
    }) : () -> ()
    %barrier3A = arith.constant 0 : index
    tpu.barrier barrier_id(%barrier3A)
    %eq3A = arith.constant 0 : i32
    %eq3A_3 = arith.cmpi eq, %arg0, %eq3A : i32
    %convert_element_type3A = arith.extui %eq3A_3 : i1 to i32
    %cond3A = arith.constant 0 : i32
    %cond3A_4 = arith.cmpi ne, %convert_element_type3A, %cond3A : i32
    scf.if %cond3A_4 {
      %mul3A_15 = arith.constant 15 : i32
      %mul3A_16 = arith.muli %arg1, %mul3A_15 : i32
      %scan3A = arith.constant 0 : i32
      %scan3A_17 = arith.constant 0 : i32
      %scan3A_18 = arith.constant 15 : i32
      %scan3A_19 = arith.addi %scan3A_17, %scan3A_18 : i32
      %scan3A_20 = arith.constant 1 : i32
      scf.for %scan3A_22 = %scan3A_17 to %scan3A_19 step %scan3A_20  : i32 {
        %add3A = arith.addi %mul3A_16, %scan3A_22 : i32
        "tpu.region"() ({
          %run_scoped3A = tpu.sem_alloc : memref<!tpu.dma_semaphore, #tpu.memory_space<semaphore_mem>>
          %dma_start3A_43 = arith.constant 0 : i32
          %dma_start3A_44 = arith.constant 0 : i32
          %dma_start3A_45 = tpu.memref_slice %arg3[%add3A, %dma_start3A_43, %dma_start3A_44] : memref<320x16x128xi32, #tpu.memory_space<hbm>> -> memref<1x16x128xi32, #tpu.memory_space<hbm>>
          %dma_start3A_46 = tpu.memref_squeeze %dma_start3A_45 : memref<1x16x128xi32, #tpu.memory_space<hbm>> -> memref<16x128xi32, #tpu.memory_space<hbm>>
          %dma_start3A_47 = arith.constant 0 : i32
          %dma_start3A_48 = arith.constant 0 : i32
          %dma_start3A_49 = tpu.memref_slice %arg3[%add3A, %dma_start3A_47, %dma_start3A_48] : memref<320x16x128xi32, #tpu.memory_space<hbm>> -> memref<1x16x128xi32, #tpu.memory_space<hbm>>
          %dma_start3A_50 = tpu.memref_squeeze %dma_start3A_49 : memref<1x16x128xi32, #tpu.memory_space<hbm>> -> memref<16x128xi32, #tpu.memory_space<hbm>>
          tpu.enqueue_dma source(%dma_start3A_50 : memref<16x128xi32, #tpu.memory_space<hbm>>) target(%arg7 : memref<16x128xi32, #tpu.memory_space<vmem>>) target_semaphore(%run_scoped3A : memref<!tpu.dma_semaphore, #tpu.memory_space<semaphore_mem>>)
          %dma_wait3A = arith.constant 0 : i32
          %dma_wait3A_51 = arith.constant 0 : i32
          %dma_wait3A_52 = tpu.memref_slice %arg3[%add3A, %dma_wait3A, %dma_wait3A_51] : memref<320x16x128xi32, #tpu.memory_space<hbm>> -> memref<1x16x128xi32, #tpu.memory_space<hbm>>
          %dma_wait3A_53 = tpu.memref_squeeze %dma_wait3A_52 : memref<1x16x128xi32, #tpu.memory_space<hbm>> -> memref<16x128xi32, #tpu.memory_space<hbm>>
          %dma_wait3A_54 = arith.constant 0 : i32
          %dma_wait3A_55 = arith.constant 0 : i32
          %dma_wait3A_56 = tpu.memref_slice %arg3[%add3A, %dma_wait3A_54, %dma_wait3A_55] : memref<320x16x128xi32, #tpu.memory_space<hbm>> -> memref<1x16x128xi32, #tpu.memory_space<hbm>>
          %dma_wait3A_57 = tpu.memref_squeeze %dma_wait3A_56 : memref<1x16x128xi32, #tpu.memory_space<hbm>> -> memref<16x128xi32, #tpu.memory_space<hbm>>
          tpu.wait_dma2 semaphore(%run_scoped3A : memref<!tpu.dma_semaphore, #tpu.memory_space<semaphore_mem>>) src(%dma_wait3A_57 : memref<16x128xi32, #tpu.memory_space<hbm>>) dst(%arg7 : memref<16x128xi32, #tpu.memory_space<vmem>>)
          tpu.yield
        }) : () -> ()
        %add3A_23 = arith.addi %mul3A_16, %scan3A_22 : i32
        "tpu.region"() ({
          %run_scoped3A = tpu.sem_alloc : memref<!tpu.dma_semaphore, #tpu.memory_space<semaphore_mem>>
          %dma_start3A_43 = arith.constant 0 : i32
          %dma_start3A_44 = arith.constant 0 : i32
          %dma_start3A_45 = tpu.memref_slice %arg4[%add3A_23, %dma_start3A_43, %dma_start3A_44] : memref<320x16x128xi32, #tpu.memory_space<hbm>> -> memref<1x16x128xi32, #tpu.memory_space<hbm>>
          %dma_start3A_46 = tpu.memref_squeeze %dma_start3A_45 : memref<1x16x128xi32, #tpu.memory_space<hbm>> -> memref<16x128xi32, #tpu.memory_space<hbm>>
          %dma_start3A_47 = arith.constant 0 : i32
          %dma_start3A_48 = arith.constant 0 : i32
          %dma_start3A_49 = tpu.memref_slice %arg4[%add3A_23, %dma_start3A_47, %dma_start3A_48] : memref<320x16x128xi32, #tpu.memory_space<hbm>> -> memref<1x16x128xi32, #tpu.memory_space<hbm>>
          %dma_start3A_50 = tpu.memref_squeeze %dma_start3A_49 : memref<1x16x128xi32, #tpu.memory_space<hbm>> -> memref<16x128xi32, #tpu.memory_space<hbm>>
          tpu.enqueue_dma source(%dma_start3A_50 : memref<16x128xi32, #tpu.memory_space<hbm>>) target(%arg8 : memref<16x128xi32, #tpu.memory_space<vmem>>) target_semaphore(%run_scoped3A : memref<!tpu.dma_semaphore, #tpu.memory_space<semaphore_mem>>)
          %dma_wait3A = arith.constant 0 : i32
          %dma_wait3A_51 = arith.constant 0 : i32
          %dma_wait3A_52 = tpu.memref_slice %arg4[%add3A_23, %dma_wait3A, %dma_wait3A_51] : memref<320x16x128xi32, #tpu.memory_space<hbm>> -> memref<1x16x128xi32, #tpu.memory_space<hbm>>
          %dma_wait3A_53 = tpu.memref_squeeze %dma_wait3A_52 : memref<1x16x128xi32, #tpu.memory_space<hbm>> -> memref<16x128xi32, #tpu.memory_space<hbm>>
          %dma_wait3A_54 = arith.constant 0 : i32
          %dma_wait3A_55 = arith.constant 0 : i32
          %dma_wait3A_56 = tpu.memref_slice %arg4[%add3A_23, %dma_wait3A_54, %dma_wait3A_55] : memref<320x16x128xi32, #tpu.memory_space<hbm>> -> memref<1x16x128xi32, #tpu.memory_space<hbm>>
          %dma_wait3A_57 = tpu.memref_squeeze %dma_wait3A_56 : memref<1x16x128xi32, #tpu.memory_space<hbm>> -> memref<16x128xi32, #tpu.memory_space<hbm>>
          tpu.wait_dma2 semaphore(%run_scoped3A : memref<!tpu.dma_semaphore, #tpu.memory_space<semaphore_mem>>) src(%dma_wait3A_57 : memref<16x128xi32, #tpu.memory_space<hbm>>) dst(%arg8 : memref<16x128xi32, #tpu.memory_space<vmem>>)
          tpu.yield
        }) : () -> ()
        %dma_start3A = arith.constant 0 : i32
        %dma_start3A_24 = arith.constant 0 : i32
        %dma_start3A_25 = tpu.memref_slice %arg7[%dma_start3A, %dma_start3A_24] : memref<16x128xi32, #tpu.memory_space<vmem>> -> memref<1x128xi32, #tpu.memory_space<vmem>>
        %dma_start3A_26 = tpu.memref_squeeze %dma_start3A_25 : memref<1x128xi32, #tpu.memory_space<vmem>> -> memref<128xi32, #tpu.memory_space<vmem>>
        %dma_start3A_27 = arith.constant 0 : i32
        %dma_start3A_28 = arith.constant 0 : i32
        %dma_start3A_29 = tpu.memref_slice %arg2[%dma_start3A_27, %dma_start3A_28] : memref<10240x128xf32, #tpu.memory_space<hbm>> -> memref<10240x128xf32, #tpu.memory_space<hbm>>
        tpu.enqueue_indirect_dma source(%dma_start3A_29 : memref<10240x128xf32, #tpu.memory_space<hbm>>) target(%arg9 : memref<128x128xf32, #tpu.memory_space<vmem>>) offsets(%dma_start3A_26 : memref<128xi32, #tpu.memory_space<vmem>>) semaphore(%arg12 : memref<!tpu.dma_semaphore, #tpu.memory_space<semaphore_mem>>)
        %dma_start3A_30 = arith.constant 1 : i32
        %dma_start3A_31 = arith.constant 0 : i32
        %dma_start3A_32 = tpu.memref_slice %arg7[%dma_start3A_30, %dma_start3A_31] : memref<16x128xi32, #tpu.memory_space<vmem>> -> memref<1x128xi32, #tpu.memory_space<vmem>>
        %dma_start3A_33 = tpu.memref_squeeze %dma_start3A_32 : memref<1x128xi32, #tpu.memory_space<vmem>> -> memref<128xi32, #tpu.memory_space<vmem>>
        %dma_start3A_34 = arith.constant 0 : i32
        %dma_start3A_35 = arith.constant 0 : i32
        %dma_start3A_36 = tpu.memref_slice %arg2[%dma_start3A_34, %dma_start3A_35] : memref<10240x128xf32, #tpu.memory_space<hbm>> -> memref<10240x128xf32, #tpu.memory_space<hbm>>
        tpu.enqueue_indirect_dma source(%dma_start3A_36 : memref<10240x128xf32, #tpu.memory_space<hbm>>) target(%arg10 : memref<128x128xf32, #tpu.memory_space<vmem>>) offsets(%dma_start3A_33 : memref<128xi32, #tpu.memory_space<vmem>>) semaphore(%arg13 : memref<!tpu.dma_semaphore, #tpu.memory_space<semaphore_mem>>)
        %scan3A_37 = arith.constant 0 : i32
        %scan3A_38 = arith.constant 0 : i32
        %scan3A_39 = arith.constant 16 : i32
        %scan3A_40 = arith.addi %scan3A_38, %scan3A_39 : i32
        %scan3A_41 = arith.constant 1 : i32
        scf.for %scan3A_43 = %scan3A_38 to %scan3A_40 step %scan3A_41  : i32 {
          %jit3A = arith.constant 2 : i32
          %eq3A_44 = arith.constant 0 : i32
          %eq3A_45 = arith.cmpi eq, %jit3A, %eq3A_44 : i32
          %jit3A_46 = arith.constant 1 : i32
          %select_n3A = arith.select %eq3A_45, %jit3A_46, %jit3A : i32
          %rem3A = arith.remsi %scan3A_43, %select_n3A : i32
          %ne3A = arith.constant 0 : i32
          %ne3A_47 = arith.cmpi ne, %rem3A, %ne3A : i32
          %lt3A = arith.constant 0 : i32
          %lt3A_48 = arith.cmpi slt, %rem3A, %lt3A : i32
          %lt3A_49 = arith.constant 0 : i32
          %lt3A_50 = arith.cmpi slt, %select_n3A, %lt3A_49 : i32
          %ne3A_51 = arith.xori %lt3A_48, %lt3A_50 : i1
          %and3A = arith.andi %ne3A_51, %ne3A_47 : i1
          %add3A_52 = arith.addi %rem3A, %select_n3A : i32
          %select_n3A_53 = arith.select %and3A, %add3A_52, %rem3A : i32
          %eq3A_54 = arith.constant 0 : i32
          %eq3A_55 = arith.cmpi eq, %select_n3A_53, %eq3A_54 : i32
          %convert_element_type3A_56 = arith.extui %eq3A_55 : i1 to i32
          %cond3A_57 = arith.constant 0 : i32
          %cond3A_58 = arith.cmpi ne, %convert_element_type3A_56, %cond3A_57 : i32
          scf.if %cond3A_58 {
            %dma_wait3A = arith.constant 0 : i32
            %dma_wait3A_80 = tpu.memref_slice %arg7[%scan3A_43, %dma_wait3A] : memref<16x128xi32, #tpu.memory_space<vmem>> -> memref<1x128xi32, #tpu.memory_space<vmem>>
            %dma_wait3A_81 = tpu.memref_squeeze %dma_wait3A_80 : memref<1x128xi32, #tpu.memory_space<vmem>> -> memref<128xi32, #tpu.memory_space<vmem>>
            %dma_wait3A_82 = arith.constant 0 : i32
            %dma_wait3A_83 = arith.constant 0 : i32
            %dma_wait3A_84 = tpu.memref_slice %arg2[%dma_wait3A_82, %dma_wait3A_83] : memref<10240x128xf32, #tpu.memory_space<hbm>> -> memref<10240x128xf32, #tpu.memory_space<hbm>>
            tpu.wait_indirect_dma semaphore(%arg12 : memref<!tpu.dma_semaphore, #tpu.memory_space<semaphore_mem>>) src(%dma_wait3A_84 : memref<10240x128xf32, #tpu.memory_space<hbm>>) dst(%arg9 : memref<128x128xf32, #tpu.memory_space<vmem>>)
            "tpu.region"() ({
              %run_scoped3A = tpu.sem_alloc : memref<!tpu.dma_semaphore, #tpu.memory_space<semaphore_mem>>
              %dma_start3A_92 = arith.constant 0 : i32
              %dma_start3A_93 = tpu.memref_slice %arg8[%scan3A_43, %dma_start3A_92] : memref<16x128xi32, #tpu.memory_space<vmem>> -> memref<1x128xi32, #tpu.memory_space<vmem>>
              %dma_start3A_94 = tpu.memref_squeeze %dma_start3A_93 : memref<1x128xi32, #tpu.memory_space<vmem>> -> memref<128xi32, #tpu.memory_space<vmem>>
              %dma_start3A_95 = arith.constant 0 : i32
              %dma_start3A_96 = arith.constant 0 : i32
              %dma_start3A_97 = tpu.memref_slice %arg11[%dma_start3A_95, %dma_start3A_96] : memref<10240x128xf32, #tpu.memory_space<vmem_shared>> -> memref<10240x128xf32, #tpu.memory_space<vmem_shared>>
              tpu.enqueue_indirect_dma source(%arg9 : memref<128x128xf32, #tpu.memory_space<vmem>>) target(%dma_start3A_97 : memref<10240x128xf32, #tpu.memory_space<vmem_shared>>) offsets(%dma_start3A_94 : memref<128xi32, #tpu.memory_space<vmem>>) semaphore(%run_scoped3A : memref<!tpu.dma_semaphore, #tpu.memory_space<semaphore_mem>>) {add = true}
              %dma_wait3A_98 = arith.constant 0 : i32
              %dma_wait3A_99 = tpu.memref_slice %arg8[%scan3A_43, %dma_wait3A_98] : memref<16x128xi32, #tpu.memory_space<vmem>> -> memref<1x128xi32, #tpu.memory_space<vmem>>
              %dma_wait3A_100 = tpu.memref_squeeze %dma_wait3A_99 : memref<1x128xi32, #tpu.memory_space<vmem>> -> memref<128xi32, #tpu.memory_space<vmem>>
              %dma_wait3A_101 = arith.constant 0 : i32
              %dma_wait3A_102 = arith.constant 0 : i32
              %dma_wait3A_103 = tpu.memref_slice %arg11[%dma_wait3A_101, %dma_wait3A_102] : memref<10240x128xf32, #tpu.memory_space<vmem_shared>> -> memref<10240x128xf32, #tpu.memory_space<vmem_shared>>
              tpu.wait_indirect_dma semaphore(%run_scoped3A : memref<!tpu.dma_semaphore, #tpu.memory_space<semaphore_mem>>) src(%arg9 : memref<128x128xf32, #tpu.memory_space<vmem>>) dst(%dma_wait3A_103 : memref<10240x128xf32, #tpu.memory_space<vmem_shared>>)
              tpu.yield
            }) : () -> ()
            %add3A_85 = arith.constant 2 : i32
            %add3A_86 = arith.addi %scan3A_43, %add3A_85 : i32
            %lt3A_87 = arith.constant 16 : i32
            %lt3A_88 = arith.cmpi slt, %add3A_86, %lt3A_87 : i32
            %convert_element_type3A_89 = arith.extui %lt3A_88 : i1 to i32
            %cond3A_90 = arith.constant 0 : i32
            %cond3A_91 = arith.cmpi ne, %convert_element_type3A_89, %cond3A_90 : i32
            scf.if %cond3A_91 {
              %add3A_92 = arith.constant 2 : i32
              %add3A_93 = arith.addi %scan3A_43, %add3A_92 : i32
              %dma_start3A_94 = arith.constant 0 : i32
              %dma_start3A_95 = tpu.memref_slice %arg7[%add3A_93, %dma_start3A_94] : memref<16x128xi32, #tpu.memory_space<vmem>> -> memref<1x128xi32, #tpu.memory_space<vmem>>
              %dma_start3A_96 = tpu.memref_squeeze %dma_start3A_95 : memref<1x128xi32, #tpu.memory_space<vmem>> -> memref<128xi32, #tpu.memory_space<vmem>>
              %dma_start3A_97 = arith.constant 0 : i32
              %dma_start3A_98 = arith.constant 0 : i32
              %dma_start3A_99 = tpu.memref_slice %arg2[%dma_start3A_97, %dma_start3A_98] : memref<10240x128xf32, #tpu.memory_space<hbm>> -> memref<10240x128xf32, #tpu.memory_space<hbm>>
              tpu.enqueue_indirect_dma source(%dma_start3A_99 : memref<10240x128xf32, #tpu.memory_space<hbm>>) target(%arg9 : memref<128x128xf32, #tpu.memory_space<vmem>>) offsets(%dma_start3A_96 : memref<128xi32, #tpu.memory_space<vmem>>) semaphore(%arg12 : memref<!tpu.dma_semaphore, #tpu.memory_space<semaphore_mem>>)
            } else {
            }
          } else {
          }
          %jit3A_59 = arith.constant 2 : i32
          %eq3A_60 = arith.constant 0 : i32
          %eq3A_61 = arith.cmpi eq, %jit3A_59, %eq3A_60 : i32
          %jit3A_62 = arith.constant 1 : i32
          %select_n3A_63 = arith.select %eq3A_61, %jit3A_62, %jit3A_59 : i32
          %rem3A_64 = arith.remsi %scan3A_43, %select_n3A_63 : i32
          %ne3A_65 = arith.constant 0 : i32
          %ne3A_66 = arith.cmpi ne, %rem3A_64, %ne3A_65 : i32
          %lt3A_67 = arith.constant 0 : i32
          %lt3A_68 = arith.cmpi slt, %rem3A_64, %lt3A_67 : i32
          %lt3A_69 = arith.constant 0 : i32
          %lt3A_70 = arith.cmpi slt, %select_n3A_63, %lt3A_69 : i32
          %ne3A_71 = arith.xori %lt3A_68, %lt3A_70 : i1
          %and3A_72 = arith.andi %ne3A_71, %ne3A_66 : i1
          %add3A_73 = arith.addi %rem3A_64, %select_n3A_63 : i32
          %select_n3A_74 = arith.select %and3A_72, %add3A_73, %rem3A_64 : i32
          %eq3A_75 = arith.constant 1 : i32
          %eq3A_76 = arith.cmpi eq, %select_n3A_74, %eq3A_75 : i32
          %convert_element_type3A_77 = arith.extui %eq3A_76 : i1 to i32
          %cond3A_78 = arith.constant 0 : i32
          %cond3A_79 = arith.cmpi ne, %convert_element_type3A_77, %cond3A_78 : i32
          scf.if %cond3A_79 {
            %dma_wait3A = arith.constant 0 : i32
            %dma_wait3A_80 = tpu.memref_slice %arg7[%scan3A_43, %dma_wait3A] : memref<16x128xi32, #tpu.memory_space<vmem>> -> memref<1x128xi32, #tpu.memory_space<vmem>>
            %dma_wait3A_81 = tpu.memref_squeeze %dma_wait3A_80 : memref<1x128xi32, #tpu.memory_space<vmem>> -> memref<128xi32, #tpu.memory_space<vmem>>
            %dma_wait3A_82 = arith.constant 0 : i32
            %dma_wait3A_83 = arith.constant 0 : i32
            %dma_wait3A_84 = tpu.memref_slice %arg2[%dma_wait3A_82, %dma_wait3A_83] : memref<10240x128xf32, #tpu.memory_space<hbm>> -> memref<10240x128xf32, #tpu.memory_space<hbm>>
            tpu.wait_indirect_dma semaphore(%arg13 : memref<!tpu.dma_semaphore, #tpu.memory_space<semaphore_mem>>) src(%dma_wait3A_84 : memref<10240x128xf32, #tpu.memory_space<hbm>>) dst(%arg10 : memref<128x128xf32, #tpu.memory_space<vmem>>)
            "tpu.region"() ({
              %run_scoped3A = tpu.sem_alloc : memref<!tpu.dma_semaphore, #tpu.memory_space<semaphore_mem>>
              %dma_start3A_92 = arith.constant 0 : i32
              %dma_start3A_93 = tpu.memref_slice %arg8[%scan3A_43, %dma_start3A_92] : memref<16x128xi32, #tpu.memory_space<vmem>> -> memref<1x128xi32, #tpu.memory_space<vmem>>
              %dma_start3A_94 = tpu.memref_squeeze %dma_start3A_93 : memref<1x128xi32, #tpu.memory_space<vmem>> -> memref<128xi32, #tpu.memory_space<vmem>>
              %dma_start3A_95 = arith.constant 0 : i32
              %dma_start3A_96 = arith.constant 0 : i32
              %dma_start3A_97 = tpu.memref_slice %arg11[%dma_start3A_95, %dma_start3A_96] : memref<10240x128xf32, #tpu.memory_space<vmem_shared>> -> memref<10240x128xf32, #tpu.memory_space<vmem_shared>>
              tpu.enqueue_indirect_dma source(%arg10 : memref<128x128xf32, #tpu.memory_space<vmem>>) target(%dma_start3A_97 : memref<10240x128xf32, #tpu.memory_space<vmem_shared>>) offsets(%dma_start3A_94 : memref<128xi32, #tpu.memory_space<vmem>>) semaphore(%run_scoped3A : memref<!tpu.dma_semaphore, #tpu.memory_space<semaphore_mem>>) {add = true}
              %dma_wait3A_98 = arith.constant 0 : i32
              %dma_wait3A_99 = tpu.memref_slice %arg8[%scan3A_43, %dma_wait3A_98] : memref<16x128xi32, #tpu.memory_space<vmem>> -> memref<1x128xi32, #tpu.memory_space<vmem>>
              %dma_wait3A_100 = tpu.memref_squeeze %dma_wait3A_99 : memref<1x128xi32, #tpu.memory_space<vmem>> -> memref<128xi32, #tpu.memory_space<vmem>>
              %dma_wait3A_101 = arith.constant 0 : i32
              %dma_wait3A_102 = arith.constant 0 : i32
              %dma_wait3A_103 = tpu.memref_slice %arg11[%dma_wait3A_101, %dma_wait3A_102] : memref<10240x128xf32, #tpu.memory_space<vmem_shared>> -> memref<10240x128xf32, #tpu.memory_space<vmem_shared>>
              tpu.wait_indirect_dma semaphore(%run_scoped3A : memref<!tpu.dma_semaphore, #tpu.memory_space<semaphore_mem>>) src(%arg10 : memref<128x128xf32, #tpu.memory_space<vmem>>) dst(%dma_wait3A_103 : memref<10240x128xf32, #tpu.memory_space<vmem_shared>>)
              tpu.yield
            }) : () -> ()
            %add3A_85 = arith.constant 2 : i32
            %add3A_86 = arith.addi %scan3A_43, %add3A_85 : i32
            %lt3A_87 = arith.constant 16 : i32
            %lt3A_88 = arith.cmpi slt, %add3A_86, %lt3A_87 : i32
            %convert_element_type3A_89 = arith.extui %lt3A_88 : i1 to i32
            %cond3A_90 = arith.constant 0 : i32
            %cond3A_91 = arith.cmpi ne, %convert_element_type3A_89, %cond3A_90 : i32
            scf.if %cond3A_91 {
              %add3A_92 = arith.constant 2 : i32
              %add3A_93 = arith.addi %scan3A_43, %add3A_92 : i32
              %dma_start3A_94 = arith.constant 0 : i32
              %dma_start3A_95 = tpu.memref_slice %arg7[%add3A_93, %dma_start3A_94] : memref<16x128xi32, #tpu.memory_space<vmem>> -> memref<1x128xi32, #tpu.memory_space<vmem>>
              %dma_start3A_96 = tpu.memref_squeeze %dma_start3A_95 : memref<1x128xi32, #tpu.memory_space<vmem>> -> memref<128xi32, #tpu.memory_space<vmem>>
              %dma_start3A_97 = arith.constant 0 : i32
              %dma_start3A_98 = arith.constant 0 : i32
              %dma_start3A_99 = tpu.memref_slice %arg2[%dma_start3A_97, %dma_start3A_98] : memref<10240x128xf32, #tpu.memory_space<hbm>> -> memref<10240x128xf32, #tpu.memory_space<hbm>>
              tpu.enqueue_indirect_dma source(%dma_start3A_99 : memref<10240x128xf32, #tpu.memory_space<hbm>>) target(%arg10 : memref<128x128xf32, #tpu.memory_space<vmem>>) offsets(%dma_start3A_96 : memref<128xi32, #tpu.memory_space<vmem>>) semaphore(%arg13 : memref<!tpu.dma_semaphore, #tpu.memory_space<semaphore_mem>>)
            } else {
            }
          } else {
          }
        }
        %scan3A_42 = arith.constant 16 : i32
      }
      %scan3A_21 = arith.constant 15 : i32
    } else {
    }
    %eq3A_5 = arith.constant 1 : i32
    %eq3A_6 = arith.cmpi eq, %arg0, %eq3A_5 : i32
    %convert_element_type3A_7 = arith.extui %eq3A_6 : i1 to i32
    %cond3A_8 = arith.constant 0 : i32
    %cond3A_9 = arith.cmpi ne, %convert_element_type3A_7, %cond3A_8 : i32
    scf.if %cond3A_9 {
      %mul3A_15 = arith.constant 5 : i32
      %mul3A_16 = arith.muli %arg1, %mul3A_15 : i32
      %add3A = arith.constant 240 : i32
      %add3A_17 = arith.addi %add3A, %mul3A_16 : i32
      %scan3A = arith.constant 0 : i32
      %scan3A_18 = arith.constant 0 : i32
      %scan3A_19 = arith.constant 5 : i32
      %scan3A_20 = arith.addi %scan3A_18, %scan3A_19 : i32
      %scan3A_21 = arith.constant 1 : i32
      scf.for %scan3A_23 = %scan3A_18 to %scan3A_20 step %scan3A_21  : i32 {
        %add3A_24 = arith.addi %add3A_17, %scan3A_23 : i32
        "tpu.region"() ({
          %run_scoped3A = tpu.sem_alloc : memref<!tpu.dma_semaphore, #tpu.memory_space<semaphore_mem>>
          %dma_start3A_45 = arith.constant 0 : i32
          %dma_start3A_46 = arith.constant 0 : i32
          %dma_start3A_47 = tpu.memref_slice %arg3[%add3A_24, %dma_start3A_45, %dma_start3A_46] : memref<320x16x128xi32, #tpu.memory_space<hbm>> -> memref<1x16x128xi32, #tpu.memory_space<hbm>>
          %dma_start3A_48 = tpu.memref_squeeze %dma_start3A_47 : memref<1x16x128xi32, #tpu.memory_space<hbm>> -> memref<16x128xi32, #tpu.memory_space<hbm>>
          %dma_start3A_49 = arith.constant 0 : i32
          %dma_start3A_50 = arith.constant 0 : i32
          %dma_start3A_51 = tpu.memref_slice %arg3[%add3A_24, %dma_start3A_49, %dma_start3A_50] : memref<320x16x128xi32, #tpu.memory_space<hbm>> -> memref<1x16x128xi32, #tpu.memory_space<hbm>>
          %dma_start3A_52 = tpu.memref_squeeze %dma_start3A_51 : memref<1x16x128xi32, #tpu.memory_space<hbm>> -> memref<16x128xi32, #tpu.memory_space<hbm>>
          tpu.enqueue_dma source(%dma_start3A_52 : memref<16x128xi32, #tpu.memory_space<hbm>>) target(%arg7 : memref<16x128xi32, #tpu.memory_space<vmem>>) target_semaphore(%run_scoped3A : memref<!tpu.dma_semaphore, #tpu.memory_space<semaphore_mem>>)
          %dma_wait3A = arith.constant 0 : i32
          %dma_wait3A_53 = arith.constant 0 : i32
          %dma_wait3A_54 = tpu.memref_slice %arg3[%add3A_24, %dma_wait3A, %dma_wait3A_53] : memref<320x16x128xi32, #tpu.memory_space<hbm>> -> memref<1x16x128xi32, #tpu.memory_space<hbm>>
          %dma_wait3A_55 = tpu.memref_squeeze %dma_wait3A_54 : memref<1x16x128xi32, #tpu.memory_space<hbm>> -> memref<16x128xi32, #tpu.memory_space<hbm>>
          %dma_wait3A_56 = arith.constant 0 : i32
          %dma_wait3A_57 = arith.constant 0 : i32
          %dma_wait3A_58 = tpu.memref_slice %arg3[%add3A_24, %dma_wait3A_56, %dma_wait3A_57] : memref<320x16x128xi32, #tpu.memory_space<hbm>> -> memref<1x16x128xi32, #tpu.memory_space<hbm>>
          %dma_wait3A_59 = tpu.memref_squeeze %dma_wait3A_58 : memref<1x16x128xi32, #tpu.memory_space<hbm>> -> memref<16x128xi32, #tpu.memory_space<hbm>>
          tpu.wait_dma2 semaphore(%run_scoped3A : memref<!tpu.dma_semaphore, #tpu.memory_space<semaphore_mem>>) src(%dma_wait3A_59 : memref<16x128xi32, #tpu.memory_space<hbm>>) dst(%arg7 : memref<16x128xi32, #tpu.memory_space<vmem>>)
          tpu.yield
        }) : () -> ()
        %add3A_25 = arith.addi %add3A_17, %scan3A_23 : i32
        "tpu.region"() ({
          %run_scoped3A = tpu.sem_alloc : memref<!tpu.dma_semaphore, #tpu.memory_space<semaphore_mem>>
          %dma_start3A_45 = arith.constant 0 : i32
          %dma_start3A_46 = arith.constant 0 : i32
          %dma_start3A_47 = tpu.memref_slice %arg4[%add3A_25, %dma_start3A_45, %dma_start3A_46] : memref<320x16x128xi32, #tpu.memory_space<hbm>> -> memref<1x16x128xi32, #tpu.memory_space<hbm>>
          %dma_start3A_48 = tpu.memref_squeeze %dma_start3A_47 : memref<1x16x128xi32, #tpu.memory_space<hbm>> -> memref<16x128xi32, #tpu.memory_space<hbm>>
          %dma_start3A_49 = arith.constant 0 : i32
          %dma_start3A_50 = arith.constant 0 : i32
          %dma_start3A_51 = tpu.memref_slice %arg4[%add3A_25, %dma_start3A_49, %dma_start3A_50] : memref<320x16x128xi32, #tpu.memory_space<hbm>> -> memref<1x16x128xi32, #tpu.memory_space<hbm>>
          %dma_start3A_52 = tpu.memref_squeeze %dma_start3A_51 : memref<1x16x128xi32, #tpu.memory_space<hbm>> -> memref<16x128xi32, #tpu.memory_space<hbm>>
          tpu.enqueue_dma source(%dma_start3A_52 : memref<16x128xi32, #tpu.memory_space<hbm>>) target(%arg8 : memref<16x128xi32, #tpu.memory_space<vmem>>) target_semaphore(%run_scoped3A : memref<!tpu.dma_semaphore, #tpu.memory_space<semaphore_mem>>)
          %dma_wait3A = arith.constant 0 : i32
          %dma_wait3A_53 = arith.constant 0 : i32
          %dma_wait3A_54 = tpu.memref_slice %arg4[%add3A_25, %dma_wait3A, %dma_wait3A_53] : memref<320x16x128xi32, #tpu.memory_space<hbm>> -> memref<1x16x128xi32, #tpu.memory_space<hbm>>
          %dma_wait3A_55 = tpu.memref_squeeze %dma_wait3A_54 : memref<1x16x128xi32, #tpu.memory_space<hbm>> -> memref<16x128xi32, #tpu.memory_space<hbm>>
          %dma_wait3A_56 = arith.constant 0 : i32
          %dma_wait3A_57 = arith.constant 0 : i32
          %dma_wait3A_58 = tpu.memref_slice %arg4[%add3A_25, %dma_wait3A_56, %dma_wait3A_57] : memref<320x16x128xi32, #tpu.memory_space<hbm>> -> memref<1x16x128xi32, #tpu.memory_space<hbm>>
          %dma_wait3A_59 = tpu.memref_squeeze %dma_wait3A_58 : memref<1x16x128xi32, #tpu.memory_space<hbm>> -> memref<16x128xi32, #tpu.memory_space<hbm>>
          tpu.wait_dma2 semaphore(%run_scoped3A : memref<!tpu.dma_semaphore, #tpu.memory_space<semaphore_mem>>) src(%dma_wait3A_59 : memref<16x128xi32, #tpu.memory_space<hbm>>) dst(%arg8 : memref<16x128xi32, #tpu.memory_space<vmem>>)
          tpu.yield
        }) : () -> ()
        %dma_start3A = arith.constant 0 : i32
        %dma_start3A_26 = arith.constant 0 : i32
        %dma_start3A_27 = tpu.memref_slice %arg7[%dma_start3A, %dma_start3A_26] : memref<16x128xi32, #tpu.memory_space<vmem>> -> memref<1x128xi32, #tpu.memory_space<vmem>>
        %dma_start3A_28 = tpu.memref_squeeze %dma_start3A_27 : memref<1x128xi32, #tpu.memory_space<vmem>> -> memref<128xi32, #tpu.memory_space<vmem>>
        %dma_start3A_29 = arith.constant 0 : i32
        %dma_start3A_30 = arith.constant 0 : i32
        %dma_start3A_31 = tpu.memref_slice %arg2[%dma_start3A_29, %dma_start3A_30] : memref<10240x128xf32, #tpu.memory_space<hbm>> -> memref<10240x128xf32, #tpu.memory_space<hbm>>
        tpu.enqueue_indirect_dma source(%dma_start3A_31 : memref<10240x128xf32, #tpu.memory_space<hbm>>) target(%arg9 : memref<128x128xf32, #tpu.memory_space<vmem>>) offsets(%dma_start3A_28 : memref<128xi32, #tpu.memory_space<vmem>>) semaphore(%arg12 : memref<!tpu.dma_semaphore, #tpu.memory_space<semaphore_mem>>)
        %dma_start3A_32 = arith.constant 1 : i32
        %dma_start3A_33 = arith.constant 0 : i32
        %dma_start3A_34 = tpu.memref_slice %arg7[%dma_start3A_32, %dma_start3A_33] : memref<16x128xi32, #tpu.memory_space<vmem>> -> memref<1x128xi32, #tpu.memory_space<vmem>>
        %dma_start3A_35 = tpu.memref_squeeze %dma_start3A_34 : memref<1x128xi32, #tpu.memory_space<vmem>> -> memref<128xi32, #tpu.memory_space<vmem>>
        %dma_start3A_36 = arith.constant 0 : i32
        %dma_start3A_37 = arith.constant 0 : i32
        %dma_start3A_38 = tpu.memref_slice %arg2[%dma_start3A_36, %dma_start3A_37] : memref<10240x128xf32, #tpu.memory_space<hbm>> -> memref<10240x128xf32, #tpu.memory_space<hbm>>
        tpu.enqueue_indirect_dma source(%dma_start3A_38 : memref<10240x128xf32, #tpu.memory_space<hbm>>) target(%arg10 : memref<128x128xf32, #tpu.memory_space<vmem>>) offsets(%dma_start3A_35 : memref<128xi32, #tpu.memory_space<vmem>>) semaphore(%arg13 : memref<!tpu.dma_semaphore, #tpu.memory_space<semaphore_mem>>)
        %scan3A_39 = arith.constant 0 : i32
        %scan3A_40 = arith.constant 0 : i32
        %scan3A_41 = arith.constant 16 : i32
        %scan3A_42 = arith.addi %scan3A_40, %scan3A_41 : i32
        %scan3A_43 = arith.constant 1 : i32
        scf.for %scan3A_45 = %scan3A_40 to %scan3A_42 step %scan3A_43  : i32 {
          %jit3A = arith.constant 2 : i32
          %eq3A_46 = arith.constant 0 : i32
          %eq3A_47 = arith.cmpi eq, %jit3A, %eq3A_46 : i32
          %jit3A_48 = arith.constant 1 : i32
          %select_n3A = arith.select %eq3A_47, %jit3A_48, %jit3A : i32
          %rem3A = arith.remsi %scan3A_45, %select_n3A : i32
          %ne3A = arith.constant 0 : i32
          %ne3A_49 = arith.cmpi ne, %rem3A, %ne3A : i32
          %lt3A = arith.constant 0 : i32
          %lt3A_50 = arith.cmpi slt, %rem3A, %lt3A : i32
          %lt3A_51 = arith.constant 0 : i32
          %lt3A_52 = arith.cmpi slt, %select_n3A, %lt3A_51 : i32
          %ne3A_53 = arith.xori %lt3A_50, %lt3A_52 : i1
          %and3A = arith.andi %ne3A_53, %ne3A_49 : i1
          %add3A_54 = arith.addi %rem3A, %select_n3A : i32
          %select_n3A_55 = arith.select %and3A, %add3A_54, %rem3A : i32
          %eq3A_56 = arith.constant 0 : i32
          %eq3A_57 = arith.cmpi eq, %select_n3A_55, %eq3A_56 : i32
          %convert_element_type3A_58 = arith.extui %eq3A_57 : i1 to i32
          %cond3A_59 = arith.constant 0 : i32
          %cond3A_60 = arith.cmpi ne, %convert_element_type3A_58, %cond3A_59 : i32
          scf.if %cond3A_60 {
            %dma_wait3A = arith.constant 0 : i32
            %dma_wait3A_82 = tpu.memref_slice %arg7[%scan3A_45, %dma_wait3A] : memref<16x128xi32, #tpu.memory_space<vmem>> -> memref<1x128xi32, #tpu.memory_space<vmem>>
            %dma_wait3A_83 = tpu.memref_squeeze %dma_wait3A_82 : memref<1x128xi32, #tpu.memory_space<vmem>> -> memref<128xi32, #tpu.memory_space<vmem>>
            %dma_wait3A_84 = arith.constant 0 : i32
            %dma_wait3A_85 = arith.constant 0 : i32
            %dma_wait3A_86 = tpu.memref_slice %arg2[%dma_wait3A_84, %dma_wait3A_85] : memref<10240x128xf32, #tpu.memory_space<hbm>> -> memref<10240x128xf32, #tpu.memory_space<hbm>>
            tpu.wait_indirect_dma semaphore(%arg12 : memref<!tpu.dma_semaphore, #tpu.memory_space<semaphore_mem>>) src(%dma_wait3A_86 : memref<10240x128xf32, #tpu.memory_space<hbm>>) dst(%arg9 : memref<128x128xf32, #tpu.memory_space<vmem>>)
            "tpu.region"() ({
              %run_scoped3A = tpu.sem_alloc : memref<!tpu.dma_semaphore, #tpu.memory_space<semaphore_mem>>
              %dma_start3A_94 = arith.constant 0 : i32
              %dma_start3A_95 = tpu.memref_slice %arg8[%scan3A_45, %dma_start3A_94] : memref<16x128xi32, #tpu.memory_space<vmem>> -> memref<1x128xi32, #tpu.memory_space<vmem>>
              %dma_start3A_96 = tpu.memref_squeeze %dma_start3A_95 : memref<1x128xi32, #tpu.memory_space<vmem>> -> memref<128xi32, #tpu.memory_space<vmem>>
              %dma_start3A_97 = arith.constant 0 : i32
              %dma_start3A_98 = arith.constant 0 : i32
              %dma_start3A_99 = tpu.memref_slice %arg11[%dma_start3A_97, %dma_start3A_98] : memref<10240x128xf32, #tpu.memory_space<vmem_shared>> -> memref<10240x128xf32, #tpu.memory_space<vmem_shared>>
              tpu.enqueue_indirect_dma source(%arg9 : memref<128x128xf32, #tpu.memory_space<vmem>>) target(%dma_start3A_99 : memref<10240x128xf32, #tpu.memory_space<vmem_shared>>) offsets(%dma_start3A_96 : memref<128xi32, #tpu.memory_space<vmem>>) semaphore(%run_scoped3A : memref<!tpu.dma_semaphore, #tpu.memory_space<semaphore_mem>>) {add = true}
              %dma_wait3A_100 = arith.constant 0 : i32
              %dma_wait3A_101 = tpu.memref_slice %arg8[%scan3A_45, %dma_wait3A_100] : memref<16x128xi32, #tpu.memory_space<vmem>> -> memref<1x128xi32, #tpu.memory_space<vmem>>
              %dma_wait3A_102 = tpu.memref_squeeze %dma_wait3A_101 : memref<1x128xi32, #tpu.memory_space<vmem>> -> memref<128xi32, #tpu.memory_space<vmem>>
              %dma_wait3A_103 = arith.constant 0 : i32
              %dma_wait3A_104 = arith.constant 0 : i32
              %dma_wait3A_105 = tpu.memref_slice %arg11[%dma_wait3A_103, %dma_wait3A_104] : memref<10240x128xf32, #tpu.memory_space<vmem_shared>> -> memref<10240x128xf32, #tpu.memory_space<vmem_shared>>
              tpu.wait_indirect_dma semaphore(%run_scoped3A : memref<!tpu.dma_semaphore, #tpu.memory_space<semaphore_mem>>) src(%arg9 : memref<128x128xf32, #tpu.memory_space<vmem>>) dst(%dma_wait3A_105 : memref<10240x128xf32, #tpu.memory_space<vmem_shared>>)
              tpu.yield
            }) : () -> ()
            %add3A_87 = arith.constant 2 : i32
            %add3A_88 = arith.addi %scan3A_45, %add3A_87 : i32
            %lt3A_89 = arith.constant 16 : i32
            %lt3A_90 = arith.cmpi slt, %add3A_88, %lt3A_89 : i32
            %convert_element_type3A_91 = arith.extui %lt3A_90 : i1 to i32
            %cond3A_92 = arith.constant 0 : i32
            %cond3A_93 = arith.cmpi ne, %convert_element_type3A_91, %cond3A_92 : i32
            scf.if %cond3A_93 {
              %add3A_94 = arith.constant 2 : i32
              %add3A_95 = arith.addi %scan3A_45, %add3A_94 : i32
              %dma_start3A_96 = arith.constant 0 : i32
              %dma_start3A_97 = tpu.memref_slice %arg7[%add3A_95, %dma_start3A_96] : memref<16x128xi32, #tpu.memory_space<vmem>> -> memref<1x128xi32, #tpu.memory_space<vmem>>
              %dma_start3A_98 = tpu.memref_squeeze %dma_start3A_97 : memref<1x128xi32, #tpu.memory_space<vmem>> -> memref<128xi32, #tpu.memory_space<vmem>>
              %dma_start3A_99 = arith.constant 0 : i32
              %dma_start3A_100 = arith.constant 0 : i32
              %dma_start3A_101 = tpu.memref_slice %arg2[%dma_start3A_99, %dma_start3A_100] : memref<10240x128xf32, #tpu.memory_space<hbm>> -> memref<10240x128xf32, #tpu.memory_space<hbm>>
              tpu.enqueue_indirect_dma source(%dma_start3A_101 : memref<10240x128xf32, #tpu.memory_space<hbm>>) target(%arg9 : memref<128x128xf32, #tpu.memory_space<vmem>>) offsets(%dma_start3A_98 : memref<128xi32, #tpu.memory_space<vmem>>) semaphore(%arg12 : memref<!tpu.dma_semaphore, #tpu.memory_space<semaphore_mem>>)
            } else {
            }
          } else {
          }
          %jit3A_61 = arith.constant 2 : i32
          %eq3A_62 = arith.constant 0 : i32
          %eq3A_63 = arith.cmpi eq, %jit3A_61, %eq3A_62 : i32
          %jit3A_64 = arith.constant 1 : i32
          %select_n3A_65 = arith.select %eq3A_63, %jit3A_64, %jit3A_61 : i32
          %rem3A_66 = arith.remsi %scan3A_45, %select_n3A_65 : i32
          %ne3A_67 = arith.constant 0 : i32
          %ne3A_68 = arith.cmpi ne, %rem3A_66, %ne3A_67 : i32
          %lt3A_69 = arith.constant 0 : i32
          %lt3A_70 = arith.cmpi slt, %rem3A_66, %lt3A_69 : i32
          %lt3A_71 = arith.constant 0 : i32
          %lt3A_72 = arith.cmpi slt, %select_n3A_65, %lt3A_71 : i32
          %ne3A_73 = arith.xori %lt3A_70, %lt3A_72 : i1
          %and3A_74 = arith.andi %ne3A_73, %ne3A_68 : i1
          %add3A_75 = arith.addi %rem3A_66, %select_n3A_65 : i32
          %select_n3A_76 = arith.select %and3A_74, %add3A_75, %rem3A_66 : i32
          %eq3A_77 = arith.constant 1 : i32
          %eq3A_78 = arith.cmpi eq, %select_n3A_76, %eq3A_77 : i32
          %convert_element_type3A_79 = arith.extui %eq3A_78 : i1 to i32
          %cond3A_80 = arith.constant 0 : i32
          %cond3A_81 = arith.cmpi ne, %convert_element_type3A_79, %cond3A_80 : i32
          scf.if %cond3A_81 {
            %dma_wait3A = arith.constant 0 : i32
            %dma_wait3A_82 = tpu.memref_slice %arg7[%scan3A_45, %dma_wait3A] : memref<16x128xi32, #tpu.memory_space<vmem>> -> memref<1x128xi32, #tpu.memory_space<vmem>>
            %dma_wait3A_83 = tpu.memref_squeeze %dma_wait3A_82 : memref<1x128xi32, #tpu.memory_space<vmem>> -> memref<128xi32, #tpu.memory_space<vmem>>
            %dma_wait3A_84 = arith.constant 0 : i32
            %dma_wait3A_85 = arith.constant 0 : i32
            %dma_wait3A_86 = tpu.memref_slice %arg2[%dma_wait3A_84, %dma_wait3A_85] : memref<10240x128xf32, #tpu.memory_space<hbm>> -> memref<10240x128xf32, #tpu.memory_space<hbm>>
            tpu.wait_indirect_dma semaphore(%arg13 : memref<!tpu.dma_semaphore, #tpu.memory_space<semaphore_mem>>) src(%dma_wait3A_86 : memref<10240x128xf32, #tpu.memory_space<hbm>>) dst(%arg10 : memref<128x128xf32, #tpu.memory_space<vmem>>)
            "tpu.region"() ({
              %run_scoped3A = tpu.sem_alloc : memref<!tpu.dma_semaphore, #tpu.memory_space<semaphore_mem>>
              %dma_start3A_94 = arith.constant 0 : i32
              %dma_start3A_95 = tpu.memref_slice %arg8[%scan3A_45, %dma_start3A_94] : memref<16x128xi32, #tpu.memory_space<vmem>> -> memref<1x128xi32, #tpu.memory_space<vmem>>
              %dma_start3A_96 = tpu.memref_squeeze %dma_start3A_95 : memref<1x128xi32, #tpu.memory_space<vmem>> -> memref<128xi32, #tpu.memory_space<vmem>>
              %dma_start3A_97 = arith.constant 0 : i32
              %dma_start3A_98 = arith.constant 0 : i32
              %dma_start3A_99 = tpu.memref_slice %arg11[%dma_start3A_97, %dma_start3A_98] : memref<10240x128xf32, #tpu.memory_space<vmem_shared>> -> memref<10240x128xf32, #tpu.memory_space<vmem_shared>>
              tpu.enqueue_indirect_dma source(%arg10 : memref<128x128xf32, #tpu.memory_space<vmem>>) target(%dma_start3A_99 : memref<10240x128xf32, #tpu.memory_space<vmem_shared>>) offsets(%dma_start3A_96 : memref<128xi32, #tpu.memory_space<vmem>>) semaphore(%run_scoped3A : memref<!tpu.dma_semaphore, #tpu.memory_space<semaphore_mem>>) {add = true}
              %dma_wait3A_100 = arith.constant 0 : i32
              %dma_wait3A_101 = tpu.memref_slice %arg8[%scan3A_45, %dma_wait3A_100] : memref<16x128xi32, #tpu.memory_space<vmem>> -> memref<1x128xi32, #tpu.memory_space<vmem>>
              %dma_wait3A_102 = tpu.memref_squeeze %dma_wait3A_101 : memref<1x128xi32, #tpu.memory_space<vmem>> -> memref<128xi32, #tpu.memory_space<vmem>>
              %dma_wait3A_103 = arith.constant 0 : i32
              %dma_wait3A_104 = arith.constant 0 : i32
              %dma_wait3A_105 = tpu.memref_slice %arg11[%dma_wait3A_103, %dma_wait3A_104] : memref<10240x128xf32, #tpu.memory_space<vmem_shared>> -> memref<10240x128xf32, #tpu.memory_space<vmem_shared>>
              tpu.wait_indirect_dma semaphore(%run_scoped3A : memref<!tpu.dma_semaphore, #tpu.memory_space<semaphore_mem>>) src(%arg10 : memref<128x128xf32, #tpu.memory_space<vmem>>) dst(%dma_wait3A_105 : memref<10240x128xf32, #tpu.memory_space<vmem_shared>>)
              tpu.yield
            }) : () -> ()
            %add3A_87 = arith.constant 2 : i32
            %add3A_88 = arith.addi %scan3A_45, %add3A_87 : i32
            %lt3A_89 = arith.constant 16 : i32
            %lt3A_90 = arith.cmpi slt, %add3A_88, %lt3A_89 : i32
            %convert_element_type3A_91 = arith.extui %lt3A_90 : i1 to i32
            %cond3A_92 = arith.constant 0 : i32
            %cond3A_93 = arith.cmpi ne, %convert_element_type3A_91, %cond3A_92 : i32
            scf.if %cond3A_93 {
              %add3A_94 = arith.constant 2 : i32
              %add3A_95 = arith.addi %scan3A_45, %add3A_94 : i32
              %dma_start3A_96 = arith.constant 0 : i32
              %dma_start3A_97 = tpu.memref_slice %arg7[%add3A_95, %dma_start3A_96] : memref<16x128xi32, #tpu.memory_space<vmem>> -> memref<1x128xi32, #tpu.memory_space<vmem>>
              %dma_start3A_98 = tpu.memref_squeeze %dma_start3A_97 : memref<1x128xi32, #tpu.memory_space<vmem>> -> memref<128xi32, #tpu.memory_space<vmem>>
              %dma_start3A_99 = arith.constant 0 : i32
              %dma_start3A_100 = arith.constant 0 : i32
              %dma_start3A_101 = tpu.memref_slice %arg2[%dma_start3A_99, %dma_start3A_100] : memref<10240x128xf32, #tpu.memory_space<hbm>> -> memref<10240x128xf32, #tpu.memory_space<hbm>>
              tpu.enqueue_indirect_dma source(%dma_start3A_101 : memref<10240x128xf32, #tpu.memory_space<hbm>>) target(%arg10 : memref<128x128xf32, #tpu.memory_space<vmem>>) offsets(%dma_start3A_98 : memref<128xi32, #tpu.memory_space<vmem>>) semaphore(%arg13 : memref<!tpu.dma_semaphore, #tpu.memory_space<semaphore_mem>>)
            } else {
            }
          } else {
          }
        }
        %scan3A_44 = arith.constant 16 : i32
      }
      %scan3A_22 = arith.constant 5 : i32
    } else {
    }
    %barrier3A_10 = arith.constant 0 : index
    tpu.barrier barrier_id(%barrier3A_10)
    %mul3A_11 = arith.constant 640 : i32
    %mul3A_12 = arith.muli %arg1, %mul3A_11 : i32
    %mul3A_13 = arith.constant 640 : i32
    %mul3A_14 = arith.muli %arg1, %mul3A_13 : i32
    "tpu.region"() ({
      %run_scoped3A = tpu.sem_alloc : memref<!tpu.dma_semaphore, #tpu.memory_space<semaphore_mem>>
      %dma_start3A = arith.constant 0 : i32
      %dma_start3A_15 = tpu.memref_slice %arg6[%arg0, %mul3A_14, %dma_start3A] : memref<2x10240x128xf32, #tpu.memory_space<hbm>> -> memref<1x640x128xf32, #tpu.memory_space<hbm>>
      %dma_start3A_16 = tpu.memref_squeeze %dma_start3A_15 : memref<1x640x128xf32, #tpu.memory_space<hbm>> -> memref<640x128xf32, #tpu.memory_space<hbm>>
      %dma_start3A_17 = arith.constant 0 : i32
      %dma_start3A_18 = tpu.memref_slice %arg11[%mul3A_12, %dma_start3A_17] : memref<10240x128xf32, #tpu.memory_space<vmem_shared>> -> memref<640x128xf32, #tpu.memory_space<vmem_shared>>
      tpu.enqueue_dma source(%dma_start3A_18 : memref<640x128xf32, #tpu.memory_space<vmem_shared>>) target(%dma_start3A_16 : memref<640x128xf32, #tpu.memory_space<hbm>>) target_semaphore(%run_scoped3A : memref<!tpu.dma_semaphore, #tpu.memory_space<semaphore_mem>>)
      %dma_wait3A = arith.constant 0 : i32
      %dma_wait3A_19 = tpu.memref_slice %arg6[%arg0, %mul3A_14, %dma_wait3A] : memref<2x10240x128xf32, #tpu.memory_space<hbm>> -> memref<1x640x128xf32, #tpu.memory_space<hbm>>
      %dma_wait3A_20 = tpu.memref_squeeze %dma_wait3A_19 : memref<1x640x128xf32, #tpu.memory_space<hbm>> -> memref<640x128xf32, #tpu.memory_space<hbm>>
      %dma_wait3A_21 = arith.constant 0 : i32
      %dma_wait3A_22 = tpu.memref_slice %arg11[%mul3A_12, %dma_wait3A_21] : memref<10240x128xf32, #tpu.memory_space<vmem_shared>> -> memref<640x128xf32, #tpu.memory_space<vmem_shared>>
      tpu.wait_dma2 semaphore(%run_scoped3A : memref<!tpu.dma_semaphore, #tpu.memory_space<semaphore_mem>>) src(%dma_wait3A_22 : memref<640x128xf32, #tpu.memory_space<vmem_shared>>) dst(%dma_wait3A_20 : memref<640x128xf32, #tpu.memory_space<hbm>>)
      tpu.yield
    }) : () -> ()
    return
  }
}

#map = affine_map<(d0, d1) -> (0, 0)>
#map1 = affine_map<(d0, d1) -> (0, 0, 0)>
module attributes {stable_mosaic.version = 14 : i64} {
  func.func @agg_kernel(%arg0: i32, %arg1: i32, %arg2: memref<10240x128xf32, #tpu.memory_space<hbm>>, %arg3: memref<320x16x128xi32, #tpu.memory_space<hbm>>, %arg4: memref<320x16x128xi32, #tpu.memory_space<hbm>>, %arg5: memref<10240x128xf32, #tpu.memory_space<hbm>>, %arg6: memref<2x10240x128xf32, #tpu.memory_space<hbm>>, %arg7: memref<16x128xi32, #tpu.memory_space<vmem>>, %arg8: memref<16x128xi32, #tpu.memory_space<vmem>>, %arg9: memref<128x128xf32, #tpu.memory_space<vmem>>, %arg10: memref<128x128xf32, #tpu.memory_space<vmem>>, %arg11: memref<10240x128xf32, #tpu.memory_space<vmem_shared>>, %arg12: memref<!tpu.dma_semaphore, #tpu.memory_space<semaphore_mem>>, %arg13: memref<!tpu.dma_semaphore, #tpu.memory_space<semaphore_mem>>) attributes {dimension_semantics = [#tpu.dimension_semantics<core_parallel>, #tpu.dimension_semantics<subcore_parallel>], iteration_bounds = array<i64: 2, 16>, scalar_prefetch = 0 : i64, scratch_operands = 7 : i64, tpu.core_type = #tpu.core_type<sc_vector_subcore>, window_params = [{transform_indices = #map}, {transform_indices = #map1}, {transform_indices = #map1}, {transform_indices = #map}, {transform_indices = #map1}]} {
    %mul3A = arith.constant 640 : i32
    %mul3A_0 = arith.muli %arg1, %mul3A : i32
    %mul3A_1 = arith.constant 640 : i32
    %mul3A_2 = arith.muli %arg1, %mul3A_1 : i32
    "tpu.region"() ({
      %run_scoped3A = tpu.sem_alloc : memref<!tpu.dma_semaphore, #tpu.memory_space<semaphore_mem>>
      %dma_start3A = arith.constant 0 : i32
      %dma_start3A_15 = tpu.memref_slice %arg11[%mul3A_2, %dma_start3A] : memref<10240x128xf32, #tpu.memory_space<vmem_shared>> -> memref<640x128xf32, #tpu.memory_space<vmem_shared>>
      %dma_start3A_16 = arith.constant 0 : i32
      %dma_start3A_17 = tpu.memref_slice %arg5[%mul3A_0, %dma_start3A_16] : memref<10240x128xf32, #tpu.memory_space<hbm>> -> memref<640x128xf32, #tpu.memory_space<hbm>>
      tpu.enqueue_dma source(%dma_start3A_17 : memref<640x128xf32, #tpu.memory_space<hbm>>) target(%dma_start3A_15 : memref<640x128xf32, #tpu.memory_space<vmem_shared>>) target_semaphore(%run_scoped3A : memref<!tpu.dma_semaphore, #tpu.memory_space<semaphore_mem>>)
      %dma_wait3A = arith.constant 0 : i32
      %dma_wait3A_18 = tpu.memref_slice %arg11[%mul3A_2, %dma_wait3A] : memref<10240x128xf32, #tpu.memory_space<vmem_shared>> -> memref<640x128xf32, #tpu.memory_space<vmem_shared>>
      %dma_wait3A_19 = arith.constant 0 : i32
      %dma_wait3A_20 = tpu.memref_slice %arg5[%mul3A_0, %dma_wait3A_19] : memref<10240x128xf32, #tpu.memory_space<hbm>> -> memref<640x128xf32, #tpu.memory_space<hbm>>
      tpu.wait_dma2 semaphore(%run_scoped3A : memref<!tpu.dma_semaphore, #tpu.memory_space<semaphore_mem>>) src(%dma_wait3A_20 : memref<640x128xf32, #tpu.memory_space<hbm>>) dst(%dma_wait3A_18 : memref<640x128xf32, #tpu.memory_space<vmem_shared>>)
      tpu.yield
    }) : () -> ()
    %barrier3A = arith.constant 0 : index
    tpu.barrier barrier_id(%barrier3A)
    %eq3A = arith.constant 0 : i32
    %eq3A_3 = arith.cmpi eq, %arg0, %eq3A : i32
    %convert_element_type3A = arith.extui %eq3A_3 : i1 to i32
    %cond3A = arith.constant 0 : i32
    %cond3A_4 = arith.cmpi ne, %convert_element_type3A, %cond3A : i32
    scf.if %cond3A_4 {
      %mul3A_15 = arith.constant 15 : i32
      %mul3A_16 = arith.muli %arg1, %mul3A_15 : i32
      %scan3A = arith.constant 0 : i32
      %scan3A_17 = arith.constant 0 : i32
      %scan3A_18 = arith.constant 15 : i32
      %scan3A_19 = arith.addi %scan3A_17, %scan3A_18 : i32
      %scan3A_20 = arith.constant 1 : i32
      scf.for %scan3A_22 = %scan3A_17 to %scan3A_19 step %scan3A_20  : i32 {
        %add3A = arith.addi %mul3A_16, %scan3A_22 : i32
        "tpu.region"() ({
          %run_scoped3A = tpu.sem_alloc : memref<!tpu.dma_semaphore, #tpu.memory_space<semaphore_mem>>
          %dma_start3A_43 = arith.constant 0 : i32
          %dma_start3A_44 = arith.constant 0 : i32
          %dma_start3A_45 = tpu.memref_slice %arg3[%add3A, %dma_start3A_43, %dma_start3A_44] : memref<320x16x128xi32, #tpu.memory_space<hbm>> -> memref<1x16x128xi32, #tpu.memory_space<hbm>>
          %dma_start3A_46 = tpu.memref_squeeze %dma_start3A_45 : memref<1x16x128xi32, #tpu.memory_space<hbm>> -> memref<16x128xi32, #tpu.memory_space<hbm>>
          %dma_start3A_47 = arith.constant 0 : i32
          %dma_start3A_48 = arith.constant 0 : i32
          %dma_start3A_49 = tpu.memref_slice %arg3[%add3A, %dma_start3A_47, %dma_start3A_48] : memref<320x16x128xi32, #tpu.memory_space<hbm>> -> memref<1x16x128xi32, #tpu.memory_space<hbm>>
          %dma_start3A_50 = tpu.memref_squeeze %dma_start3A_49 : memref<1x16x128xi32, #tpu.memory_space<hbm>> -> memref<16x128xi32, #tpu.memory_space<hbm>>
          tpu.enqueue_dma source(%dma_start3A_50 : memref<16x128xi32, #tpu.memory_space<hbm>>) target(%arg7 : memref<16x128xi32, #tpu.memory_space<vmem>>) target_semaphore(%run_scoped3A : memref<!tpu.dma_semaphore, #tpu.memory_space<semaphore_mem>>)
          %dma_wait3A = arith.constant 0 : i32
          %dma_wait3A_51 = arith.constant 0 : i32
          %dma_wait3A_52 = tpu.memref_slice %arg3[%add3A, %dma_wait3A, %dma_wait3A_51] : memref<320x16x128xi32, #tpu.memory_space<hbm>> -> memref<1x16x128xi32, #tpu.memory_space<hbm>>
          %dma_wait3A_53 = tpu.memref_squeeze %dma_wait3A_52 : memref<1x16x128xi32, #tpu.memory_space<hbm>> -> memref<16x128xi32, #tpu.memory_space<hbm>>
          %dma_wait3A_54 = arith.constant 0 : i32
          %dma_wait3A_55 = arith.constant 0 : i32
          %dma_wait3A_56 = tpu.memref_slice %arg3[%add3A, %dma_wait3A_54, %dma_wait3A_55] : memref<320x16x128xi32, #tpu.memory_space<hbm>> -> memref<1x16x128xi32, #tpu.memory_space<hbm>>
          %dma_wait3A_57 = tpu.memref_squeeze %dma_wait3A_56 : memref<1x16x128xi32, #tpu.memory_space<hbm>> -> memref<16x128xi32, #tpu.memory_space<hbm>>
          tpu.wait_dma2 semaphore(%run_scoped3A : memref<!tpu.dma_semaphore, #tpu.memory_space<semaphore_mem>>) src(%dma_wait3A_57 : memref<16x128xi32, #tpu.memory_space<hbm>>) dst(%arg7 : memref<16x128xi32, #tpu.memory_space<vmem>>)
          tpu.yield
        }) : () -> ()
        %add3A_23 = arith.addi %mul3A_16, %scan3A_22 : i32
        "tpu.region"() ({
          %run_scoped3A = tpu.sem_alloc : memref<!tpu.dma_semaphore, #tpu.memory_space<semaphore_mem>>
          %dma_start3A_43 = arith.constant 0 : i32
          %dma_start3A_44 = arith.constant 0 : i32
          %dma_start3A_45 = tpu.memref_slice %arg4[%add3A_23, %dma_start3A_43, %dma_start3A_44] : memref<320x16x128xi32, #tpu.memory_space<hbm>> -> memref<1x16x128xi32, #tpu.memory_space<hbm>>
          %dma_start3A_46 = tpu.memref_squeeze %dma_start3A_45 : memref<1x16x128xi32, #tpu.memory_space<hbm>> -> memref<16x128xi32, #tpu.memory_space<hbm>>
          %dma_start3A_47 = arith.constant 0 : i32
          %dma_start3A_48 = arith.constant 0 : i32
          %dma_start3A_49 = tpu.memref_slice %arg4[%add3A_23, %dma_start3A_47, %dma_start3A_48] : memref<320x16x128xi32, #tpu.memory_space<hbm>> -> memref<1x16x128xi32, #tpu.memory_space<hbm>>
          %dma_start3A_50 = tpu.memref_squeeze %dma_start3A_49 : memref<1x16x128xi32, #tpu.memory_space<hbm>> -> memref<16x128xi32, #tpu.memory_space<hbm>>
          tpu.enqueue_dma source(%dma_start3A_50 : memref<16x128xi32, #tpu.memory_space<hbm>>) target(%arg8 : memref<16x128xi32, #tpu.memory_space<vmem>>) target_semaphore(%run_scoped3A : memref<!tpu.dma_semaphore, #tpu.memory_space<semaphore_mem>>)
          %dma_wait3A = arith.constant 0 : i32
          %dma_wait3A_51 = arith.constant 0 : i32
          %dma_wait3A_52 = tpu.memref_slice %arg4[%add3A_23, %dma_wait3A, %dma_wait3A_51] : memref<320x16x128xi32, #tpu.memory_space<hbm>> -> memref<1x16x128xi32, #tpu.memory_space<hbm>>
          %dma_wait3A_53 = tpu.memref_squeeze %dma_wait3A_52 : memref<1x16x128xi32, #tpu.memory_space<hbm>> -> memref<16x128xi32, #tpu.memory_space<hbm>>
          %dma_wait3A_54 = arith.constant 0 : i32
          %dma_wait3A_55 = arith.constant 0 : i32
          %dma_wait3A_56 = tpu.memref_slice %arg4[%add3A_23, %dma_wait3A_54, %dma_wait3A_55] : memref<320x16x128xi32, #tpu.memory_space<hbm>> -> memref<1x16x128xi32, #tpu.memory_space<hbm>>
          %dma_wait3A_57 = tpu.memref_squeeze %dma_wait3A_56 : memref<1x16x128xi32, #tpu.memory_space<hbm>> -> memref<16x128xi32, #tpu.memory_space<hbm>>
          tpu.wait_dma2 semaphore(%run_scoped3A : memref<!tpu.dma_semaphore, #tpu.memory_space<semaphore_mem>>) src(%dma_wait3A_57 : memref<16x128xi32, #tpu.memory_space<hbm>>) dst(%arg8 : memref<16x128xi32, #tpu.memory_space<vmem>>)
          tpu.yield
        }) : () -> ()
        %dma_start3A = arith.constant 0 : i32
        %dma_start3A_24 = arith.constant 0 : i32
        %dma_start3A_25 = tpu.memref_slice %arg7[%dma_start3A, %dma_start3A_24] : memref<16x128xi32, #tpu.memory_space<vmem>> -> memref<1x128xi32, #tpu.memory_space<vmem>>
        %dma_start3A_26 = tpu.memref_squeeze %dma_start3A_25 : memref<1x128xi32, #tpu.memory_space<vmem>> -> memref<128xi32, #tpu.memory_space<vmem>>
        %dma_start3A_27 = arith.constant 0 : i32
        %dma_start3A_28 = arith.constant 0 : i32
        %dma_start3A_29 = tpu.memref_slice %arg2[%dma_start3A_27, %dma_start3A_28] : memref<10240x128xf32, #tpu.memory_space<hbm>> -> memref<10240x128xf32, #tpu.memory_space<hbm>>
        tpu.enqueue_indirect_dma source(%dma_start3A_29 : memref<10240x128xf32, #tpu.memory_space<hbm>>) target(%arg9 : memref<128x128xf32, #tpu.memory_space<vmem>>) offsets(%dma_start3A_26 : memref<128xi32, #tpu.memory_space<vmem>>) semaphore(%arg12 : memref<!tpu.dma_semaphore, #tpu.memory_space<semaphore_mem>>)
        %dma_start3A_30 = arith.constant 1 : i32
        %dma_start3A_31 = arith.constant 0 : i32
        %dma_start3A_32 = tpu.memref_slice %arg7[%dma_start3A_30, %dma_start3A_31] : memref<16x128xi32, #tpu.memory_space<vmem>> -> memref<1x128xi32, #tpu.memory_space<vmem>>
        %dma_start3A_33 = tpu.memref_squeeze %dma_start3A_32 : memref<1x128xi32, #tpu.memory_space<vmem>> -> memref<128xi32, #tpu.memory_space<vmem>>
        %dma_start3A_34 = arith.constant 0 : i32
        %dma_start3A_35 = arith.constant 0 : i32
        %dma_start3A_36 = tpu.memref_slice %arg2[%dma_start3A_34, %dma_start3A_35] : memref<10240x128xf32, #tpu.memory_space<hbm>> -> memref<10240x128xf32, #tpu.memory_space<hbm>>
        tpu.enqueue_indirect_dma source(%dma_start3A_36 : memref<10240x128xf32, #tpu.memory_space<hbm>>) target(%arg10 : memref<128x128xf32, #tpu.memory_space<vmem>>) offsets(%dma_start3A_33 : memref<128xi32, #tpu.memory_space<vmem>>) semaphore(%arg13 : memref<!tpu.dma_semaphore, #tpu.memory_space<semaphore_mem>>)
        %scan3A_37 = arith.constant 0 : i32
        %scan3A_38 = arith.constant 0 : i32
        %scan3A_39 = arith.constant 16 : i32
        %scan3A_40 = arith.addi %scan3A_38, %scan3A_39 : i32
        %scan3A_41 = arith.constant 1 : i32
        scf.for %scan3A_43 = %scan3A_38 to %scan3A_40 step %scan3A_41  : i32 {
          %jit3A = arith.constant 2 : i32
          %eq3A_44 = arith.constant 0 : i32
          %eq3A_45 = arith.cmpi eq, %jit3A, %eq3A_44 : i32
          %jit3A_46 = arith.constant 1 : i32
          %select_n3A = arith.select %eq3A_45, %jit3A_46, %jit3A : i32
          %rem3A = arith.remsi %scan3A_43, %select_n3A : i32
          %ne3A = arith.constant 0 : i32
          %ne3A_47 = arith.cmpi ne, %rem3A, %ne3A : i32
          %lt3A = arith.constant 0 : i32
          %lt3A_48 = arith.cmpi slt, %rem3A, %lt3A : i32
          %lt3A_49 = arith.constant 0 : i32
          %lt3A_50 = arith.cmpi slt, %select_n3A, %lt3A_49 : i32
          %ne3A_51 = arith.xori %lt3A_48, %lt3A_50 : i1
          %and3A = arith.andi %ne3A_51, %ne3A_47 : i1
          %add3A_52 = arith.addi %rem3A, %select_n3A : i32
          %select_n3A_53 = arith.select %and3A, %add3A_52, %rem3A : i32
          %eq3A_54 = arith.constant 0 : i32
          %eq3A_55 = arith.cmpi eq, %select_n3A_53, %eq3A_54 : i32
          %convert_element_type3A_56 = arith.extui %eq3A_55 : i1 to i32
          %cond3A_57 = arith.constant 0 : i32
          %cond3A_58 = arith.cmpi ne, %convert_element_type3A_56, %cond3A_57 : i32
          scf.if %cond3A_58 {
            %dma_wait3A = arith.constant 0 : i32
            %dma_wait3A_80 = tpu.memref_slice %arg7[%scan3A_43, %dma_wait3A] : memref<16x128xi32, #tpu.memory_space<vmem>> -> memref<1x128xi32, #tpu.memory_space<vmem>>
            %dma_wait3A_81 = tpu.memref_squeeze %dma_wait3A_80 : memref<1x128xi32, #tpu.memory_space<vmem>> -> memref<128xi32, #tpu.memory_space<vmem>>
            %dma_wait3A_82 = arith.constant 0 : i32
            %dma_wait3A_83 = arith.constant 0 : i32
            %dma_wait3A_84 = tpu.memref_slice %arg2[%dma_wait3A_82, %dma_wait3A_83] : memref<10240x128xf32, #tpu.memory_space<hbm>> -> memref<10240x128xf32, #tpu.memory_space<hbm>>
            tpu.wait_indirect_dma semaphore(%arg12 : memref<!tpu.dma_semaphore, #tpu.memory_space<semaphore_mem>>) src(%dma_wait3A_84 : memref<10240x128xf32, #tpu.memory_space<hbm>>) dst(%arg9 : memref<128x128xf32, #tpu.memory_space<vmem>>)
            "tpu.region"() ({
              %run_scoped3A = tpu.sem_alloc : memref<!tpu.dma_semaphore, #tpu.memory_space<semaphore_mem>>
              %dma_start3A_92 = arith.constant 0 : i32
              %dma_start3A_93 = tpu.memref_slice %arg8[%scan3A_43, %dma_start3A_92] : memref<16x128xi32, #tpu.memory_space<vmem>> -> memref<1x128xi32, #tpu.memory_space<vmem>>
              %dma_start3A_94 = tpu.memref_squeeze %dma_start3A_93 : memref<1x128xi32, #tpu.memory_space<vmem>> -> memref<128xi32, #tpu.memory_space<vmem>>
              %dma_start3A_95 = arith.constant 0 : i32
              %dma_start3A_96 = arith.constant 0 : i32
              %dma_start3A_97 = tpu.memref_slice %arg11[%dma_start3A_95, %dma_start3A_96] : memref<10240x128xf32, #tpu.memory_space<vmem_shared>> -> memref<10240x128xf32, #tpu.memory_space<vmem_shared>>
              tpu.enqueue_indirect_dma source(%arg9 : memref<128x128xf32, #tpu.memory_space<vmem>>) target(%dma_start3A_97 : memref<10240x128xf32, #tpu.memory_space<vmem_shared>>) offsets(%dma_start3A_94 : memref<128xi32, #tpu.memory_space<vmem>>) semaphore(%run_scoped3A : memref<!tpu.dma_semaphore, #tpu.memory_space<semaphore_mem>>) {add = true}
              %dma_wait3A_98 = arith.constant 0 : i32
              %dma_wait3A_99 = tpu.memref_slice %arg8[%scan3A_43, %dma_wait3A_98] : memref<16x128xi32, #tpu.memory_space<vmem>> -> memref<1x128xi32, #tpu.memory_space<vmem>>
              %dma_wait3A_100 = tpu.memref_squeeze %dma_wait3A_99 : memref<1x128xi32, #tpu.memory_space<vmem>> -> memref<128xi32, #tpu.memory_space<vmem>>
              %dma_wait3A_101 = arith.constant 0 : i32
              %dma_wait3A_102 = arith.constant 0 : i32
              %dma_wait3A_103 = tpu.memref_slice %arg11[%dma_wait3A_101, %dma_wait3A_102] : memref<10240x128xf32, #tpu.memory_space<vmem_shared>> -> memref<10240x128xf32, #tpu.memory_space<vmem_shared>>
              tpu.wait_indirect_dma semaphore(%run_scoped3A : memref<!tpu.dma_semaphore, #tpu.memory_space<semaphore_mem>>) src(%arg9 : memref<128x128xf32, #tpu.memory_space<vmem>>) dst(%dma_wait3A_103 : memref<10240x128xf32, #tpu.memory_space<vmem_shared>>)
              tpu.yield
            }) : () -> ()
            %add3A_85 = arith.constant 2 : i32
            %add3A_86 = arith.addi %scan3A_43, %add3A_85 : i32
            %lt3A_87 = arith.constant 16 : i32
            %lt3A_88 = arith.cmpi slt, %add3A_86, %lt3A_87 : i32
            %convert_element_type3A_89 = arith.extui %lt3A_88 : i1 to i32
            %cond3A_90 = arith.constant 0 : i32
            %cond3A_91 = arith.cmpi ne, %convert_element_type3A_89, %cond3A_90 : i32
            scf.if %cond3A_91 {
              %add3A_92 = arith.constant 2 : i32
              %add3A_93 = arith.addi %scan3A_43, %add3A_92 : i32
              %dma_start3A_94 = arith.constant 0 : i32
              %dma_start3A_95 = tpu.memref_slice %arg7[%add3A_93, %dma_start3A_94] : memref<16x128xi32, #tpu.memory_space<vmem>> -> memref<1x128xi32, #tpu.memory_space<vmem>>
              %dma_start3A_96 = tpu.memref_squeeze %dma_start3A_95 : memref<1x128xi32, #tpu.memory_space<vmem>> -> memref<128xi32, #tpu.memory_space<vmem>>
              %dma_start3A_97 = arith.constant 0 : i32
              %dma_start3A_98 = arith.constant 0 : i32
              %dma_start3A_99 = tpu.memref_slice %arg2[%dma_start3A_97, %dma_start3A_98] : memref<10240x128xf32, #tpu.memory_space<hbm>> -> memref<10240x128xf32, #tpu.memory_space<hbm>>
              tpu.enqueue_indirect_dma source(%dma_start3A_99 : memref<10240x128xf32, #tpu.memory_space<hbm>>) target(%arg9 : memref<128x128xf32, #tpu.memory_space<vmem>>) offsets(%dma_start3A_96 : memref<128xi32, #tpu.memory_space<vmem>>) semaphore(%arg12 : memref<!tpu.dma_semaphore, #tpu.memory_space<semaphore_mem>>)
            } else {
            }
          } else {
          }
          %jit3A_59 = arith.constant 2 : i32
          %eq3A_60 = arith.constant 0 : i32
          %eq3A_61 = arith.cmpi eq, %jit3A_59, %eq3A_60 : i32
          %jit3A_62 = arith.constant 1 : i32
          %select_n3A_63 = arith.select %eq3A_61, %jit3A_62, %jit3A_59 : i32
          %rem3A_64 = arith.remsi %scan3A_43, %select_n3A_63 : i32
          %ne3A_65 = arith.constant 0 : i32
          %ne3A_66 = arith.cmpi ne, %rem3A_64, %ne3A_65 : i32
          %lt3A_67 = arith.constant 0 : i32
          %lt3A_68 = arith.cmpi slt, %rem3A_64, %lt3A_67 : i32
          %lt3A_69 = arith.constant 0 : i32
          %lt3A_70 = arith.cmpi slt, %select_n3A_63, %lt3A_69 : i32
          %ne3A_71 = arith.xori %lt3A_68, %lt3A_70 : i1
          %and3A_72 = arith.andi %ne3A_71, %ne3A_66 : i1
          %add3A_73 = arith.addi %rem3A_64, %select_n3A_63 : i32
          %select_n3A_74 = arith.select %and3A_72, %add3A_73, %rem3A_64 : i32
          %eq3A_75 = arith.constant 1 : i32
          %eq3A_76 = arith.cmpi eq, %select_n3A_74, %eq3A_75 : i32
          %convert_element_type3A_77 = arith.extui %eq3A_76 : i1 to i32
          %cond3A_78 = arith.constant 0 : i32
          %cond3A_79 = arith.cmpi ne, %convert_element_type3A_77, %cond3A_78 : i32
          scf.if %cond3A_79 {
            %dma_wait3A = arith.constant 0 : i32
            %dma_wait3A_80 = tpu.memref_slice %arg7[%scan3A_43, %dma_wait3A] : memref<16x128xi32, #tpu.memory_space<vmem>> -> memref<1x128xi32, #tpu.memory_space<vmem>>
            %dma_wait3A_81 = tpu.memref_squeeze %dma_wait3A_80 : memref<1x128xi32, #tpu.memory_space<vmem>> -> memref<128xi32, #tpu.memory_space<vmem>>
            %dma_wait3A_82 = arith.constant 0 : i32
            %dma_wait3A_83 = arith.constant 0 : i32
            %dma_wait3A_84 = tpu.memref_slice %arg2[%dma_wait3A_82, %dma_wait3A_83] : memref<10240x128xf32, #tpu.memory_space<hbm>> -> memref<10240x128xf32, #tpu.memory_space<hbm>>
            tpu.wait_indirect_dma semaphore(%arg13 : memref<!tpu.dma_semaphore, #tpu.memory_space<semaphore_mem>>) src(%dma_wait3A_84 : memref<10240x128xf32, #tpu.memory_space<hbm>>) dst(%arg10 : memref<128x128xf32, #tpu.memory_space<vmem>>)
            "tpu.region"() ({
              %run_scoped3A = tpu.sem_alloc : memref<!tpu.dma_semaphore, #tpu.memory_space<semaphore_mem>>
              %dma_start3A_92 = arith.constant 0 : i32
              %dma_start3A_93 = tpu.memref_slice %arg8[%scan3A_43, %dma_start3A_92] : memref<16x128xi32, #tpu.memory_space<vmem>> -> memref<1x128xi32, #tpu.memory_space<vmem>>
              %dma_start3A_94 = tpu.memref_squeeze %dma_start3A_93 : memref<1x128xi32, #tpu.memory_space<vmem>> -> memref<128xi32, #tpu.memory_space<vmem>>
              %dma_start3A_95 = arith.constant 0 : i32
              %dma_start3A_96 = arith.constant 0 : i32
              %dma_start3A_97 = tpu.memref_slice %arg11[%dma_start3A_95, %dma_start3A_96] : memref<10240x128xf32, #tpu.memory_space<vmem_shared>> -> memref<10240x128xf32, #tpu.memory_space<vmem_shared>>
              tpu.enqueue_indirect_dma source(%arg10 : memref<128x128xf32, #tpu.memory_space<vmem>>) target(%dma_start3A_97 : memref<10240x128xf32, #tpu.memory_space<vmem_shared>>) offsets(%dma_start3A_94 : memref<128xi32, #tpu.memory_space<vmem>>) semaphore(%run_scoped3A : memref<!tpu.dma_semaphore, #tpu.memory_space<semaphore_mem>>) {add = true}
              %dma_wait3A_98 = arith.constant 0 : i32
              %dma_wait3A_99 = tpu.memref_slice %arg8[%scan3A_43, %dma_wait3A_98] : memref<16x128xi32, #tpu.memory_space<vmem>> -> memref<1x128xi32, #tpu.memory_space<vmem>>
              %dma_wait3A_100 = tpu.memref_squeeze %dma_wait3A_99 : memref<1x128xi32, #tpu.memory_space<vmem>> -> memref<128xi32, #tpu.memory_space<vmem>>
              %dma_wait3A_101 = arith.constant 0 : i32
              %dma_wait3A_102 = arith.constant 0 : i32
              %dma_wait3A_103 = tpu.memref_slice %arg11[%dma_wait3A_101, %dma_wait3A_102] : memref<10240x128xf32, #tpu.memory_space<vmem_shared>> -> memref<10240x128xf32, #tpu.memory_space<vmem_shared>>
              tpu.wait_indirect_dma semaphore(%run_scoped3A : memref<!tpu.dma_semaphore, #tpu.memory_space<semaphore_mem>>) src(%arg10 : memref<128x128xf32, #tpu.memory_space<vmem>>) dst(%dma_wait3A_103 : memref<10240x128xf32, #tpu.memory_space<vmem_shared>>)
              tpu.yield
            }) : () -> ()
            %add3A_85 = arith.constant 2 : i32
            %add3A_86 = arith.addi %scan3A_43, %add3A_85 : i32
            %lt3A_87 = arith.constant 16 : i32
            %lt3A_88 = arith.cmpi slt, %add3A_86, %lt3A_87 : i32
            %convert_element_type3A_89 = arith.extui %lt3A_88 : i1 to i32
            %cond3A_90 = arith.constant 0 : i32
            %cond3A_91 = arith.cmpi ne, %convert_element_type3A_89, %cond3A_90 : i32
            scf.if %cond3A_91 {
              %add3A_92 = arith.constant 2 : i32
              %add3A_93 = arith.addi %scan3A_43, %add3A_92 : i32
              %dma_start3A_94 = arith.constant 0 : i32
              %dma_start3A_95 = tpu.memref_slice %arg7[%add3A_93, %dma_start3A_94] : memref<16x128xi32, #tpu.memory_space<vmem>> -> memref<1x128xi32, #tpu.memory_space<vmem>>
              %dma_start3A_96 = tpu.memref_squeeze %dma_start3A_95 : memref<1x128xi32, #tpu.memory_space<vmem>> -> memref<128xi32, #tpu.memory_space<vmem>>
              %dma_start3A_97 = arith.constant 0 : i32
              %dma_start3A_98 = arith.constant 0 : i32
              %dma_start3A_99 = tpu.memref_slice %arg2[%dma_start3A_97, %dma_start3A_98] : memref<10240x128xf32, #tpu.memory_space<hbm>> -> memref<10240x128xf32, #tpu.memory_space<hbm>>
              tpu.enqueue_indirect_dma source(%dma_start3A_99 : memref<10240x128xf32, #tpu.memory_space<hbm>>) target(%arg10 : memref<128x128xf32, #tpu.memory_space<vmem>>) offsets(%dma_start3A_96 : memref<128xi32, #tpu.memory_space<vmem>>) semaphore(%arg13 : memref<!tpu.dma_semaphore, #tpu.memory_space<semaphore_mem>>)
            } else {
            }
          } else {
          }
        }
        %scan3A_42 = arith.constant 16 : i32
      }
      %scan3A_21 = arith.constant 15 : i32
    } else {
    }
    %eq3A_5 = arith.constant 1 : i32
    %eq3A_6 = arith.cmpi eq, %arg0, %eq3A_5 : i32
    %convert_element_type3A_7 = arith.extui %eq3A_6 : i1 to i32
    %cond3A_8 = arith.constant 0 : i32
    %cond3A_9 = arith.cmpi ne, %convert_element_type3A_7, %cond3A_8 : i32
    scf.if %cond3A_9 {
      %mul3A_15 = arith.constant 5 : i32
      %mul3A_16 = arith.muli %arg1, %mul3A_15 : i32
      %add3A = arith.constant 240 : i32
      %add3A_17 = arith.addi %add3A, %mul3A_16 : i32
      %scan3A = arith.constant 0 : i32
      %scan3A_18 = arith.constant 0 : i32
      %scan3A_19 = arith.constant 5 : i32
      %scan3A_20 = arith.addi %scan3A_18, %scan3A_19 : i32
      %scan3A_21 = arith.constant 1 : i32
      scf.for %scan3A_23 = %scan3A_18 to %scan3A_20 step %scan3A_21  : i32 {
        %add3A_24 = arith.addi %add3A_17, %scan3A_23 : i32
        "tpu.region"() ({
          %run_scoped3A = tpu.sem_alloc : memref<!tpu.dma_semaphore, #tpu.memory_space<semaphore_mem>>
          %dma_start3A_45 = arith.constant 0 : i32
          %dma_start3A_46 = arith.constant 0 : i32
          %dma_start3A_47 = tpu.memref_slice %arg3[%add3A_24, %dma_start3A_45, %dma_start3A_46] : memref<320x16x128xi32, #tpu.memory_space<hbm>> -> memref<1x16x128xi32, #tpu.memory_space<hbm>>
          %dma_start3A_48 = tpu.memref_squeeze %dma_start3A_47 : memref<1x16x128xi32, #tpu.memory_space<hbm>> -> memref<16x128xi32, #tpu.memory_space<hbm>>
          %dma_start3A_49 = arith.constant 0 : i32
          %dma_start3A_50 = arith.constant 0 : i32
          %dma_start3A_51 = tpu.memref_slice %arg3[%add3A_24, %dma_start3A_49, %dma_start3A_50] : memref<320x16x128xi32, #tpu.memory_space<hbm>> -> memref<1x16x128xi32, #tpu.memory_space<hbm>>
          %dma_start3A_52 = tpu.memref_squeeze %dma_start3A_51 : memref<1x16x128xi32, #tpu.memory_space<hbm>> -> memref<16x128xi32, #tpu.memory_space<hbm>>
          tpu.enqueue_dma source(%dma_start3A_52 : memref<16x128xi32, #tpu.memory_space<hbm>>) target(%arg7 : memref<16x128xi32, #tpu.memory_space<vmem>>) target_semaphore(%run_scoped3A : memref<!tpu.dma_semaphore, #tpu.memory_space<semaphore_mem>>)
          %dma_wait3A = arith.constant 0 : i32
          %dma_wait3A_53 = arith.constant 0 : i32
          %dma_wait3A_54 = tpu.memref_slice %arg3[%add3A_24, %dma_wait3A, %dma_wait3A_53] : memref<320x16x128xi32, #tpu.memory_space<hbm>> -> memref<1x16x128xi32, #tpu.memory_space<hbm>>
          %dma_wait3A_55 = tpu.memref_squeeze %dma_wait3A_54 : memref<1x16x128xi32, #tpu.memory_space<hbm>> -> memref<16x128xi32, #tpu.memory_space<hbm>>
          %dma_wait3A_56 = arith.constant 0 : i32
          %dma_wait3A_57 = arith.constant 0 : i32
          %dma_wait3A_58 = tpu.memref_slice %arg3[%add3A_24, %dma_wait3A_56, %dma_wait3A_57] : memref<320x16x128xi32, #tpu.memory_space<hbm>> -> memref<1x16x128xi32, #tpu.memory_space<hbm>>
          %dma_wait3A_59 = tpu.memref_squeeze %dma_wait3A_58 : memref<1x16x128xi32, #tpu.memory_space<hbm>> -> memref<16x128xi32, #tpu.memory_space<hbm>>
          tpu.wait_dma2 semaphore(%run_scoped3A : memref<!tpu.dma_semaphore, #tpu.memory_space<semaphore_mem>>) src(%dma_wait3A_59 : memref<16x128xi32, #tpu.memory_space<hbm>>) dst(%arg7 : memref<16x128xi32, #tpu.memory_space<vmem>>)
          tpu.yield
        }) : () -> ()
        %add3A_25 = arith.addi %add3A_17, %scan3A_23 : i32
        "tpu.region"() ({
          %run_scoped3A = tpu.sem_alloc : memref<!tpu.dma_semaphore, #tpu.memory_space<semaphore_mem>>
          %dma_start3A_45 = arith.constant 0 : i32
          %dma_start3A_46 = arith.constant 0 : i32
          %dma_start3A_47 = tpu.memref_slice %arg4[%add3A_25, %dma_start3A_45, %dma_start3A_46] : memref<320x16x128xi32, #tpu.memory_space<hbm>> -> memref<1x16x128xi32, #tpu.memory_space<hbm>>
          %dma_start3A_48 = tpu.memref_squeeze %dma_start3A_47 : memref<1x16x128xi32, #tpu.memory_space<hbm>> -> memref<16x128xi32, #tpu.memory_space<hbm>>
          %dma_start3A_49 = arith.constant 0 : i32
          %dma_start3A_50 = arith.constant 0 : i32
          %dma_start3A_51 = tpu.memref_slice %arg4[%add3A_25, %dma_start3A_49, %dma_start3A_50] : memref<320x16x128xi32, #tpu.memory_space<hbm>> -> memref<1x16x128xi32, #tpu.memory_space<hbm>>
          %dma_start3A_52 = tpu.memref_squeeze %dma_start3A_51 : memref<1x16x128xi32, #tpu.memory_space<hbm>> -> memref<16x128xi32, #tpu.memory_space<hbm>>
          tpu.enqueue_dma source(%dma_start3A_52 : memref<16x128xi32, #tpu.memory_space<hbm>>) target(%arg8 : memref<16x128xi32, #tpu.memory_space<vmem>>) target_semaphore(%run_scoped3A : memref<!tpu.dma_semaphore, #tpu.memory_space<semaphore_mem>>)
          %dma_wait3A = arith.constant 0 : i32
          %dma_wait3A_53 = arith.constant 0 : i32
          %dma_wait3A_54 = tpu.memref_slice %arg4[%add3A_25, %dma_wait3A, %dma_wait3A_53] : memref<320x16x128xi32, #tpu.memory_space<hbm>> -> memref<1x16x128xi32, #tpu.memory_space<hbm>>
          %dma_wait3A_55 = tpu.memref_squeeze %dma_wait3A_54 : memref<1x16x128xi32, #tpu.memory_space<hbm>> -> memref<16x128xi32, #tpu.memory_space<hbm>>
          %dma_wait3A_56 = arith.constant 0 : i32
          %dma_wait3A_57 = arith.constant 0 : i32
          %dma_wait3A_58 = tpu.memref_slice %arg4[%add3A_25, %dma_wait3A_56, %dma_wait3A_57] : memref<320x16x128xi32, #tpu.memory_space<hbm>> -> memref<1x16x128xi32, #tpu.memory_space<hbm>>
          %dma_wait3A_59 = tpu.memref_squeeze %dma_wait3A_58 : memref<1x16x128xi32, #tpu.memory_space<hbm>> -> memref<16x128xi32, #tpu.memory_space<hbm>>
          tpu.wait_dma2 semaphore(%run_scoped3A : memref<!tpu.dma_semaphore, #tpu.memory_space<semaphore_mem>>) src(%dma_wait3A_59 : memref<16x128xi32, #tpu.memory_space<hbm>>) dst(%arg8 : memref<16x128xi32, #tpu.memory_space<vmem>>)
          tpu.yield
        }) : () -> ()
        %dma_start3A = arith.constant 0 : i32
        %dma_start3A_26 = arith.constant 0 : i32
        %dma_start3A_27 = tpu.memref_slice %arg7[%dma_start3A, %dma_start3A_26] : memref<16x128xi32, #tpu.memory_space<vmem>> -> memref<1x128xi32, #tpu.memory_space<vmem>>
        %dma_start3A_28 = tpu.memref_squeeze %dma_start3A_27 : memref<1x128xi32, #tpu.memory_space<vmem>> -> memref<128xi32, #tpu.memory_space<vmem>>
        %dma_start3A_29 = arith.constant 0 : i32
        %dma_start3A_30 = arith.constant 0 : i32
        %dma_start3A_31 = tpu.memref_slice %arg2[%dma_start3A_29, %dma_start3A_30] : memref<10240x128xf32, #tpu.memory_space<hbm>> -> memref<10240x128xf32, #tpu.memory_space<hbm>>
        tpu.enqueue_indirect_dma source(%dma_start3A_31 : memref<10240x128xf32, #tpu.memory_space<hbm>>) target(%arg9 : memref<128x128xf32, #tpu.memory_space<vmem>>) offsets(%dma_start3A_28 : memref<128xi32, #tpu.memory_space<vmem>>) semaphore(%arg12 : memref<!tpu.dma_semaphore, #tpu.memory_space<semaphore_mem>>)
        %dma_start3A_32 = arith.constant 1 : i32
        %dma_start3A_33 = arith.constant 0 : i32
        %dma_start3A_34 = tpu.memref_slice %arg7[%dma_start3A_32, %dma_start3A_33] : memref<16x128xi32, #tpu.memory_space<vmem>> -> memref<1x128xi32, #tpu.memory_space<vmem>>
        %dma_start3A_35 = tpu.memref_squeeze %dma_start3A_34 : memref<1x128xi32, #tpu.memory_space<vmem>> -> memref<128xi32, #tpu.memory_space<vmem>>
        %dma_start3A_36 = arith.constant 0 : i32
        %dma_start3A_37 = arith.constant 0 : i32
        %dma_start3A_38 = tpu.memref_slice %arg2[%dma_start3A_36, %dma_start3A_37] : memref<10240x128xf32, #tpu.memory_space<hbm>> -> memref<10240x128xf32, #tpu.memory_space<hbm>>
        tpu.enqueue_indirect_dma source(%dma_start3A_38 : memref<10240x128xf32, #tpu.memory_space<hbm>>) target(%arg10 : memref<128x128xf32, #tpu.memory_space<vmem>>) offsets(%dma_start3A_35 : memref<128xi32, #tpu.memory_space<vmem>>) semaphore(%arg13 : memref<!tpu.dma_semaphore, #tpu.memory_space<semaphore_mem>>)
        %scan3A_39 = arith.constant 0 : i32
        %scan3A_40 = arith.constant 0 : i32
        %scan3A_41 = arith.constant 16 : i32
        %scan3A_42 = arith.addi %scan3A_40, %scan3A_41 : i32
        %scan3A_43 = arith.constant 1 : i32
        scf.for %scan3A_45 = %scan3A_40 to %scan3A_42 step %scan3A_43  : i32 {
          %jit3A = arith.constant 2 : i32
          %eq3A_46 = arith.constant 0 : i32
          %eq3A_47 = arith.cmpi eq, %jit3A, %eq3A_46 : i32
          %jit3A_48 = arith.constant 1 : i32
          %select_n3A = arith.select %eq3A_47, %jit3A_48, %jit3A : i32
          %rem3A = arith.remsi %scan3A_45, %select_n3A : i32
          %ne3A = arith.constant 0 : i32
          %ne3A_49 = arith.cmpi ne, %rem3A, %ne3A : i32
          %lt3A = arith.constant 0 : i32
          %lt3A_50 = arith.cmpi slt, %rem3A, %lt3A : i32
          %lt3A_51 = arith.constant 0 : i32
          %lt3A_52 = arith.cmpi slt, %select_n3A, %lt3A_51 : i32
          %ne3A_53 = arith.xori %lt3A_50, %lt3A_52 : i1
          %and3A = arith.andi %ne3A_53, %ne3A_49 : i1
          %add3A_54 = arith.addi %rem3A, %select_n3A : i32
          %select_n3A_55 = arith.select %and3A, %add3A_54, %rem3A : i32
          %eq3A_56 = arith.constant 0 : i32
          %eq3A_57 = arith.cmpi eq, %select_n3A_55, %eq3A_56 : i32
          %convert_element_type3A_58 = arith.extui %eq3A_57 : i1 to i32
          %cond3A_59 = arith.constant 0 : i32
          %cond3A_60 = arith.cmpi ne, %convert_element_type3A_58, %cond3A_59 : i32
          scf.if %cond3A_60 {
            %dma_wait3A = arith.constant 0 : i32
            %dma_wait3A_82 = tpu.memref_slice %arg7[%scan3A_45, %dma_wait3A] : memref<16x128xi32, #tpu.memory_space<vmem>> -> memref<1x128xi32, #tpu.memory_space<vmem>>
            %dma_wait3A_83 = tpu.memref_squeeze %dma_wait3A_82 : memref<1x128xi32, #tpu.memory_space<vmem>> -> memref<128xi32, #tpu.memory_space<vmem>>
            %dma_wait3A_84 = arith.constant 0 : i32
            %dma_wait3A_85 = arith.constant 0 : i32
            %dma_wait3A_86 = tpu.memref_slice %arg2[%dma_wait3A_84, %dma_wait3A_85] : memref<10240x128xf32, #tpu.memory_space<hbm>> -> memref<10240x128xf32, #tpu.memory_space<hbm>>
            tpu.wait_indirect_dma semaphore(%arg12 : memref<!tpu.dma_semaphore, #tpu.memory_space<semaphore_mem>>) src(%dma_wait3A_86 : memref<10240x128xf32, #tpu.memory_space<hbm>>) dst(%arg9 : memref<128x128xf32, #tpu.memory_space<vmem>>)
            "tpu.region"() ({
              %run_scoped3A = tpu.sem_alloc : memref<!tpu.dma_semaphore, #tpu.memory_space<semaphore_mem>>
              %dma_start3A_94 = arith.constant 0 : i32
              %dma_start3A_95 = tpu.memref_slice %arg8[%scan3A_45, %dma_start3A_94] : memref<16x128xi32, #tpu.memory_space<vmem>> -> memref<1x128xi32, #tpu.memory_space<vmem>>
              %dma_start3A_96 = tpu.memref_squeeze %dma_start3A_95 : memref<1x128xi32, #tpu.memory_space<vmem>> -> memref<128xi32, #tpu.memory_space<vmem>>
              %dma_start3A_97 = arith.constant 0 : i32
              %dma_start3A_98 = arith.constant 0 : i32
              %dma_start3A_99 = tpu.memref_slice %arg11[%dma_start3A_97, %dma_start3A_98] : memref<10240x128xf32, #tpu.memory_space<vmem_shared>> -> memref<10240x128xf32, #tpu.memory_space<vmem_shared>>
              tpu.enqueue_indirect_dma source(%arg9 : memref<128x128xf32, #tpu.memory_space<vmem>>) target(%dma_start3A_99 : memref<10240x128xf32, #tpu.memory_space<vmem_shared>>) offsets(%dma_start3A_96 : memref<128xi32, #tpu.memory_space<vmem>>) semaphore(%run_scoped3A : memref<!tpu.dma_semaphore, #tpu.memory_space<semaphore_mem>>) {add = true}
              %dma_wait3A_100 = arith.constant 0 : i32
              %dma_wait3A_101 = tpu.memref_slice %arg8[%scan3A_45, %dma_wait3A_100] : memref<16x128xi32, #tpu.memory_space<vmem>> -> memref<1x128xi32, #tpu.memory_space<vmem>>
              %dma_wait3A_102 = tpu.memref_squeeze %dma_wait3A_101 : memref<1x128xi32, #tpu.memory_space<vmem>> -> memref<128xi32, #tpu.memory_space<vmem>>
              %dma_wait3A_103 = arith.constant 0 : i32
              %dma_wait3A_104 = arith.constant 0 : i32
              %dma_wait3A_105 = tpu.memref_slice %arg11[%dma_wait3A_103, %dma_wait3A_104] : memref<10240x128xf32, #tpu.memory_space<vmem_shared>> -> memref<10240x128xf32, #tpu.memory_space<vmem_shared>>
              tpu.wait_indirect_dma semaphore(%run_scoped3A : memref<!tpu.dma_semaphore, #tpu.memory_space<semaphore_mem>>) src(%arg9 : memref<128x128xf32, #tpu.memory_space<vmem>>) dst(%dma_wait3A_105 : memref<10240x128xf32, #tpu.memory_space<vmem_shared>>)
              tpu.yield
            }) : () -> ()
            %add3A_87 = arith.constant 2 : i32
            %add3A_88 = arith.addi %scan3A_45, %add3A_87 : i32
            %lt3A_89 = arith.constant 16 : i32
            %lt3A_90 = arith.cmpi slt, %add3A_88, %lt3A_89 : i32
            %convert_element_type3A_91 = arith.extui %lt3A_90 : i1 to i32
            %cond3A_92 = arith.constant 0 : i32
            %cond3A_93 = arith.cmpi ne, %convert_element_type3A_91, %cond3A_92 : i32
            scf.if %cond3A_93 {
              %add3A_94 = arith.constant 2 : i32
              %add3A_95 = arith.addi %scan3A_45, %add3A_94 : i32
              %dma_start3A_96 = arith.constant 0 : i32
              %dma_start3A_97 = tpu.memref_slice %arg7[%add3A_95, %dma_start3A_96] : memref<16x128xi32, #tpu.memory_space<vmem>> -> memref<1x128xi32, #tpu.memory_space<vmem>>
              %dma_start3A_98 = tpu.memref_squeeze %dma_start3A_97 : memref<1x128xi32, #tpu.memory_space<vmem>> -> memref<128xi32, #tpu.memory_space<vmem>>
              %dma_start3A_99 = arith.constant 0 : i32
              %dma_start3A_100 = arith.constant 0 : i32
              %dma_start3A_101 = tpu.memref_slice %arg2[%dma_start3A_99, %dma_start3A_100] : memref<10240x128xf32, #tpu.memory_space<hbm>> -> memref<10240x128xf32, #tpu.memory_space<hbm>>
              tpu.enqueue_indirect_dma source(%dma_start3A_101 : memref<10240x128xf32, #tpu.memory_space<hbm>>) target(%arg9 : memref<128x128xf32, #tpu.memory_space<vmem>>) offsets(%dma_start3A_98 : memref<128xi32, #tpu.memory_space<vmem>>) semaphore(%arg12 : memref<!tpu.dma_semaphore, #tpu.memory_space<semaphore_mem>>)
            } else {
            }
          } else {
          }
          %jit3A_61 = arith.constant 2 : i32
          %eq3A_62 = arith.constant 0 : i32
          %eq3A_63 = arith.cmpi eq, %jit3A_61, %eq3A_62 : i32
          %jit3A_64 = arith.constant 1 : i32
          %select_n3A_65 = arith.select %eq3A_63, %jit3A_64, %jit3A_61 : i32
          %rem3A_66 = arith.remsi %scan3A_45, %select_n3A_65 : i32
          %ne3A_67 = arith.constant 0 : i32
          %ne3A_68 = arith.cmpi ne, %rem3A_66, %ne3A_67 : i32
          %lt3A_69 = arith.constant 0 : i32
          %lt3A_70 = arith.cmpi slt, %rem3A_66, %lt3A_69 : i32
          %lt3A_71 = arith.constant 0 : i32
          %lt3A_72 = arith.cmpi slt, %select_n3A_65, %lt3A_71 : i32
          %ne3A_73 = arith.xori %lt3A_70, %lt3A_72 : i1
          %and3A_74 = arith.andi %ne3A_73, %ne3A_68 : i1
          %add3A_75 = arith.addi %rem3A_66, %select_n3A_65 : i32
          %select_n3A_76 = arith.select %and3A_74, %add3A_75, %rem3A_66 : i32
          %eq3A_77 = arith.constant 1 : i32
          %eq3A_78 = arith.cmpi eq, %select_n3A_76, %eq3A_77 : i32
          %convert_element_type3A_79 = arith.extui %eq3A_78 : i1 to i32
          %cond3A_80 = arith.constant 0 : i32
          %cond3A_81 = arith.cmpi ne, %convert_element_type3A_79, %cond3A_80 : i32
          scf.if %cond3A_81 {
            %dma_wait3A = arith.constant 0 : i32
            %dma_wait3A_82 = tpu.memref_slice %arg7[%scan3A_45, %dma_wait3A] : memref<16x128xi32, #tpu.memory_space<vmem>> -> memref<1x128xi32, #tpu.memory_space<vmem>>
            %dma_wait3A_83 = tpu.memref_squeeze %dma_wait3A_82 : memref<1x128xi32, #tpu.memory_space<vmem>> -> memref<128xi32, #tpu.memory_space<vmem>>
            %dma_wait3A_84 = arith.constant 0 : i32
            %dma_wait3A_85 = arith.constant 0 : i32
            %dma_wait3A_86 = tpu.memref_slice %arg2[%dma_wait3A_84, %dma_wait3A_85] : memref<10240x128xf32, #tpu.memory_space<hbm>> -> memref<10240x128xf32, #tpu.memory_space<hbm>>
            tpu.wait_indirect_dma semaphore(%arg13 : memref<!tpu.dma_semaphore, #tpu.memory_space<semaphore_mem>>) src(%dma_wait3A_86 : memref<10240x128xf32, #tpu.memory_space<hbm>>) dst(%arg10 : memref<128x128xf32, #tpu.memory_space<vmem>>)
            "tpu.region"() ({
              %run_scoped3A = tpu.sem_alloc : memref<!tpu.dma_semaphore, #tpu.memory_space<semaphore_mem>>
              %dma_start3A_94 = arith.constant 0 : i32
              %dma_start3A_95 = tpu.memref_slice %arg8[%scan3A_45, %dma_start3A_94] : memref<16x128xi32, #tpu.memory_space<vmem>> -> memref<1x128xi32, #tpu.memory_space<vmem>>
              %dma_start3A_96 = tpu.memref_squeeze %dma_start3A_95 : memref<1x128xi32, #tpu.memory_space<vmem>> -> memref<128xi32, #tpu.memory_space<vmem>>
              %dma_start3A_97 = arith.constant 0 : i32
              %dma_start3A_98 = arith.constant 0 : i32
              %dma_start3A_99 = tpu.memref_slice %arg11[%dma_start3A_97, %dma_start3A_98] : memref<10240x128xf32, #tpu.memory_space<vmem_shared>> -> memref<10240x128xf32, #tpu.memory_space<vmem_shared>>
              tpu.enqueue_indirect_dma source(%arg10 : memref<128x128xf32, #tpu.memory_space<vmem>>) target(%dma_start3A_99 : memref<10240x128xf32, #tpu.memory_space<vmem_shared>>) offsets(%dma_start3A_96 : memref<128xi32, #tpu.memory_space<vmem>>) semaphore(%run_scoped3A : memref<!tpu.dma_semaphore, #tpu.memory_space<semaphore_mem>>) {add = true}
              %dma_wait3A_100 = arith.constant 0 : i32
              %dma_wait3A_101 = tpu.memref_slice %arg8[%scan3A_45, %dma_wait3A_100] : memref<16x128xi32, #tpu.memory_space<vmem>> -> memref<1x128xi32, #tpu.memory_space<vmem>>
              %dma_wait3A_102 = tpu.memref_squeeze %dma_wait3A_101 : memref<1x128xi32, #tpu.memory_space<vmem>> -> memref<128xi32, #tpu.memory_space<vmem>>
              %dma_wait3A_103 = arith.constant 0 : i32
              %dma_wait3A_104 = arith.constant 0 : i32
              %dma_wait3A_105 = tpu.memref_slice %arg11[%dma_wait3A_103, %dma_wait3A_104] : memref<10240x128xf32, #tpu.memory_space<vmem_shared>> -> memref<10240x128xf32, #tpu.memory_space<vmem_shared>>
              tpu.wait_indirect_dma semaphore(%run_scoped3A : memref<!tpu.dma_semaphore, #tpu.memory_space<semaphore_mem>>) src(%arg10 : memref<128x128xf32, #tpu.memory_space<vmem>>) dst(%dma_wait3A_105 : memref<10240x128xf32, #tpu.memory_space<vmem_shared>>)
              tpu.yield
            }) : () -> ()
            %add3A_87 = arith.constant 2 : i32
            %add3A_88 = arith.addi %scan3A_45, %add3A_87 : i32
            %lt3A_89 = arith.constant 16 : i32
            %lt3A_90 = arith.cmpi slt, %add3A_88, %lt3A_89 : i32
            %convert_element_type3A_91 = arith.extui %lt3A_90 : i1 to i32
            %cond3A_92 = arith.constant 0 : i32
            %cond3A_93 = arith.cmpi ne, %convert_element_type3A_91, %cond3A_92 : i32
            scf.if %cond3A_93 {
              %add3A_94 = arith.constant 2 : i32
              %add3A_95 = arith.addi %scan3A_45, %add3A_94 : i32
              %dma_start3A_96 = arith.constant 0 : i32
              %dma_start3A_97 = tpu.memref_slice %arg7[%add3A_95, %dma_start3A_96] : memref<16x128xi32, #tpu.memory_space<vmem>> -> memref<1x128xi32, #tpu.memory_space<vmem>>
              %dma_start3A_98 = tpu.memref_squeeze %dma_start3A_97 : memref<1x128xi32, #tpu.memory_space<vmem>> -> memref<128xi32, #tpu.memory_space<vmem>>
              %dma_start3A_99 = arith.constant 0 : i32
              %dma_start3A_100 = arith.constant 0 : i32
              %dma_start3A_101 = tpu.memref_slice %arg2[%dma_start3A_99, %dma_start3A_100] : memref<10240x128xf32, #tpu.memory_space<hbm>> -> memref<10240x128xf32, #tpu.memory_space<hbm>>
              tpu.enqueue_indirect_dma source(%dma_start3A_101 : memref<10240x128xf32, #tpu.memory_space<hbm>>) target(%arg10 : memref<128x128xf32, #tpu.memory_space<vmem>>) offsets(%dma_start3A_98 : memref<128xi32, #tpu.memory_space<vmem>>) semaphore(%arg13 : memref<!tpu.dma_semaphore, #tpu.memory_space<semaphore_mem>>)
            } else {
            }
          } else {
          }
        }
        %scan3A_44 = arith.constant 16 : i32
      }
      %scan3A_22 = arith.constant 5 : i32
    } else {
    }
    %barrier3A_10 = arith.constant 0 : index
    tpu.barrier barrier_id(%barrier3A_10)
    %mul3A_11 = arith.constant 640 : i32
    %mul3A_12 = arith.muli %arg1, %mul3A_11 : i32
    %mul3A_13 = arith.constant 640 : i32
    %mul3A_14 = arith.muli %arg1, %mul3A_13 : i32
    "tpu.region"() ({
      %run_scoped3A = tpu.sem_alloc : memref<!tpu.dma_semaphore, #tpu.memory_space<semaphore_mem>>
      %dma_start3A = arith.constant 0 : i32
      %dma_start3A_15 = tpu.memref_slice %arg6[%arg0, %mul3A_14, %dma_start3A] : memref<2x10240x128xf32, #tpu.memory_space<hbm>> -> memref<1x640x128xf32, #tpu.memory_space<hbm>>
      %dma_start3A_16 = tpu.memref_squeeze %dma_start3A_15 : memref<1x640x128xf32, #tpu.memory_space<hbm>> -> memref<640x128xf32, #tpu.memory_space<hbm>>
      %dma_start3A_17 = arith.constant 0 : i32
      %dma_start3A_18 = tpu.memref_slice %arg11[%mul3A_12, %dma_start3A_17] : memref<10240x128xf32, #tpu.memory_space<vmem_shared>> -> memref<640x128xf32, #tpu.memory_space<vmem_shared>>
      tpu.enqueue_dma source(%dma_start3A_18 : memref<640x128xf32, #tpu.memory_space<vmem_shared>>) target(%dma_start3A_16 : memref<640x128xf32, #tpu.memory_space<hbm>>) target_semaphore(%run_scoped3A : memref<!tpu.dma_semaphore, #tpu.memory_space<semaphore_mem>>)
      %dma_wait3A = arith.constant 0 : i32
      %dma_wait3A_19 = tpu.memref_slice %arg6[%arg0, %mul3A_14, %dma_wait3A] : memref<2x10240x128xf32, #tpu.memory_space<hbm>> -> memref<1x640x128xf32, #tpu.memory_space<hbm>>
      %dma_wait3A_20 = tpu.memref_squeeze %dma_wait3A_19 : memref<1x640x128xf32, #tpu.memory_space<hbm>> -> memref<640x128xf32, #tpu.memory_space<hbm>>
      %dma_wait3A_21 = arith.constant 0 : i32
      %dma_wait3A_22 = tpu.memref_slice %arg11[%mul3A_12, %dma_wait3A_21] : memref<10240x128xf32, #tpu.memory_space<vmem_shared>> -> memref<640x128xf32, #tpu.memory_space<vmem_shared>>
      tpu.wait_dma2 semaphore(%run_scoped3A : memref<!tpu.dma_semaphore, #tpu.memory_space<semaphore_mem>>) src(%dma_wait3A_22 : memref<640x128xf32, #tpu.memory_space<vmem_shared>>) dst(%dma_wait3A_20 : memref<640x128xf32, #tpu.memory_space<hbm>>)
      tpu.yield
    }) : () -> ()
    return
  }
}

#map = affine_map<(d0, d1) -> (0, 0)>
#map1 = affine_map<(d0, d1) -> (0, 0, 0)>
module attributes {stable_mosaic.version = 14 : i64} {
  func.func @agg_kernel(%arg0: i32, %arg1: i32, %arg2: memref<10240x128xf32, #tpu.memory_space<hbm>>, %arg3: memref<320x16x128xi32, #tpu.memory_space<hbm>>, %arg4: memref<320x16x128xi32, #tpu.memory_space<hbm>>, %arg5: memref<10240x128xf32, #tpu.memory_space<hbm>>, %arg6: memref<2x10240x128xf32, #tpu.memory_space<hbm>>, %arg7: memref<16x128xi32, #tpu.memory_space<vmem>>, %arg8: memref<16x128xi32, #tpu.memory_space<vmem>>, %arg9: memref<128x128xf32, #tpu.memory_space<vmem>>, %arg10: memref<128x128xf32, #tpu.memory_space<vmem>>, %arg11: memref<10240x128xf32, #tpu.memory_space<vmem_shared>>, %arg12: memref<!tpu.dma_semaphore, #tpu.memory_space<semaphore_mem>>, %arg13: memref<!tpu.dma_semaphore, #tpu.memory_space<semaphore_mem>>) attributes {dimension_semantics = [#tpu.dimension_semantics<core_parallel>, #tpu.dimension_semantics<subcore_parallel>], iteration_bounds = array<i64: 2, 16>, scalar_prefetch = 0 : i64, scratch_operands = 7 : i64, tpu.core_type = #tpu.core_type<sc_vector_subcore>, window_params = [{transform_indices = #map}, {transform_indices = #map1}, {transform_indices = #map1}, {transform_indices = #map}, {transform_indices = #map1}]} {
    %mul3A = arith.constant 640 : i32
    %mul3A_0 = arith.muli %arg1, %mul3A : i32
    %mul3A_1 = arith.constant 640 : i32
    %mul3A_2 = arith.muli %arg1, %mul3A_1 : i32
    "tpu.region"() ({
      %run_scoped3A = tpu.sem_alloc : memref<!tpu.dma_semaphore, #tpu.memory_space<semaphore_mem>>
      %dma_start3A = arith.constant 0 : i32
      %dma_start3A_15 = tpu.memref_slice %arg11[%mul3A_2, %dma_start3A] : memref<10240x128xf32, #tpu.memory_space<vmem_shared>> -> memref<640x128xf32, #tpu.memory_space<vmem_shared>>
      %dma_start3A_16 = arith.constant 0 : i32
      %dma_start3A_17 = tpu.memref_slice %arg5[%mul3A_0, %dma_start3A_16] : memref<10240x128xf32, #tpu.memory_space<hbm>> -> memref<640x128xf32, #tpu.memory_space<hbm>>
      tpu.enqueue_dma source(%dma_start3A_17 : memref<640x128xf32, #tpu.memory_space<hbm>>) target(%dma_start3A_15 : memref<640x128xf32, #tpu.memory_space<vmem_shared>>) target_semaphore(%run_scoped3A : memref<!tpu.dma_semaphore, #tpu.memory_space<semaphore_mem>>)
      %dma_wait3A = arith.constant 0 : i32
      %dma_wait3A_18 = tpu.memref_slice %arg11[%mul3A_2, %dma_wait3A] : memref<10240x128xf32, #tpu.memory_space<vmem_shared>> -> memref<640x128xf32, #tpu.memory_space<vmem_shared>>
      %dma_wait3A_19 = arith.constant 0 : i32
      %dma_wait3A_20 = tpu.memref_slice %arg5[%mul3A_0, %dma_wait3A_19] : memref<10240x128xf32, #tpu.memory_space<hbm>> -> memref<640x128xf32, #tpu.memory_space<hbm>>
      tpu.wait_dma2 semaphore(%run_scoped3A : memref<!tpu.dma_semaphore, #tpu.memory_space<semaphore_mem>>) src(%dma_wait3A_20 : memref<640x128xf32, #tpu.memory_space<hbm>>) dst(%dma_wait3A_18 : memref<640x128xf32, #tpu.memory_space<vmem_shared>>)
      tpu.yield
    }) : () -> ()
    %barrier3A = arith.constant 0 : index
    tpu.barrier barrier_id(%barrier3A)
    %eq3A = arith.constant 0 : i32
    %eq3A_3 = arith.cmpi eq, %arg0, %eq3A : i32
    %convert_element_type3A = arith.extui %eq3A_3 : i1 to i32
    %cond3A = arith.constant 0 : i32
    %cond3A_4 = arith.cmpi ne, %convert_element_type3A, %cond3A : i32
    scf.if %cond3A_4 {
      %mul3A_15 = arith.constant 15 : i32
      %mul3A_16 = arith.muli %arg1, %mul3A_15 : i32
      %scan3A = arith.constant 0 : i32
      %scan3A_17 = arith.constant 0 : i32
      %scan3A_18 = arith.constant 15 : i32
      %scan3A_19 = arith.addi %scan3A_17, %scan3A_18 : i32
      %scan3A_20 = arith.constant 1 : i32
      scf.for %scan3A_22 = %scan3A_17 to %scan3A_19 step %scan3A_20  : i32 {
        %add3A = arith.addi %mul3A_16, %scan3A_22 : i32
        "tpu.region"() ({
          %run_scoped3A = tpu.sem_alloc : memref<!tpu.dma_semaphore, #tpu.memory_space<semaphore_mem>>
          %dma_start3A_43 = arith.constant 0 : i32
          %dma_start3A_44 = arith.constant 0 : i32
          %dma_start3A_45 = tpu.memref_slice %arg3[%add3A, %dma_start3A_43, %dma_start3A_44] : memref<320x16x128xi32, #tpu.memory_space<hbm>> -> memref<1x16x128xi32, #tpu.memory_space<hbm>>
          %dma_start3A_46 = tpu.memref_squeeze %dma_start3A_45 : memref<1x16x128xi32, #tpu.memory_space<hbm>> -> memref<16x128xi32, #tpu.memory_space<hbm>>
          %dma_start3A_47 = arith.constant 0 : i32
          %dma_start3A_48 = arith.constant 0 : i32
          %dma_start3A_49 = tpu.memref_slice %arg3[%add3A, %dma_start3A_47, %dma_start3A_48] : memref<320x16x128xi32, #tpu.memory_space<hbm>> -> memref<1x16x128xi32, #tpu.memory_space<hbm>>
          %dma_start3A_50 = tpu.memref_squeeze %dma_start3A_49 : memref<1x16x128xi32, #tpu.memory_space<hbm>> -> memref<16x128xi32, #tpu.memory_space<hbm>>
          tpu.enqueue_dma source(%dma_start3A_50 : memref<16x128xi32, #tpu.memory_space<hbm>>) target(%arg7 : memref<16x128xi32, #tpu.memory_space<vmem>>) target_semaphore(%run_scoped3A : memref<!tpu.dma_semaphore, #tpu.memory_space<semaphore_mem>>)
          %dma_wait3A = arith.constant 0 : i32
          %dma_wait3A_51 = arith.constant 0 : i32
          %dma_wait3A_52 = tpu.memref_slice %arg3[%add3A, %dma_wait3A, %dma_wait3A_51] : memref<320x16x128xi32, #tpu.memory_space<hbm>> -> memref<1x16x128xi32, #tpu.memory_space<hbm>>
          %dma_wait3A_53 = tpu.memref_squeeze %dma_wait3A_52 : memref<1x16x128xi32, #tpu.memory_space<hbm>> -> memref<16x128xi32, #tpu.memory_space<hbm>>
          %dma_wait3A_54 = arith.constant 0 : i32
          %dma_wait3A_55 = arith.constant 0 : i32
          %dma_wait3A_56 = tpu.memref_slice %arg3[%add3A, %dma_wait3A_54, %dma_wait3A_55] : memref<320x16x128xi32, #tpu.memory_space<hbm>> -> memref<1x16x128xi32, #tpu.memory_space<hbm>>
          %dma_wait3A_57 = tpu.memref_squeeze %dma_wait3A_56 : memref<1x16x128xi32, #tpu.memory_space<hbm>> -> memref<16x128xi32, #tpu.memory_space<hbm>>
          tpu.wait_dma2 semaphore(%run_scoped3A : memref<!tpu.dma_semaphore, #tpu.memory_space<semaphore_mem>>) src(%dma_wait3A_57 : memref<16x128xi32, #tpu.memory_space<hbm>>) dst(%arg7 : memref<16x128xi32, #tpu.memory_space<vmem>>)
          tpu.yield
        }) : () -> ()
        %add3A_23 = arith.addi %mul3A_16, %scan3A_22 : i32
        "tpu.region"() ({
          %run_scoped3A = tpu.sem_alloc : memref<!tpu.dma_semaphore, #tpu.memory_space<semaphore_mem>>
          %dma_start3A_43 = arith.constant 0 : i32
          %dma_start3A_44 = arith.constant 0 : i32
          %dma_start3A_45 = tpu.memref_slice %arg4[%add3A_23, %dma_start3A_43, %dma_start3A_44] : memref<320x16x128xi32, #tpu.memory_space<hbm>> -> memref<1x16x128xi32, #tpu.memory_space<hbm>>
          %dma_start3A_46 = tpu.memref_squeeze %dma_start3A_45 : memref<1x16x128xi32, #tpu.memory_space<hbm>> -> memref<16x128xi32, #tpu.memory_space<hbm>>
          %dma_start3A_47 = arith.constant 0 : i32
          %dma_start3A_48 = arith.constant 0 : i32
          %dma_start3A_49 = tpu.memref_slice %arg4[%add3A_23, %dma_start3A_47, %dma_start3A_48] : memref<320x16x128xi32, #tpu.memory_space<hbm>> -> memref<1x16x128xi32, #tpu.memory_space<hbm>>
          %dma_start3A_50 = tpu.memref_squeeze %dma_start3A_49 : memref<1x16x128xi32, #tpu.memory_space<hbm>> -> memref<16x128xi32, #tpu.memory_space<hbm>>
          tpu.enqueue_dma source(%dma_start3A_50 : memref<16x128xi32, #tpu.memory_space<hbm>>) target(%arg8 : memref<16x128xi32, #tpu.memory_space<vmem>>) target_semaphore(%run_scoped3A : memref<!tpu.dma_semaphore, #tpu.memory_space<semaphore_mem>>)
          %dma_wait3A = arith.constant 0 : i32
          %dma_wait3A_51 = arith.constant 0 : i32
          %dma_wait3A_52 = tpu.memref_slice %arg4[%add3A_23, %dma_wait3A, %dma_wait3A_51] : memref<320x16x128xi32, #tpu.memory_space<hbm>> -> memref<1x16x128xi32, #tpu.memory_space<hbm>>
          %dma_wait3A_53 = tpu.memref_squeeze %dma_wait3A_52 : memref<1x16x128xi32, #tpu.memory_space<hbm>> -> memref<16x128xi32, #tpu.memory_space<hbm>>
          %dma_wait3A_54 = arith.constant 0 : i32
          %dma_wait3A_55 = arith.constant 0 : i32
          %dma_wait3A_56 = tpu.memref_slice %arg4[%add3A_23, %dma_wait3A_54, %dma_wait3A_55] : memref<320x16x128xi32, #tpu.memory_space<hbm>> -> memref<1x16x128xi32, #tpu.memory_space<hbm>>
          %dma_wait3A_57 = tpu.memref_squeeze %dma_wait3A_56 : memref<1x16x128xi32, #tpu.memory_space<hbm>> -> memref<16x128xi32, #tpu.memory_space<hbm>>
          tpu.wait_dma2 semaphore(%run_scoped3A : memref<!tpu.dma_semaphore, #tpu.memory_space<semaphore_mem>>) src(%dma_wait3A_57 : memref<16x128xi32, #tpu.memory_space<hbm>>) dst(%arg8 : memref<16x128xi32, #tpu.memory_space<vmem>>)
          tpu.yield
        }) : () -> ()
        %dma_start3A = arith.constant 0 : i32
        %dma_start3A_24 = arith.constant 0 : i32
        %dma_start3A_25 = tpu.memref_slice %arg7[%dma_start3A, %dma_start3A_24] : memref<16x128xi32, #tpu.memory_space<vmem>> -> memref<1x128xi32, #tpu.memory_space<vmem>>
        %dma_start3A_26 = tpu.memref_squeeze %dma_start3A_25 : memref<1x128xi32, #tpu.memory_space<vmem>> -> memref<128xi32, #tpu.memory_space<vmem>>
        %dma_start3A_27 = arith.constant 0 : i32
        %dma_start3A_28 = arith.constant 0 : i32
        %dma_start3A_29 = tpu.memref_slice %arg2[%dma_start3A_27, %dma_start3A_28] : memref<10240x128xf32, #tpu.memory_space<hbm>> -> memref<10240x128xf32, #tpu.memory_space<hbm>>
        tpu.enqueue_indirect_dma source(%dma_start3A_29 : memref<10240x128xf32, #tpu.memory_space<hbm>>) target(%arg9 : memref<128x128xf32, #tpu.memory_space<vmem>>) offsets(%dma_start3A_26 : memref<128xi32, #tpu.memory_space<vmem>>) semaphore(%arg12 : memref<!tpu.dma_semaphore, #tpu.memory_space<semaphore_mem>>)
        %dma_start3A_30 = arith.constant 1 : i32
        %dma_start3A_31 = arith.constant 0 : i32
        %dma_start3A_32 = tpu.memref_slice %arg7[%dma_start3A_30, %dma_start3A_31] : memref<16x128xi32, #tpu.memory_space<vmem>> -> memref<1x128xi32, #tpu.memory_space<vmem>>
        %dma_start3A_33 = tpu.memref_squeeze %dma_start3A_32 : memref<1x128xi32, #tpu.memory_space<vmem>> -> memref<128xi32, #tpu.memory_space<vmem>>
        %dma_start3A_34 = arith.constant 0 : i32
        %dma_start3A_35 = arith.constant 0 : i32
        %dma_start3A_36 = tpu.memref_slice %arg2[%dma_start3A_34, %dma_start3A_35] : memref<10240x128xf32, #tpu.memory_space<hbm>> -> memref<10240x128xf32, #tpu.memory_space<hbm>>
        tpu.enqueue_indirect_dma source(%dma_start3A_36 : memref<10240x128xf32, #tpu.memory_space<hbm>>) target(%arg10 : memref<128x128xf32, #tpu.memory_space<vmem>>) offsets(%dma_start3A_33 : memref<128xi32, #tpu.memory_space<vmem>>) semaphore(%arg13 : memref<!tpu.dma_semaphore, #tpu.memory_space<semaphore_mem>>)
        %scan3A_37 = arith.constant 0 : i32
        %scan3A_38 = arith.constant 0 : i32
        %scan3A_39 = arith.constant 16 : i32
        %scan3A_40 = arith.addi %scan3A_38, %scan3A_39 : i32
        %scan3A_41 = arith.constant 1 : i32
        scf.for %scan3A_43 = %scan3A_38 to %scan3A_40 step %scan3A_41  : i32 {
          %jit3A = arith.constant 2 : i32
          %eq3A_44 = arith.constant 0 : i32
          %eq3A_45 = arith.cmpi eq, %jit3A, %eq3A_44 : i32
          %jit3A_46 = arith.constant 1 : i32
          %select_n3A = arith.select %eq3A_45, %jit3A_46, %jit3A : i32
          %rem3A = arith.remsi %scan3A_43, %select_n3A : i32
          %ne3A = arith.constant 0 : i32
          %ne3A_47 = arith.cmpi ne, %rem3A, %ne3A : i32
          %lt3A = arith.constant 0 : i32
          %lt3A_48 = arith.cmpi slt, %rem3A, %lt3A : i32
          %lt3A_49 = arith.constant 0 : i32
          %lt3A_50 = arith.cmpi slt, %select_n3A, %lt3A_49 : i32
          %ne3A_51 = arith.xori %lt3A_48, %lt3A_50 : i1
          %and3A = arith.andi %ne3A_51, %ne3A_47 : i1
          %add3A_52 = arith.addi %rem3A, %select_n3A : i32
          %select_n3A_53 = arith.select %and3A, %add3A_52, %rem3A : i32
          %eq3A_54 = arith.constant 0 : i32
          %eq3A_55 = arith.cmpi eq, %select_n3A_53, %eq3A_54 : i32
          %convert_element_type3A_56 = arith.extui %eq3A_55 : i1 to i32
          %cond3A_57 = arith.constant 0 : i32
          %cond3A_58 = arith.cmpi ne, %convert_element_type3A_56, %cond3A_57 : i32
          scf.if %cond3A_58 {
            %dma_wait3A = arith.constant 0 : i32
            %dma_wait3A_80 = tpu.memref_slice %arg7[%scan3A_43, %dma_wait3A] : memref<16x128xi32, #tpu.memory_space<vmem>> -> memref<1x128xi32, #tpu.memory_space<vmem>>
            %dma_wait3A_81 = tpu.memref_squeeze %dma_wait3A_80 : memref<1x128xi32, #tpu.memory_space<vmem>> -> memref<128xi32, #tpu.memory_space<vmem>>
            %dma_wait3A_82 = arith.constant 0 : i32
            %dma_wait3A_83 = arith.constant 0 : i32
            %dma_wait3A_84 = tpu.memref_slice %arg2[%dma_wait3A_82, %dma_wait3A_83] : memref<10240x128xf32, #tpu.memory_space<hbm>> -> memref<10240x128xf32, #tpu.memory_space<hbm>>
            tpu.wait_indirect_dma semaphore(%arg12 : memref<!tpu.dma_semaphore, #tpu.memory_space<semaphore_mem>>) src(%dma_wait3A_84 : memref<10240x128xf32, #tpu.memory_space<hbm>>) dst(%arg9 : memref<128x128xf32, #tpu.memory_space<vmem>>)
            "tpu.region"() ({
              %run_scoped3A = tpu.sem_alloc : memref<!tpu.dma_semaphore, #tpu.memory_space<semaphore_mem>>
              %dma_start3A_92 = arith.constant 0 : i32
              %dma_start3A_93 = tpu.memref_slice %arg8[%scan3A_43, %dma_start3A_92] : memref<16x128xi32, #tpu.memory_space<vmem>> -> memref<1x128xi32, #tpu.memory_space<vmem>>
              %dma_start3A_94 = tpu.memref_squeeze %dma_start3A_93 : memref<1x128xi32, #tpu.memory_space<vmem>> -> memref<128xi32, #tpu.memory_space<vmem>>
              %dma_start3A_95 = arith.constant 0 : i32
              %dma_start3A_96 = arith.constant 0 : i32
              %dma_start3A_97 = tpu.memref_slice %arg11[%dma_start3A_95, %dma_start3A_96] : memref<10240x128xf32, #tpu.memory_space<vmem_shared>> -> memref<10240x128xf32, #tpu.memory_space<vmem_shared>>
              tpu.enqueue_indirect_dma source(%arg9 : memref<128x128xf32, #tpu.memory_space<vmem>>) target(%dma_start3A_97 : memref<10240x128xf32, #tpu.memory_space<vmem_shared>>) offsets(%dma_start3A_94 : memref<128xi32, #tpu.memory_space<vmem>>) semaphore(%run_scoped3A : memref<!tpu.dma_semaphore, #tpu.memory_space<semaphore_mem>>) {add = true}
              %dma_wait3A_98 = arith.constant 0 : i32
              %dma_wait3A_99 = tpu.memref_slice %arg8[%scan3A_43, %dma_wait3A_98] : memref<16x128xi32, #tpu.memory_space<vmem>> -> memref<1x128xi32, #tpu.memory_space<vmem>>
              %dma_wait3A_100 = tpu.memref_squeeze %dma_wait3A_99 : memref<1x128xi32, #tpu.memory_space<vmem>> -> memref<128xi32, #tpu.memory_space<vmem>>
              %dma_wait3A_101 = arith.constant 0 : i32
              %dma_wait3A_102 = arith.constant 0 : i32
              %dma_wait3A_103 = tpu.memref_slice %arg11[%dma_wait3A_101, %dma_wait3A_102] : memref<10240x128xf32, #tpu.memory_space<vmem_shared>> -> memref<10240x128xf32, #tpu.memory_space<vmem_shared>>
              tpu.wait_indirect_dma semaphore(%run_scoped3A : memref<!tpu.dma_semaphore, #tpu.memory_space<semaphore_mem>>) src(%arg9 : memref<128x128xf32, #tpu.memory_space<vmem>>) dst(%dma_wait3A_103 : memref<10240x128xf32, #tpu.memory_space<vmem_shared>>)
              tpu.yield
            }) : () -> ()
            %add3A_85 = arith.constant 2 : i32
            %add3A_86 = arith.addi %scan3A_43, %add3A_85 : i32
            %lt3A_87 = arith.constant 16 : i32
            %lt3A_88 = arith.cmpi slt, %add3A_86, %lt3A_87 : i32
            %convert_element_type3A_89 = arith.extui %lt3A_88 : i1 to i32
            %cond3A_90 = arith.constant 0 : i32
            %cond3A_91 = arith.cmpi ne, %convert_element_type3A_89, %cond3A_90 : i32
            scf.if %cond3A_91 {
              %add3A_92 = arith.constant 2 : i32
              %add3A_93 = arith.addi %scan3A_43, %add3A_92 : i32
              %dma_start3A_94 = arith.constant 0 : i32
              %dma_start3A_95 = tpu.memref_slice %arg7[%add3A_93, %dma_start3A_94] : memref<16x128xi32, #tpu.memory_space<vmem>> -> memref<1x128xi32, #tpu.memory_space<vmem>>
              %dma_start3A_96 = tpu.memref_squeeze %dma_start3A_95 : memref<1x128xi32, #tpu.memory_space<vmem>> -> memref<128xi32, #tpu.memory_space<vmem>>
              %dma_start3A_97 = arith.constant 0 : i32
              %dma_start3A_98 = arith.constant 0 : i32
              %dma_start3A_99 = tpu.memref_slice %arg2[%dma_start3A_97, %dma_start3A_98] : memref<10240x128xf32, #tpu.memory_space<hbm>> -> memref<10240x128xf32, #tpu.memory_space<hbm>>
              tpu.enqueue_indirect_dma source(%dma_start3A_99 : memref<10240x128xf32, #tpu.memory_space<hbm>>) target(%arg9 : memref<128x128xf32, #tpu.memory_space<vmem>>) offsets(%dma_start3A_96 : memref<128xi32, #tpu.memory_space<vmem>>) semaphore(%arg12 : memref<!tpu.dma_semaphore, #tpu.memory_space<semaphore_mem>>)
            } else {
            }
          } else {
          }
          %jit3A_59 = arith.constant 2 : i32
          %eq3A_60 = arith.constant 0 : i32
          %eq3A_61 = arith.cmpi eq, %jit3A_59, %eq3A_60 : i32
          %jit3A_62 = arith.constant 1 : i32
          %select_n3A_63 = arith.select %eq3A_61, %jit3A_62, %jit3A_59 : i32
          %rem3A_64 = arith.remsi %scan3A_43, %select_n3A_63 : i32
          %ne3A_65 = arith.constant 0 : i32
          %ne3A_66 = arith.cmpi ne, %rem3A_64, %ne3A_65 : i32
          %lt3A_67 = arith.constant 0 : i32
          %lt3A_68 = arith.cmpi slt, %rem3A_64, %lt3A_67 : i32
          %lt3A_69 = arith.constant 0 : i32
          %lt3A_70 = arith.cmpi slt, %select_n3A_63, %lt3A_69 : i32
          %ne3A_71 = arith.xori %lt3A_68, %lt3A_70 : i1
          %and3A_72 = arith.andi %ne3A_71, %ne3A_66 : i1
          %add3A_73 = arith.addi %rem3A_64, %select_n3A_63 : i32
          %select_n3A_74 = arith.select %and3A_72, %add3A_73, %rem3A_64 : i32
          %eq3A_75 = arith.constant 1 : i32
          %eq3A_76 = arith.cmpi eq, %select_n3A_74, %eq3A_75 : i32
          %convert_element_type3A_77 = arith.extui %eq3A_76 : i1 to i32
          %cond3A_78 = arith.constant 0 : i32
          %cond3A_79 = arith.cmpi ne, %convert_element_type3A_77, %cond3A_78 : i32
          scf.if %cond3A_79 {
            %dma_wait3A = arith.constant 0 : i32
            %dma_wait3A_80 = tpu.memref_slice %arg7[%scan3A_43, %dma_wait3A] : memref<16x128xi32, #tpu.memory_space<vmem>> -> memref<1x128xi32, #tpu.memory_space<vmem>>
            %dma_wait3A_81 = tpu.memref_squeeze %dma_wait3A_80 : memref<1x128xi32, #tpu.memory_space<vmem>> -> memref<128xi32, #tpu.memory_space<vmem>>
            %dma_wait3A_82 = arith.constant 0 : i32
            %dma_wait3A_83 = arith.constant 0 : i32
            %dma_wait3A_84 = tpu.memref_slice %arg2[%dma_wait3A_82, %dma_wait3A_83] : memref<10240x128xf32, #tpu.memory_space<hbm>> -> memref<10240x128xf32, #tpu.memory_space<hbm>>
            tpu.wait_indirect_dma semaphore(%arg13 : memref<!tpu.dma_semaphore, #tpu.memory_space<semaphore_mem>>) src(%dma_wait3A_84 : memref<10240x128xf32, #tpu.memory_space<hbm>>) dst(%arg10 : memref<128x128xf32, #tpu.memory_space<vmem>>)
            "tpu.region"() ({
              %run_scoped3A = tpu.sem_alloc : memref<!tpu.dma_semaphore, #tpu.memory_space<semaphore_mem>>
              %dma_start3A_92 = arith.constant 0 : i32
              %dma_start3A_93 = tpu.memref_slice %arg8[%scan3A_43, %dma_start3A_92] : memref<16x128xi32, #tpu.memory_space<vmem>> -> memref<1x128xi32, #tpu.memory_space<vmem>>
              %dma_start3A_94 = tpu.memref_squeeze %dma_start3A_93 : memref<1x128xi32, #tpu.memory_space<vmem>> -> memref<128xi32, #tpu.memory_space<vmem>>
              %dma_start3A_95 = arith.constant 0 : i32
              %dma_start3A_96 = arith.constant 0 : i32
              %dma_start3A_97 = tpu.memref_slice %arg11[%dma_start3A_95, %dma_start3A_96] : memref<10240x128xf32, #tpu.memory_space<vmem_shared>> -> memref<10240x128xf32, #tpu.memory_space<vmem_shared>>
              tpu.enqueue_indirect_dma source(%arg10 : memref<128x128xf32, #tpu.memory_space<vmem>>) target(%dma_start3A_97 : memref<10240x128xf32, #tpu.memory_space<vmem_shared>>) offsets(%dma_start3A_94 : memref<128xi32, #tpu.memory_space<vmem>>) semaphore(%run_scoped3A : memref<!tpu.dma_semaphore, #tpu.memory_space<semaphore_mem>>) {add = true}
              %dma_wait3A_98 = arith.constant 0 : i32
              %dma_wait3A_99 = tpu.memref_slice %arg8[%scan3A_43, %dma_wait3A_98] : memref<16x128xi32, #tpu.memory_space<vmem>> -> memref<1x128xi32, #tpu.memory_space<vmem>>
              %dma_wait3A_100 = tpu.memref_squeeze %dma_wait3A_99 : memref<1x128xi32, #tpu.memory_space<vmem>> -> memref<128xi32, #tpu.memory_space<vmem>>
              %dma_wait3A_101 = arith.constant 0 : i32
              %dma_wait3A_102 = arith.constant 0 : i32
              %dma_wait3A_103 = tpu.memref_slice %arg11[%dma_wait3A_101, %dma_wait3A_102] : memref<10240x128xf32, #tpu.memory_space<vmem_shared>> -> memref<10240x128xf32, #tpu.memory_space<vmem_shared>>
              tpu.wait_indirect_dma semaphore(%run_scoped3A : memref<!tpu.dma_semaphore, #tpu.memory_space<semaphore_mem>>) src(%arg10 : memref<128x128xf32, #tpu.memory_space<vmem>>) dst(%dma_wait3A_103 : memref<10240x128xf32, #tpu.memory_space<vmem_shared>>)
              tpu.yield
            }) : () -> ()
            %add3A_85 = arith.constant 2 : i32
            %add3A_86 = arith.addi %scan3A_43, %add3A_85 : i32
            %lt3A_87 = arith.constant 16 : i32
            %lt3A_88 = arith.cmpi slt, %add3A_86, %lt3A_87 : i32
            %convert_element_type3A_89 = arith.extui %lt3A_88 : i1 to i32
            %cond3A_90 = arith.constant 0 : i32
            %cond3A_91 = arith.cmpi ne, %convert_element_type3A_89, %cond3A_90 : i32
            scf.if %cond3A_91 {
              %add3A_92 = arith.constant 2 : i32
              %add3A_93 = arith.addi %scan3A_43, %add3A_92 : i32
              %dma_start3A_94 = arith.constant 0 : i32
              %dma_start3A_95 = tpu.memref_slice %arg7[%add3A_93, %dma_start3A_94] : memref<16x128xi32, #tpu.memory_space<vmem>> -> memref<1x128xi32, #tpu.memory_space<vmem>>
              %dma_start3A_96 = tpu.memref_squeeze %dma_start3A_95 : memref<1x128xi32, #tpu.memory_space<vmem>> -> memref<128xi32, #tpu.memory_space<vmem>>
              %dma_start3A_97 = arith.constant 0 : i32
              %dma_start3A_98 = arith.constant 0 : i32
              %dma_start3A_99 = tpu.memref_slice %arg2[%dma_start3A_97, %dma_start3A_98] : memref<10240x128xf32, #tpu.memory_space<hbm>> -> memref<10240x128xf32, #tpu.memory_space<hbm>>
              tpu.enqueue_indirect_dma source(%dma_start3A_99 : memref<10240x128xf32, #tpu.memory_space<hbm>>) target(%arg10 : memref<128x128xf32, #tpu.memory_space<vmem>>) offsets(%dma_start3A_96 : memref<128xi32, #tpu.memory_space<vmem>>) semaphore(%arg13 : memref<!tpu.dma_semaphore, #tpu.memory_space<semaphore_mem>>)
            } else {
            }
          } else {
          }
        }
        %scan3A_42 = arith.constant 16 : i32
      }
      %scan3A_21 = arith.constant 15 : i32
    } else {
    }
    %eq3A_5 = arith.constant 1 : i32
    %eq3A_6 = arith.cmpi eq, %arg0, %eq3A_5 : i32
    %convert_element_type3A_7 = arith.extui %eq3A_6 : i1 to i32
    %cond3A_8 = arith.constant 0 : i32
    %cond3A_9 = arith.cmpi ne, %convert_element_type3A_7, %cond3A_8 : i32
    scf.if %cond3A_9 {
      %mul3A_15 = arith.constant 5 : i32
      %mul3A_16 = arith.muli %arg1, %mul3A_15 : i32
      %add3A = arith.constant 240 : i32
      %add3A_17 = arith.addi %add3A, %mul3A_16 : i32
      %scan3A = arith.constant 0 : i32
      %scan3A_18 = arith.constant 0 : i32
      %scan3A_19 = arith.constant 5 : i32
      %scan3A_20 = arith.addi %scan3A_18, %scan3A_19 : i32
      %scan3A_21 = arith.constant 1 : i32
      scf.for %scan3A_23 = %scan3A_18 to %scan3A_20 step %scan3A_21  : i32 {
        %add3A_24 = arith.addi %add3A_17, %scan3A_23 : i32
        "tpu.region"() ({
          %run_scoped3A = tpu.sem_alloc : memref<!tpu.dma_semaphore, #tpu.memory_space<semaphore_mem>>
          %dma_start3A_45 = arith.constant 0 : i32
          %dma_start3A_46 = arith.constant 0 : i32
          %dma_start3A_47 = tpu.memref_slice %arg3[%add3A_24, %dma_start3A_45, %dma_start3A_46] : memref<320x16x128xi32, #tpu.memory_space<hbm>> -> memref<1x16x128xi32, #tpu.memory_space<hbm>>
          %dma_start3A_48 = tpu.memref_squeeze %dma_start3A_47 : memref<1x16x128xi32, #tpu.memory_space<hbm>> -> memref<16x128xi32, #tpu.memory_space<hbm>>
          %dma_start3A_49 = arith.constant 0 : i32
          %dma_start3A_50 = arith.constant 0 : i32
          %dma_start3A_51 = tpu.memref_slice %arg3[%add3A_24, %dma_start3A_49, %dma_start3A_50] : memref<320x16x128xi32, #tpu.memory_space<hbm>> -> memref<1x16x128xi32, #tpu.memory_space<hbm>>
          %dma_start3A_52 = tpu.memref_squeeze %dma_start3A_51 : memref<1x16x128xi32, #tpu.memory_space<hbm>> -> memref<16x128xi32, #tpu.memory_space<hbm>>
          tpu.enqueue_dma source(%dma_start3A_52 : memref<16x128xi32, #tpu.memory_space<hbm>>) target(%arg7 : memref<16x128xi32, #tpu.memory_space<vmem>>) target_semaphore(%run_scoped3A : memref<!tpu.dma_semaphore, #tpu.memory_space<semaphore_mem>>)
          %dma_wait3A = arith.constant 0 : i32
          %dma_wait3A_53 = arith.constant 0 : i32
          %dma_wait3A_54 = tpu.memref_slice %arg3[%add3A_24, %dma_wait3A, %dma_wait3A_53] : memref<320x16x128xi32, #tpu.memory_space<hbm>> -> memref<1x16x128xi32, #tpu.memory_space<hbm>>
          %dma_wait3A_55 = tpu.memref_squeeze %dma_wait3A_54 : memref<1x16x128xi32, #tpu.memory_space<hbm>> -> memref<16x128xi32, #tpu.memory_space<hbm>>
          %dma_wait3A_56 = arith.constant 0 : i32
          %dma_wait3A_57 = arith.constant 0 : i32
          %dma_wait3A_58 = tpu.memref_slice %arg3[%add3A_24, %dma_wait3A_56, %dma_wait3A_57] : memref<320x16x128xi32, #tpu.memory_space<hbm>> -> memref<1x16x128xi32, #tpu.memory_space<hbm>>
          %dma_wait3A_59 = tpu.memref_squeeze %dma_wait3A_58 : memref<1x16x128xi32, #tpu.memory_space<hbm>> -> memref<16x128xi32, #tpu.memory_space<hbm>>
          tpu.wait_dma2 semaphore(%run_scoped3A : memref<!tpu.dma_semaphore, #tpu.memory_space<semaphore_mem>>) src(%dma_wait3A_59 : memref<16x128xi32, #tpu.memory_space<hbm>>) dst(%arg7 : memref<16x128xi32, #tpu.memory_space<vmem>>)
          tpu.yield
        }) : () -> ()
        %add3A_25 = arith.addi %add3A_17, %scan3A_23 : i32
        "tpu.region"() ({
          %run_scoped3A = tpu.sem_alloc : memref<!tpu.dma_semaphore, #tpu.memory_space<semaphore_mem>>
          %dma_start3A_45 = arith.constant 0 : i32
          %dma_start3A_46 = arith.constant 0 : i32
          %dma_start3A_47 = tpu.memref_slice %arg4[%add3A_25, %dma_start3A_45, %dma_start3A_46] : memref<320x16x128xi32, #tpu.memory_space<hbm>> -> memref<1x16x128xi32, #tpu.memory_space<hbm>>
          %dma_start3A_48 = tpu.memref_squeeze %dma_start3A_47 : memref<1x16x128xi32, #tpu.memory_space<hbm>> -> memref<16x128xi32, #tpu.memory_space<hbm>>
          %dma_start3A_49 = arith.constant 0 : i32
          %dma_start3A_50 = arith.constant 0 : i32
          %dma_start3A_51 = tpu.memref_slice %arg4[%add3A_25, %dma_start3A_49, %dma_start3A_50] : memref<320x16x128xi32, #tpu.memory_space<hbm>> -> memref<1x16x128xi32, #tpu.memory_space<hbm>>
          %dma_start3A_52 = tpu.memref_squeeze %dma_start3A_51 : memref<1x16x128xi32, #tpu.memory_space<hbm>> -> memref<16x128xi32, #tpu.memory_space<hbm>>
          tpu.enqueue_dma source(%dma_start3A_52 : memref<16x128xi32, #tpu.memory_space<hbm>>) target(%arg8 : memref<16x128xi32, #tpu.memory_space<vmem>>) target_semaphore(%run_scoped3A : memref<!tpu.dma_semaphore, #tpu.memory_space<semaphore_mem>>)
          %dma_wait3A = arith.constant 0 : i32
          %dma_wait3A_53 = arith.constant 0 : i32
          %dma_wait3A_54 = tpu.memref_slice %arg4[%add3A_25, %dma_wait3A, %dma_wait3A_53] : memref<320x16x128xi32, #tpu.memory_space<hbm>> -> memref<1x16x128xi32, #tpu.memory_space<hbm>>
          %dma_wait3A_55 = tpu.memref_squeeze %dma_wait3A_54 : memref<1x16x128xi32, #tpu.memory_space<hbm>> -> memref<16x128xi32, #tpu.memory_space<hbm>>
          %dma_wait3A_56 = arith.constant 0 : i32
          %dma_wait3A_57 = arith.constant 0 : i32
          %dma_wait3A_58 = tpu.memref_slice %arg4[%add3A_25, %dma_wait3A_56, %dma_wait3A_57] : memref<320x16x128xi32, #tpu.memory_space<hbm>> -> memref<1x16x128xi32, #tpu.memory_space<hbm>>
          %dma_wait3A_59 = tpu.memref_squeeze %dma_wait3A_58 : memref<1x16x128xi32, #tpu.memory_space<hbm>> -> memref<16x128xi32, #tpu.memory_space<hbm>>
          tpu.wait_dma2 semaphore(%run_scoped3A : memref<!tpu.dma_semaphore, #tpu.memory_space<semaphore_mem>>) src(%dma_wait3A_59 : memref<16x128xi32, #tpu.memory_space<hbm>>) dst(%arg8 : memref<16x128xi32, #tpu.memory_space<vmem>>)
          tpu.yield
        }) : () -> ()
        %dma_start3A = arith.constant 0 : i32
        %dma_start3A_26 = arith.constant 0 : i32
        %dma_start3A_27 = tpu.memref_slice %arg7[%dma_start3A, %dma_start3A_26] : memref<16x128xi32, #tpu.memory_space<vmem>> -> memref<1x128xi32, #tpu.memory_space<vmem>>
        %dma_start3A_28 = tpu.memref_squeeze %dma_start3A_27 : memref<1x128xi32, #tpu.memory_space<vmem>> -> memref<128xi32, #tpu.memory_space<vmem>>
        %dma_start3A_29 = arith.constant 0 : i32
        %dma_start3A_30 = arith.constant 0 : i32
        %dma_start3A_31 = tpu.memref_slice %arg2[%dma_start3A_29, %dma_start3A_30] : memref<10240x128xf32, #tpu.memory_space<hbm>> -> memref<10240x128xf32, #tpu.memory_space<hbm>>
        tpu.enqueue_indirect_dma source(%dma_start3A_31 : memref<10240x128xf32, #tpu.memory_space<hbm>>) target(%arg9 : memref<128x128xf32, #tpu.memory_space<vmem>>) offsets(%dma_start3A_28 : memref<128xi32, #tpu.memory_space<vmem>>) semaphore(%arg12 : memref<!tpu.dma_semaphore, #tpu.memory_space<semaphore_mem>>)
        %dma_start3A_32 = arith.constant 1 : i32
        %dma_start3A_33 = arith.constant 0 : i32
        %dma_start3A_34 = tpu.memref_slice %arg7[%dma_start3A_32, %dma_start3A_33] : memref<16x128xi32, #tpu.memory_space<vmem>> -> memref<1x128xi32, #tpu.memory_space<vmem>>
        %dma_start3A_35 = tpu.memref_squeeze %dma_start3A_34 : memref<1x128xi32, #tpu.memory_space<vmem>> -> memref<128xi32, #tpu.memory_space<vmem>>
        %dma_start3A_36 = arith.constant 0 : i32
        %dma_start3A_37 = arith.constant 0 : i32
        %dma_start3A_38 = tpu.memref_slice %arg2[%dma_start3A_36, %dma_start3A_37] : memref<10240x128xf32, #tpu.memory_space<hbm>> -> memref<10240x128xf32, #tpu.memory_space<hbm>>
        tpu.enqueue_indirect_dma source(%dma_start3A_38 : memref<10240x128xf32, #tpu.memory_space<hbm>>) target(%arg10 : memref<128x128xf32, #tpu.memory_space<vmem>>) offsets(%dma_start3A_35 : memref<128xi32, #tpu.memory_space<vmem>>) semaphore(%arg13 : memref<!tpu.dma_semaphore, #tpu.memory_space<semaphore_mem>>)
        %scan3A_39 = arith.constant 0 : i32
        %scan3A_40 = arith.constant 0 : i32
        %scan3A_41 = arith.constant 16 : i32
        %scan3A_42 = arith.addi %scan3A_40, %scan3A_41 : i32
        %scan3A_43 = arith.constant 1 : i32
        scf.for %scan3A_45 = %scan3A_40 to %scan3A_42 step %scan3A_43  : i32 {
          %jit3A = arith.constant 2 : i32
          %eq3A_46 = arith.constant 0 : i32
          %eq3A_47 = arith.cmpi eq, %jit3A, %eq3A_46 : i32
          %jit3A_48 = arith.constant 1 : i32
          %select_n3A = arith.select %eq3A_47, %jit3A_48, %jit3A : i32
          %rem3A = arith.remsi %scan3A_45, %select_n3A : i32
          %ne3A = arith.constant 0 : i32
          %ne3A_49 = arith.cmpi ne, %rem3A, %ne3A : i32
          %lt3A = arith.constant 0 : i32
          %lt3A_50 = arith.cmpi slt, %rem3A, %lt3A : i32
          %lt3A_51 = arith.constant 0 : i32
          %lt3A_52 = arith.cmpi slt, %select_n3A, %lt3A_51 : i32
          %ne3A_53 = arith.xori %lt3A_50, %lt3A_52 : i1
          %and3A = arith.andi %ne3A_53, %ne3A_49 : i1
          %add3A_54 = arith.addi %rem3A, %select_n3A : i32
          %select_n3A_55 = arith.select %and3A, %add3A_54, %rem3A : i32
          %eq3A_56 = arith.constant 0 : i32
          %eq3A_57 = arith.cmpi eq, %select_n3A_55, %eq3A_56 : i32
          %convert_element_type3A_58 = arith.extui %eq3A_57 : i1 to i32
          %cond3A_59 = arith.constant 0 : i32
          %cond3A_60 = arith.cmpi ne, %convert_element_type3A_58, %cond3A_59 : i32
          scf.if %cond3A_60 {
            %dma_wait3A = arith.constant 0 : i32
            %dma_wait3A_82 = tpu.memref_slice %arg7[%scan3A_45, %dma_wait3A] : memref<16x128xi32, #tpu.memory_space<vmem>> -> memref<1x128xi32, #tpu.memory_space<vmem>>
            %dma_wait3A_83 = tpu.memref_squeeze %dma_wait3A_82 : memref<1x128xi32, #tpu.memory_space<vmem>> -> memref<128xi32, #tpu.memory_space<vmem>>
            %dma_wait3A_84 = arith.constant 0 : i32
            %dma_wait3A_85 = arith.constant 0 : i32
            %dma_wait3A_86 = tpu.memref_slice %arg2[%dma_wait3A_84, %dma_wait3A_85] : memref<10240x128xf32, #tpu.memory_space<hbm>> -> memref<10240x128xf32, #tpu.memory_space<hbm>>
            tpu.wait_indirect_dma semaphore(%arg12 : memref<!tpu.dma_semaphore, #tpu.memory_space<semaphore_mem>>) src(%dma_wait3A_86 : memref<10240x128xf32, #tpu.memory_space<hbm>>) dst(%arg9 : memref<128x128xf32, #tpu.memory_space<vmem>>)
            "tpu.region"() ({
              %run_scoped3A = tpu.sem_alloc : memref<!tpu.dma_semaphore, #tpu.memory_space<semaphore_mem>>
              %dma_start3A_94 = arith.constant 0 : i32
              %dma_start3A_95 = tpu.memref_slice %arg8[%scan3A_45, %dma_start3A_94] : memref<16x128xi32, #tpu.memory_space<vmem>> -> memref<1x128xi32, #tpu.memory_space<vmem>>
              %dma_start3A_96 = tpu.memref_squeeze %dma_start3A_95 : memref<1x128xi32, #tpu.memory_space<vmem>> -> memref<128xi32, #tpu.memory_space<vmem>>
              %dma_start3A_97 = arith.constant 0 : i32
              %dma_start3A_98 = arith.constant 0 : i32
              %dma_start3A_99 = tpu.memref_slice %arg11[%dma_start3A_97, %dma_start3A_98] : memref<10240x128xf32, #tpu.memory_space<vmem_shared>> -> memref<10240x128xf32, #tpu.memory_space<vmem_shared>>
              tpu.enqueue_indirect_dma source(%arg9 : memref<128x128xf32, #tpu.memory_space<vmem>>) target(%dma_start3A_99 : memref<10240x128xf32, #tpu.memory_space<vmem_shared>>) offsets(%dma_start3A_96 : memref<128xi32, #tpu.memory_space<vmem>>) semaphore(%run_scoped3A : memref<!tpu.dma_semaphore, #tpu.memory_space<semaphore_mem>>) {add = true}
              %dma_wait3A_100 = arith.constant 0 : i32
              %dma_wait3A_101 = tpu.memref_slice %arg8[%scan3A_45, %dma_wait3A_100] : memref<16x128xi32, #tpu.memory_space<vmem>> -> memref<1x128xi32, #tpu.memory_space<vmem>>
              %dma_wait3A_102 = tpu.memref_squeeze %dma_wait3A_101 : memref<1x128xi32, #tpu.memory_space<vmem>> -> memref<128xi32, #tpu.memory_space<vmem>>
              %dma_wait3A_103 = arith.constant 0 : i32
              %dma_wait3A_104 = arith.constant 0 : i32
              %dma_wait3A_105 = tpu.memref_slice %arg11[%dma_wait3A_103, %dma_wait3A_104] : memref<10240x128xf32, #tpu.memory_space<vmem_shared>> -> memref<10240x128xf32, #tpu.memory_space<vmem_shared>>
              tpu.wait_indirect_dma semaphore(%run_scoped3A : memref<!tpu.dma_semaphore, #tpu.memory_space<semaphore_mem>>) src(%arg9 : memref<128x128xf32, #tpu.memory_space<vmem>>) dst(%dma_wait3A_105 : memref<10240x128xf32, #tpu.memory_space<vmem_shared>>)
              tpu.yield
            }) : () -> ()
            %add3A_87 = arith.constant 2 : i32
            %add3A_88 = arith.addi %scan3A_45, %add3A_87 : i32
            %lt3A_89 = arith.constant 16 : i32
            %lt3A_90 = arith.cmpi slt, %add3A_88, %lt3A_89 : i32
            %convert_element_type3A_91 = arith.extui %lt3A_90 : i1 to i32
            %cond3A_92 = arith.constant 0 : i32
            %cond3A_93 = arith.cmpi ne, %convert_element_type3A_91, %cond3A_92 : i32
            scf.if %cond3A_93 {
              %add3A_94 = arith.constant 2 : i32
              %add3A_95 = arith.addi %scan3A_45, %add3A_94 : i32
              %dma_start3A_96 = arith.constant 0 : i32
              %dma_start3A_97 = tpu.memref_slice %arg7[%add3A_95, %dma_start3A_96] : memref<16x128xi32, #tpu.memory_space<vmem>> -> memref<1x128xi32, #tpu.memory_space<vmem>>
              %dma_start3A_98 = tpu.memref_squeeze %dma_start3A_97 : memref<1x128xi32, #tpu.memory_space<vmem>> -> memref<128xi32, #tpu.memory_space<vmem>>
              %dma_start3A_99 = arith.constant 0 : i32
              %dma_start3A_100 = arith.constant 0 : i32
              %dma_start3A_101 = tpu.memref_slice %arg2[%dma_start3A_99, %dma_start3A_100] : memref<10240x128xf32, #tpu.memory_space<hbm>> -> memref<10240x128xf32, #tpu.memory_space<hbm>>
              tpu.enqueue_indirect_dma source(%dma_start3A_101 : memref<10240x128xf32, #tpu.memory_space<hbm>>) target(%arg9 : memref<128x128xf32, #tpu.memory_space<vmem>>) offsets(%dma_start3A_98 : memref<128xi32, #tpu.memory_space<vmem>>) semaphore(%arg12 : memref<!tpu.dma_semaphore, #tpu.memory_space<semaphore_mem>>)
            } else {
            }
          } else {
          }
          %jit3A_61 = arith.constant 2 : i32
          %eq3A_62 = arith.constant 0 : i32
          %eq3A_63 = arith.cmpi eq, %jit3A_61, %eq3A_62 : i32
          %jit3A_64 = arith.constant 1 : i32
          %select_n3A_65 = arith.select %eq3A_63, %jit3A_64, %jit3A_61 : i32
          %rem3A_66 = arith.remsi %scan3A_45, %select_n3A_65 : i32
          %ne3A_67 = arith.constant 0 : i32
          %ne3A_68 = arith.cmpi ne, %rem3A_66, %ne3A_67 : i32
          %lt3A_69 = arith.constant 0 : i32
          %lt3A_70 = arith.cmpi slt, %rem3A_66, %lt3A_69 : i32
          %lt3A_71 = arith.constant 0 : i32
          %lt3A_72 = arith.cmpi slt, %select_n3A_65, %lt3A_71 : i32
          %ne3A_73 = arith.xori %lt3A_70, %lt3A_72 : i1
          %and3A_74 = arith.andi %ne3A_73, %ne3A_68 : i1
          %add3A_75 = arith.addi %rem3A_66, %select_n3A_65 : i32
          %select_n3A_76 = arith.select %and3A_74, %add3A_75, %rem3A_66 : i32
          %eq3A_77 = arith.constant 1 : i32
          %eq3A_78 = arith.cmpi eq, %select_n3A_76, %eq3A_77 : i32
          %convert_element_type3A_79 = arith.extui %eq3A_78 : i1 to i32
          %cond3A_80 = arith.constant 0 : i32
          %cond3A_81 = arith.cmpi ne, %convert_element_type3A_79, %cond3A_80 : i32
          scf.if %cond3A_81 {
            %dma_wait3A = arith.constant 0 : i32
            %dma_wait3A_82 = tpu.memref_slice %arg7[%scan3A_45, %dma_wait3A] : memref<16x128xi32, #tpu.memory_space<vmem>> -> memref<1x128xi32, #tpu.memory_space<vmem>>
            %dma_wait3A_83 = tpu.memref_squeeze %dma_wait3A_82 : memref<1x128xi32, #tpu.memory_space<vmem>> -> memref<128xi32, #tpu.memory_space<vmem>>
            %dma_wait3A_84 = arith.constant 0 : i32
            %dma_wait3A_85 = arith.constant 0 : i32
            %dma_wait3A_86 = tpu.memref_slice %arg2[%dma_wait3A_84, %dma_wait3A_85] : memref<10240x128xf32, #tpu.memory_space<hbm>> -> memref<10240x128xf32, #tpu.memory_space<hbm>>
            tpu.wait_indirect_dma semaphore(%arg13 : memref<!tpu.dma_semaphore, #tpu.memory_space<semaphore_mem>>) src(%dma_wait3A_86 : memref<10240x128xf32, #tpu.memory_space<hbm>>) dst(%arg10 : memref<128x128xf32, #tpu.memory_space<vmem>>)
            "tpu.region"() ({
              %run_scoped3A = tpu.sem_alloc : memref<!tpu.dma_semaphore, #tpu.memory_space<semaphore_mem>>
              %dma_start3A_94 = arith.constant 0 : i32
              %dma_start3A_95 = tpu.memref_slice %arg8[%scan3A_45, %dma_start3A_94] : memref<16x128xi32, #tpu.memory_space<vmem>> -> memref<1x128xi32, #tpu.memory_space<vmem>>
              %dma_start3A_96 = tpu.memref_squeeze %dma_start3A_95 : memref<1x128xi32, #tpu.memory_space<vmem>> -> memref<128xi32, #tpu.memory_space<vmem>>
              %dma_start3A_97 = arith.constant 0 : i32
              %dma_start3A_98 = arith.constant 0 : i32
              %dma_start3A_99 = tpu.memref_slice %arg11[%dma_start3A_97, %dma_start3A_98] : memref<10240x128xf32, #tpu.memory_space<vmem_shared>> -> memref<10240x128xf32, #tpu.memory_space<vmem_shared>>
              tpu.enqueue_indirect_dma source(%arg10 : memref<128x128xf32, #tpu.memory_space<vmem>>) target(%dma_start3A_99 : memref<10240x128xf32, #tpu.memory_space<vmem_shared>>) offsets(%dma_start3A_96 : memref<128xi32, #tpu.memory_space<vmem>>) semaphore(%run_scoped3A : memref<!tpu.dma_semaphore, #tpu.memory_space<semaphore_mem>>) {add = true}
              %dma_wait3A_100 = arith.constant 0 : i32
              %dma_wait3A_101 = tpu.memref_slice %arg8[%scan3A_45, %dma_wait3A_100] : memref<16x128xi32, #tpu.memory_space<vmem>> -> memref<1x128xi32, #tpu.memory_space<vmem>>
              %dma_wait3A_102 = tpu.memref_squeeze %dma_wait3A_101 : memref<1x128xi32, #tpu.memory_space<vmem>> -> memref<128xi32, #tpu.memory_space<vmem>>
              %dma_wait3A_103 = arith.constant 0 : i32
              %dma_wait3A_104 = arith.constant 0 : i32
              %dma_wait3A_105 = tpu.memref_slice %arg11[%dma_wait3A_103, %dma_wait3A_104] : memref<10240x128xf32, #tpu.memory_space<vmem_shared>> -> memref<10240x128xf32, #tpu.memory_space<vmem_shared>>
              tpu.wait_indirect_dma semaphore(%run_scoped3A : memref<!tpu.dma_semaphore, #tpu.memory_space<semaphore_mem>>) src(%arg10 : memref<128x128xf32, #tpu.memory_space<vmem>>) dst(%dma_wait3A_105 : memref<10240x128xf32, #tpu.memory_space<vmem_shared>>)
              tpu.yield
            }) : () -> ()
            %add3A_87 = arith.constant 2 : i32
            %add3A_88 = arith.addi %scan3A_45, %add3A_87 : i32
            %lt3A_89 = arith.constant 16 : i32
            %lt3A_90 = arith.cmpi slt, %add3A_88, %lt3A_89 : i32
            %convert_element_type3A_91 = arith.extui %lt3A_90 : i1 to i32
            %cond3A_92 = arith.constant 0 : i32
            %cond3A_93 = arith.cmpi ne, %convert_element_type3A_91, %cond3A_92 : i32
            scf.if %cond3A_93 {
              %add3A_94 = arith.constant 2 : i32
              %add3A_95 = arith.addi %scan3A_45, %add3A_94 : i32
              %dma_start3A_96 = arith.constant 0 : i32
              %dma_start3A_97 = tpu.memref_slice %arg7[%add3A_95, %dma_start3A_96] : memref<16x128xi32, #tpu.memory_space<vmem>> -> memref<1x128xi32, #tpu.memory_space<vmem>>
              %dma_start3A_98 = tpu.memref_squeeze %dma_start3A_97 : memref<1x128xi32, #tpu.memory_space<vmem>> -> memref<128xi32, #tpu.memory_space<vmem>>
              %dma_start3A_99 = arith.constant 0 : i32
              %dma_start3A_100 = arith.constant 0 : i32
              %dma_start3A_101 = tpu.memref_slice %arg2[%dma_start3A_99, %dma_start3A_100] : memref<10240x128xf32, #tpu.memory_space<hbm>> -> memref<10240x128xf32, #tpu.memory_space<hbm>>
              tpu.enqueue_indirect_dma source(%dma_start3A_101 : memref<10240x128xf32, #tpu.memory_space<hbm>>) target(%arg10 : memref<128x128xf32, #tpu.memory_space<vmem>>) offsets(%dma_start3A_98 : memref<128xi32, #tpu.memory_space<vmem>>) semaphore(%arg13 : memref<!tpu.dma_semaphore, #tpu.memory_space<semaphore_mem>>)
            } else {
            }
          } else {
          }
        }
        %scan3A_44 = arith.constant 16 : i32
      }
      %scan3A_22 = arith.constant 5 : i32
    } else {
    }
    %barrier3A_10 = arith.constant 0 : index
    tpu.barrier barrier_id(%barrier3A_10)
    %mul3A_11 = arith.constant 640 : i32
    %mul3A_12 = arith.muli %arg1, %mul3A_11 : i32
    %mul3A_13 = arith.constant 640 : i32
    %mul3A_14 = arith.muli %arg1, %mul3A_13 : i32
    "tpu.region"() ({
      %run_scoped3A = tpu.sem_alloc : memref<!tpu.dma_semaphore, #tpu.memory_space<semaphore_mem>>
      %dma_start3A = arith.constant 0 : i32
      %dma_start3A_15 = tpu.memref_slice %arg6[%arg0, %mul3A_14, %dma_start3A] : memref<2x10240x128xf32, #tpu.memory_space<hbm>> -> memref<1x640x128xf32, #tpu.memory_space<hbm>>
      %dma_start3A_16 = tpu.memref_squeeze %dma_start3A_15 : memref<1x640x128xf32, #tpu.memory_space<hbm>> -> memref<640x128xf32, #tpu.memory_space<hbm>>
      %dma_start3A_17 = arith.constant 0 : i32
      %dma_start3A_18 = tpu.memref_slice %arg11[%mul3A_12, %dma_start3A_17] : memref<10240x128xf32, #tpu.memory_space<vmem_shared>> -> memref<640x128xf32, #tpu.memory_space<vmem_shared>>
      tpu.enqueue_dma source(%dma_start3A_18 : memref<640x128xf32, #tpu.memory_space<vmem_shared>>) target(%dma_start3A_16 : memref<640x128xf32, #tpu.memory_space<hbm>>) target_semaphore(%run_scoped3A : memref<!tpu.dma_semaphore, #tpu.memory_space<semaphore_mem>>)
      %dma_wait3A = arith.constant 0 : i32
      %dma_wait3A_19 = tpu.memref_slice %arg6[%arg0, %mul3A_14, %dma_wait3A] : memref<2x10240x128xf32, #tpu.memory_space<hbm>> -> memref<1x640x128xf32, #tpu.memory_space<hbm>>
      %dma_wait3A_20 = tpu.memref_squeeze %dma_wait3A_19 : memref<1x640x128xf32, #tpu.memory_space<hbm>> -> memref<640x128xf32, #tpu.memory_space<hbm>>
      %dma_wait3A_21 = arith.constant 0 : i32
      %dma_wait3A_22 = tpu.memref_slice %arg11[%mul3A_12, %dma_wait3A_21] : memref<10240x128xf32, #tpu.memory_space<vmem_shared>> -> memref<640x128xf32, #tpu.memory_space<vmem_shared>>
      tpu.wait_dma2 semaphore(%run_scoped3A : memref<!tpu.dma_semaphore, #tpu.memory_space<semaphore_mem>>) src(%dma_wait3A_22 : memref<640x128xf32, #tpu.memory_space<vmem_shared>>) dst(%dma_wait3A_20 : memref<640x128xf32, #tpu.memory_space<hbm>>)
      tpu.yield
    }) : () -> ()
    return
  }
}

module attributes {stable_mosaic.version = 14 : i64} {
  func.func @_embed_body(%arg0: i32, %arg1: memref<2048x3xf32, #tpu.memory_space<vmem>>, %arg2: memref<2x2048x128xf32, #tpu.memory_space<vmem>>, %arg3: memref<3x128xf32, #tpu.memory_space<vmem>>, %arg4: memref<1x128xf32, #tpu.memory_space<vmem>>, %arg5: memref<2048x128xf32, #tpu.memory_space<vmem>>, %arg6: memref<2048x128xf32, #tpu.memory_space<vmem>>, %arg7: memref<2048x1xf32, #tpu.memory_space<vmem>>) attributes {dimension_semantics = [#tpu.dimension_semantics<arbitrary>], iteration_bounds = array<i64: 5>, scalar_prefetch = 0 : i64, scratch_operands = 0 : i64, tpu.core_type = #tpu.core_type<tc>, window_params = [{transform_indices = @transform_0, window_bounds = array<i64: 2048, 3>}, {transform_indices = @transform_1, window_bounds = array<i64: 2, 2048, 128>}, {pipeline_mode = #tpu.pipeline_mode<synchronous>, transform_indices = @transform_2, window_bounds = array<i64: 3, 128>}, {pipeline_mode = #tpu.pipeline_mode<synchronous>, transform_indices = @transform_3, window_bounds = array<i64: 1, 128>}, {transform_indices = @transform_4, window_bounds = array<i64: 2048, 128>}, {transform_indices = @transform_5, window_bounds = array<i64: 2048, 128>}, {transform_indices = @transform_6, window_bounds = array<i64: 2048, 1>}]} {
    %get3A = arith.constant 0 : index
    %get3A_0 = arith.constant 0 : index
    %get3A_1 = vector.load %arg1[%get3A, %get3A_0] : memref<2048x3xf32, #tpu.memory_space<vmem>>, vector<2048x3xf32>
    %get3A_2 = arith.constant 0 : index
    %get3A_3 = arith.constant 0 : index
    %get3A_4 = arith.constant 0 : index
    %get3A_5 = vector.load %arg2[%get3A_2, %get3A_3, %get3A_4] : memref<2x2048x128xf32, #tpu.memory_space<vmem>>, vector<1x2048x1xf32>
    %get3A_6 = vector.shape_cast %get3A_5 : vector<1x2048x1xf32> to vector<2048x1xf32>
    %get3A_7 = arith.constant 1 : index
    %get3A_8 = arith.constant 0 : index
    %get3A_9 = arith.constant 0 : index
    %get3A_10 = vector.load %arg2[%get3A_7, %get3A_8, %get3A_9] : memref<2x2048x128xf32, #tpu.memory_space<vmem>>, vector<1x2048x1xf32>
    %get3A_11 = vector.shape_cast %get3A_10 : vector<1x2048x1xf32> to vector<2048x1xf32>
    %add3A = arith.addf %get3A_6, %get3A_11 : vector<2048x1xf32>
    %add3A_12 = arith.constant 1.000000e+00 : f32
    %add3A_13 = vector.broadcast %add3A_12 : f32 to vector<2048x1xf32>
    %add3A_14 = arith.addf %add3A, %add3A_13 : vector<2048x1xf32>
    %rsqrt3A = math.rsqrt %add3A_14 : vector<2048x1xf32>
    %get3A_15 = arith.constant 0 : index
    %get3A_16 = arith.constant 0 : index
    %get3A_17 = vector.load %arg3[%get3A_15, %get3A_16] : memref<3x128xf32, #tpu.memory_space<vmem>>, vector<3x128xf32>
    %dot_general3A = arith.constant dense<0.000000e+00> : vector<2048x128xf32>
    %dot_general3A_18 = tpu.matmul %get3A_1, %get3A_17, %dot_general3A {dimension_numbers = #tpu.dot_dimension_numbers<[1], [0], [0], [1], [0, 0, 1, 1], [], []>, transpose_lhs_hint = false} : vector<2048x3xf32>, vector<3x128xf32>, vector<2048x128xf32> -> vector<2048x128xf32>
    %get3A_19 = arith.constant 0 : index
    %get3A_20 = arith.constant 0 : index
    %get3A_21 = vector.load %arg4[%get3A_19, %get3A_20] : memref<1x128xf32, #tpu.memory_space<vmem>>, vector<1x128xf32>
    %add3A_22 = vector.broadcast %get3A_21 : vector<1x128xf32> to vector<2048x128xf32>
    %add3A_23 = arith.addf %dot_general3A_18, %add3A_22 : vector<2048x128xf32>
    %max3A = arith.constant 0.000000e+00 : f32
    %max3A_24 = vector.broadcast %max3A : f32 to vector<2048x128xf32>
    %max3A_25 = arith.maximumf %add3A_23, %max3A_24 : vector<2048x128xf32>
    %swap3A = arith.constant 0 : index
    %swap3A_26 = arith.constant 0 : index
    %swap3A_27 = vector.load %arg5[%swap3A, %swap3A_26] : memref<2048x128xf32, #tpu.memory_space<vmem>>, vector<2048x128xf32>
    tpu.vector_store %arg5[%swap3A, %swap3A_26], %max3A_25 {strides = array<i32>} : memref<2048x128xf32, #tpu.memory_space<vmem>>, vector<2048x128xf32>,
    %mul3A = vector.broadcast %rsqrt3A : vector<2048x1xf32> to vector<2048x128xf32>
    %mul3A_28 = arith.mulf %mul3A, %max3A_25 : vector<2048x128xf32>
    %swap3A_29 = arith.constant 0 : index
    %swap3A_30 = arith.constant 0 : index
    %swap3A_31 = vector.load %arg6[%swap3A_29, %swap3A_30] : memref<2048x128xf32, #tpu.memory_space<vmem>>, vector<2048x128xf32>
    tpu.vector_store %arg6[%swap3A_29, %swap3A_30], %mul3A_28 {strides = array<i32>} : memref<2048x128xf32, #tpu.memory_space<vmem>>, vector<2048x128xf32>,
    %swap3A_32 = arith.constant 0 : index
    %swap3A_33 = arith.constant 0 : index
    %swap3A_34 = vector.load %arg7[%swap3A_32, %swap3A_33] : memref<2048x1xf32, #tpu.memory_space<vmem>>, vector<2048x1xf32>
    tpu.vector_store %arg7[%swap3A_32, %swap3A_33], %rsqrt3A {strides = array<i32>} : memref<2048x1xf32, #tpu.memory_space<vmem>>, vector<2048x1xf32>,
    return
  }
  func.func @transform_0(%arg0: i32) -> (i32, i32) {
    %c0_i32 = arith.constant 0 : i32
    %c0_i32_0 = arith.constant 0 : i32
    return %arg0, %c0_i32 : i32, i32
  }
  func.func @transform_1(%arg0: i32) -> (i32, i32, i32) {
    %c0_i32 = arith.constant 0 : i32
    %c0_i32_0 = arith.constant 0 : i32
    %c0_i32_1 = arith.constant 0 : i32
    return %c0_i32, %arg0, %c0_i32_0 : i32, i32, i32
  }
  func.func @transform_2(%arg0: i32) -> (i32, i32) {
    %c0_i32 = arith.constant 0 : i32
    %c0_i32_0 = arith.constant 0 : i32
    %c0_i32_1 = arith.constant 0 : i32
    return %c0_i32, %c0_i32_0 : i32, i32
  }
  func.func @transform_3(%arg0: i32) -> (i32, i32) {
    %c0_i32 = arith.constant 0 : i32
    %c0_i32_0 = arith.constant 0 : i32
    %c0_i32_1 = arith.constant 0 : i32
    return %c0_i32, %c0_i32_0 : i32, i32
  }
  func.func @transform_4(%arg0: i32) -> (i32, i32) {
    %c0_i32 = arith.constant 0 : i32
    %c0_i32_0 = arith.constant 0 : i32
    return %arg0, %c0_i32 : i32, i32
  }
  func.func @transform_5(%arg0: i32) -> (i32, i32) {
    %c0_i32 = arith.constant 0 : i32
    %c0_i32_0 = arith.constant 0 : i32
    return %arg0, %c0_i32 : i32, i32
  }
  func.func @transform_6(%arg0: i32) -> (i32, i32) {
    %c0_i32 = arith.constant 0 : i32
    %c0_i32_0 = arith.constant 0 : i32
    return %arg0, %c0_i32 : i32, i32
  }
}

module attributes {stable_mosaic.version = 14 : i64} {
  func.func @_gru_body(%arg0: i32, %arg1: memref<2048x128xf32, #tpu.memory_space<vmem>>, %arg2: memref<2x2048x128xf32, #tpu.memory_space<vmem>>, %arg3: memref<2048x1xf32, #tpu.memory_space<vmem>>, %arg4: memref<2048x128xf32, #tpu.memory_space<vmem>>, %arg5: memref<128x384xf32, #tpu.memory_space<vmem>>, %arg6: memref<128x384xf32, #tpu.memory_space<vmem>>, %arg7: memref<1x384xf32, #tpu.memory_space<vmem>>, %arg8: memref<1x384xf32, #tpu.memory_space<vmem>>, %arg9: memref<2048x128xf32, #tpu.memory_space<vmem>>, %arg10: memref<2048x128xf32, #tpu.memory_space<vmem>>, %arg11: memref<2048x128xf32, #tpu.memory_space<vmem>>) attributes {dimension_semantics = [#tpu.dimension_semantics<arbitrary>], iteration_bounds = array<i64: 5>, scalar_prefetch = 0 : i64, scratch_operands = 0 : i64, tpu.core_type = #tpu.core_type<tc>, window_params = [{transform_indices = @transform_0, window_bounds = array<i64: 2048, 128>}, {transform_indices = @transform_1, window_bounds = array<i64: 2, 2048, 128>}, {transform_indices = @transform_2, window_bounds = array<i64: 2048, 1>}, {transform_indices = @transform_3, window_bounds = array<i64: 2048, 128>}, {pipeline_mode = #tpu.pipeline_mode<synchronous>, transform_indices = @transform_4, window_bounds = array<i64: 128, 384>}, {pipeline_mode = #tpu.pipeline_mode<synchronous>, transform_indices = @transform_5, window_bounds = array<i64: 128, 384>}, {pipeline_mode = #tpu.pipeline_mode<synchronous>, transform_indices = @transform_6, window_bounds = array<i64: 1, 384>}, {pipeline_mode = #tpu.pipeline_mode<synchronous>, transform_indices = @transform_7, window_bounds = array<i64: 1, 384>}, {transform_indices = @transform_8, window_bounds = array<i64: 2048, 128>}, {transform_indices = @transform_9, window_bounds = array<i64: 2048, 128>}, {transform_indices = @transform_10, window_bounds = array<i64: 2048, 128>}]} {
    %get3A = arith.constant 0 : index
    %get3A_0 = arith.constant 0 : index
    %get3A_1 = vector.load %arg1[%get3A, %get3A_0] : memref<2048x128xf32, #tpu.memory_space<vmem>>, vector<2048x128xf32>
    %get3A_2 = arith.constant 0 : index
    %get3A_3 = arith.constant 0 : index
    %get3A_4 = vector.load %arg3[%get3A_2, %get3A_3] : memref<2048x1xf32, #tpu.memory_space<vmem>>, vector<2048x1xf32>
    %get3A_5 = arith.constant 0 : index
    %get3A_6 = arith.constant 0 : index
    %get3A_7 = arith.constant 0 : index
    %get3A_8 = vector.load %arg2[%get3A_5, %get3A_6, %get3A_7] : memref<2x2048x128xf32, #tpu.memory_space<vmem>>, vector<1x2048x128xf32>
    %get3A_9 = vector.shape_cast %get3A_8 : vector<1x2048x128xf32> to vector<2048x128xf32>
    %get3A_10 = arith.constant 1 : index
    %get3A_11 = arith.constant 0 : index
    %get3A_12 = arith.constant 0 : index
    %get3A_13 = vector.load %arg2[%get3A_10, %get3A_11, %get3A_12] : memref<2x2048x128xf32, #tpu.memory_space<vmem>>, vector<1x2048x128xf32>
    %get3A_14 = vector.shape_cast %get3A_13 : vector<1x2048x128xf32> to vector<2048x128xf32>
    %add3A = arith.addf %get3A_9, %get3A_14 : vector<2048x128xf32>
    %mul3A = vector.broadcast %get3A_4 : vector<2048x1xf32> to vector<2048x128xf32>
    %mul3A_15 = arith.mulf %mul3A, %add3A : vector<2048x128xf32>
    %get3A_16 = arith.constant 0 : index
    %get3A_17 = arith.constant 0 : index
    %get3A_18 = vector.load %arg5[%get3A_16, %get3A_17] : memref<128x384xf32, #tpu.memory_space<vmem>>, vector<128x384xf32>
    %dot_general3A = arith.constant dense<0.000000e+00> : vector<2048x384xf32>
    %dot_general3A_19 = tpu.matmul %get3A_1, %get3A_18, %dot_general3A {dimension_numbers = #tpu.dot_dimension_numbers<[1], [0], [0], [1], [0, 0, 1, 1], [], []>, transpose_lhs_hint = false} : vector<2048x128xf32>, vector<128x384xf32>, vector<2048x384xf32> -> vector<2048x384xf32>
    %get3A_20 = arith.constant 0 : index
    %get3A_21 = arith.constant 0 : index
    %get3A_22 = vector.load %arg7[%get3A_20, %get3A_21] : memref<1x384xf32, #tpu.memory_space<vmem>>, vector<1x384xf32>
    %add3A_23 = vector.broadcast %get3A_22 : vector<1x384xf32> to vector<2048x384xf32>
    %add3A_24 = arith.addf %dot_general3A_19, %add3A_23 : vector<2048x384xf32>
    %get3A_25 = arith.constant 0 : index
    %get3A_26 = arith.constant 0 : index
    %get3A_27 = vector.load %arg6[%get3A_25, %get3A_26] : memref<128x384xf32, #tpu.memory_space<vmem>>, vector<128x384xf32>
    %dot_general3A_28 = arith.constant dense<0.000000e+00> : vector<2048x384xf32>
    %dot_general3A_29 = tpu.matmul %mul3A_15, %get3A_27, %dot_general3A_28 {dimension_numbers = #tpu.dot_dimension_numbers<[1], [0], [0], [1], [0, 0, 1, 1], [], []>, transpose_lhs_hint = false} : vector<2048x128xf32>, vector<128x384xf32>, vector<2048x384xf32> -> vector<2048x384xf32>
    %get3A_30 = arith.constant 0 : index
    %get3A_31 = arith.constant 0 : index
    %get3A_32 = vector.load %arg8[%get3A_30, %get3A_31] : memref<1x384xf32, #tpu.memory_space<vmem>>, vector<1x384xf32>
    %add3A_33 = vector.broadcast %get3A_32 : vector<1x384xf32> to vector<2048x384xf32>
    %add3A_34 = arith.addf %dot_general3A_29, %add3A_33 : vector<2048x384xf32>
    %slice3A = vector.extract_strided_slice %add3A_24 {offsets = [0, 0], sizes = [2048, 128], strides = [1, 1]} : vector<2048x384xf32> to vector<2048x128xf32>
    %slice3A_35 = vector.extract_strided_slice %add3A_34 {offsets = [0, 0], sizes = [2048, 128], strides = [1, 1]} : vector<2048x384xf32> to vector<2048x128xf32>
    %add3A_36 = arith.addf %slice3A, %slice3A_35 : vector<2048x128xf32>
    %logistic3A = arith.negf %add3A_36 : vector<2048x128xf32>
    %logistic3A_37 = math.exp %logistic3A : vector<2048x128xf32>
    %logistic3A_38 = arith.constant 1.000000e+00 : f32
    %logistic3A_39 = vector.broadcast %logistic3A_38 : f32 to vector<2048x128xf32>
    %logistic3A_40 = arith.addf %logistic3A_39, %logistic3A_37 : vector<2048x128xf32>
    %logistic3A_41 = arith.divf %logistic3A_39, %logistic3A_40 : vector<2048x128xf32>
    %slice3A_42 = vector.extract_strided_slice %add3A_24 {offsets = [0, 128], sizes = [2048, 128], strides = [1, 1]} : vector<2048x384xf32> to vector<2048x128xf32>
    %slice3A_43 = vector.extract_strided_slice %add3A_34 {offsets = [0, 128], sizes = [2048, 128], strides = [1, 1]} : vector<2048x384xf32> to vector<2048x128xf32>
    %add3A_44 = arith.addf %slice3A_42, %slice3A_43 : vector<2048x128xf32>
    %logistic3A_45 = arith.negf %add3A_44 : vector<2048x128xf32>
    %logistic3A_46 = math.exp %logistic3A_45 : vector<2048x128xf32>
    %logistic3A_47 = arith.constant 1.000000e+00 : f32
    %logistic3A_48 = vector.broadcast %logistic3A_47 : f32 to vector<2048x128xf32>
    %logistic3A_49 = arith.addf %logistic3A_48, %logistic3A_46 : vector<2048x128xf32>
    %logistic3A_50 = arith.divf %logistic3A_48, %logistic3A_49 : vector<2048x128xf32>
    %slice3A_51 = vector.extract_strided_slice %add3A_24 {offsets = [0, 256], sizes = [2048, 128], strides = [1, 1]} : vector<2048x384xf32> to vector<2048x128xf32>
    %slice3A_52 = vector.extract_strided_slice %add3A_34 {offsets = [0, 256], sizes = [2048, 128], strides = [1, 1]} : vector<2048x384xf32> to vector<2048x128xf32>
    %mul3A_53 = arith.mulf %logistic3A_41, %slice3A_52 : vector<2048x128xf32>
    %add3A_54 = arith.addf %slice3A_51, %mul3A_53 : vector<2048x128xf32>
    %tanh3A = math.tanh %add3A_54 : vector<2048x128xf32>
    %sub3A = arith.constant 1.000000e+00 : f32
    %sub3A_55 = vector.broadcast %sub3A : f32 to vector<2048x128xf32>
    %sub3A_56 = arith.subf %sub3A_55, %logistic3A_50 : vector<2048x128xf32>
    %mul3A_57 = arith.mulf %sub3A_56, %tanh3A : vector<2048x128xf32>
    %mul3A_58 = arith.mulf %logistic3A_50, %mul3A_15 : vector<2048x128xf32>
    %add3A_59 = arith.addf %mul3A_57, %mul3A_58 : vector<2048x128xf32>
    %swap3A = arith.constant 0 : index
    %swap3A_60 = arith.constant 0 : index
    %swap3A_61 = vector.load %arg9[%swap3A, %swap3A_60] : memref<2048x128xf32, #tpu.memory_space<vmem>>, vector<2048x128xf32>
    tpu.vector_store %arg9[%swap3A, %swap3A_60], %add3A_59 {strides = array<i32>} : memref<2048x128xf32, #tpu.memory_space<vmem>>, vector<2048x128xf32>,
    %mul3A_62 = vector.broadcast %get3A_4 : vector<2048x1xf32> to vector<2048x128xf32>
    %mul3A_63 = arith.mulf %mul3A_62, %add3A_59 : vector<2048x128xf32>
    %swap3A_64 = arith.constant 0 : index
    %swap3A_65 = arith.constant 0 : index
    %swap3A_66 = vector.load %arg10[%swap3A_64, %swap3A_65] : memref<2048x128xf32, #tpu.memory_space<vmem>>, vector<2048x128xf32>
    tpu.vector_store %arg10[%swap3A_64, %swap3A_65], %mul3A_63 {strides = array<i32>} : memref<2048x128xf32, #tpu.memory_space<vmem>>, vector<2048x128xf32>,
    %get3A_67 = arith.constant 0 : index
    %get3A_68 = arith.constant 0 : index
    %get3A_69 = vector.load %arg4[%get3A_67, %get3A_68] : memref<2048x128xf32, #tpu.memory_space<vmem>>, vector<2048x128xf32>
    %max3A = arith.maximumf %get3A_69, %add3A_59 : vector<2048x128xf32>
    %swap3A_70 = arith.constant 0 : index
    %swap3A_71 = arith.constant 0 : index
    %swap3A_72 = vector.load %arg11[%swap3A_70, %swap3A_71] : memref<2048x128xf32, #tpu.memory_space<vmem>>, vector<2048x128xf32>
    tpu.vector_store %arg11[%swap3A_70, %swap3A_71], %max3A {strides = array<i32>} : memref<2048x128xf32, #tpu.memory_space<vmem>>, vector<2048x128xf32>,
    return
  }
  func.func @transform_0(%arg0: i32) -> (i32, i32) {
    %c0_i32 = arith.constant 0 : i32
    %c0_i32_0 = arith.constant 0 : i32
    return %arg0, %c0_i32 : i32, i32
  }
  func.func @transform_1(%arg0: i32) -> (i32, i32, i32) {
    %c0_i32 = arith.constant 0 : i32
    %c0_i32_0 = arith.constant 0 : i32
    %c0_i32_1 = arith.constant 0 : i32
    return %c0_i32, %arg0, %c0_i32_0 : i32, i32, i32
  }
  func.func @transform_2(%arg0: i32) -> (i32, i32) {
    %c0_i32 = arith.constant 0 : i32
    %c0_i32_0 = arith.constant 0 : i32
    return %arg0, %c0_i32 : i32, i32
  }
  func.func @transform_3(%arg0: i32) -> (i32, i32) {
    %c0_i32 = arith.constant 0 : i32
    %c0_i32_0 = arith.constant 0 : i32
    return %arg0, %c0_i32 : i32, i32
  }
  func.func @transform_4(%arg0: i32) -> (i32, i32) {
    %c0_i32 = arith.constant 0 : i32
    %c0_i32_0 = arith.constant 0 : i32
    %c0_i32_1 = arith.constant 0 : i32
    return %c0_i32, %c0_i32_0 : i32, i32
  }
  func.func @transform_5(%arg0: i32) -> (i32, i32) {
    %c0_i32 = arith.constant 0 : i32
    %c0_i32_0 = arith.constant 0 : i32
    %c0_i32_1 = arith.constant 0 : i32
    return %c0_i32, %c0_i32_0 : i32, i32
  }
  func.func @transform_6(%arg0: i32) -> (i32, i32) {
    %c0_i32 = arith.constant 0 : i32
    %c0_i32_0 = arith.constant 0 : i32
    %c0_i32_1 = arith.constant 0 : i32
    return %c0_i32, %c0_i32_0 : i32, i32
  }
  func.func @transform_7(%arg0: i32) -> (i32, i32) {
    %c0_i32 = arith.constant 0 : i32
    %c0_i32_0 = arith.constant 0 : i32
    %c0_i32_1 = arith.constant 0 : i32
    return %c0_i32, %c0_i32_0 : i32, i32
  }
  func.func @transform_8(%arg0: i32) -> (i32, i32) {
    %c0_i32 = arith.constant 0 : i32
    %c0_i32_0 = arith.constant 0 : i32
    return %arg0, %c0_i32 : i32, i32
  }
  func.func @transform_9(%arg0: i32) -> (i32, i32) {
    %c0_i32 = arith.constant 0 : i32
    %c0_i32_0 = arith.constant 0 : i32
    return %arg0, %c0_i32 : i32, i32
  }
  func.func @transform_10(%arg0: i32) -> (i32, i32) {
    %c0_i32 = arith.constant 0 : i32
    %c0_i32_0 = arith.constant 0 : i32
    return %arg0, %c0_i32 : i32, i32
  }
}

module attributes {stable_mosaic.version = 14 : i64} {
  func.func @_gru_body(%arg0: i32, %arg1: memref<2048x128xf32, #tpu.memory_space<vmem>>, %arg2: memref<2x2048x128xf32, #tpu.memory_space<vmem>>, %arg3: memref<2048x1xf32, #tpu.memory_space<vmem>>, %arg4: memref<2048x128xf32, #tpu.memory_space<vmem>>, %arg5: memref<128x384xf32, #tpu.memory_space<vmem>>, %arg6: memref<128x384xf32, #tpu.memory_space<vmem>>, %arg7: memref<1x384xf32, #tpu.memory_space<vmem>>, %arg8: memref<1x384xf32, #tpu.memory_space<vmem>>, %arg9: memref<2048x128xf32, #tpu.memory_space<vmem>>, %arg10: memref<2048x128xf32, #tpu.memory_space<vmem>>, %arg11: memref<2048x128xf32, #tpu.memory_space<vmem>>) attributes {dimension_semantics = [#tpu.dimension_semantics<arbitrary>], iteration_bounds = array<i64: 5>, scalar_prefetch = 0 : i64, scratch_operands = 0 : i64, tpu.core_type = #tpu.core_type<tc>, window_params = [{transform_indices = @transform_0, window_bounds = array<i64: 2048, 128>}, {transform_indices = @transform_1, window_bounds = array<i64: 2, 2048, 128>}, {transform_indices = @transform_2, window_bounds = array<i64: 2048, 1>}, {transform_indices = @transform_3, window_bounds = array<i64: 2048, 128>}, {pipeline_mode = #tpu.pipeline_mode<synchronous>, transform_indices = @transform_4, window_bounds = array<i64: 128, 384>}, {pipeline_mode = #tpu.pipeline_mode<synchronous>, transform_indices = @transform_5, window_bounds = array<i64: 128, 384>}, {pipeline_mode = #tpu.pipeline_mode<synchronous>, transform_indices = @transform_6, window_bounds = array<i64: 1, 384>}, {pipeline_mode = #tpu.pipeline_mode<synchronous>, transform_indices = @transform_7, window_bounds = array<i64: 1, 384>}, {transform_indices = @transform_8, window_bounds = array<i64: 2048, 128>}, {transform_indices = @transform_9, window_bounds = array<i64: 2048, 128>}, {transform_indices = @transform_10, window_bounds = array<i64: 2048, 128>}]} {
    %get3A = arith.constant 0 : index
    %get3A_0 = arith.constant 0 : index
    %get3A_1 = vector.load %arg1[%get3A, %get3A_0] : memref<2048x128xf32, #tpu.memory_space<vmem>>, vector<2048x128xf32>
    %get3A_2 = arith.constant 0 : index
    %get3A_3 = arith.constant 0 : index
    %get3A_4 = vector.load %arg3[%get3A_2, %get3A_3] : memref<2048x1xf32, #tpu.memory_space<vmem>>, vector<2048x1xf32>
    %get3A_5 = arith.constant 0 : index
    %get3A_6 = arith.constant 0 : index
    %get3A_7 = arith.constant 0 : index
    %get3A_8 = vector.load %arg2[%get3A_5, %get3A_6, %get3A_7] : memref<2x2048x128xf32, #tpu.memory_space<vmem>>, vector<1x2048x128xf32>
    %get3A_9 = vector.shape_cast %get3A_8 : vector<1x2048x128xf32> to vector<2048x128xf32>
    %get3A_10 = arith.constant 1 : index
    %get3A_11 = arith.constant 0 : index
    %get3A_12 = arith.constant 0 : index
    %get3A_13 = vector.load %arg2[%get3A_10, %get3A_11, %get3A_12] : memref<2x2048x128xf32, #tpu.memory_space<vmem>>, vector<1x2048x128xf32>
    %get3A_14 = vector.shape_cast %get3A_13 : vector<1x2048x128xf32> to vector<2048x128xf32>
    %add3A = arith.addf %get3A_9, %get3A_14 : vector<2048x128xf32>
    %mul3A = vector.broadcast %get3A_4 : vector<2048x1xf32> to vector<2048x128xf32>
    %mul3A_15 = arith.mulf %mul3A, %add3A : vector<2048x128xf32>
    %get3A_16 = arith.constant 0 : index
    %get3A_17 = arith.constant 0 : index
    %get3A_18 = vector.load %arg5[%get3A_16, %get3A_17] : memref<128x384xf32, #tpu.memory_space<vmem>>, vector<128x384xf32>
    %dot_general3A = arith.constant dense<0.000000e+00> : vector<2048x384xf32>
    %dot_general3A_19 = tpu.matmul %get3A_1, %get3A_18, %dot_general3A {dimension_numbers = #tpu.dot_dimension_numbers<[1], [0], [0], [1], [0, 0, 1, 1], [], []>, transpose_lhs_hint = false} : vector<2048x128xf32>, vector<128x384xf32>, vector<2048x384xf32> -> vector<2048x384xf32>
    %get3A_20 = arith.constant 0 : index
    %get3A_21 = arith.constant 0 : index
    %get3A_22 = vector.load %arg7[%get3A_20, %get3A_21] : memref<1x384xf32, #tpu.memory_space<vmem>>, vector<1x384xf32>
    %add3A_23 = vector.broadcast %get3A_22 : vector<1x384xf32> to vector<2048x384xf32>
    %add3A_24 = arith.addf %dot_general3A_19, %add3A_23 : vector<2048x384xf32>
    %get3A_25 = arith.constant 0 : index
    %get3A_26 = arith.constant 0 : index
    %get3A_27 = vector.load %arg6[%get3A_25, %get3A_26] : memref<128x384xf32, #tpu.memory_space<vmem>>, vector<128x384xf32>
    %dot_general3A_28 = arith.constant dense<0.000000e+00> : vector<2048x384xf32>
    %dot_general3A_29 = tpu.matmul %mul3A_15, %get3A_27, %dot_general3A_28 {dimension_numbers = #tpu.dot_dimension_numbers<[1], [0], [0], [1], [0, 0, 1, 1], [], []>, transpose_lhs_hint = false} : vector<2048x128xf32>, vector<128x384xf32>, vector<2048x384xf32> -> vector<2048x384xf32>
    %get3A_30 = arith.constant 0 : index
    %get3A_31 = arith.constant 0 : index
    %get3A_32 = vector.load %arg8[%get3A_30, %get3A_31] : memref<1x384xf32, #tpu.memory_space<vmem>>, vector<1x384xf32>
    %add3A_33 = vector.broadcast %get3A_32 : vector<1x384xf32> to vector<2048x384xf32>
    %add3A_34 = arith.addf %dot_general3A_29, %add3A_33 : vector<2048x384xf32>
    %slice3A = vector.extract_strided_slice %add3A_24 {offsets = [0, 0], sizes = [2048, 128], strides = [1, 1]} : vector<2048x384xf32> to vector<2048x128xf32>
    %slice3A_35 = vector.extract_strided_slice %add3A_34 {offsets = [0, 0], sizes = [2048, 128], strides = [1, 1]} : vector<2048x384xf32> to vector<2048x128xf32>
    %add3A_36 = arith.addf %slice3A, %slice3A_35 : vector<2048x128xf32>
    %logistic3A = arith.negf %add3A_36 : vector<2048x128xf32>
    %logistic3A_37 = math.exp %logistic3A : vector<2048x128xf32>
    %logistic3A_38 = arith.constant 1.000000e+00 : f32
    %logistic3A_39 = vector.broadcast %logistic3A_38 : f32 to vector<2048x128xf32>
    %logistic3A_40 = arith.addf %logistic3A_39, %logistic3A_37 : vector<2048x128xf32>
    %logistic3A_41 = arith.divf %logistic3A_39, %logistic3A_40 : vector<2048x128xf32>
    %slice3A_42 = vector.extract_strided_slice %add3A_24 {offsets = [0, 128], sizes = [2048, 128], strides = [1, 1]} : vector<2048x384xf32> to vector<2048x128xf32>
    %slice3A_43 = vector.extract_strided_slice %add3A_34 {offsets = [0, 128], sizes = [2048, 128], strides = [1, 1]} : vector<2048x384xf32> to vector<2048x128xf32>
    %add3A_44 = arith.addf %slice3A_42, %slice3A_43 : vector<2048x128xf32>
    %logistic3A_45 = arith.negf %add3A_44 : vector<2048x128xf32>
    %logistic3A_46 = math.exp %logistic3A_45 : vector<2048x128xf32>
    %logistic3A_47 = arith.constant 1.000000e+00 : f32
    %logistic3A_48 = vector.broadcast %logistic3A_47 : f32 to vector<2048x128xf32>
    %logistic3A_49 = arith.addf %logistic3A_48, %logistic3A_46 : vector<2048x128xf32>
    %logistic3A_50 = arith.divf %logistic3A_48, %logistic3A_49 : vector<2048x128xf32>
    %slice3A_51 = vector.extract_strided_slice %add3A_24 {offsets = [0, 256], sizes = [2048, 128], strides = [1, 1]} : vector<2048x384xf32> to vector<2048x128xf32>
    %slice3A_52 = vector.extract_strided_slice %add3A_34 {offsets = [0, 256], sizes = [2048, 128], strides = [1, 1]} : vector<2048x384xf32> to vector<2048x128xf32>
    %mul3A_53 = arith.mulf %logistic3A_41, %slice3A_52 : vector<2048x128xf32>
    %add3A_54 = arith.addf %slice3A_51, %mul3A_53 : vector<2048x128xf32>
    %tanh3A = math.tanh %add3A_54 : vector<2048x128xf32>
    %sub3A = arith.constant 1.000000e+00 : f32
    %sub3A_55 = vector.broadcast %sub3A : f32 to vector<2048x128xf32>
    %sub3A_56 = arith.subf %sub3A_55, %logistic3A_50 : vector<2048x128xf32>
    %mul3A_57 = arith.mulf %sub3A_56, %tanh3A : vector<2048x128xf32>
    %mul3A_58 = arith.mulf %logistic3A_50, %mul3A_15 : vector<2048x128xf32>
    %add3A_59 = arith.addf %mul3A_57, %mul3A_58 : vector<2048x128xf32>
    %swap3A = arith.constant 0 : index
    %swap3A_60 = arith.constant 0 : index
    %swap3A_61 = vector.load %arg9[%swap3A, %swap3A_60] : memref<2048x128xf32, #tpu.memory_space<vmem>>, vector<2048x128xf32>
    tpu.vector_store %arg9[%swap3A, %swap3A_60], %add3A_59 {strides = array<i32>} : memref<2048x128xf32, #tpu.memory_space<vmem>>, vector<2048x128xf32>,
    %mul3A_62 = vector.broadcast %get3A_4 : vector<2048x1xf32> to vector<2048x128xf32>
    %mul3A_63 = arith.mulf %mul3A_62, %add3A_59 : vector<2048x128xf32>
    %swap3A_64 = arith.constant 0 : index
    %swap3A_65 = arith.constant 0 : index
    %swap3A_66 = vector.load %arg10[%swap3A_64, %swap3A_65] : memref<2048x128xf32, #tpu.memory_space<vmem>>, vector<2048x128xf32>
    tpu.vector_store %arg10[%swap3A_64, %swap3A_65], %mul3A_63 {strides = array<i32>} : memref<2048x128xf32, #tpu.memory_space<vmem>>, vector<2048x128xf32>,
    %get3A_67 = arith.constant 0 : index
    %get3A_68 = arith.constant 0 : index
    %get3A_69 = vector.load %arg4[%get3A_67, %get3A_68] : memref<2048x128xf32, #tpu.memory_space<vmem>>, vector<2048x128xf32>
    %max3A = arith.maximumf %get3A_69, %add3A_59 : vector<2048x128xf32>
    %swap3A_70 = arith.constant 0 : index
    %swap3A_71 = arith.constant 0 : index
    %swap3A_72 = vector.load %arg11[%swap3A_70, %swap3A_71] : memref<2048x128xf32, #tpu.memory_space<vmem>>, vector<2048x128xf32>
    tpu.vector_store %arg11[%swap3A_70, %swap3A_71], %max3A {strides = array<i32>} : memref<2048x128xf32, #tpu.memory_space<vmem>>, vector<2048x128xf32>,
    return
  }
  func.func @transform_0(%arg0: i32) -> (i32, i32) {
    %c0_i32 = arith.constant 0 : i32
    %c0_i32_0 = arith.constant 0 : i32
    return %arg0, %c0_i32 : i32, i32
  }
  func.func @transform_1(%arg0: i32) -> (i32, i32, i32) {
    %c0_i32 = arith.constant 0 : i32
    %c0_i32_0 = arith.constant 0 : i32
    %c0_i32_1 = arith.constant 0 : i32
    return %c0_i32, %arg0, %c0_i32_0 : i32, i32, i32
  }
  func.func @transform_2(%arg0: i32) -> (i32, i32) {
    %c0_i32 = arith.constant 0 : i32
    %c0_i32_0 = arith.constant 0 : i32
    return %arg0, %c0_i32 : i32, i32
  }
  func.func @transform_3(%arg0: i32) -> (i32, i32) {
    %c0_i32 = arith.constant 0 : i32
    %c0_i32_0 = arith.constant 0 : i32
    return %arg0, %c0_i32 : i32, i32
  }
  func.func @transform_4(%arg0: i32) -> (i32, i32) {
    %c0_i32 = arith.constant 0 : i32
    %c0_i32_0 = arith.constant 0 : i32
    %c0_i32_1 = arith.constant 0 : i32
    return %c0_i32, %c0_i32_0 : i32, i32
  }
  func.func @transform_5(%arg0: i32) -> (i32, i32) {
    %c0_i32 = arith.constant 0 : i32
    %c0_i32_0 = arith.constant 0 : i32
    %c0_i32_1 = arith.constant 0 : i32
    return %c0_i32, %c0_i32_0 : i32, i32
  }
  func.func @transform_6(%arg0: i32) -> (i32, i32) {
    %c0_i32 = arith.constant 0 : i32
    %c0_i32_0 = arith.constant 0 : i32
    %c0_i32_1 = arith.constant 0 : i32
    return %c0_i32, %c0_i32_0 : i32, i32
  }
  func.func @transform_7(%arg0: i32) -> (i32, i32) {
    %c0_i32 = arith.constant 0 : i32
    %c0_i32_0 = arith.constant 0 : i32
    %c0_i32_1 = arith.constant 0 : i32
    return %c0_i32, %c0_i32_0 : i32, i32
  }
  func.func @transform_8(%arg0: i32) -> (i32, i32) {
    %c0_i32 = arith.constant 0 : i32
    %c0_i32_0 = arith.constant 0 : i32
    return %arg0, %c0_i32 : i32, i32
  }
  func.func @transform_9(%arg0: i32) -> (i32, i32) {
    %c0_i32 = arith.constant 0 : i32
    %c0_i32_0 = arith.constant 0 : i32
    return %arg0, %c0_i32 : i32, i32
  }
  func.func @transform_10(%arg0: i32) -> (i32, i32) {
    %c0_i32 = arith.constant 0 : i32
    %c0_i32_0 = arith.constant 0 : i32
    return %arg0, %c0_i32 : i32, i32
  }
}

module attributes {stable_mosaic.version = 14 : i64} {
  func.func @_gru_body(%arg0: i32, %arg1: memref<2048x128xf32, #tpu.memory_space<vmem>>, %arg2: memref<2x2048x128xf32, #tpu.memory_space<vmem>>, %arg3: memref<2048x1xf32, #tpu.memory_space<vmem>>, %arg4: memref<2048x128xf32, #tpu.memory_space<vmem>>, %arg5: memref<128x384xf32, #tpu.memory_space<vmem>>, %arg6: memref<128x384xf32, #tpu.memory_space<vmem>>, %arg7: memref<1x384xf32, #tpu.memory_space<vmem>>, %arg8: memref<1x384xf32, #tpu.memory_space<vmem>>, %arg9: memref<2048x128xf32, #tpu.memory_space<vmem>>, %arg10: memref<2048x128xf32, #tpu.memory_space<vmem>>, %arg11: memref<2048x128xf32, #tpu.memory_space<vmem>>) attributes {dimension_semantics = [#tpu.dimension_semantics<arbitrary>], iteration_bounds = array<i64: 5>, scalar_prefetch = 0 : i64, scratch_operands = 0 : i64, tpu.core_type = #tpu.core_type<tc>, window_params = [{transform_indices = @transform_0, window_bounds = array<i64: 2048, 128>}, {transform_indices = @transform_1, window_bounds = array<i64: 2, 2048, 128>}, {transform_indices = @transform_2, window_bounds = array<i64: 2048, 1>}, {transform_indices = @transform_3, window_bounds = array<i64: 2048, 128>}, {pipeline_mode = #tpu.pipeline_mode<synchronous>, transform_indices = @transform_4, window_bounds = array<i64: 128, 384>}, {pipeline_mode = #tpu.pipeline_mode<synchronous>, transform_indices = @transform_5, window_bounds = array<i64: 128, 384>}, {pipeline_mode = #tpu.pipeline_mode<synchronous>, transform_indices = @transform_6, window_bounds = array<i64: 1, 384>}, {pipeline_mode = #tpu.pipeline_mode<synchronous>, transform_indices = @transform_7, window_bounds = array<i64: 1, 384>}, {transform_indices = @transform_8, window_bounds = array<i64: 2048, 128>}, {transform_indices = @transform_9, window_bounds = array<i64: 2048, 128>}, {transform_indices = @transform_10, window_bounds = array<i64: 2048, 128>}]} {
    %get3A = arith.constant 0 : index
    %get3A_0 = arith.constant 0 : index
    %get3A_1 = vector.load %arg1[%get3A, %get3A_0] : memref<2048x128xf32, #tpu.memory_space<vmem>>, vector<2048x128xf32>
    %get3A_2 = arith.constant 0 : index
    %get3A_3 = arith.constant 0 : index
    %get3A_4 = vector.load %arg3[%get3A_2, %get3A_3] : memref<2048x1xf32, #tpu.memory_space<vmem>>, vector<2048x1xf32>
    %get3A_5 = arith.constant 0 : index
    %get3A_6 = arith.constant 0 : index
    %get3A_7 = arith.constant 0 : index
    %get3A_8 = vector.load %arg2[%get3A_5, %get3A_6, %get3A_7] : memref<2x2048x128xf32, #tpu.memory_space<vmem>>, vector<1x2048x128xf32>
    %get3A_9 = vector.shape_cast %get3A_8 : vector<1x2048x128xf32> to vector<2048x128xf32>
    %get3A_10 = arith.constant 1 : index
    %get3A_11 = arith.constant 0 : index
    %get3A_12 = arith.constant 0 : index
    %get3A_13 = vector.load %arg2[%get3A_10, %get3A_11, %get3A_12] : memref<2x2048x128xf32, #tpu.memory_space<vmem>>, vector<1x2048x128xf32>
    %get3A_14 = vector.shape_cast %get3A_13 : vector<1x2048x128xf32> to vector<2048x128xf32>
    %add3A = arith.addf %get3A_9, %get3A_14 : vector<2048x128xf32>
    %mul3A = vector.broadcast %get3A_4 : vector<2048x1xf32> to vector<2048x128xf32>
    %mul3A_15 = arith.mulf %mul3A, %add3A : vector<2048x128xf32>
    %get3A_16 = arith.constant 0 : index
    %get3A_17 = arith.constant 0 : index
    %get3A_18 = vector.load %arg5[%get3A_16, %get3A_17] : memref<128x384xf32, #tpu.memory_space<vmem>>, vector<128x384xf32>
    %dot_general3A = arith.constant dense<0.000000e+00> : vector<2048x384xf32>
    %dot_general3A_19 = tpu.matmul %get3A_1, %get3A_18, %dot_general3A {dimension_numbers = #tpu.dot_dimension_numbers<[1], [0], [0], [1], [0, 0, 1, 1], [], []>, transpose_lhs_hint = false} : vector<2048x128xf32>, vector<128x384xf32>, vector<2048x384xf32> -> vector<2048x384xf32>
    %get3A_20 = arith.constant 0 : index
    %get3A_21 = arith.constant 0 : index
    %get3A_22 = vector.load %arg7[%get3A_20, %get3A_21] : memref<1x384xf32, #tpu.memory_space<vmem>>, vector<1x384xf32>
    %add3A_23 = vector.broadcast %get3A_22 : vector<1x384xf32> to vector<2048x384xf32>
    %add3A_24 = arith.addf %dot_general3A_19, %add3A_23 : vector<2048x384xf32>
    %get3A_25 = arith.constant 0 : index
    %get3A_26 = arith.constant 0 : index
    %get3A_27 = vector.load %arg6[%get3A_25, %get3A_26] : memref<128x384xf32, #tpu.memory_space<vmem>>, vector<128x384xf32>
    %dot_general3A_28 = arith.constant dense<0.000000e+00> : vector<2048x384xf32>
    %dot_general3A_29 = tpu.matmul %mul3A_15, %get3A_27, %dot_general3A_28 {dimension_numbers = #tpu.dot_dimension_numbers<[1], [0], [0], [1], [0, 0, 1, 1], [], []>, transpose_lhs_hint = false} : vector<2048x128xf32>, vector<128x384xf32>, vector<2048x384xf32> -> vector<2048x384xf32>
    %get3A_30 = arith.constant 0 : index
    %get3A_31 = arith.constant 0 : index
    %get3A_32 = vector.load %arg8[%get3A_30, %get3A_31] : memref<1x384xf32, #tpu.memory_space<vmem>>, vector<1x384xf32>
    %add3A_33 = vector.broadcast %get3A_32 : vector<1x384xf32> to vector<2048x384xf32>
    %add3A_34 = arith.addf %dot_general3A_29, %add3A_33 : vector<2048x384xf32>
    %slice3A = vector.extract_strided_slice %add3A_24 {offsets = [0, 0], sizes = [2048, 128], strides = [1, 1]} : vector<2048x384xf32> to vector<2048x128xf32>
    %slice3A_35 = vector.extract_strided_slice %add3A_34 {offsets = [0, 0], sizes = [2048, 128], strides = [1, 1]} : vector<2048x384xf32> to vector<2048x128xf32>
    %add3A_36 = arith.addf %slice3A, %slice3A_35 : vector<2048x128xf32>
    %logistic3A = arith.negf %add3A_36 : vector<2048x128xf32>
    %logistic3A_37 = math.exp %logistic3A : vector<2048x128xf32>
    %logistic3A_38 = arith.constant 1.000000e+00 : f32
    %logistic3A_39 = vector.broadcast %logistic3A_38 : f32 to vector<2048x128xf32>
    %logistic3A_40 = arith.addf %logistic3A_39, %logistic3A_37 : vector<2048x128xf32>
    %logistic3A_41 = arith.divf %logistic3A_39, %logistic3A_40 : vector<2048x128xf32>
    %slice3A_42 = vector.extract_strided_slice %add3A_24 {offsets = [0, 128], sizes = [2048, 128], strides = [1, 1]} : vector<2048x384xf32> to vector<2048x128xf32>
    %slice3A_43 = vector.extract_strided_slice %add3A_34 {offsets = [0, 128], sizes = [2048, 128], strides = [1, 1]} : vector<2048x384xf32> to vector<2048x128xf32>
    %add3A_44 = arith.addf %slice3A_42, %slice3A_43 : vector<2048x128xf32>
    %logistic3A_45 = arith.negf %add3A_44 : vector<2048x128xf32>
    %logistic3A_46 = math.exp %logistic3A_45 : vector<2048x128xf32>
    %logistic3A_47 = arith.constant 1.000000e+00 : f32
    %logistic3A_48 = vector.broadcast %logistic3A_47 : f32 to vector<2048x128xf32>
    %logistic3A_49 = arith.addf %logistic3A_48, %logistic3A_46 : vector<2048x128xf32>
    %logistic3A_50 = arith.divf %logistic3A_48, %logistic3A_49 : vector<2048x128xf32>
    %slice3A_51 = vector.extract_strided_slice %add3A_24 {offsets = [0, 256], sizes = [2048, 128], strides = [1, 1]} : vector<2048x384xf32> to vector<2048x128xf32>
    %slice3A_52 = vector.extract_strided_slice %add3A_34 {offsets = [0, 256], sizes = [2048, 128], strides = [1, 1]} : vector<2048x384xf32> to vector<2048x128xf32>
    %mul3A_53 = arith.mulf %logistic3A_41, %slice3A_52 : vector<2048x128xf32>
    %add3A_54 = arith.addf %slice3A_51, %mul3A_53 : vector<2048x128xf32>
    %tanh3A = math.tanh %add3A_54 : vector<2048x128xf32>
    %sub3A = arith.constant 1.000000e+00 : f32
    %sub3A_55 = vector.broadcast %sub3A : f32 to vector<2048x128xf32>
    %sub3A_56 = arith.subf %sub3A_55, %logistic3A_50 : vector<2048x128xf32>
    %mul3A_57 = arith.mulf %sub3A_56, %tanh3A : vector<2048x128xf32>
    %mul3A_58 = arith.mulf %logistic3A_50, %mul3A_15 : vector<2048x128xf32>
    %add3A_59 = arith.addf %mul3A_57, %mul3A_58 : vector<2048x128xf32>
    %swap3A = arith.constant 0 : index
    %swap3A_60 = arith.constant 0 : index
    %swap3A_61 = vector.load %arg9[%swap3A, %swap3A_60] : memref<2048x128xf32, #tpu.memory_space<vmem>>, vector<2048x128xf32>
    tpu.vector_store %arg9[%swap3A, %swap3A_60], %add3A_59 {strides = array<i32>} : memref<2048x128xf32, #tpu.memory_space<vmem>>, vector<2048x128xf32>,
    %mul3A_62 = vector.broadcast %get3A_4 : vector<2048x1xf32> to vector<2048x128xf32>
    %mul3A_63 = arith.mulf %mul3A_62, %add3A_59 : vector<2048x128xf32>
    %swap3A_64 = arith.constant 0 : index
    %swap3A_65 = arith.constant 0 : index
    %swap3A_66 = vector.load %arg10[%swap3A_64, %swap3A_65] : memref<2048x128xf32, #tpu.memory_space<vmem>>, vector<2048x128xf32>
    tpu.vector_store %arg10[%swap3A_64, %swap3A_65], %mul3A_63 {strides = array<i32>} : memref<2048x128xf32, #tpu.memory_space<vmem>>, vector<2048x128xf32>,
    %get3A_67 = arith.constant 0 : index
    %get3A_68 = arith.constant 0 : index
    %get3A_69 = vector.load %arg4[%get3A_67, %get3A_68] : memref<2048x128xf32, #tpu.memory_space<vmem>>, vector<2048x128xf32>
    %max3A = arith.maximumf %get3A_69, %add3A_59 : vector<2048x128xf32>
    %swap3A_70 = arith.constant 0 : index
    %swap3A_71 = arith.constant 0 : index
    %swap3A_72 = vector.load %arg11[%swap3A_70, %swap3A_71] : memref<2048x128xf32, #tpu.memory_space<vmem>>, vector<2048x128xf32>
    tpu.vector_store %arg11[%swap3A_70, %swap3A_71], %max3A {strides = array<i32>} : memref<2048x128xf32, #tpu.memory_space<vmem>>, vector<2048x128xf32>,
    return
  }
  func.func @transform_0(%arg0: i32) -> (i32, i32) {
    %c0_i32 = arith.constant 0 : i32
    %c0_i32_0 = arith.constant 0 : i32
    return %arg0, %c0_i32 : i32, i32
  }
  func.func @transform_1(%arg0: i32) -> (i32, i32, i32) {
    %c0_i32 = arith.constant 0 : i32
    %c0_i32_0 = arith.constant 0 : i32
    %c0_i32_1 = arith.constant 0 : i32
    return %c0_i32, %arg0, %c0_i32_0 : i32, i32, i32
  }
  func.func @transform_2(%arg0: i32) -> (i32, i32) {
    %c0_i32 = arith.constant 0 : i32
    %c0_i32_0 = arith.constant 0 : i32
    return %arg0, %c0_i32 : i32, i32
  }
  func.func @transform_3(%arg0: i32) -> (i32, i32) {
    %c0_i32 = arith.constant 0 : i32
    %c0_i32_0 = arith.constant 0 : i32
    return %arg0, %c0_i32 : i32, i32
  }
  func.func @transform_4(%arg0: i32) -> (i32, i32) {
    %c0_i32 = arith.constant 0 : i32
    %c0_i32_0 = arith.constant 0 : i32
    %c0_i32_1 = arith.constant 0 : i32
    return %c0_i32, %c0_i32_0 : i32, i32
  }
  func.func @transform_5(%arg0: i32) -> (i32, i32) {
    %c0_i32 = arith.constant 0 : i32
    %c0_i32_0 = arith.constant 0 : i32
    %c0_i32_1 = arith.constant 0 : i32
    return %c0_i32, %c0_i32_0 : i32, i32
  }
  func.func @transform_6(%arg0: i32) -> (i32, i32) {
    %c0_i32 = arith.constant 0 : i32
    %c0_i32_0 = arith.constant 0 : i32
    %c0_i32_1 = arith.constant 0 : i32
    return %c0_i32, %c0_i32_0 : i32, i32
  }
  func.func @transform_7(%arg0: i32) -> (i32, i32) {
    %c0_i32 = arith.constant 0 : i32
    %c0_i32_0 = arith.constant 0 : i32
    %c0_i32_1 = arith.constant 0 : i32
    return %c0_i32, %c0_i32_0 : i32, i32
  }
  func.func @transform_8(%arg0: i32) -> (i32, i32) {
    %c0_i32 = arith.constant 0 : i32
    %c0_i32_0 = arith.constant 0 : i32
    return %arg0, %c0_i32 : i32, i32
  }
  func.func @transform_9(%arg0: i32) -> (i32, i32) {
    %c0_i32 = arith.constant 0 : i32
    %c0_i32_0 = arith.constant 0 : i32
    return %arg0, %c0_i32 : i32, i32
  }
  func.func @transform_10(%arg0: i32) -> (i32, i32) {
    %c0_i32 = arith.constant 0 : i32
    %c0_i32_0 = arith.constant 0 : i32
    return %arg0, %c0_i32 : i32, i32
  }
}

module attributes {stable_mosaic.version = 14 : i64} {
  func.func @_dec_body(%arg0: i32, %arg1: memref<2048x128xf32, #tpu.memory_space<vmem>>, %arg2: memref<128x32xf32, #tpu.memory_space<vmem>>, %arg3: memref<1x32xf32, #tpu.memory_space<vmem>>, %arg4: memref<32x1xf32, #tpu.memory_space<vmem>>, %arg5: memref<1x1xf32, #tpu.memory_space<vmem>>, %arg6: memref<2048x1xf32, #tpu.memory_space<vmem>>) attributes {dimension_semantics = [#tpu.dimension_semantics<arbitrary>], iteration_bounds = array<i64: 5>, scalar_prefetch = 0 : i64, scratch_operands = 0 : i64, tpu.core_type = #tpu.core_type<tc>, window_params = [{transform_indices = @transform_0, window_bounds = array<i64: 2048, 128>}, {pipeline_mode = #tpu.pipeline_mode<synchronous>, transform_indices = @transform_1, window_bounds = array<i64: 128, 32>}, {pipeline_mode = #tpu.pipeline_mode<synchronous>, transform_indices = @transform_2, window_bounds = array<i64: 1, 32>}, {pipeline_mode = #tpu.pipeline_mode<synchronous>, transform_indices = @transform_3, window_bounds = array<i64: 32, 1>}, {pipeline_mode = #tpu.pipeline_mode<synchronous>, transform_indices = @transform_4, window_bounds = array<i64: 1, 1>}, {transform_indices = @transform_5, window_bounds = array<i64: 2048, 1>}]} {
    %get3A = arith.constant 0 : index
    %get3A_0 = arith.constant 0 : index
    %get3A_1 = vector.load %arg1[%get3A, %get3A_0] : memref<2048x128xf32, #tpu.memory_space<vmem>>, vector<2048x128xf32>
    %get3A_2 = arith.constant 0 : index
    %get3A_3 = arith.constant 0 : index
    %get3A_4 = vector.load %arg2[%get3A_2, %get3A_3] : memref<128x32xf32, #tpu.memory_space<vmem>>, vector<128x32xf32>
    %dot_general3A = arith.constant dense<0.000000e+00> : vector<2048x32xf32>
    %dot_general3A_5 = tpu.matmul %get3A_1, %get3A_4, %dot_general3A {dimension_numbers = #tpu.dot_dimension_numbers<[1], [0], [0], [1], [0, 0, 1, 1], [], []>, transpose_lhs_hint = false} : vector<2048x128xf32>, vector<128x32xf32>, vector<2048x32xf32> -> vector<2048x32xf32>
    %get3A_6 = arith.constant 0 : index
    %get3A_7 = arith.constant 0 : index
    %get3A_8 = vector.load %arg3[%get3A_6, %get3A_7] : memref<1x32xf32, #tpu.memory_space<vmem>>, vector<1x32xf32>
    %add3A = vector.broadcast %get3A_8 : vector<1x32xf32> to vector<2048x32xf32>
    %add3A_9 = arith.addf %dot_general3A_5, %add3A : vector<2048x32xf32>
    %max3A = arith.constant 0.000000e+00 : f32
    %max3A_10 = vector.broadcast %max3A : f32 to vector<2048x32xf32>
    %max3A_11 = arith.maximumf %add3A_9, %max3A_10 : vector<2048x32xf32>
    %get3A_12 = arith.constant 0 : index
    %get3A_13 = arith.constant 0 : index
    %get3A_14 = vector.load %arg4[%get3A_12, %get3A_13] : memref<32x1xf32, #tpu.memory_space<vmem>>, vector<32x1xf32>
    %dot_general3A_15 = arith.constant dense<0.000000e+00> : vector<2048x1xf32>
    %dot_general3A_16 = tpu.matmul %max3A_11, %get3A_14, %dot_general3A_15 {dimension_numbers = #tpu.dot_dimension_numbers<[1], [0], [0], [1], [0, 0, 1, 1], [], []>, transpose_lhs_hint = false} : vector<2048x32xf32>, vector<32x1xf32>, vector<2048x1xf32> -> vector<2048x1xf32>
    %get3A_17 = arith.constant 0 : index
    %get3A_18 = arith.constant 0 : index
    %get3A_19 = vector.load %arg5[%get3A_17, %get3A_18] : memref<1x1xf32, #tpu.memory_space<vmem>>, vector<1x1xf32>
    %add3A_20 = vector.broadcast %get3A_19 : vector<1x1xf32> to vector<2048x1xf32>
    %add3A_21 = arith.addf %dot_general3A_16, %add3A_20 : vector<2048x1xf32>
    %swap3A = arith.constant 0 : index
    %swap3A_22 = arith.constant 0 : index
    %swap3A_23 = vector.load %arg6[%swap3A, %swap3A_22] : memref<2048x1xf32, #tpu.memory_space<vmem>>, vector<2048x1xf32>
    tpu.vector_store %arg6[%swap3A, %swap3A_22], %add3A_21 {strides = array<i32>} : memref<2048x1xf32, #tpu.memory_space<vmem>>, vector<2048x1xf32>,
    return
  }
  func.func @transform_0(%arg0: i32) -> (i32, i32) {
    %c0_i32 = arith.constant 0 : i32
    %c0_i32_0 = arith.constant 0 : i32
    return %arg0, %c0_i32 : i32, i32
  }
  func.func @transform_1(%arg0: i32) -> (i32, i32) {
    %c0_i32 = arith.constant 0 : i32
    %c0_i32_0 = arith.constant 0 : i32
    %c0_i32_1 = arith.constant 0 : i32
    return %c0_i32, %c0_i32_0 : i32, i32
  }
  func.func @transform_2(%arg0: i32) -> (i32, i32) {
    %c0_i32 = arith.constant 0 : i32
    %c0_i32_0 = arith.constant 0 : i32
    %c0_i32_1 = arith.constant 0 : i32
    return %c0_i32, %c0_i32_0 : i32, i32
  }
  func.func @transform_3(%arg0: i32) -> (i32, i32) {
    %c0_i32 = arith.constant 0 : i32
    %c0_i32_0 = arith.constant 0 : i32
    %c0_i32_1 = arith.constant 0 : i32
    return %c0_i32, %c0_i32_0 : i32, i32
  }
  func.func @transform_4(%arg0: i32) -> (i32, i32) {
    %c0_i32 = arith.constant 0 : i32
    %c0_i32_0 = arith.constant 0 : i32
    %c0_i32_1 = arith.constant 0 : i32
    return %c0_i32, %c0_i32_0 : i32, i32
  }
  func.func @transform_5(%arg0: i32) -> (i32, i32) {
    %c0_i32 = arith.constant 0 : i32
    %c0_i32_0 = arith.constant 0 : i32
    return %arg0, %c0_i32 : i32, i32
  }
}

</mosaic_0001>

<sc_bundles>
// kernel: kernel.15.cloned.1.call-start
scs
__scs_entry_jumppad:
0x0: {  	(pc) =	sbr.rel $0x88, $3  }
0x1: {  	(tag) =	ssettag $0x0;
	lr =	simm.s32 $0x1  }
0x2: {  	[smem:$0x3F95] =	sst lr;
	_ =	strace $0xD0000000  }
0x3: {  	_ = 	snop  }
0x4: {  	_ = 	snop  }
0x5: {  	_ = 	snop  }
0x6: {  	_ = 	snop  }
0x7: {  	_ = 	snop  }
__scs_overlays_trampoline_lowered:
0x8: {  	[smem:$0x3FA4] =	sst s0  }
0x9: {  	[smem:$0x3FA5] =	sst s1  }
0xa: {  	[smem:$0x3FA6] =	sst s2  }
0xb: {  	[smem:$0x3FA7] =	sst s3  }
0xc: {  	[smem:$0x3FA8] =	sst s4  }
0xd: {  	[smem:$0x3FA9] =	sst s5  }
0xe: {  	[smem:$0x3FAA] =	sst s6  }
0xf: {  	[smem:$0x3FAB] =	sst s7  }
0x10: {  	[smem:$0x3FAC] =	sst s8  }
0x11: {  	[smem:$0x3FAD] =	sst s9;
	s0 =	simm.s32 @!p0 $0x0  }
0x12: {  	s1 =	sld [smem:$0x3F93];
	s0 =	simm.s32 @p0 $0x1  }
0x13: {  	[smem:$0x3FAE] =	sst s0;
	s0 =	simm.s32 @!p1 $0x0  }
0x14: {  	s2 =	sld [smem:$0x3F92];
	s0 =	simm.s32 @p1 $0x1  }
0x15: {  	[smem:$0x3FAF] =	sst s0;
	s0 =	simm.s32 @!p2 $0x0  }
0x16: {  	s3 =	sld [smem:$0x3FDB];
	s0 =	simm.s32 @p2 $0x1  }
0x17: {  	s4 =	simm.s32 $0x1BF5;
	[smem:$0x3FB1] =	sst s0  }
0x18: {  	s0 =	sld [smem:$0x3F94];
	_ =	swait.ge [sflag:s4], $0x0  }
0x19: {  	s7 =	sld [smem:$0x3F95]  }
0x1a: {  	s8 =	sadd.s32 $0xFFFFE003, lr  }
0x1b: {  	s9 =	sadd.s32 $0xFFFFFEF7, lr;
	s5 =	simm.s32 $0xFFFFFFFF;
	p2 =	slt.u32 s8, $0xFFFFF086  }
0x1c: {  	p1 =	slt.u32 s9, $0xF7A;
	s5 =	simm.s32 @!p2 $0x0  }
0x1d: {  	s5 =	simm.s32 @p1 $0x1;
	p0 =	seq.s32 s7, s2  }
0x1e: {  	s7 =	smul.u32 @!p0 $0xF7A, s2;
	p2 =	seq.s32 @!p0 s5, $0x0  }
0x1f: {  	s9 =	smul.u32 $0xF7A, s1;
	s8 =	simm.s32 @!p0 $0x1BF5;
	p2 =	por !p2, p0  }
0x20: {  	[sflag:s8] =	ssyncset.s32 @!p0 $0xFFFFF086;
	s6 =	sadd.s32 @!p0 s3, s7;
	s7 =	simm.s32 @!p0 $0x108  }
0x21: {  	s3 =	sadd.s32 s3, s9;
	s6 =	sadd.s32 @!p0 $0x88, s6;
	s7 =	simm.s32 @p2 $0x1082  }
0x22: {  	[simem:s7], [sflag:s8] =	dma.local @!p0 [hbm:s6], $0xF7A  }
0x23: {  	s9 =	sor.u32 $0xD0000000, s2;
	s6 =	simm.s32 $0x108;
	_ =	swait.ge @!p0 [sflag:s8], $0x0  }
0x24: {  	s3 =	sadd.s32 $0x88, s3;
	s6 =	simm.s32 @!p1 $0x1082;
	[sflag:s4] =	ssyncset.s32 $0xFFFFF086  }
0x25: {  	[simem:s6], [sflag:s4] =	dma.local [hbm:s3], $0xF7A  }
0x26: {  	[smem:$0x3F95] =	sst s1;
	(tag) =	ssettag s2;
	_ =	strace s9  }
0x27: {  	s1 =	sld [smem:$0x3FA5]  }
0x28: {  	s2 =	sld [smem:$0x3FA6]  }
0x29: {  	s4 =	sld [smem:$0x3FA8]  }
0x2a: {  	p0 =	seq.s32 s5, $0x0;
	s5 =	sld [smem:$0x3FA9]  }
0x2b: {  	s6 =	sld [smem:$0x3FAA]  }
0x2c: {  	s7 =	sld [smem:$0x3FAB]  }
0x2d: {  	s3 =	simm.s32 $0x108;
	s8 =	sld [smem:$0x3FAC]  }
0x2e: {  	s3 =	simm.s32 @!p0 $0x1082;
	s9 =	sld [smem:$0x3FAD]  }
0x2f: {  	lr =	sadd.s32 s0, s3;
	s0 =	sld [smem:$0x3FA4]  }
0x30: {  	s3 =	sld [smem:$0x3FA7]  }
0x31: {  	[smem:$0x3FB0] =	sst s10  }
0x32: {  	s10 =	sld [smem:$0x3FAE];
	_ =	sdelay $0x3  }
0x33: {  	p0 =	seq.s32 s10, $0x1;
	s10 =	sld [smem:$0x3FB0];
	_ =	sdelay $0x3  }
0x34: {  	[smem:$0x3FB0] =	sst s10  }
0x35: {  	s10 =	sld [smem:$0x3FAF];
	_ =	sdelay $0x3  }
0x36: {  	p1 =	seq.s32 s10, $0x1;
	s10 =	sld [smem:$0x3FB0];
	_ =	sdelay $0x3  }
0x37: {  	[smem:$0x3FB0] =	sst s10  }
0x38: {  	s10 =	sld [smem:$0x3FB1]  }
0x39: {  	_ = 	snop;
	(pc) =	sbr.ind lr, $3  }
0x3a: {  	_ = 	snop  }
0x3b: {  	_ = 	snop  }
0x3c: {  	p2 =	seq.s32 s10, $0x1;
	s10 =	sld [smem:$0x3FB0]  }
0x3d: {  	_ =	shalt  }
0x3e: {  	_ =	shalt  }
0x3f: {  	_ =	shalt  }
0x40: {  	_ =	shalt  }
0x41: {  	_ =	shalt  }
0x42: {  	_ =	shalt  }
0x43: {  	_ =	shalt  }
0x44: {  	_ =	shalt  }
0x45: {  	_ =	shalt  }
0x46: {  	_ =	shalt  }
0x47: {  	_ =	shalt  }
0x48: {  	_ =	shalt  }
0x49: {  	_ =	shalt  }
0x4a: {  	_ =	shalt  }
0x4b: {  	_ =	shalt  }
0x4c: {  	_ =	shalt  }
0x4d: {  	_ =	shalt  }
0x4e: {  	_ =	shalt  }
0x4f: {  	_ =	shalt  }
0x50: {  	_ =	shalt  }
0x51: {  	_ =	shalt  }
0x52: {  	_ =	shalt  }
0x53: {  	_ =	shalt  }
0x54: {  	_ =	shalt  }
0x55: {  	_ =	shalt  }
0x56: {  	_ =	shalt  }
0x57: {  	_ =	shalt  }
0x58: {  	_ =	shalt  }
0x59: {  	_ =	shalt  }
0x5a: {  	_ =	shalt  }
0x5b: {  	_ =	shalt  }
0x5c: {  	_ =	shalt  }
0x5d: {  	_ =	shalt  }
0x5e: {  	_ =	shalt  }
0x5f: {  	_ =	shalt  }
0x60: {  	_ =	shalt  }
0x61: {  	_ =	shalt  }
0x62: {  	_ =	shalt  }
0x63: {  	_ =	shalt  }
0x64: {  	_ =	shalt  }
0x65: {  	_ =	shalt  }
0x66: {  	_ =	shalt  }
0x67: {  	_ =	shalt  }
0x68: {  	_ =	shalt  }
0x69: {  	_ =	shalt  }
0x6a: {  	_ =	shalt  }
0x6b: {  	_ =	shalt  }
0x6c: {  	_ =	shalt  }
0x6d: {  	_ =	shalt  }
0x6e: {  	_ =	shalt  }
0x6f: {  	_ =	shalt  }
0x70: {  	_ =	shalt  }
0x71: {  	_ =	shalt  }
0x72: {  	_ =	shalt  }
0x73: {  	_ =	shalt  }
0x74: {  	_ =	shalt  }
0x75: {  	_ =	shalt  }
0x76: {  	_ =	shalt  }
0x77: {  	_ =	shalt  }
0x78: {  	_ =	shalt  }
0x79: {  	_ =	shalt  }
0x7a: {  	_ =	shalt  }
0x7b: {  	_ =	shalt  }
0x7c: {  	_ =	shalt  }
0x7d: {  	_ =	shalt  }
0x7e: {  	_ =	shalt  }
0x7f: {  	_ =	shalt  }
0x80: {  	_ =	shalt  }
0x81: {  	_ =	shalt  }
0x82: {  	_ =	shalt  }
0x83: {  	_ =	shalt  }
0x84: {  	_ =	shalt  }
0x85: {  	_ =	shalt  }
0x86: {  	_ =	shalt  }
0x87: {  	_ =	shalt  }
.Lfunc_end0:
.L_simem_size_0:
called_computation_lowered:
.L_overlay_start_0:
0x88: {  	s2 =	sld [smem:$0x3FD9]  }
0x89: {  	s3 =	sld [smem:$0x3FFE];
	_ =	sdelay $0x1  }
0x8a: {  	s1 =	srdreg.scid  }
0x8b: {  	s0 =	sand.u32 $0x1, s1  }
0x8c: {  	s16 =	sshll.u32 s0, $0xA;
	s2 =	sadd.s32 s3, s2  }
0x8d: {  	s2 =	sadd.s32 s2, s16  }
0x8e: {  	[smem:$0x3FBC] =	sst s2  }
0x8f: {  	_ = 	snop  }
0x90: {  	(tm) =	ssettm $0x1  }
0x91: {  	s17 =	sld [smem:$0x3FFB];
	_ =	sdelay $0x3  }
0x92: {  	_ =	strace s17  }
0x93: {  	s2 =	sld [smem:$0x3FFC];
	_ =	sdelay $0x3  }
0x94: {  	_ =	strace s2  }
0x95: {  	s2 =	sld [smem:$0x3FFD];
	_ =	sdelay $0x3  }
0x96: {  	_ =	strace s2  }
0x97: {  	_ =	strace $0x8FFFFFFF  }
0x98: {  	s18 =	sld [smem:$0x3FDB];
	_ =	sdelay $0x1  }
0x99: {  	s19 =	simm.s32 $_scs_section_size  }
0x9a: {  	s4 =	simm.s32 $_size__tile_overlayer_lowered;
	s5 =	simm.s32 $_tile_overlayer_lowered  }
0x9b: {  	s22 =	simm.s32 $0x1BFF;
	s21 =	sshll.u32 s5, $0x1;
	s2 =	sadd.s32 s19, s18  }
0x9c: {  	s6 =	simm.s32 $0x0;
	s20 =	sshll.u32 s4, $0x1;
	s4 =	sadd.s32 s21, s2  }
0x9d: {  	[timem:s6], [sflag:s22] =	dma.local [hbm:s4], s20  }
0x9e: {  	_ =	swait.ge [sflag:s22], s20  }
0x9f: {  	s3 =	ssub.s32 $0x0, s20;
	[sflag:s22] =	ssyncset.done $0x0  }
0xa0: {  	[sflag:s22] =	ssyncadd.s32 s3;
	_ =	sdelay $0x1  }
0xa1: {  	s23 =	simm.s32 $0x1B8B  }
0xa2: {  	_ =	swait.ge [sflag:s23], $0x1  }
0xa3: {  	[sflag:s23] =	ssyncset.done $0x0  }
0xa4: {  	s25 =	simm.s32 $0x1B8E;
	s24 =	sld [smem:$0x3FFE];
	[sflag:s23] =	ssyncadd.s32 $0xFFFFFFFF  }
0xa5: {  	s26 =	simm.s32 $execute0_lowered;
	[smem:$0x3FD2] =	sst s25  }
0xa6: {  	s4 =	sshll.u32 s26, $0x1;
	_ =	strace $0x80000046;
	[dreg:$0x1] =	wrdreg $0xFFFFFFFF  }
0xa7: {  	s28 =	simm.s32 $_size_execute0_lowered;
	s2 =	sadd.s32 s2, s4;
	[dreg:$0x0] =	wrdreg $0x0  }
0xa8: {  	s4 =	sshll.u32 s28, $0x1;
	[dreg:$0x2] =	wrdreg s2  }
0xa9: {  	[dreg:$0x3] =	wrdreg s4  }
0xaa: {  	[dreg:$0x4] =	wrdreg $0xC0  }
0xab: {  	_ =	task [dreg:s6], $0x5FFFF  }
0xac: {  	[dreg:$0x1] =	wrdreg $0xFFFFFFFF  }
0xad: {  	[dreg:$0x0] =	wrdreg $0x60  }
0xae: {  	[dreg:$0x2] =	wrdreg s24  }
0xaf: {  	[dreg:$0x3] =	wrdreg $0x90000  }
0xb0: {  	[dreg:$0x4] =	wrdreg $0x9  }
0xb1: {  	_ =	task.clear_ibuf [dreg:s6], $0x5FFFF;
	_ =	strace $0x90000046  }
0xb2: {  	s29 =	simm.s32 $0x9;
	_ =	strace $0x80000048  }
0xb3: {  	_ =	swait.ge [sflag:s29], $0x1  }
0xb4: {  	[sflag:s29] =	ssyncadd.s32 $0xFFFFFFFF  }
0xb5: {  	_ =	strace $0x90000048  }
0xb6: {  	_ =	sfence  }
0xb7: {  	s30 =	sld [smem:$0x0];
	_ =	sdelay $0x2  }
0xb8: {  	s31 =	sshll.u32 s1, $0xD;
	s1 =	sshrl.u32 s1, $0x2  }
0xb9: {  	s3 =	sand.u32 $0x4000, s31;
	s1 =	sadd.s32 s1, s30  }
0xba: {  	s0 =	sor.u32 s3, s0;
	s1 =	sshll.u32 s1, $0x11  }
0xbb: {  	s0 =	sor.u32 s1, s0  }
0xbc: {  	s0 =	sadd.s32 $0x8F2B, s0  }
0xbd: {  	[sflag:s0] =	ssyncadd.remote.s32 $0x1  }
0xbe: {  	_ =	sfence.sel $0xFFFF  }
0xbf: {  	[dreg:$0x0] =	wrdreg $0xFFFFFFFF;
	(pc) =	sbr.abs _section_cstart, $3  }
0xc0: {  	[dreg:$0x1] =	wrdreg $0xFFFFFFFF  }
0xc1: {  	_ =	task.clear_ibuf [dreg:s6], $0x2FFFF;
	_ =	strace $0x9FFFFFFF  }
0xc2: {  	(tm) =	ssettm $0x7FFFFFFF  }
0xc3: {  	_ =	shalt  }
tec
execute0_lowered:
.L_overlay_start_1:
0x0: {  	(tag) =	ssettag $0x1  }
0x1: {  	s1 =	srdreg.scid;
	s5 =	rddreg [dreg:$0x0]  }
0x2: {  	s0 =	stileid.u32;
	s2 =	rddreg [dreg:$0x1];
	s3 =	simm.s32 $0x0  }
0x3: {  	s14 =	simm.s32 $0x0;
	s6 =	sand.u32 $0x1, s1;
	s1 =	rddreg [dreg:$0x2]  }
0x4: {  	s28 =	sshll.u32 s0, $0x1;
	[smem:$0x7FF] =	sst s3;
	s7 =	smul.u32 $0x14000, s0  }
0x5: {  	s29 =	smul.u32 $0x50000, s0;
	s31 =	sshll.u32 s0, $0x6;
	s4 =	sor.u32 s6, s28  }
0x6: {  	_ =	strace $0x80000047;
	s8 =	smul.u32 $0x140000, s6;
	s6 =	ssub.s32 $0x2, s6  }
0x7: {  	s4 =	smul.u32 $0xA00, s4;
	s10 =	sshrl.u32 s7, $0x3;
	s11 =	sshrl.u32 s6, $0x1  }
0x8: {  	s30 =	sshrl.u32 s29, $0x2;
	s7 =	sadd.s32 s7, s8;
	s10 =	sadd.s32 s10, s5  }
0x9: {  	s11 =	ssub.s32 s6, s11;
	s13 =	sadd.s32 s30, s2;
	s6 =	sor.u32 $0x1C01, s31  }
0xa: {  	s9 =	sadd.s32 s4, s5;
	s4 =	sadd.s32 $0x40E00, s5;
	s7 =	sshrl.u32 s7, $0x3  }
0xb: {  	s12 =	sadd.s32 s7, s5;
	s5 =	sadd.s32 $0x18E00, s10;
	s7 =	sadd.s32 $0x4E00, s9  }
0xc: {  	s9 =	smax.u32 s11, $0x1;
	s10 =	sshrl.u32 s13, $0x3;
	s11 =	simm.s32 $0x1  }
0xd: {  	s13 =	simm.s32 $0x80;
	s8 =	sadd.s32 $0x41600, s12;
	s12 =	simm.s32 $0x5000  }
.LBB2_1:
0xe: {  	[spmem:s10], [sflag:s6] =	dma.local [hbm:s5], $0x2800  }
0xf: {  	_ =	swait.ge [sflag:s11], $0x2800  }
0x10: {  	[sflag:s11] =	ssyncset.done $0x0  }
0x11: {  	[sflag:s11] =	ssyncadd.s32 $0xFFFFD800  }
0x12: {  	[tilespmem:s3], [sflag:$0x1] =	stream.linear.gather [hbm4b:s7+s3], $0x5000, $0x38;
	[tilespmem:$0x1D000] =	vst v63  }
0x13: {  	_ =	swait.ge [sflag:s11], $0x5000  }
0x14: {  	[sflag:s11] =	ssyncset.done $0x0  }
0x15: {  	[sflag:s11] =	ssyncadd.s32 $0xFFFFB000  }
0x16: {  	[tilespmem:s12], [sflag:$0x1] =	stream.linear.gather [hbm4b:s4+s3], $0x4000, $0x38;
	[tilespmem:$0x1D000] =	vst v63  }
0x17: {  	_ =	swait.ge [sflag:s11], $0x4000  }
0x18: {  	[sflag:s11] =	ssyncset.done $0x0  }
0x19: {  	[sflag:s11] =	ssyncadd.s32 $0xFFFFC000  }
0x1a: {  	s15 =	simm.s32 $0x0;
	[bflag:$0x0] =	sbarrier.arrive $0xFFFF  }
0x1b: {  	[spmem:s2] =	stream.indirect.scatter.add.f32 [tilespmem:s12], [sflag:$0x1], $0x80, s15, s13, $0xb8;
	[tilespmem:$0x1D000] =	vst v63  }
0x1c: {  	_ =	swait.ge [sflag:s11], $0x4000  }
0x1d: {  	s15 =	simm.s32 $0x200;
	[sflag:s11] =	ssyncset.done $0x0  }
.LBB2_2:
0x1e: {  	s16 =	sshra.s32 s15, $0x2;
	[sflag:s11] =	ssyncadd.s32 $0xFFFFC000;
	p0 =	sne.s32 s15, $0x13E00  }
0x1f: {  	[spmem:s2] =	stream.indirect.scatter.add.f32 [tilespmem:s12], [sflag:$0x1], $0x80, s16, s13, $0xb8;
	[tilespmem:$0x1D000] =	vst v63  }
.Ltmp0:
0x20: {  	_ = 	snop;
	(pc) =	sbr.rel @p0 .LBB2_2-.Ltmp0, $4  }
0x21: {  	_ = 	snop  }
0x22: {  	s15 =	sadd.s32 $0x200, s15  }
0x23: {  	_ =	swait.ge [sflag:s11], $0x4000  }
0x24: {  	[sflag:s11] =	ssyncset.done $0x0  }
0x25: {  	s14 =	sadd.s32 $0x1, s14  }
0x26: {  	[sflag:s11] =	ssyncadd.s32 $0xFFFFC000;
	p0 =	sne.s32 s14, s9  }
.Ltmp1:
0x27: {  	[bflag:$0x0] =	sbarrier.arrive $0xFFFF;
	(pc) =	sbr.rel @p0 .LBB2_1-.Ltmp1, $4  }
0x28: {  	[hbm:s8], [sflag:s6] =	dma.local [spmem:s10], $0x2800  }
0x29: {  	_ =	swait.ge [sflag:s11], $0x2800  }
0x2a: {  	[sflag:s11] =	ssyncset.done $0x0  }
0x2b: {  	[sflag:s11] =	ssyncadd.s32 $0xFFFFD800  }
0x2c: {  	_ =	sfence.sel $0x180000  }
0x2d: {  	[bflag:$0x0] =	sbarrier.arrive $0xFFFF  }
0x2e: {  	p0 =	sne.s32 s0, $0x0;
	_ =	strace $0x90000047  }
0x2f: {  	s0 =	sadd.s32 @!p0 $0x100000, s1;
	[bflag:$0x2] =	sbarrier.arrive $0xFFFF  }
0x30: {  	[sflag:s0] =	ssyncadd.tile.s32 @!p0 $0x1;
	_ =	shalt  }
.Lfunc_end2:
_tile_overlayer_lowered:
.L_overlay_start_2:
0x31: {  	(tag) =	ssettag $0x2  }
0x32: {  	s0 =	rddreg [dreg:$0x0];
	s2 =	stileid.u32  }
0x33: {  	s1 =	rddreg [dreg:$0x1];
	p0 =	sne.s32 s2, $0x0  }
0x34: {  	s3 =	rddreg [dreg:$0x2];
	[bflag:$0x3] =	sbarrier.arrive $0xFFFF;
	s2 =	simm.s32 @!p0 $0x1C01  }
0x35: {  	[timem:s3], [sflag:s2] =	dma.local @!p0 [hbm:s0], s1  }
0x36: {  	s0 =	simm.s32 @!p0 $0x1  }
0x37: {  	_ =	swait.ge @!p0 [sflag:s0], s1  }
0x38: {  	s1 =	ssub.s32 @!p0 $0x0, s1;
	[sflag:s0] =	ssyncset.done @!p0 $0x0  }
0x39: {  	[sflag:s0] =	ssyncadd.s32 @!p0 s1  }
0x3a: {  	[bflag:$0x3] =	sbarrier.arrive $0xFFFF  }
0x3b: {  	_ =	shalt  }

// kernel: kernel.18.cloned.1.call-start
scs
__scs_entry_jumppad:
0x0: {  	(pc) =	sbr.rel $0x88, $3  }
0x1: {  	(tag) =	ssettag $0x0;
	lr =	simm.s32 $0x1  }
0x2: {  	[smem:$0x3F95] =	sst lr;
	_ =	strace $0xD0000000  }
0x3: {  	_ = 	snop  }
0x4: {  	_ = 	snop  }
0x5: {  	_ = 	snop  }
0x6: {  	_ = 	snop  }
0x7: {  	_ = 	snop  }
__scs_overlays_trampoline_lowered:
0x8: {  	[smem:$0x3FA4] =	sst s0  }
0x9: {  	[smem:$0x3FA5] =	sst s1  }
0xa: {  	[smem:$0x3FA6] =	sst s2  }
0xb: {  	[smem:$0x3FA7] =	sst s3  }
0xc: {  	[smem:$0x3FA8] =	sst s4  }
0xd: {  	[smem:$0x3FA9] =	sst s5  }
0xe: {  	[smem:$0x3FAA] =	sst s6  }
0xf: {  	[smem:$0x3FAB] =	sst s7  }
0x10: {  	[smem:$0x3FAC] =	sst s8  }
0x11: {  	[smem:$0x3FAD] =	sst s9;
	s0 =	simm.s32 @!p0 $0x0  }
0x12: {  	s1 =	sld [smem:$0x3F93];
	s0 =	simm.s32 @p0 $0x1  }
0x13: {  	[smem:$0x3FAE] =	sst s0;
	s0 =	simm.s32 @!p1 $0x0  }
0x14: {  	s2 =	sld [smem:$0x3F92];
	s0 =	simm.s32 @p1 $0x1  }
0x15: {  	[smem:$0x3FAF] =	sst s0;
	s0 =	simm.s32 @!p2 $0x0  }
0x16: {  	s3 =	sld [smem:$0x3FDB];
	s0 =	simm.s32 @p2 $0x1  }
0x17: {  	s4 =	simm.s32 $0x1BF5;
	[smem:$0x3FB1] =	sst s0  }
0x18: {  	s0 =	sld [smem:$0x3F94];
	_ =	swait.ge [sflag:s4], $0x0  }
0x19: {  	s7 =	sld [smem:$0x3F95]  }
0x1a: {  	s8 =	sadd.s32 $0xFFFFE003, lr  }
0x1b: {  	s9 =	sadd.s32 $0xFFFFFEF7, lr;
	s5 =	simm.s32 $0xFFFFFFFF;
	p2 =	slt.u32 s8, $0xFFFFF086  }
0x1c: {  	p1 =	slt.u32 s9, $0xF7A;
	s5 =	simm.s32 @!p2 $0x0  }
0x1d: {  	s5 =	simm.s32 @p1 $0x1;
	p0 =	seq.s32 s7, s2  }
0x1e: {  	s7 =	smul.u32 @!p0 $0xF7A, s2;
	p2 =	seq.s32 @!p0 s5, $0x0  }
0x1f: {  	s9 =	smul.u32 $0xF7A, s1;
	s8 =	simm.s32 @!p0 $0x1BF5;
	p2 =	por !p2, p0  }
0x20: {  	[sflag:s8] =	ssyncset.s32 @!p0 $0xFFFFF086;
	s6 =	sadd.s32 @!p0 s3, s7;
	s7 =	simm.s32 @!p0 $0x108  }
0x21: {  	s3 =	sadd.s32 s3, s9;
	s6 =	sadd.s32 @!p0 $0x88, s6;
	s7 =	simm.s32 @p2 $0x1082  }
0x22: {  	[simem:s7], [sflag:s8] =	dma.local @!p0 [hbm:s6], $0xF7A  }
0x23: {  	s9 =	sor.u32 $0xD0000000, s2;
	s6 =	simm.s32 $0x108;
	_ =	swait.ge @!p0 [sflag:s8], $0x0  }
0x24: {  	s3 =	sadd.s32 $0x88, s3;
	s6 =	simm.s32 @!p1 $0x1082;
	[sflag:s4] =	ssyncset.s32 $0xFFFFF086  }
0x25: {  	[simem:s6], [sflag:s4] =	dma.local [hbm:s3], $0xF7A  }
0x26: {  	[smem:$0x3F95] =	sst s1;
	(tag) =	ssettag s2;
	_ =	strace s9  }
0x27: {  	s1 =	sld [smem:$0x3FA5]  }
0x28: {  	s2 =	sld [smem:$0x3FA6]  }
0x29: {  	s4 =	sld [smem:$0x3FA8]  }
0x2a: {  	p0 =	seq.s32 s5, $0x0;
	s5 =	sld [smem:$0x3FA9]  }
0x2b: {  	s6 =	sld [smem:$0x3FAA]  }
0x2c: {  	s7 =	sld [smem:$0x3FAB]  }
0x2d: {  	s3 =	simm.s32 $0x108;
	s8 =	sld [smem:$0x3FAC]  }
0x2e: {  	s3 =	simm.s32 @!p0 $0x1082;
	s9 =	sld [smem:$0x3FAD]  }
0x2f: {  	lr =	sadd.s32 s0, s3;
	s0 =	sld [smem:$0x3FA4]  }
0x30: {  	s3 =	sld [smem:$0x3FA7]  }
0x31: {  	[smem:$0x3FB0] =	sst s10  }
0x32: {  	s10 =	sld [smem:$0x3FAE];
	_ =	sdelay $0x3  }
0x33: {  	p0 =	seq.s32 s10, $0x1;
	s10 =	sld [smem:$0x3FB0];
	_ =	sdelay $0x3  }
0x34: {  	[smem:$0x3FB0] =	sst s10  }
0x35: {  	s10 =	sld [smem:$0x3FAF];
	_ =	sdelay $0x3  }
0x36: {  	p1 =	seq.s32 s10, $0x1;
	s10 =	sld [smem:$0x3FB0];
	_ =	sdelay $0x3  }
0x37: {  	[smem:$0x3FB0] =	sst s10  }
0x38: {  	s10 =	sld [smem:$0x3FB1]  }
0x39: {  	_ = 	snop;
	(pc) =	sbr.ind lr, $3  }
0x3a: {  	_ = 	snop  }
0x3b: {  	_ = 	snop  }
0x3c: {  	p2 =	seq.s32 s10, $0x1;
	s10 =	sld [smem:$0x3FB0]  }
0x3d: {  	_ =	shalt  }
0x3e: {  	_ =	shalt  }
0x3f: {  	_ =	shalt  }
0x40: {  	_ =	shalt  }
0x41: {  	_ =	shalt  }
0x42: {  	_ =	shalt  }
0x43: {  	_ =	shalt  }
0x44: {  	_ =	shalt  }
0x45: {  	_ =	shalt  }
0x46: {  	_ =	shalt  }
0x47: {  	_ =	shalt  }
0x48: {  	_ =	shalt  }
0x49: {  	_ =	shalt  }
0x4a: {  	_ =	shalt  }
0x4b: {  	_ =	shalt  }
0x4c: {  	_ =	shalt  }
0x4d: {  	_ =	shalt  }
0x4e: {  	_ =	shalt  }
0x4f: {  	_ =	shalt  }
0x50: {  	_ =	shalt  }
0x51: {  	_ =	shalt  }
0x52: {  	_ =	shalt  }
0x53: {  	_ =	shalt  }
0x54: {  	_ =	shalt  }
0x55: {  	_ =	shalt  }
0x56: {  	_ =	shalt  }
0x57: {  	_ =	shalt  }
0x58: {  	_ =	shalt  }
0x59: {  	_ =	shalt  }
0x5a: {  	_ =	shalt  }
0x5b: {  	_ =	shalt  }
0x5c: {  	_ =	shalt  }
0x5d: {  	_ =	shalt  }
0x5e: {  	_ =	shalt  }
0x5f: {  	_ =	shalt  }
0x60: {  	_ =	shalt  }
0x61: {  	_ =	shalt  }
0x62: {  	_ =	shalt  }
0x63: {  	_ =	shalt  }
0x64: {  	_ =	shalt  }
0x65: {  	_ =	shalt  }
0x66: {  	_ =	shalt  }
0x67: {  	_ =	shalt  }
0x68: {  	_ =	shalt  }
0x69: {  	_ =	shalt  }
0x6a: {  	_ =	shalt  }
0x6b: {  	_ =	shalt  }
0x6c: {  	_ =	shalt  }
0x6d: {  	_ =	shalt  }
0x6e: {  	_ =	shalt  }
0x6f: {  	_ =	shalt  }
0x70: {  	_ =	shalt  }
0x71: {  	_ =	shalt  }
0x72: {  	_ =	shalt  }
0x73: {  	_ =	shalt  }
0x74: {  	_ =	shalt  }
0x75: {  	_ =	shalt  }
0x76: {  	_ =	shalt  }
0x77: {  	_ =	shalt  }
0x78: {  	_ =	shalt  }
0x79: {  	_ =	shalt  }
0x7a: {  	_ =	shalt  }
0x7b: {  	_ =	shalt  }
0x7c: {  	_ =	shalt  }
0x7d: {  	_ =	shalt  }
0x7e: {  	_ =	shalt  }
0x7f: {  	_ =	shalt  }
0x80: {  	_ =	shalt  }
0x81: {  	_ =	shalt  }
0x82: {  	_ =	shalt  }
0x83: {  	_ =	shalt  }
0x84: {  	_ =	shalt  }
0x85: {  	_ =	shalt  }
0x86: {  	_ =	shalt  }
0x87: {  	_ =	shalt  }
.Lfunc_end0:
.L_simem_size_0:
called_computation.1_lowered:
.L_overlay_start_0:
0x88: {  	s2 =	sld [smem:$0x3FD9]  }
0x89: {  	s3 =	sld [smem:$0x3FFE];
	_ =	sdelay $0x1  }
0x8a: {  	s1 =	srdreg.scid  }
0x8b: {  	s0 =	sand.u32 $0x1, s1  }
0x8c: {  	s16 =	sshll.u32 s0, $0xA;
	s2 =	sadd.s32 s3, s2  }
0x8d: {  	s2 =	sadd.s32 s2, s16  }
0x8e: {  	[smem:$0x3FBC] =	sst s2  }
0x8f: {  	_ = 	snop  }
0x90: {  	(tm) =	ssettm $0x1  }
0x91: {  	s17 =	sld [smem:$0x3FFB];
	_ =	sdelay $0x3  }
0x92: {  	_ =	strace s17  }
0x93: {  	s2 =	sld [smem:$0x3FFC];
	_ =	sdelay $0x3  }
0x94: {  	_ =	strace s2  }
0x95: {  	s2 =	sld [smem:$0x3FFD];
	_ =	sdelay $0x3  }
0x96: {  	_ =	strace s2  }
0x97: {  	_ =	strace $0x8FFFFFFF  }
0x98: {  	s18 =	sld [smem:$0x3FDB];
	_ =	sdelay $0x1  }
0x99: {  	s19 =	simm.s32 $_scs_section_size  }
0x9a: {  	s4 =	simm.s32 $_size__tile_overlayer_lowered;
	s5 =	simm.s32 $_tile_overlayer_lowered  }
0x9b: {  	s22 =	simm.s32 $0x1BFF;
	s21 =	sshll.u32 s5, $0x1;
	s2 =	sadd.s32 s19, s18  }
0x9c: {  	s6 =	simm.s32 $0x0;
	s20 =	sshll.u32 s4, $0x1;
	s4 =	sadd.s32 s21, s2  }
0x9d: {  	[timem:s6], [sflag:s22] =	dma.local [hbm:s4], s20  }
0x9e: {  	_ =	swait.ge [sflag:s22], s20  }
0x9f: {  	s3 =	ssub.s32 $0x0, s20;
	[sflag:s22] =	ssyncset.done $0x0  }
0xa0: {  	[sflag:s22] =	ssyncadd.s32 s3;
	_ =	sdelay $0x1  }
0xa1: {  	s23 =	simm.s32 $0x1B8B  }
0xa2: {  	_ =	swait.ge [sflag:s23], $0x1  }
0xa3: {  	[sflag:s23] =	ssyncset.done $0x0  }
0xa4: {  	s25 =	simm.s32 $0x1B8E;
	s24 =	sld [smem:$0x3FFE];
	[sflag:s23] =	ssyncadd.s32 $0xFFFFFFFF  }
0xa5: {  	s26 =	simm.s32 $execute0_lowered;
	[smem:$0x3FD2] =	sst s25  }
0xa6: {  	s4 =	sshll.u32 s26, $0x1;
	_ =	strace $0x80000049;
	[dreg:$0x1] =	wrdreg $0xFFFFFFFF  }
0xa7: {  	s28 =	simm.s32 $_size_execute0_lowered;
	s2 =	sadd.s32 s2, s4;
	[dreg:$0x0] =	wrdreg $0x0  }
0xa8: {  	s4 =	sshll.u32 s28, $0x1;
	[dreg:$0x2] =	wrdreg s2  }
0xa9: {  	[dreg:$0x3] =	wrdreg s4  }
0xaa: {  	[dreg:$0x4] =	wrdreg $0xC0  }
0xab: {  	_ =	task [dreg:s6], $0x5FFFF  }
0xac: {  	[dreg:$0x1] =	wrdreg $0xFFFFFFFF  }
0xad: {  	[dreg:$0x0] =	wrdreg $0x60  }
0xae: {  	[dreg:$0x2] =	wrdreg s24  }
0xaf: {  	[dreg:$0x3] =	wrdreg $0x90000  }
0xb0: {  	[dreg:$0x4] =	wrdreg $0x9  }
0xb1: {  	_ =	task.clear_ibuf [dreg:s6], $0x5FFFF;
	_ =	strace $0x90000049  }
0xb2: {  	s29 =	simm.s32 $0x9;
	_ =	strace $0x8000004B  }
0xb3: {  	_ =	swait.ge [sflag:s29], $0x1  }
0xb4: {  	[sflag:s29] =	ssyncadd.s32 $0xFFFFFFFF  }
0xb5: {  	_ =	strace $0x9000004B  }
0xb6: {  	_ =	sfence  }
0xb7: {  	s30 =	sld [smem:$0x0];
	_ =	sdelay $0x2  }
0xb8: {  	s31 =	sshll.u32 s1, $0xD;
	s1 =	sshrl.u32 s1, $0x2  }
0xb9: {  	s3 =	sand.u32 $0x4000, s31;
	s1 =	sadd.s32 s1, s30  }
0xba: {  	s0 =	sor.u32 s3, s0;
	s1 =	sshll.u32 s1, $0x11  }
0xbb: {  	s0 =	sor.u32 s1, s0  }
0xbc: {  	s0 =	sadd.s32 $0x8F2B, s0  }
0xbd: {  	[sflag:s0] =	ssyncadd.remote.s32 $0x1  }
0xbe: {  	_ =	sfence.sel $0xFFFF  }
0xbf: {  	[dreg:$0x0] =	wrdreg $0xFFFFFFFF;
	(pc) =	sbr.abs _section_cstart, $3  }
0xc0: {  	[dreg:$0x1] =	wrdreg $0xFFFFFFFF  }
0xc1: {  	_ =	task.clear_ibuf [dreg:s6], $0x2FFFF;
	_ =	strace $0x9FFFFFFF  }
0xc2: {  	(tm) =	ssettm $0x7FFFFFFF  }
0xc3: {  	_ =	shalt  }
tec
execute0_lowered:
.L_overlay_start_1:
0x0: {  	(tag) =	ssettag $0x1  }
0x1: {  	s7 =	rddreg [dreg:$0x0]  }
0x2: {  	s2 =	rddreg [dreg:$0x1]  }
0x3: {  	s0 =	rddreg [dreg:$0x2];
	s3 =	simm.s32 $0x0;
	s1 =	stileid.u32  }
0x4: {  	s4 =	srdreg.scid;
	s16 =	simm.s32 $0x1000;
	s17 =	simm.s32 $0x5000  }
0x5: {  	s18 =	simm.s32 $0x2;
	[smem:$0x7FF] =	sst s3;
	s8 =	smul.u32 $0x14000, s1  }
0x6: {  	s9 =	sand.u32 $0x1, s4;
	s4 =	sadd.s32 $0x40E00, s7;
	s12 =	smul.u32 $0x50000, s1  }
0x7: {  	s5 =	sadd.s32 $0x91600, s7;
	s6 =	sadd.s32 $0x4E00, s7;
	s31 =	smul.u32 $0x5, s1  }
0x8: {  	s30 =	sshll.u32 s1, $0x6;
	_ =	strace $0x8000004A;
	s10 =	smul.u32 $0x140000, s9  }
0x9: {  	s29 =	ssub.s32 $0x2, s9;
	p0 =	seq.s32 s9, $0x1;
	s9 =	smul.u32 $0xF, s1  }
0xa: {  	s11 =	sshrl.u32 s8, $0x3;
	s13 =	sshrl.u32 s29, $0x1;
	s12 =	sshrl.u32 s12, $0x2  }
.Ltmp0:
0xb: {  	s11 =	sadd.s32 s11, s7;
	s8 =	sadd.s32 s8, s10;
	(pc) =	sbr.rel .LBB2_1-.Ltmp0, $4  }
0xc: {  	s13 =	ssub.s32 s29, s13;
	s15 =	sadd.s32 s12, s2;
	s10 =	sadd.s32 $0xF0, s31  }
0xd: {  	s8 =	sshrl.u32 s8, $0x3;
	s12 =	smax.u32 s13, $0x1;
	s13 =	sshrl.u32 s15, $0x3  }
0xe: {  	s15 =	simm.s32 $0x80;
	s14 =	sadd.s32 s8, s7;
	s7 =	sadd.s32 $0x18E00, s11  }
0xf: {  	s8 =	sor.u32 $0x1C03, s30;
	s11 =	sadd.s32 $0xA5600, s14;
	s14 =	simm.s32 $0x3  }
.LBB2_12:
0x10: {  	s3 =	sadd.s32 $0x1, s3  }
0x11: {  	p1 =	sne.s32 s3, s12  }
.Ltmp1:
0x12: {  	[bflag:$0x0] =	sbarrier.arrive $0xFFFF;
	(pc) =	sbr.rel @!p1 .LBB2_13-.Ltmp1, $4  }
0x13: {  	[hbm:s11], [sflag:s8] =	dma.local [spmem:s13], $0x2800  }
0x14: {  	_ =	swait.ge [sflag:s14], $0x2800  }
0x15: {  	[sflag:s14] =	ssyncset.done $0x0  }
0x16: {  	[sflag:s14] =	ssyncadd.s32 $0xFFFFD800  }
.LBB2_1:
0x17: {  	[spmem:s13], [sflag:s8] =	dma.local [hbm:s7], $0x2800  }
.Ltmp2:
0x18: {  	_ =	swait.ge [sflag:s14], $0x2800;
	(pc) =	sbr.rel @p0 .LBB2_7-.Ltmp2, $4  }
.Ltmp3:
0x19: {  	[sflag:s14] =	ssyncset.done $0x0;
	(pc) =	sbr.rel @!p0 .LBB2_2-.Ltmp3, $4  }
0x1a: {  	[sflag:s14] =	ssyncadd.s32 $0xFFFFD800  }
0x1b: {  	[bflag:$0x0] =	sbarrier.arrive $0xFFFF  }
0x1c: {  	s19 =	simm.s32 $0x0;
	s20 =	simm.s32 $0x0  }
0x1d: {  	_ = 	snop  }
.LBB2_11:
0x1e: {  	s20 =	sadd.s32 $0x1, s20  }
0x1f: {  	p1 =	sne.s32 s20, $0x5  }
.Ltmp4:
0x20: {  	_ = 	snop;
	(pc) =	sbr.rel @!p1 .LBB2_12-.Ltmp4, $1  }
0x21: {  	_ =	sdelay $0x3  }
.LBB2_7:
0x22: {  	s19 =	sadd.s32 s20, s10  }
0x23: {  	s21 =	sshll.u32 s19, $0x8  }
0x24: {  	s19 =	simm.s32 $0x0;
	s22 =	sadd.s32 s5, s21  }
0x25: {  	[tilespmem:s19], [sflag:$0x3] =	stream.linear.gather [hbm4b:s22+s19], $0x800, $0x38;
	[tilespmem:$0x1D000] =	vst v63  }
0x26: {  	_ =	swait.ge [sflag:s14], $0x800  }
0x27: {  	[sflag:s14] =	ssyncset.done $0x0  }
0x28: {  	s31 =	sadd.s32 s6, s21;
	s21 =	simm.s32 $0x800;
	[sflag:s14] =	ssyncadd.s32 $0xFFFFF800  }
0x29: {  	[tilespmem:s21], [sflag:$0x3] =	stream.linear.gather [hbm4b:s31+s19], $0x800, $0x38;
	[tilespmem:$0x1D000] =	vst v63  }
0x2a: {  	_ =	swait.ge [sflag:s14], $0x800  }
.Ltmp5:
0x2b: {  	[sflag:s14] =	ssyncset.done $0x0;
	(pc) =	sbr.rel .LBB2_8-.Ltmp5, $4  }
0x2c: {  	[sflag:s14] =	ssyncadd.s32 $0xFFFFF800  }
0x2d: {  	[tilespmem:s16], [sflag:$0x1] =	stream.indirect.gather [hbm4b:s4+s15], $0x80, s19, s15, $0xb8;
	[tilespmem:$0x1D000] =	vst v63  }
0x2e: {  	s22 =	simm.s32 $0x100  }
0x2f: {  	[tilespmem:s17], [sflag:$0x2] =	stream.indirect.gather [hbm4b:s4+s15], $0x80, s15, s15, $0xb8;
	[tilespmem:$0x1D000] =	vst v63  }
.LBB2_10:
0x30: {  	s19 =	sadd.s32 $0x1, s19  }
0x31: {  	p1 =	sne.s32 s19, $0x10  }
.Ltmp6:
0x32: {  	_ = 	snop;
	(pc) =	sbr.rel @!p1 .LBB2_11-.Ltmp6, $2  }
0x33: {  	_ =	sdelay $0x2  }
0x34: {  	s21 =	sadd.s32 $0x80, s21;
	s22 =	sadd.s32 $0x80, s22  }
.LBB2_8:
0x35: {  	s23 =	sand.u32 $0x1, s19  }
0x36: {  	p1 =	seq.s32 s23, $0x1  }
0x37: {  	s24 =	simm.s32 @!p1 $0x1  }
0x38: {  	_ =	swait.ge @!p1 [sflag:s24], $0x4000  }
0x39: {  	[sflag:s24] =	ssyncset.done @!p1 $0x0  }
0x3a: {  	s25 =	simm.s32 @!p1 $0x1000;
	[sflag:s24] =	ssyncadd.s32 @!p1 $0xFFFFC000;
	s24 =	simm.s32 @!p1 $0x80  }
0x3b: {  	[spmem:s2] =	stream.indirect.scatter.add.f32 @!p1 [tilespmem:s25], [sflag:$0x3], $0x80, s21, s24, $0xb8;
	[tilespmem:$0x1D000] =	vst v63  }
0x3c: {  	s24 =	simm.s32 @!p1 $0x3  }
0x3d: {  	p2 =	sgt.u32 @!p1 s19, $0xD;
	_ =	swait.ge @!p1 [sflag:s24], $0x4000  }
0x3e: {  	p2 =	por p2, p1;
	[sflag:s24] =	ssyncset.done @!p1 $0x0  }
0x3f: {  	s25 =	simm.s32 @!p2 $0x1000;
	[sflag:s24] =	ssyncadd.s32 @!p1 $0xFFFFC000;
	s24 =	simm.s32 @!p2 $0x80  }
0x40: {  	[tilespmem:s25], [sflag:$0x1] =	stream.indirect.gather @!p2 [hbm4b:s4+s24], $0x80, s22, s24, $0xb8;
	[tilespmem:$0x1D000] =	vst v63  }
0x41: {  	p2 =	seq.s32 @!p1 s23, $0x0  }
0x42: {  	p1 =	por p1, !p2  }
.Ltmp7:
0x43: {  	_ = 	snop;
	(pc) =	sbr.rel @!p1 .LBB2_10-.Ltmp7, $1  }
0x44: {  	_ =	sdelay $0x3  }
0x45: {  	_ =	swait.ge [sflag:s18], $0x4000  }
0x46: {  	[sflag:s18] =	ssyncset.done $0x0  }
0x47: {  	[sflag:s18] =	ssyncadd.s32 $0xFFFFC000  }
0x48: {  	[spmem:s2] =	stream.indirect.scatter.add.f32 [tilespmem:s17], [sflag:$0x3], $0x80, s21, s15, $0xb8;
	[tilespmem:$0x1D000] =	vst v63  }
.Ltmp8:
0x49: {  	_ = 	snop;
	(pc) =	sbr.rel .LBB2_10-.Ltmp8, $4  }
0x4a: {  	_ =	swait.ge [sflag:s14], $0x4000  }
0x4b: {  	p1 =	sgt.u32 s19, $0xD;
	[sflag:s14] =	ssyncset.done $0x0  }
0x4c: {  	s23 =	simm.s32 @!p1 $0x80;
	s24 =	simm.s32 @!p1 $0x5000;
	[sflag:s14] =	ssyncadd.s32 $0xFFFFC000  }
0x4d: {  	[tilespmem:s24], [sflag:$0x2] =	stream.indirect.gather @!p1 [hbm4b:s4+s23], $0x80, s22, s23, $0xb8;
	[tilespmem:$0x1D000] =	vst v63  }
.LBB2_6:
0x4e: {  	s19 =	sadd.s32 $0x1, s19  }
0x4f: {  	p1 =	seq.s32 s19, $0xF  }
.Ltmp9:
0x50: {  	_ = 	snop;
	(pc) =	sbr.rel @p1 .LBB2_12-.Ltmp9, $1  }
0x51: {  	_ =	sdelay $0x3  }
.LBB2_2:
0x52: {  	s20 =	sadd.s32 s9, s19  }
0x53: {  	s21 =	sshll.u32 s20, $0x8  }
0x54: {  	s20 =	simm.s32 $0x0;
	s22 =	sadd.s32 s5, s21  }
0x55: {  	[tilespmem:s20], [sflag:$0x3] =	stream.linear.gather [hbm4b:s22+s20], $0x800, $0x38;
	[tilespmem:$0x1D000] =	vst v63  }
0x56: {  	_ =	swait.ge [sflag:s14], $0x800  }
0x57: {  	[sflag:s14] =	ssyncset.done $0x0  }
0x58: {  	s31 =	sadd.s32 s6, s21;
	s21 =	simm.s32 $0x800;
	[sflag:s14] =	ssyncadd.s32 $0xFFFFF800  }
0x59: {  	[tilespmem:s21], [sflag:$0x3] =	stream.linear.gather [hbm4b:s31+s20], $0x800, $0x38;
	[tilespmem:$0x1D000] =	vst v63  }
0x5a: {  	_ =	swait.ge [sflag:s14], $0x800  }
.Ltmp10:
0x5b: {  	[sflag:s14] =	ssyncset.done $0x0;
	(pc) =	sbr.rel .LBB2_3-.Ltmp10, $4  }
0x5c: {  	[sflag:s14] =	ssyncadd.s32 $0xFFFFF800  }
0x5d: {  	[tilespmem:s16], [sflag:$0x1] =	stream.indirect.gather [hbm4b:s4+s15], $0x80, s20, s15, $0xb8;
	[tilespmem:$0x1D000] =	vst v63  }
0x5e: {  	s22 =	simm.s32 $0x100  }
0x5f: {  	[tilespmem:s17], [sflag:$0x2] =	stream.indirect.gather [hbm4b:s4+s15], $0x80, s15, s15, $0xb8;
	[tilespmem:$0x1D000] =	vst v63  }
.LBB2_5:
0x60: {  	s20 =	sadd.s32 $0x1, s20  }
0x61: {  	p1 =	sne.s32 s20, $0x10  }
.Ltmp11:
0x62: {  	_ = 	snop;
	(pc) =	sbr.rel @!p1 .LBB2_6-.Ltmp11, $2  }
0x63: {  	_ =	sdelay $0x2  }
0x64: {  	s21 =	sadd.s32 $0x80, s21;
	s22 =	sadd.s32 $0x80, s22  }
.LBB2_3:
0x65: {  	s23 =	sand.u32 $0x1, s20  }
0x66: {  	p1 =	seq.s32 s23, $0x1  }
0x67: {  	s24 =	simm.s32 @!p1 $0x1  }
0x68: {  	_ =	swait.ge @!p1 [sflag:s24], $0x4000  }
0x69: {  	[sflag:s24] =	ssyncset.done @!p1 $0x0  }
0x6a: {  	s25 =	simm.s32 @!p1 $0x1000;
	[sflag:s24] =	ssyncadd.s32 @!p1 $0xFFFFC000;
	s24 =	simm.s32 @!p1 $0x80  }
0x6b: {  	[spmem:s2] =	stream.indirect.scatter.add.f32 @!p1 [tilespmem:s25], [sflag:$0x3], $0x80, s21, s24, $0xb8;
	[tilespmem:$0x1D000] =	vst v63  }
0x6c: {  	s24 =	simm.s32 @!p1 $0x3  }
0x6d: {  	p2 =	sgt.u32 @!p1 s20, $0xD;
	_ =	swait.ge @!p1 [sflag:s24], $0x4000  }
0x6e: {  	p2 =	por p2, p1;
	[sflag:s24] =	ssyncset.done @!p1 $0x0  }
0x6f: {  	s25 =	simm.s32 @!p2 $0x1000;
	[sflag:s24] =	ssyncadd.s32 @!p1 $0xFFFFC000;
	s24 =	simm.s32 @!p2 $0x80  }
0x70: {  	[tilespmem:s25], [sflag:$0x1] =	stream.indirect.gather @!p2 [hbm4b:s4+s24], $0x80, s22, s24, $0xb8;
	[tilespmem:$0x1D000] =	vst v63  }
0x71: {  	p2 =	seq.s32 @!p1 s23, $0x0  }
0x72: {  	p1 =	por p1, !p2  }
.Ltmp12:
0x73: {  	_ = 	snop;
	(pc) =	sbr.rel @!p1 .LBB2_5-.Ltmp12, $1  }
0x74: {  	_ =	sdelay $0x3  }
0x75: {  	_ =	swait.ge [sflag:s18], $0x4000  }
0x76: {  	[sflag:s18] =	ssyncset.done $0x0  }
0x77: {  	[sflag:s18] =	ssyncadd.s32 $0xFFFFC000  }
0x78: {  	[spmem:s2] =	stream.indirect.scatter.add.f32 [tilespmem:s17], [sflag:$0x3], $0x80, s21, s15, $0xb8;
	[tilespmem:$0x1D000] =	vst v63  }
.Ltmp13:
0x79: {  	_ = 	snop;
	(pc) =	sbr.rel .LBB2_5-.Ltmp13, $4  }
0x7a: {  	_ =	swait.ge [sflag:s14], $0x4000  }
0x7b: {  	p1 =	sgt.u32 s20, $0xD;
	[sflag:s14] =	ssyncset.done $0x0  }
0x7c: {  	s23 =	simm.s32 @!p1 $0x80;
	s24 =	simm.s32 @!p1 $0x5000;
	[sflag:s14] =	ssyncadd.s32 $0xFFFFC000  }
0x7d: {  	[tilespmem:s24], [sflag:$0x2] =	stream.indirect.gather @!p1 [hbm4b:s4+s23], $0x80, s22, s23, $0xb8;
	[tilespmem:$0x1D000] =	vst v63  }
.LBB2_13:
0x7e: {  	_ =	sfence.sel $0x180000  }
0x7f: {  	[bflag:$0x0] =	sbarrier.arrive $0xFFFF  }
0x80: {  	p0 =	sne.s32 s1, $0x0;
	_ =	strace $0x9000004A  }
0x81: {  	s0 =	sadd.s32 @!p0 $0x100000, s0;
	[bflag:$0x2] =	sbarrier.arrive $0xFFFF  }
0x82: {  	[sflag:s0] =	ssyncadd.tile.s32 @!p0 $0x1;
	_ =	shalt  }
.Lfunc_end2:
_tile_overlayer_lowered:
.L_overlay_start_2:
0x83: {  	(tag) =	ssettag $0x2  }
0x84: {  	s0 =	rddreg [dreg:$0x0];
	s2 =	stileid.u32  }
0x85: {  	s1 =	rddreg [dreg:$0x1];
	p0 =	sne.s32 s2, $0x0  }
0x86: {  	s3 =	rddreg [dreg:$0x2];
	[bflag:$0x3] =	sbarrier.arrive $0xFFFF;
	s2 =	simm.s32 @!p0 $0x1C03  }
0x87: {  	[timem:s3], [sflag:s2] =	dma.local @!p0 [hbm:s0], s1  }
0x88: {  	s0 =	simm.s32 @!p0 $0x3  }
0x89: {  	_ =	swait.ge @!p0 [sflag:s0], s1  }
0x8a: {  	s1 =	ssub.s32 @!p0 $0x0, s1;
	[sflag:s0] =	ssyncset.done @!p0 $0x0  }
0x8b: {  	[sflag:s0] =	ssyncadd.s32 @!p0 s1  }
0x8c: {  	[bflag:$0x3] =	sbarrier.arrive $0xFFFF  }
0x8d: {  	_ =	shalt  }

// kernel: kernel.21.cloned.1.call-start
scs
__scs_entry_jumppad:
0x0: {  	(pc) =	sbr.rel $0x88, $3  }
0x1: {  	(tag) =	ssettag $0x0;
	lr =	simm.s32 $0x1  }
0x2: {  	[smem:$0x3F95] =	sst lr;
	_ =	strace $0xD0000000  }
0x3: {  	_ = 	snop  }
0x4: {  	_ = 	snop  }
0x5: {  	_ = 	snop  }
0x6: {  	_ = 	snop  }
0x7: {  	_ = 	snop  }
__scs_overlays_trampoline_lowered:
0x8: {  	[smem:$0x3FA4] =	sst s0  }
0x9: {  	[smem:$0x3FA5] =	sst s1  }
0xa: {  	[smem:$0x3FA6] =	sst s2  }
0xb: {  	[smem:$0x3FA7] =	sst s3  }
0xc: {  	[smem:$0x3FA8] =	sst s4  }
0xd: {  	[smem:$0x3FA9] =	sst s5  }
0xe: {  	[smem:$0x3FAA] =	sst s6  }
0xf: {  	[smem:$0x3FAB] =	sst s7  }
0x10: {  	[smem:$0x3FAC] =	sst s8  }
0x11: {  	[smem:$0x3FAD] =	sst s9;
	s0 =	simm.s32 @!p0 $0x0  }
0x12: {  	s1 =	sld [smem:$0x3F93];
	s0 =	simm.s32 @p0 $0x1  }
0x13: {  	[smem:$0x3FAE] =	sst s0;
	s0 =	simm.s32 @!p1 $0x0  }
0x14: {  	s2 =	sld [smem:$0x3F92];
	s0 =	simm.s32 @p1 $0x1  }
0x15: {  	[smem:$0x3FAF] =	sst s0;
	s0 =	simm.s32 @!p2 $0x0  }
0x16: {  	s3 =	sld [smem:$0x3FDB];
	s0 =	simm.s32 @p2 $0x1  }
0x17: {  	s4 =	simm.s32 $0x1BF5;
	[smem:$0x3FB1] =	sst s0  }
0x18: {  	s0 =	sld [smem:$0x3F94];
	_ =	swait.ge [sflag:s4], $0x0  }
0x19: {  	s7 =	sld [smem:$0x3F95]  }
0x1a: {  	s8 =	sadd.s32 $0xFFFFE003, lr  }
0x1b: {  	s9 =	sadd.s32 $0xFFFFFEF7, lr;
	s5 =	simm.s32 $0xFFFFFFFF;
	p2 =	slt.u32 s8, $0xFFFFF086  }
0x1c: {  	p1 =	slt.u32 s9, $0xF7A;
	s5 =	simm.s32 @!p2 $0x0  }
0x1d: {  	s5 =	simm.s32 @p1 $0x1;
	p0 =	seq.s32 s7, s2  }
0x1e: {  	s7 =	smul.u32 @!p0 $0xF7A, s2;
	p2 =	seq.s32 @!p0 s5, $0x0  }
0x1f: {  	s9 =	smul.u32 $0xF7A, s1;
	s8 =	simm.s32 @!p0 $0x1BF5;
	p2 =	por !p2, p0  }
0x20: {  	[sflag:s8] =	ssyncset.s32 @!p0 $0xFFFFF086;
	s6 =	sadd.s32 @!p0 s3, s7;
	s7 =	simm.s32 @!p0 $0x108  }
0x21: {  	s3 =	sadd.s32 s3, s9;
	s6 =	sadd.s32 @!p0 $0x88, s6;
	s7 =	simm.s32 @p2 $0x1082  }
0x22: {  	[simem:s7], [sflag:s8] =	dma.local @!p0 [hbm:s6], $0xF7A  }
0x23: {  	s9 =	sor.u32 $0xD0000000, s2;
	s6 =	simm.s32 $0x108;
	_ =	swait.ge @!p0 [sflag:s8], $0x0  }
0x24: {  	s3 =	sadd.s32 $0x88, s3;
	s6 =	simm.s32 @!p1 $0x1082;
	[sflag:s4] =	ssyncset.s32 $0xFFFFF086  }
0x25: {  	[simem:s6], [sflag:s4] =	dma.local [hbm:s3], $0xF7A  }
0x26: {  	[smem:$0x3F95] =	sst s1;
	(tag) =	ssettag s2;
	_ =	strace s9  }
0x27: {  	s1 =	sld [smem:$0x3FA5]  }
0x28: {  	s2 =	sld [smem:$0x3FA6]  }
0x29: {  	s4 =	sld [smem:$0x3FA8]  }
0x2a: {  	p0 =	seq.s32 s5, $0x0;
	s5 =	sld [smem:$0x3FA9]  }
0x2b: {  	s6 =	sld [smem:$0x3FAA]  }
0x2c: {  	s7 =	sld [smem:$0x3FAB]  }
0x2d: {  	s3 =	simm.s32 $0x108;
	s8 =	sld [smem:$0x3FAC]  }
0x2e: {  	s3 =	simm.s32 @!p0 $0x1082;
	s9 =	sld [smem:$0x3FAD]  }
0x2f: {  	lr =	sadd.s32 s0, s3;
	s0 =	sld [smem:$0x3FA4]  }
0x30: {  	s3 =	sld [smem:$0x3FA7]  }
0x31: {  	[smem:$0x3FB0] =	sst s10  }
0x32: {  	s10 =	sld [smem:$0x3FAE];
	_ =	sdelay $0x3  }
0x33: {  	p0 =	seq.s32 s10, $0x1;
	s10 =	sld [smem:$0x3FB0];
	_ =	sdelay $0x3  }
0x34: {  	[smem:$0x3FB0] =	sst s10  }
0x35: {  	s10 =	sld [smem:$0x3FAF];
	_ =	sdelay $0x3  }
0x36: {  	p1 =	seq.s32 s10, $0x1;
	s10 =	sld [smem:$0x3FB0];
	_ =	sdelay $0x3  }
0x37: {  	[smem:$0x3FB0] =	sst s10  }
0x38: {  	s10 =	sld [smem:$0x3FB1]  }
0x39: {  	_ = 	snop;
	(pc) =	sbr.ind lr, $3  }
0x3a: {  	_ = 	snop  }
0x3b: {  	_ = 	snop  }
0x3c: {  	p2 =	seq.s32 s10, $0x1;
	s10 =	sld [smem:$0x3FB0]  }
0x3d: {  	_ =	shalt  }
0x3e: {  	_ =	shalt  }
0x3f: {  	_ =	shalt  }
0x40: {  	_ =	shalt  }
0x41: {  	_ =	shalt  }
0x42: {  	_ =	shalt  }
0x43: {  	_ =	shalt  }
0x44: {  	_ =	shalt  }
0x45: {  	_ =	shalt  }
0x46: {  	_ =	shalt  }
0x47: {  	_ =	shalt  }
0x48: {  	_ =	shalt  }
0x49: {  	_ =	shalt  }
0x4a: {  	_ =	shalt  }
0x4b: {  	_ =	shalt  }
0x4c: {  	_ =	shalt  }
0x4d: {  	_ =	shalt  }
0x4e: {  	_ =	shalt  }
0x4f: {  	_ =	shalt  }
0x50: {  	_ =	shalt  }
0x51: {  	_ =	shalt  }
0x52: {  	_ =	shalt  }
0x53: {  	_ =	shalt  }
0x54: {  	_ =	shalt  }
0x55: {  	_ =	shalt  }
0x56: {  	_ =	shalt  }
0x57: {  	_ =	shalt  }
0x58: {  	_ =	shalt  }
0x59: {  	_ =	shalt  }
0x5a: {  	_ =	shalt  }
0x5b: {  	_ =	shalt  }
0x5c: {  	_ =	shalt  }
0x5d: {  	_ =	shalt  }
0x5e: {  	_ =	shalt  }
0x5f: {  	_ =	shalt  }
0x60: {  	_ =	shalt  }
0x61: {  	_ =	shalt  }
0x62: {  	_ =	shalt  }
0x63: {  	_ =	shalt  }
0x64: {  	_ =	shalt  }
0x65: {  	_ =	shalt  }
0x66: {  	_ =	shalt  }
0x67: {  	_ =	shalt  }
0x68: {  	_ =	shalt  }
0x69: {  	_ =	shalt  }
0x6a: {  	_ =	shalt  }
0x6b: {  	_ =	shalt  }
0x6c: {  	_ =	shalt  }
0x6d: {  	_ =	shalt  }
0x6e: {  	_ =	shalt  }
0x6f: {  	_ =	shalt  }
0x70: {  	_ =	shalt  }
0x71: {  	_ =	shalt  }
0x72: {  	_ =	shalt  }
0x73: {  	_ =	shalt  }
0x74: {  	_ =	shalt  }
0x75: {  	_ =	shalt  }
0x76: {  	_ =	shalt  }
0x77: {  	_ =	shalt  }
0x78: {  	_ =	shalt  }
0x79: {  	_ =	shalt  }
0x7a: {  	_ =	shalt  }
0x7b: {  	_ =	shalt  }
0x7c: {  	_ =	shalt  }
0x7d: {  	_ =	shalt  }
0x7e: {  	_ =	shalt  }
0x7f: {  	_ =	shalt  }
0x80: {  	_ =	shalt  }
0x81: {  	_ =	shalt  }
0x82: {  	_ =	shalt  }
0x83: {  	_ =	shalt  }
0x84: {  	_ =	shalt  }
0x85: {  	_ =	shalt  }
0x86: {  	_ =	shalt  }
0x87: {  	_ =	shalt  }
.Lfunc_end0:
.L_simem_size_0:
called_computation.2_lowered:
.L_overlay_start_0:
0x88: {  	s2 =	sld [smem:$0x3FD9]  }
0x89: {  	s3 =	sld [smem:$0x3FFE];
	_ =	sdelay $0x1  }
0x8a: {  	s1 =	srdreg.scid  }
0x8b: {  	s0 =	sand.u32 $0x1, s1  }
0x8c: {  	s16 =	sshll.u32 s0, $0xA;
	s2 =	sadd.s32 s3, s2  }
0x8d: {  	s2 =	sadd.s32 s2, s16  }
0x8e: {  	[smem:$0x3FBC] =	sst s2  }
0x8f: {  	_ = 	snop  }
0x90: {  	(tm) =	ssettm $0x1  }
0x91: {  	s17 =	sld [smem:$0x3FFB];
	_ =	sdelay $0x3  }
0x92: {  	_ =	strace s17  }
0x93: {  	s2 =	sld [smem:$0x3FFC];
	_ =	sdelay $0x3  }
0x94: {  	_ =	strace s2  }
0x95: {  	s2 =	sld [smem:$0x3FFD];
	_ =	sdelay $0x3  }
0x96: {  	_ =	strace s2  }
0x97: {  	_ =	strace $0x8FFFFFFF  }
0x98: {  	s18 =	sld [smem:$0x3FDB];
	_ =	sdelay $0x1  }
0x99: {  	s19 =	simm.s32 $_scs_section_size  }
0x9a: {  	s4 =	simm.s32 $_size__tile_overlayer_lowered;
	s5 =	simm.s32 $_tile_overlayer_lowered  }
0x9b: {  	s22 =	simm.s32 $0x1BFF;
	s21 =	sshll.u32 s5, $0x1;
	s2 =	sadd.s32 s19, s18  }
0x9c: {  	s6 =	simm.s32 $0x0;
	s20 =	sshll.u32 s4, $0x1;
	s4 =	sadd.s32 s21, s2  }
0x9d: {  	[timem:s6], [sflag:s22] =	dma.local [hbm:s4], s20  }
0x9e: {  	_ =	swait.ge [sflag:s22], s20  }
0x9f: {  	s3 =	ssub.s32 $0x0, s20;
	[sflag:s22] =	ssyncset.done $0x0  }
0xa0: {  	[sflag:s22] =	ssyncadd.s32 s3;
	_ =	sdelay $0x1  }
0xa1: {  	s23 =	simm.s32 $0x1B8B  }
0xa2: {  	_ =	swait.ge [sflag:s23], $0x1  }
0xa3: {  	[sflag:s23] =	ssyncset.done $0x0  }
0xa4: {  	s25 =	simm.s32 $0x1B8E;
	s24 =	sld [smem:$0x3FFE];
	[sflag:s23] =	ssyncadd.s32 $0xFFFFFFFF  }
0xa5: {  	s26 =	simm.s32 $execute0_lowered;
	[smem:$0x3FD2] =	sst s25  }
0xa6: {  	s4 =	sshll.u32 s26, $0x1;
	_ =	strace $0x8000004C;
	[dreg:$0x1] =	wrdreg $0xFFFFFFFF  }
0xa7: {  	s28 =	simm.s32 $_size_execute0_lowered;
	s2 =	sadd.s32 s2, s4;
	[dreg:$0x0] =	wrdreg $0x0  }
0xa8: {  	s4 =	sshll.u32 s28, $0x1;
	[dreg:$0x2] =	wrdreg s2  }
0xa9: {  	[dreg:$0x3] =	wrdreg s4  }
0xaa: {  	[dreg:$0x4] =	wrdreg $0xC0  }
0xab: {  	_ =	task [dreg:s6], $0x5FFFF  }
0xac: {  	[dreg:$0x1] =	wrdreg $0xFFFFFFFF  }
0xad: {  	[dreg:$0x0] =	wrdreg $0x60  }
0xae: {  	[dreg:$0x2] =	wrdreg s24  }
0xaf: {  	[dreg:$0x3] =	wrdreg $0x90000  }
0xb0: {  	[dreg:$0x4] =	wrdreg $0x9  }
0xb1: {  	_ =	task.clear_ibuf [dreg:s6], $0x5FFFF;
	_ =	strace $0x9000004C  }
0xb2: {  	s29 =	simm.s32 $0x9;
	_ =	strace $0x8000004E  }
0xb3: {  	_ =	swait.ge [sflag:s29], $0x1  }
0xb4: {  	[sflag:s29] =	ssyncadd.s32 $0xFFFFFFFF  }
0xb5: {  	_ =	strace $0x9000004E  }
0xb6: {  	_ =	sfence  }
0xb7: {  	s30 =	sld [smem:$0x0];
	_ =	sdelay $0x2  }
0xb8: {  	s31 =	sshll.u32 s1, $0xD;
	s1 =	sshrl.u32 s1, $0x2  }
0xb9: {  	s3 =	sand.u32 $0x4000, s31;
	s1 =	sadd.s32 s1, s30  }
0xba: {  	s0 =	sor.u32 s3, s0;
	s1 =	sshll.u32 s1, $0x11  }
0xbb: {  	s0 =	sor.u32 s1, s0  }
0xbc: {  	s0 =	sadd.s32 $0x8F2B, s0  }
0xbd: {  	[sflag:s0] =	ssyncadd.remote.s32 $0x1  }
0xbe: {  	_ =	sfence.sel $0xFFFF  }
0xbf: {  	[dreg:$0x0] =	wrdreg $0xFFFFFFFF;
	(pc) =	sbr.abs _section_cstart, $3  }
0xc0: {  	[dreg:$0x1] =	wrdreg $0xFFFFFFFF  }
0xc1: {  	_ =	task.clear_ibuf [dreg:s6], $0x2FFFF;
	_ =	strace $0x9FFFFFFF  }
0xc2: {  	(tm) =	ssettm $0x7FFFFFFF  }
0xc3: {  	_ =	shalt  }
tec
execute0_lowered:
.L_overlay_start_1:
0x0: {  	(tag) =	ssettag $0x1  }
0x1: {  	s7 =	rddreg [dreg:$0x0]  }
0x2: {  	s2 =	rddreg [dreg:$0x1]  }
0x3: {  	s0 =	rddreg [dreg:$0x2];
	s3 =	simm.s32 $0x0;
	s1 =	stileid.u32  }
0x4: {  	s4 =	srdreg.scid;
	s16 =	simm.s32 $0x1000;
	s17 =	simm.s32 $0x5000  }
0x5: {  	s18 =	simm.s32 $0x2;
	[smem:$0x7FF] =	sst s3;
	s8 =	smul.u32 $0x14000, s1  }
0x6: {  	s9 =	sand.u32 $0x1, s4;
	s4 =	sadd.s32 $0x40E00, s7;
	s12 =	smul.u32 $0x50000, s1  }
0x7: {  	s5 =	sadd.s32 $0x91600, s7;
	s6 =	sadd.s32 $0x4E00, s7;
	s31 =	smul.u32 $0x5, s1  }
0x8: {  	s30 =	sshll.u32 s1, $0x6;
	_ =	strace $0x8000004D;
	s10 =	smul.u32 $0x140000, s9  }
0x9: {  	s29 =	ssub.s32 $0x2, s9;
	p0 =	seq.s32 s9, $0x1;
	s9 =	smul.u32 $0xF, s1  }
0xa: {  	s11 =	sshrl.u32 s8, $0x3;
	s13 =	sshrl.u32 s29, $0x1;
	s12 =	sshrl.u32 s12, $0x2  }
.Ltmp0:
0xb: {  	s11 =	sadd.s32 s11, s7;
	s8 =	sadd.s32 s8, s10;
	(pc) =	sbr.rel .LBB2_1-.Ltmp0, $4  }
0xc: {  	s13 =	ssub.s32 s29, s13;
	s15 =	sadd.s32 s12, s2;
	s10 =	sadd.s32 $0xF0, s31  }
0xd: {  	s8 =	sshrl.u32 s8, $0x3;
	s12 =	smax.u32 s13, $0x1;
	s13 =	sshrl.u32 s15, $0x3  }
0xe: {  	s15 =	simm.s32 $0x80;
	s14 =	sadd.s32 s8, s7;
	s7 =	sadd.s32 $0x18E00, s11  }
0xf: {  	s8 =	sor.u32 $0x1C03, s30;
	s11 =	sadd.s32 $0xCD600, s14;
	s14 =	simm.s32 $0x3  }
.LBB2_12:
0x10: {  	s3 =	sadd.s32 $0x1, s3  }
0x11: {  	p1 =	sne.s32 s3, s12  }
.Ltmp1:
0x12: {  	[bflag:$0x0] =	sbarrier.arrive $0xFFFF;
	(pc) =	sbr.rel @!p1 .LBB2_13-.Ltmp1, $4  }
0x13: {  	[hbm:s11], [sflag:s8] =	dma.local [spmem:s13], $0x2800  }
0x14: {  	_ =	swait.ge [sflag:s14], $0x2800  }
0x15: {  	[sflag:s14] =	ssyncset.done $0x0  }
0x16: {  	[sflag:s14] =	ssyncadd.s32 $0xFFFFD800  }
.LBB2_1:
0x17: {  	[spmem:s13], [sflag:s8] =	dma.local [hbm:s7], $0x2800  }
.Ltmp2:
0x18: {  	_ =	swait.ge [sflag:s14], $0x2800;
	(pc) =	sbr.rel @p0 .LBB2_7-.Ltmp2, $4  }
.Ltmp3:
0x19: {  	[sflag:s14] =	ssyncset.done $0x0;
	(pc) =	sbr.rel @!p0 .LBB2_2-.Ltmp3, $4  }
0x1a: {  	[sflag:s14] =	ssyncadd.s32 $0xFFFFD800  }
0x1b: {  	[bflag:$0x0] =	sbarrier.arrive $0xFFFF  }
0x1c: {  	s19 =	simm.s32 $0x0;
	s20 =	simm.s32 $0x0  }
0x1d: {  	_ = 	snop  }
.LBB2_11:
0x1e: {  	s20 =	sadd.s32 $0x1, s20  }
0x1f: {  	p1 =	sne.s32 s20, $0x5  }
.Ltmp4:
0x20: {  	_ = 	snop;
	(pc) =	sbr.rel @!p1 .LBB2_12-.Ltmp4, $1  }
0x21: {  	_ =	sdelay $0x3  }
.LBB2_7:
0x22: {  	s19 =	sadd.s32 s20, s10  }
0x23: {  	s21 =	sshll.u32 s19, $0x8  }
0x24: {  	s19 =	simm.s32 $0x0;
	s22 =	sadd.s32 s5, s21  }
0x25: {  	[tilespmem:s19], [sflag:$0x3] =	stream.linear.gather [hbm4b:s22+s19], $0x800, $0x38;
	[tilespmem:$0x1D000] =	vst v63  }
0x26: {  	_ =	swait.ge [sflag:s14], $0x800  }
0x27: {  	[sflag:s14] =	ssyncset.done $0x0  }
0x28: {  	s31 =	sadd.s32 s6, s21;
	s21 =	simm.s32 $0x800;
	[sflag:s14] =	ssyncadd.s32 $0xFFFFF800  }
0x29: {  	[tilespmem:s21], [sflag:$0x3] =	stream.linear.gather [hbm4b:s31+s19], $0x800, $0x38;
	[tilespmem:$0x1D000] =	vst v63  }
0x2a: {  	_ =	swait.ge [sflag:s14], $0x800  }
.Ltmp5:
0x2b: {  	[sflag:s14] =	ssyncset.done $0x0;
	(pc) =	sbr.rel .LBB2_8-.Ltmp5, $4  }
0x2c: {  	[sflag:s14] =	ssyncadd.s32 $0xFFFFF800  }
0x2d: {  	[tilespmem:s16], [sflag:$0x1] =	stream.indirect.gather [hbm4b:s4+s15], $0x80, s19, s15, $0xb8;
	[tilespmem:$0x1D000] =	vst v63  }
0x2e: {  	s22 =	simm.s32 $0x100  }
0x2f: {  	[tilespmem:s17], [sflag:$0x2] =	stream.indirect.gather [hbm4b:s4+s15], $0x80, s15, s15, $0xb8;
	[tilespmem:$0x1D000] =	vst v63  }
.LBB2_10:
0x30: {  	s19 =	sadd.s32 $0x1, s19  }
0x31: {  	p1 =	sne.s32 s19, $0x10  }
.Ltmp6:
0x32: {  	_ = 	snop;
	(pc) =	sbr.rel @!p1 .LBB2_11-.Ltmp6, $2  }
0x33: {  	_ =	sdelay $0x2  }
0x34: {  	s21 =	sadd.s32 $0x80, s21;
	s22 =	sadd.s32 $0x80, s22  }
.LBB2_8:
0x35: {  	s23 =	sand.u32 $0x1, s19  }
0x36: {  	p1 =	seq.s32 s23, $0x1  }
0x37: {  	s24 =	simm.s32 @!p1 $0x1  }
0x38: {  	_ =	swait.ge @!p1 [sflag:s24], $0x4000  }
0x39: {  	[sflag:s24] =	ssyncset.done @!p1 $0x0  }
0x3a: {  	s25 =	simm.s32 @!p1 $0x1000;
	[sflag:s24] =	ssyncadd.s32 @!p1 $0xFFFFC000;
	s24 =	simm.s32 @!p1 $0x80  }
0x3b: {  	[spmem:s2] =	stream.indirect.scatter.add.f32 @!p1 [tilespmem:s25], [sflag:$0x3], $0x80, s21, s24, $0xb8;
	[tilespmem:$0x1D000] =	vst v63  }
0x3c: {  	s24 =	simm.s32 @!p1 $0x3  }
0x3d: {  	p2 =	sgt.u32 @!p1 s19, $0xD;
	_ =	swait.ge @!p1 [sflag:s24], $0x4000  }
0x3e: {  	p2 =	por p2, p1;
	[sflag:s24] =	ssyncset.done @!p1 $0x0  }
0x3f: {  	s25 =	simm.s32 @!p2 $0x1000;
	[sflag:s24] =	ssyncadd.s32 @!p1 $0xFFFFC000;
	s24 =	simm.s32 @!p2 $0x80  }
0x40: {  	[tilespmem:s25], [sflag:$0x1] =	stream.indirect.gather @!p2 [hbm4b:s4+s24], $0x80, s22, s24, $0xb8;
	[tilespmem:$0x1D000] =	vst v63  }
0x41: {  	p2 =	seq.s32 @!p1 s23, $0x0  }
0x42: {  	p1 =	por p1, !p2  }
.Ltmp7:
0x43: {  	_ = 	snop;
	(pc) =	sbr.rel @!p1 .LBB2_10-.Ltmp7, $1  }
0x44: {  	_ =	sdelay $0x3  }
0x45: {  	_ =	swait.ge [sflag:s18], $0x4000  }
0x46: {  	[sflag:s18] =	ssyncset.done $0x0  }
0x47: {  	[sflag:s18] =	ssyncadd.s32 $0xFFFFC000  }
0x48: {  	[spmem:s2] =	stream.indirect.scatter.add.f32 [tilespmem:s17], [sflag:$0x3], $0x80, s21, s15, $0xb8;
	[tilespmem:$0x1D000] =	vst v63  }
.Ltmp8:
0x49: {  	_ = 	snop;
	(pc) =	sbr.rel .LBB2_10-.Ltmp8, $4  }
0x4a: {  	_ =	swait.ge [sflag:s14], $0x4000  }
0x4b: {  	p1 =	sgt.u32 s19, $0xD;
	[sflag:s14] =	ssyncset.done $0x0  }
0x4c: {  	s23 =	simm.s32 @!p1 $0x80;
	s24 =	simm.s32 @!p1 $0x5000;
	[sflag:s14] =	ssyncadd.s32 $0xFFFFC000  }
0x4d: {  	[tilespmem:s24], [sflag:$0x2] =	stream.indirect.gather @!p1 [hbm4b:s4+s23], $0x80, s22, s23, $0xb8;
	[tilespmem:$0x1D000] =	vst v63  }
.LBB2_6:
0x4e: {  	s19 =	sadd.s32 $0x1, s19  }
0x4f: {  	p1 =	seq.s32 s19, $0xF  }
.Ltmp9:
0x50: {  	_ = 	snop;
	(pc) =	sbr.rel @p1 .LBB2_12-.Ltmp9, $1  }
0x51: {  	_ =	sdelay $0x3  }
.LBB2_2:
0x52: {  	s20 =	sadd.s32 s9, s19  }
0x53: {  	s21 =	sshll.u32 s20, $0x8  }
0x54: {  	s20 =	simm.s32 $0x0;
	s22 =	sadd.s32 s5, s21  }
0x55: {  	[tilespmem:s20], [sflag:$0x3] =	stream.linear.gather [hbm4b:s22+s20], $0x800, $0x38;
	[tilespmem:$0x1D000] =	vst v63  }
0x56: {  	_ =	swait.ge [sflag:s14], $0x800  }
0x57: {  	[sflag:s14] =	ssyncset.done $0x0  }
0x58: {  	s31 =	sadd.s32 s6, s21;
	s21 =	simm.s32 $0x800;
	[sflag:s14] =	ssyncadd.s32 $0xFFFFF800  }
0x59: {  	[tilespmem:s21], [sflag:$0x3] =	stream.linear.gather [hbm4b:s31+s20], $0x800, $0x38;
	[tilespmem:$0x1D000] =	vst v63  }
0x5a: {  	_ =	swait.ge [sflag:s14], $0x800  }
.Ltmp10:
0x5b: {  	[sflag:s14] =	ssyncset.done $0x0;
	(pc) =	sbr.rel .LBB2_3-.Ltmp10, $4  }
0x5c: {  	[sflag:s14] =	ssyncadd.s32 $0xFFFFF800  }
0x5d: {  	[tilespmem:s16], [sflag:$0x1] =	stream.indirect.gather [hbm4b:s4+s15], $0x80, s20, s15, $0xb8;
	[tilespmem:$0x1D000] =	vst v63  }
0x5e: {  	s22 =	simm.s32 $0x100  }
0x5f: {  	[tilespmem:s17], [sflag:$0x2] =	stream.indirect.gather [hbm4b:s4+s15], $0x80, s15, s15, $0xb8;
	[tilespmem:$0x1D000] =	vst v63  }
.LBB2_5:
0x60: {  	s20 =	sadd.s32 $0x1, s20  }
0x61: {  	p1 =	sne.s32 s20, $0x10  }
.Ltmp11:
0x62: {  	_ = 	snop;
	(pc) =	sbr.rel @!p1 .LBB2_6-.Ltmp11, $2  }
0x63: {  	_ =	sdelay $0x2  }
0x64: {  	s21 =	sadd.s32 $0x80, s21;
	s22 =	sadd.s32 $0x80, s22  }
.LBB2_3:
0x65: {  	s23 =	sand.u32 $0x1, s20  }
0x66: {  	p1 =	seq.s32 s23, $0x1  }
0x67: {  	s24 =	simm.s32 @!p1 $0x1  }
0x68: {  	_ =	swait.ge @!p1 [sflag:s24], $0x4000  }
0x69: {  	[sflag:s24] =	ssyncset.done @!p1 $0x0  }
0x6a: {  	s25 =	simm.s32 @!p1 $0x1000;
	[sflag:s24] =	ssyncadd.s32 @!p1 $0xFFFFC000;
	s24 =	simm.s32 @!p1 $0x80  }
0x6b: {  	[spmem:s2] =	stream.indirect.scatter.add.f32 @!p1 [tilespmem:s25], [sflag:$0x3], $0x80, s21, s24, $0xb8;
	[tilespmem:$0x1D000] =	vst v63  }
0x6c: {  	s24 =	simm.s32 @!p1 $0x3  }
0x6d: {  	p2 =	sgt.u32 @!p1 s20, $0xD;
	_ =	swait.ge @!p1 [sflag:s24], $0x4000  }
0x6e: {  	p2 =	por p2, p1;
	[sflag:s24] =	ssyncset.done @!p1 $0x0  }
0x6f: {  	s25 =	simm.s32 @!p2 $0x1000;
	[sflag:s24] =	ssyncadd.s32 @!p1 $0xFFFFC000;
	s24 =	simm.s32 @!p2 $0x80  }
0x70: {  	[tilespmem:s25], [sflag:$0x1] =	stream.indirect.gather @!p2 [hbm4b:s4+s24], $0x80, s22, s24, $0xb8;
	[tilespmem:$0x1D000] =	vst v63  }
0x71: {  	p2 =	seq.s32 @!p1 s23, $0x0  }
0x72: {  	p1 =	por p1, !p2  }
.Ltmp12:
0x73: {  	_ = 	snop;
	(pc) =	sbr.rel @!p1 .LBB2_5-.Ltmp12, $1  }
0x74: {  	_ =	sdelay $0x3  }
0x75: {  	_ =	swait.ge [sflag:s18], $0x4000  }
0x76: {  	[sflag:s18] =	ssyncset.done $0x0  }
0x77: {  	[sflag:s18] =	ssyncadd.s32 $0xFFFFC000  }
0x78: {  	[spmem:s2] =	stream.indirect.scatter.add.f32 [tilespmem:s17], [sflag:$0x3], $0x80, s21, s15, $0xb8;
	[tilespmem:$0x1D000] =	vst v63  }
.Ltmp13:
0x79: {  	_ = 	snop;
	(pc) =	sbr.rel .LBB2_5-.Ltmp13, $4  }
0x7a: {  	_ =	swait.ge [sflag:s14], $0x4000  }
0x7b: {  	p1 =	sgt.u32 s20, $0xD;
	[sflag:s14] =	ssyncset.done $0x0  }
0x7c: {  	s23 =	simm.s32 @!p1 $0x80;
	s24 =	simm.s32 @!p1 $0x5000;
	[sflag:s14] =	ssyncadd.s32 $0xFFFFC000  }
0x7d: {  	[tilespmem:s24], [sflag:$0x2] =	stream.indirect.gather @!p1 [hbm4b:s4+s23], $0x80, s22, s23, $0xb8;
	[tilespmem:$0x1D000] =	vst v63  }
.LBB2_13:
0x7e: {  	_ =	sfence.sel $0x180000  }
0x7f: {  	[bflag:$0x0] =	sbarrier.arrive $0xFFFF  }
0x80: {  	p0 =	sne.s32 s1, $0x0;
	_ =	strace $0x9000004D  }
0x81: {  	s0 =	sadd.s32 @!p0 $0x100000, s0;
	[bflag:$0x2] =	sbarrier.arrive $0xFFFF  }
0x82: {  	[sflag:s0] =	ssyncadd.tile.s32 @!p0 $0x1;
	_ =	shalt  }
.Lfunc_end2:
_tile_overlayer_lowered:
.L_overlay_start_2:
0x83: {  	(tag) =	ssettag $0x2  }
0x84: {  	s0 =	rddreg [dreg:$0x0];
	s2 =	stileid.u32  }
0x85: {  	s1 =	rddreg [dreg:$0x1];
	p0 =	sne.s32 s2, $0x0  }
0x86: {  	s3 =	rddreg [dreg:$0x2];
	[bflag:$0x3] =	sbarrier.arrive $0xFFFF;
	s2 =	simm.s32 @!p0 $0x1C03  }
0x87: {  	[timem:s3], [sflag:s2] =	dma.local @!p0 [hbm:s0], s1  }
0x88: {  	s0 =	simm.s32 @!p0 $0x3  }
0x89: {  	_ =	swait.ge @!p0 [sflag:s0], s1  }
0x8a: {  	s1 =	ssub.s32 @!p0 $0x0, s1;
	[sflag:s0] =	ssyncset.done @!p0 $0x0  }
0x8b: {  	[sflag:s0] =	ssyncadd.s32 @!p0 s1  }
0x8c: {  	[bflag:$0x3] =	sbarrier.arrive $0xFFFF  }
0x8d: {  	_ =	shalt  }

// kernel: kernel.24.cloned.1.call-start
scs
__scs_entry_jumppad:
0x0: {  	(pc) =	sbr.rel $0x88, $3  }
0x1: {  	(tag) =	ssettag $0x0;
	lr =	simm.s32 $0x1  }
0x2: {  	[smem:$0x3F95] =	sst lr;
	_ =	strace $0xD0000000  }
0x3: {  	_ = 	snop  }
0x4: {  	_ = 	snop  }
0x5: {  	_ = 	snop  }
0x6: {  	_ = 	snop  }
0x7: {  	_ = 	snop  }
__scs_overlays_trampoline_lowered:
0x8: {  	[smem:$0x3FA4] =	sst s0  }
0x9: {  	[smem:$0x3FA5] =	sst s1  }
0xa: {  	[smem:$0x3FA6] =	sst s2  }
0xb: {  	[smem:$0x3FA7] =	sst s3  }
0xc: {  	[smem:$0x3FA8] =	sst s4  }
0xd: {  	[smem:$0x3FA9] =	sst s5  }
0xe: {  	[smem:$0x3FAA] =	sst s6  }
0xf: {  	[smem:$0x3FAB] =	sst s7  }
0x10: {  	[smem:$0x3FAC] =	sst s8  }
0x11: {  	[smem:$0x3FAD] =	sst s9;
	s0 =	simm.s32 @!p0 $0x0  }
0x12: {  	s1 =	sld [smem:$0x3F93];
	s0 =	simm.s32 @p0 $0x1  }
0x13: {  	[smem:$0x3FAE] =	sst s0;
	s0 =	simm.s32 @!p1 $0x0  }
0x14: {  	s2 =	sld [smem:$0x3F92];
	s0 =	simm.s32 @p1 $0x1  }
0x15: {  	[smem:$0x3FAF] =	sst s0;
	s0 =	simm.s32 @!p2 $0x0  }
0x16: {  	s3 =	sld [smem:$0x3FDB];
	s0 =	simm.s32 @p2 $0x1  }
0x17: {  	s4 =	simm.s32 $0x1BF5;
	[smem:$0x3FB1] =	sst s0  }
0x18: {  	s0 =	sld [smem:$0x3F94];
	_ =	swait.ge [sflag:s4], $0x0  }
0x19: {  	s7 =	sld [smem:$0x3F95]  }
0x1a: {  	s8 =	sadd.s32 $0xFFFFE003, lr  }
0x1b: {  	s9 =	sadd.s32 $0xFFFFFEF7, lr;
	s5 =	simm.s32 $0xFFFFFFFF;
	p2 =	slt.u32 s8, $0xFFFFF086  }
0x1c: {  	p1 =	slt.u32 s9, $0xF7A;
	s5 =	simm.s32 @!p2 $0x0  }
0x1d: {  	s5 =	simm.s32 @p1 $0x1;
	p0 =	seq.s32 s7, s2  }
0x1e: {  	s7 =	smul.u32 @!p0 $0xF7A, s2;
	p2 =	seq.s32 @!p0 s5, $0x0  }
0x1f: {  	s9 =	smul.u32 $0xF7A, s1;
	s8 =	simm.s32 @!p0 $0x1BF5;
	p2 =	por !p2, p0  }
0x20: {  	[sflag:s8] =	ssyncset.s32 @!p0 $0xFFFFF086;
	s6 =	sadd.s32 @!p0 s3, s7;
	s7 =	simm.s32 @!p0 $0x108  }
0x21: {  	s3 =	sadd.s32 s3, s9;
	s6 =	sadd.s32 @!p0 $0x88, s6;
	s7 =	simm.s32 @p2 $0x1082  }
0x22: {  	[simem:s7], [sflag:s8] =	dma.local @!p0 [hbm:s6], $0xF7A  }
0x23: {  	s9 =	sor.u32 $0xD0000000, s2;
	s6 =	simm.s32 $0x108;
	_ =	swait.ge @!p0 [sflag:s8], $0x0  }
0x24: {  	s3 =	sadd.s32 $0x88, s3;
	s6 =	simm.s32 @!p1 $0x1082;
	[sflag:s4] =	ssyncset.s32 $0xFFFFF086  }
0x25: {  	[simem:s6], [sflag:s4] =	dma.local [hbm:s3], $0xF7A  }
0x26: {  	[smem:$0x3F95] =	sst s1;
	(tag) =	ssettag s2;
	_ =	strace s9  }
0x27: {  	s1 =	sld [smem:$0x3FA5]  }
0x28: {  	s2 =	sld [smem:$0x3FA6]  }
0x29: {  	s4 =	sld [smem:$0x3FA8]  }
0x2a: {  	p0 =	seq.s32 s5, $0x0;
	s5 =	sld [smem:$0x3FA9]  }
0x2b: {  	s6 =	sld [smem:$0x3FAA]  }
0x2c: {  	s7 =	sld [smem:$0x3FAB]  }
0x2d: {  	s3 =	simm.s32 $0x108;
	s8 =	sld [smem:$0x3FAC]  }
0x2e: {  	s3 =	simm.s32 @!p0 $0x1082;
	s9 =	sld [smem:$0x3FAD]  }
0x2f: {  	lr =	sadd.s32 s0, s3;
	s0 =	sld [smem:$0x3FA4]  }
0x30: {  	s3 =	sld [smem:$0x3FA7]  }
0x31: {  	[smem:$0x3FB0] =	sst s10  }
0x32: {  	s10 =	sld [smem:$0x3FAE];
	_ =	sdelay $0x3  }
0x33: {  	p0 =	seq.s32 s10, $0x1;
	s10 =	sld [smem:$0x3FB0];
	_ =	sdelay $0x3  }
0x34: {  	[smem:$0x3FB0] =	sst s10  }
0x35: {  	s10 =	sld [smem:$0x3FAF];
	_ =	sdelay $0x3  }
0x36: {  	p1 =	seq.s32 s10, $0x1;
	s10 =	sld [smem:$0x3FB0];
	_ =	sdelay $0x3  }
0x37: {  	[smem:$0x3FB0] =	sst s10  }
0x38: {  	s10 =	sld [smem:$0x3FB1]  }
0x39: {  	_ = 	snop;
	(pc) =	sbr.ind lr, $3  }
0x3a: {  	_ = 	snop  }
0x3b: {  	_ = 	snop  }
0x3c: {  	p2 =	seq.s32 s10, $0x1;
	s10 =	sld [smem:$0x3FB0]  }
0x3d: {  	_ =	shalt  }
0x3e: {  	_ =	shalt  }
0x3f: {  	_ =	shalt  }
0x40: {  	_ =	shalt  }
0x41: {  	_ =	shalt  }
0x42: {  	_ =	shalt  }
0x43: {  	_ =	shalt  }
0x44: {  	_ =	shalt  }
0x45: {  	_ =	shalt  }
0x46: {  	_ =	shalt  }
0x47: {  	_ =	shalt  }
0x48: {  	_ =	shalt  }
0x49: {  	_ =	shalt  }
0x4a: {  	_ =	shalt  }
0x4b: {  	_ =	shalt  }
0x4c: {  	_ =	shalt  }
0x4d: {  	_ =	shalt  }
0x4e: {  	_ =	shalt  }
0x4f: {  	_ =	shalt  }
0x50: {  	_ =	shalt  }
0x51: {  	_ =	shalt  }
0x52: {  	_ =	shalt  }
0x53: {  	_ =	shalt  }
0x54: {  	_ =	shalt  }
0x55: {  	_ =	shalt  }
0x56: {  	_ =	shalt  }
0x57: {  	_ =	shalt  }
0x58: {  	_ =	shalt  }
0x59: {  	_ =	shalt  }
0x5a: {  	_ =	shalt  }
0x5b: {  	_ =	shalt  }
0x5c: {  	_ =	shalt  }
0x5d: {  	_ =	shalt  }
0x5e: {  	_ =	shalt  }
0x5f: {  	_ =	shalt  }
0x60: {  	_ =	shalt  }
0x61: {  	_ =	shalt  }
0x62: {  	_ =	shalt  }
0x63: {  	_ =	shalt  }
0x64: {  	_ =	shalt  }
0x65: {  	_ =	shalt  }
0x66: {  	_ =	shalt  }
0x67: {  	_ =	shalt  }
0x68: {  	_ =	shalt  }
0x69: {  	_ =	shalt  }
0x6a: {  	_ =	shalt  }
0x6b: {  	_ =	shalt  }
0x6c: {  	_ =	shalt  }
0x6d: {  	_ =	shalt  }
0x6e: {  	_ =	shalt  }
0x6f: {  	_ =	shalt  }
0x70: {  	_ =	shalt  }
0x71: {  	_ =	shalt  }
0x72: {  	_ =	shalt  }
0x73: {  	_ =	shalt  }
0x74: {  	_ =	shalt  }
0x75: {  	_ =	shalt  }
0x76: {  	_ =	shalt  }
0x77: {  	_ =	shalt  }
0x78: {  	_ =	shalt  }
0x79: {  	_ =	shalt  }
0x7a: {  	_ =	shalt  }
0x7b: {  	_ =	shalt  }
0x7c: {  	_ =	shalt  }
0x7d: {  	_ =	shalt  }
0x7e: {  	_ =	shalt  }
0x7f: {  	_ =	shalt  }
0x80: {  	_ =	shalt  }
0x81: {  	_ =	shalt  }
0x82: {  	_ =	shalt  }
0x83: {  	_ =	shalt  }
0x84: {  	_ =	shalt  }
0x85: {  	_ =	shalt  }
0x86: {  	_ =	shalt  }
0x87: {  	_ =	shalt  }
.Lfunc_end0:
.L_simem_size_0:
called_computation.3_lowered:
.L_overlay_start_0:
0x88: {  	s2 =	sld [smem:$0x3FD9]  }
0x89: {  	s3 =	sld [smem:$0x3FFE];
	_ =	sdelay $0x1  }
0x8a: {  	s1 =	srdreg.scid  }
0x8b: {  	s0 =	sand.u32 $0x1, s1  }
0x8c: {  	s16 =	sshll.u32 s0, $0xA;
	s2 =	sadd.s32 s3, s2  }
0x8d: {  	s2 =	sadd.s32 s2, s16  }
0x8e: {  	[smem:$0x3FBC] =	sst s2  }
0x8f: {  	_ = 	snop  }
0x90: {  	(tm) =	ssettm $0x1  }
0x91: {  	s17 =	sld [smem:$0x3FFB];
	_ =	sdelay $0x3  }
0x92: {  	_ =	strace s17  }
0x93: {  	s2 =	sld [smem:$0x3FFC];
	_ =	sdelay $0x3  }
0x94: {  	_ =	strace s2  }
0x95: {  	s2 =	sld [smem:$0x3FFD];
	_ =	sdelay $0x3  }
0x96: {  	_ =	strace s2  }
0x97: {  	_ =	strace $0x8FFFFFFF  }
0x98: {  	s18 =	sld [smem:$0x3FDB];
	_ =	sdelay $0x1  }
0x99: {  	s19 =	simm.s32 $_scs_section_size  }
0x9a: {  	s4 =	simm.s32 $_size__tile_overlayer_lowered;
	s5 =	simm.s32 $_tile_overlayer_lowered  }
0x9b: {  	s22 =	simm.s32 $0x1BFF;
	s21 =	sshll.u32 s5, $0x1;
	s2 =	sadd.s32 s19, s18  }
0x9c: {  	s6 =	simm.s32 $0x0;
	s20 =	sshll.u32 s4, $0x1;
	s4 =	sadd.s32 s21, s2  }
0x9d: {  	[timem:s6], [sflag:s22] =	dma.local [hbm:s4], s20  }
0x9e: {  	_ =	swait.ge [sflag:s22], s20  }
0x9f: {  	s3 =	ssub.s32 $0x0, s20;
	[sflag:s22] =	ssyncset.done $0x0  }
0xa0: {  	[sflag:s22] =	ssyncadd.s32 s3;
	_ =	sdelay $0x1  }
0xa1: {  	s23 =	simm.s32 $0x1B8B  }
0xa2: {  	_ =	swait.ge [sflag:s23], $0x1  }
0xa3: {  	[sflag:s23] =	ssyncset.done $0x0  }
0xa4: {  	s25 =	simm.s32 $0x1B8E;
	s24 =	sld [smem:$0x3FFE];
	[sflag:s23] =	ssyncadd.s32 $0xFFFFFFFF  }
0xa5: {  	s26 =	simm.s32 $execute0_lowered;
	[smem:$0x3FD2] =	sst s25  }
0xa6: {  	s4 =	sshll.u32 s26, $0x1;
	_ =	strace $0x8000004F;
	[dreg:$0x1] =	wrdreg $0xFFFFFFFF  }
0xa7: {  	s28 =	simm.s32 $_size_execute0_lowered;
	s2 =	sadd.s32 s2, s4;
	[dreg:$0x0] =	wrdreg $0x0  }
0xa8: {  	s4 =	sshll.u32 s28, $0x1;
	[dreg:$0x2] =	wrdreg s2  }
0xa9: {  	[dreg:$0x3] =	wrdreg s4  }
0xaa: {  	[dreg:$0x4] =	wrdreg $0xC0  }
0xab: {  	_ =	task [dreg:s6], $0x5FFFF  }
0xac: {  	[dreg:$0x1] =	wrdreg $0xFFFFFFFF  }
0xad: {  	[dreg:$0x0] =	wrdreg $0x60  }
0xae: {  	[dreg:$0x2] =	wrdreg s24  }
0xaf: {  	[dreg:$0x3] =	wrdreg $0x90000  }
0xb0: {  	[dreg:$0x4] =	wrdreg $0x9  }
0xb1: {  	_ =	task.clear_ibuf [dreg:s6], $0x5FFFF;
	_ =	strace $0x9000004F  }
0xb2: {  	s29 =	simm.s32 $0x9;
	_ =	strace $0x80000051  }
0xb3: {  	_ =	swait.ge [sflag:s29], $0x1  }
0xb4: {  	[sflag:s29] =	ssyncadd.s32 $0xFFFFFFFF  }
0xb5: {  	_ =	strace $0x90000051  }
0xb6: {  	_ =	sfence  }
0xb7: {  	s30 =	sld [smem:$0x0];
	_ =	sdelay $0x2  }
0xb8: {  	s31 =	sshll.u32 s1, $0xD;
	s1 =	sshrl.u32 s1, $0x2  }
0xb9: {  	s3 =	sand.u32 $0x4000, s31;
	s1 =	sadd.s32 s1, s30  }
0xba: {  	s0 =	sor.u32 s3, s0;
	s1 =	sshll.u32 s1, $0x11  }
0xbb: {  	s0 =	sor.u32 s1, s0  }
0xbc: {  	s0 =	sadd.s32 $0x8F2B, s0  }
0xbd: {  	[sflag:s0] =	ssyncadd.remote.s32 $0x1  }
0xbe: {  	_ =	sfence.sel $0xFFFF  }
0xbf: {  	[dreg:$0x0] =	wrdreg $0xFFFFFFFF;
	(pc) =	sbr.abs _section_cstart, $3  }
0xc0: {  	[dreg:$0x1] =	wrdreg $0xFFFFFFFF  }
0xc1: {  	_ =	task.clear_ibuf [dreg:s6], $0x2FFFF;
	_ =	strace $0x9FFFFFFF  }
0xc2: {  	(tm) =	ssettm $0x7FFFFFFF  }
0xc3: {  	_ =	shalt  }
tec
execute0_lowered:
.L_overlay_start_1:
0x0: {  	(tag) =	ssettag $0x1  }
0x1: {  	s7 =	rddreg [dreg:$0x0]  }
0x2: {  	s2 =	rddreg [dreg:$0x1]  }
0x3: {  	s0 =	rddreg [dreg:$0x2];
	s3 =	simm.s32 $0x0;
	s1 =	stileid.u32  }
0x4: {  	s4 =	srdreg.scid;
	s16 =	simm.s32 $0x1000;
	s17 =	simm.s32 $0x5000  }
0x5: {  	s18 =	simm.s32 $0x2;
	[smem:$0x7FF] =	sst s3;
	s8 =	smul.u32 $0x14000, s1  }
0x6: {  	s9 =	sand.u32 $0x1, s4;
	s4 =	sadd.s32 $0x40E00, s7;
	s12 =	smul.u32 $0x50000, s1  }
0x7: {  	s5 =	sadd.s32 $0x91600, s7;
	s6 =	sadd.s32 $0x4E00, s7;
	s31 =	smul.u32 $0x5, s1  }
0x8: {  	s30 =	sshll.u32 s1, $0x6;
	_ =	strace $0x80000050;
	s10 =	smul.u32 $0x140000, s9  }
0x9: {  	s29 =	ssub.s32 $0x2, s9;
	p0 =	seq.s32 s9, $0x1;
	s9 =	smul.u32 $0xF, s1  }
0xa: {  	s11 =	sshrl.u32 s8, $0x3;
	s13 =	sshrl.u32 s29, $0x1;
	s12 =	sshrl.u32 s12, $0x2  }
.Ltmp0:
0xb: {  	s11 =	sadd.s32 s11, s7;
	s8 =	sadd.s32 s8, s10;
	(pc) =	sbr.rel .LBB2_1-.Ltmp0, $4  }
0xc: {  	s13 =	ssub.s32 s29, s13;
	s15 =	sadd.s32 s12, s2;
	s10 =	sadd.s32 $0xF0, s31  }
0xd: {  	s8 =	sshrl.u32 s8, $0x3;
	s12 =	smax.u32 s13, $0x1;
	s13 =	sshrl.u32 s15, $0x3  }
0xe: {  	s15 =	simm.s32 $0x80;
	s14 =	sadd.s32 s8, s7;
	s7 =	sadd.s32 $0x18E00, s11  }
0xf: {  	s8 =	sor.u32 $0x1C03, s30;
	s11 =	sadd.s32 $0xCD600, s14;
	s14 =	simm.s32 $0x3  }
.LBB2_12:
0x10: {  	s3 =	sadd.s32 $0x1, s3  }
0x11: {  	p1 =	sne.s32 s3, s12  }
.Ltmp1:
0x12: {  	[bflag:$0x0] =	sbarrier.arrive $0xFFFF;
	(pc) =	sbr.rel @!p1 .LBB2_13-.Ltmp1, $4  }
0x13: {  	[hbm:s11], [sflag:s8] =	dma.local [spmem:s13], $0x2800  }
0x14: {  	_ =	swait.ge [sflag:s14], $0x2800  }
0x15: {  	[sflag:s14] =	ssyncset.done $0x0  }
0x16: {  	[sflag:s14] =	ssyncadd.s32 $0xFFFFD800  }
.LBB2_1:
0x17: {  	[spmem:s13], [sflag:s8] =	dma.local [hbm:s7], $0x2800  }
.Ltmp2:
0x18: {  	_ =	swait.ge [sflag:s14], $0x2800;
	(pc) =	sbr.rel @p0 .LBB2_7-.Ltmp2, $4  }
.Ltmp3:
0x19: {  	[sflag:s14] =	ssyncset.done $0x0;
	(pc) =	sbr.rel @!p0 .LBB2_2-.Ltmp3, $4  }
0x1a: {  	[sflag:s14] =	ssyncadd.s32 $0xFFFFD800  }
0x1b: {  	[bflag:$0x0] =	sbarrier.arrive $0xFFFF  }
0x1c: {  	s19 =	simm.s32 $0x0;
	s20 =	simm.s32 $0x0  }
0x1d: {  	_ = 	snop  }
.LBB2_11:
0x1e: {  	s20 =	sadd.s32 $0x1, s20  }
0x1f: {  	p1 =	sne.s32 s20, $0x5  }
.Ltmp4:
0x20: {  	_ = 	snop;
	(pc) =	sbr.rel @!p1 .LBB2_12-.Ltmp4, $1  }
0x21: {  	_ =	sdelay $0x3  }
.LBB2_7:
0x22: {  	s19 =	sadd.s32 s20, s10  }
0x23: {  	s21 =	sshll.u32 s19, $0x8  }
0x24: {  	s19 =	simm.s32 $0x0;
	s22 =	sadd.s32 s5, s21  }
0x25: {  	[tilespmem:s19], [sflag:$0x3] =	stream.linear.gather [hbm4b:s22+s19], $0x800, $0x38;
	[tilespmem:$0x1D000] =	vst v63  }
0x26: {  	_ =	swait.ge [sflag:s14], $0x800  }
0x27: {  	[sflag:s14] =	ssyncset.done $0x0  }
0x28: {  	s31 =	sadd.s32 s6, s21;
	s21 =	simm.s32 $0x800;
	[sflag:s14] =	ssyncadd.s32 $0xFFFFF800  }
0x29: {  	[tilespmem:s21], [sflag:$0x3] =	stream.linear.gather [hbm4b:s31+s19], $0x800, $0x38;
	[tilespmem:$0x1D000] =	vst v63  }
0x2a: {  	_ =	swait.ge [sflag:s14], $0x800  }
.Ltmp5:
0x2b: {  	[sflag:s14] =	ssyncset.done $0x0;
	(pc) =	sbr.rel .LBB2_8-.Ltmp5, $4  }
0x2c: {  	[sflag:s14] =	ssyncadd.s32 $0xFFFFF800  }
0x2d: {  	[tilespmem:s16], [sflag:$0x1] =	stream.indirect.gather [hbm4b:s4+s15], $0x80, s19, s15, $0xb8;
	[tilespmem:$0x1D000] =	vst v63  }
0x2e: {  	s22 =	simm.s32 $0x100  }
0x2f: {  	[tilespmem:s17], [sflag:$0x2] =	stream.indirect.gather [hbm4b:s4+s15], $0x80, s15, s15, $0xb8;
	[tilespmem:$0x1D000] =	vst v63  }
.LBB2_10:
0x30: {  	s19 =	sadd.s32 $0x1, s19  }
0x31: {  	p1 =	sne.s32 s19, $0x10  }
.Ltmp6:
0x32: {  	_ = 	snop;
	(pc) =	sbr.rel @!p1 .LBB2_11-.Ltmp6, $2  }
0x33: {  	_ =	sdelay $0x2  }
0x34: {  	s21 =	sadd.s32 $0x80, s21;
	s22 =	sadd.s32 $0x80, s22  }
.LBB2_8:
0x35: {  	s23 =	sand.u32 $0x1, s19  }
0x36: {  	p1 =	seq.s32 s23, $0x1  }
0x37: {  	s24 =	simm.s32 @!p1 $0x1  }
0x38: {  	_ =	swait.ge @!p1 [sflag:s24], $0x4000  }
0x39: {  	[sflag:s24] =	ssyncset.done @!p1 $0x0  }
0x3a: {  	s25 =	simm.s32 @!p1 $0x1000;
	[sflag:s24] =	ssyncadd.s32 @!p1 $0xFFFFC000;
	s24 =	simm.s32 @!p1 $0x80  }
0x3b: {  	[spmem:s2] =	stream.indirect.scatter.add.f32 @!p1 [tilespmem:s25], [sflag:$0x3], $0x80, s21, s24, $0xb8;
	[tilespmem:$0x1D000] =	vst v63  }
0x3c: {  	s24 =	simm.s32 @!p1 $0x3  }
0x3d: {  	p2 =	sgt.u32 @!p1 s19, $0xD;
	_ =	swait.ge @!p1 [sflag:s24], $0x4000  }
0x3e: {  	p2 =	por p2, p1;
	[sflag:s24] =	ssyncset.done @!p1 $0x0  }
0x3f: {  	s25 =	simm.s32 @!p2 $0x1000;
	[sflag:s24] =	ssyncadd.s32 @!p1 $0xFFFFC000;
	s24 =	simm.s32 @!p2 $0x80  }
0x40: {  	[tilespmem:s25], [sflag:$0x1] =	stream.indirect.gather @!p2 [hbm4b:s4+s24], $0x80, s22, s24, $0xb8;
	[tilespmem:$0x1D000] =	vst v63  }
0x41: {  	p2 =	seq.s32 @!p1 s23, $0x0  }
0x42: {  	p1 =	por p1, !p2  }
.Ltmp7:
0x43: {  	_ = 	snop;
	(pc) =	sbr.rel @!p1 .LBB2_10-.Ltmp7, $1  }
0x44: {  	_ =	sdelay $0x3  }
0x45: {  	_ =	swait.ge [sflag:s18], $0x4000  }
0x46: {  	[sflag:s18] =	ssyncset.done $0x0  }
0x47: {  	[sflag:s18] =	ssyncadd.s32 $0xFFFFC000  }
0x48: {  	[spmem:s2] =	stream.indirect.scatter.add.f32 [tilespmem:s17], [sflag:$0x3], $0x80, s21, s15, $0xb8;
	[tilespmem:$0x1D000] =	vst v63  }
.Ltmp8:
0x49: {  	_ = 	snop;
	(pc) =	sbr.rel .LBB2_10-.Ltmp8, $4  }
0x4a: {  	_ =	swait.ge [sflag:s14], $0x4000  }
0x4b: {  	p1 =	sgt.u32 s19, $0xD;
	[sflag:s14] =	ssyncset.done $0x0  }
0x4c: {  	s23 =	simm.s32 @!p1 $0x80;
	s24 =	simm.s32 @!p1 $0x5000;
	[sflag:s14] =	ssyncadd.s32 $0xFFFFC000  }
0x4d: {  	[tilespmem:s24], [sflag:$0x2] =	stream.indirect.gather @!p1 [hbm4b:s4+s23], $0x80, s22, s23, $0xb8;
	[tilespmem:$0x1D000] =	vst v63  }
.LBB2_6:
0x4e: {  	s19 =	sadd.s32 $0x1, s19  }
0x4f: {  	p1 =	seq.s32 s19, $0xF  }
.Ltmp9:
0x50: {  	_ = 	snop;
	(pc) =	sbr.rel @p1 .LBB2_12-.Ltmp9, $1  }
0x51: {  	_ =	sdelay $0x3  }
.LBB2_2:
0x52: {  	s20 =	sadd.s32 s9, s19  }
0x53: {  	s21 =	sshll.u32 s20, $0x8  }
0x54: {  	s20 =	simm.s32 $0x0;
	s22 =	sadd.s32 s5, s21  }
0x55: {  	[tilespmem:s20], [sflag:$0x3] =	stream.linear.gather [hbm4b:s22+s20], $0x800, $0x38;
	[tilespmem:$0x1D000] =	vst v63  }
0x56: {  	_ =	swait.ge [sflag:s14], $0x800  }
0x57: {  	[sflag:s14] =	ssyncset.done $0x0  }
0x58: {  	s31 =	sadd.s32 s6, s21;
	s21 =	simm.s32 $0x800;
	[sflag:s14] =	ssyncadd.s32 $0xFFFFF800  }
0x59: {  	[tilespmem:s21], [sflag:$0x3] =	stream.linear.gather [hbm4b:s31+s20], $0x800, $0x38;
	[tilespmem:$0x1D000] =	vst v63  }
0x5a: {  	_ =	swait.ge [sflag:s14], $0x800  }
.Ltmp10:
0x5b: {  	[sflag:s14] =	ssyncset.done $0x0;
	(pc) =	sbr.rel .LBB2_3-.Ltmp10, $4  }
0x5c: {  	[sflag:s14] =	ssyncadd.s32 $0xFFFFF800  }
0x5d: {  	[tilespmem:s16], [sflag:$0x1] =	stream.indirect.gather [hbm4b:s4+s15], $0x80, s20, s15, $0xb8;
	[tilespmem:$0x1D000] =	vst v63  }
0x5e: {  	s22 =	simm.s32 $0x100  }
0x5f: {  	[tilespmem:s17], [sflag:$0x2] =	stream.indirect.gather [hbm4b:s4+s15], $0x80, s15, s15, $0xb8;
	[tilespmem:$0x1D000] =	vst v63  }
.LBB2_5:
0x60: {  	s20 =	sadd.s32 $0x1, s20  }
0x61: {  	p1 =	sne.s32 s20, $0x10  }
.Ltmp11:
0x62: {  	_ = 	snop;
	(pc) =	sbr.rel @!p1 .LBB2_6-.Ltmp11, $2  }
0x63: {  	_ =	sdelay $0x2  }
0x64: {  	s21 =	sadd.s32 $0x80, s21;
	s22 =	sadd.s32 $0x80, s22  }
.LBB2_3:
0x65: {  	s23 =	sand.u32 $0x1, s20  }
0x66: {  	p1 =	seq.s32 s23, $0x1  }
0x67: {  	s24 =	simm.s32 @!p1 $0x1  }
0x68: {  	_ =	swait.ge @!p1 [sflag:s24], $0x4000  }
0x69: {  	[sflag:s24] =	ssyncset.done @!p1 $0x0  }
0x6a: {  	s25 =	simm.s32 @!p1 $0x1000;
	[sflag:s24] =	ssyncadd.s32 @!p1 $0xFFFFC000;
	s24 =	simm.s32 @!p1 $0x80  }
0x6b: {  	[spmem:s2] =	stream.indirect.scatter.add.f32 @!p1 [tilespmem:s25], [sflag:$0x3], $0x80, s21, s24, $0xb8;
	[tilespmem:$0x1D000] =	vst v63  }
0x6c: {  	s24 =	simm.s32 @!p1 $0x3  }
0x6d: {  	p2 =	sgt.u32 @!p1 s20, $0xD;
	_ =	swait.ge @!p1 [sflag:s24], $0x4000  }
0x6e: {  	p2 =	por p2, p1;
	[sflag:s24] =	ssyncset.done @!p1 $0x0  }
0x6f: {  	s25 =	simm.s32 @!p2 $0x1000;
	[sflag:s24] =	ssyncadd.s32 @!p1 $0xFFFFC000;
	s24 =	simm.s32 @!p2 $0x80  }
0x70: {  	[tilespmem:s25], [sflag:$0x1] =	stream.indirect.gather @!p2 [hbm4b:s4+s24], $0x80, s22, s24, $0xb8;
	[tilespmem:$0x1D000] =	vst v63  }
0x71: {  	p2 =	seq.s32 @!p1 s23, $0x0  }
0x72: {  	p1 =	por p1, !p2  }
.Ltmp12:
0x73: {  	_ = 	snop;
	(pc) =	sbr.rel @!p1 .LBB2_5-.Ltmp12, $1  }
0x74: {  	_ =	sdelay $0x3  }
0x75: {  	_ =	swait.ge [sflag:s18], $0x4000  }
0x76: {  	[sflag:s18] =	ssyncset.done $0x0  }
0x77: {  	[sflag:s18] =	ssyncadd.s32 $0xFFFFC000  }
0x78: {  	[spmem:s2] =	stream.indirect.scatter.add.f32 [tilespmem:s17], [sflag:$0x3], $0x80, s21, s15, $0xb8;
	[tilespmem:$0x1D000] =	vst v63  }
.Ltmp13:
0x79: {  	_ = 	snop;
	(pc) =	sbr.rel .LBB2_5-.Ltmp13, $4  }
0x7a: {  	_ =	swait.ge [sflag:s14], $0x4000  }
0x7b: {  	p1 =	sgt.u32 s20, $0xD;
	[sflag:s14] =	ssyncset.done $0x0  }
0x7c: {  	s23 =	simm.s32 @!p1 $0x80;
	s24 =	simm.s32 @!p1 $0x5000;
	[sflag:s14] =	ssyncadd.s32 $0xFFFFC000  }
0x7d: {  	[tilespmem:s24], [sflag:$0x2] =	stream.indirect.gather @!p1 [hbm4b:s4+s23], $0x80, s22, s23, $0xb8;
	[tilespmem:$0x1D000] =	vst v63  }
.LBB2_13:
0x7e: {  	_ =	sfence.sel $0x180000  }
0x7f: {  	[bflag:$0x0] =	sbarrier.arrive $0xFFFF  }
0x80: {  	p0 =	sne.s32 s1, $0x0;
	_ =	strace $0x90000050  }
0x81: {  	s0 =	sadd.s32 @!p0 $0x100000, s0;
	[bflag:$0x2] =	sbarrier.arrive $0xFFFF  }
0x82: {  	[sflag:s0] =	ssyncadd.tile.s32 @!p0 $0x1;
	_ =	shalt  }
.Lfunc_end2:
_tile_overlayer_lowered:
.L_overlay_start_2:
0x83: {  	(tag) =	ssettag $0x2  }
0x84: {  	s0 =	rddreg [dreg:$0x0];
	s2 =	stileid.u32  }
0x85: {  	s1 =	rddreg [dreg:$0x1];
	p0 =	sne.s32 s2, $0x0  }
0x86: {  	s3 =	rddreg [dreg:$0x2];
	[bflag:$0x3] =	sbarrier.arrive $0xFFFF;
	s2 =	simm.s32 @!p0 $0x1C03  }
0x87: {  	[timem:s3], [sflag:s2] =	dma.local @!p0 [hbm:s0], s1  }
0x88: {  	s0 =	simm.s32 @!p0 $0x3  }
0x89: {  	_ =	swait.ge @!p0 [sflag:s0], s1  }
0x8a: {  	s1 =	ssub.s32 @!p0 $0x0, s1;
	[sflag:s0] =	ssyncset.done @!p0 $0x0  }
0x8b: {  	[sflag:s0] =	ssyncadd.s32 @!p0 s1  }
0x8c: {  	[bflag:$0x3] =	sbarrier.arrive $0xFFFF  }
0x8d: {  	_ =	shalt  }

// kernel: kernel.27.cloned.1.call-start
scs
__scs_entry_jumppad:
0x0: {  	(pc) =	sbr.rel $0x88, $3  }
0x1: {  	(tag) =	ssettag $0x0;
	lr =	simm.s32 $0x1  }
0x2: {  	[smem:$0x3F95] =	sst lr;
	_ =	strace $0xD0000000  }
0x3: {  	_ = 	snop  }
0x4: {  	_ = 	snop  }
0x5: {  	_ = 	snop  }
0x6: {  	_ = 	snop  }
0x7: {  	_ = 	snop  }
__scs_overlays_trampoline_lowered:
0x8: {  	[smem:$0x3FA4] =	sst s0  }
0x9: {  	[smem:$0x3FA5] =	sst s1  }
0xa: {  	[smem:$0x3FA6] =	sst s2  }
0xb: {  	[smem:$0x3FA7] =	sst s3  }
0xc: {  	[smem:$0x3FA8] =	sst s4  }
0xd: {  	[smem:$0x3FA9] =	sst s5  }
0xe: {  	[smem:$0x3FAA] =	sst s6  }
0xf: {  	[smem:$0x3FAB] =	sst s7  }
0x10: {  	[smem:$0x3FAC] =	sst s8  }
0x11: {  	[smem:$0x3FAD] =	sst s9;
	s0 =	simm.s32 @!p0 $0x0  }
0x12: {  	s1 =	sld [smem:$0x3F93];
	s0 =	simm.s32 @p0 $0x1  }
0x13: {  	[smem:$0x3FAE] =	sst s0;
	s0 =	simm.s32 @!p1 $0x0  }
0x14: {  	s2 =	sld [smem:$0x3F92];
	s0 =	simm.s32 @p1 $0x1  }
0x15: {  	[smem:$0x3FAF] =	sst s0;
	s0 =	simm.s32 @!p2 $0x0  }
0x16: {  	s3 =	sld [smem:$0x3FDB];
	s0 =	simm.s32 @p2 $0x1  }
0x17: {  	s4 =	simm.s32 $0x1BF5;
	[smem:$0x3FB1] =	sst s0  }
0x18: {  	s0 =	sld [smem:$0x3F94];
	_ =	swait.ge [sflag:s4], $0x0  }
0x19: {  	s7 =	sld [smem:$0x3F95]  }
0x1a: {  	s8 =	sadd.s32 $0xFFFFE003, lr  }
0x1b: {  	s9 =	sadd.s32 $0xFFFFFEF7, lr;
	s5 =	simm.s32 $0xFFFFFFFF;
	p2 =	slt.u32 s8, $0xFFFFF086  }
0x1c: {  	p1 =	slt.u32 s9, $0xF7A;
	s5 =	simm.s32 @!p2 $0x0  }
0x1d: {  	s5 =	simm.s32 @p1 $0x1;
	p0 =	seq.s32 s7, s2  }
0x1e: {  	s7 =	smul.u32 @!p0 $0xF7A, s2;
	p2 =	seq.s32 @!p0 s5, $0x0  }
0x1f: {  	s9 =	smul.u32 $0xF7A, s1;
	s8 =	simm.s32 @!p0 $0x1BF5;
	p2 =	por !p2, p0  }
0x20: {  	[sflag:s8] =	ssyncset.s32 @!p0 $0xFFFFF086;
	s6 =	sadd.s32 @!p0 s3, s7;
	s7 =	simm.s32 @!p0 $0x108  }
0x21: {  	s3 =	sadd.s32 s3, s9;
	s6 =	sadd.s32 @!p0 $0x88, s6;
	s7 =	simm.s32 @p2 $0x1082  }
0x22: {  	[simem:s7], [sflag:s8] =	dma.local @!p0 [hbm:s6], $0xF7A  }
0x23: {  	s9 =	sor.u32 $0xD0000000, s2;
	s6 =	simm.s32 $0x108;
	_ =	swait.ge @!p0 [sflag:s8], $0x0  }
0x24: {  	s3 =	sadd.s32 $0x88, s3;
	s6 =	simm.s32 @!p1 $0x1082;
	[sflag:s4] =	ssyncset.s32 $0xFFFFF086  }
0x25: {  	[simem:s6], [sflag:s4] =	dma.local [hbm:s3], $0xF7A  }
0x26: {  	[smem:$0x3F95] =	sst s1;
	(tag) =	ssettag s2;
	_ =	strace s9  }
0x27: {  	s1 =	sld [smem:$0x3FA5]  }
0x28: {  	s2 =	sld [smem:$0x3FA6]  }
0x29: {  	s4 =	sld [smem:$0x3FA8]  }
0x2a: {  	p0 =	seq.s32 s5, $0x0;
	s5 =	sld [smem:$0x3FA9]  }
0x2b: {  	s6 =	sld [smem:$0x3FAA]  }
0x2c: {  	s7 =	sld [smem:$0x3FAB]  }
0x2d: {  	s3 =	simm.s32 $0x108;
	s8 =	sld [smem:$0x3FAC]  }
0x2e: {  	s3 =	simm.s32 @!p0 $0x1082;
	s9 =	sld [smem:$0x3FAD]  }
0x2f: {  	lr =	sadd.s32 s0, s3;
	s0 =	sld [smem:$0x3FA4]  }
0x30: {  	s3 =	sld [smem:$0x3FA7]  }
0x31: {  	[smem:$0x3FB0] =	sst s10  }
0x32: {  	s10 =	sld [smem:$0x3FAE];
	_ =	sdelay $0x3  }
0x33: {  	p0 =	seq.s32 s10, $0x1;
	s10 =	sld [smem:$0x3FB0];
	_ =	sdelay $0x3  }
0x34: {  	[smem:$0x3FB0] =	sst s10  }
0x35: {  	s10 =	sld [smem:$0x3FAF];
	_ =	sdelay $0x3  }
0x36: {  	p1 =	seq.s32 s10, $0x1;
	s10 =	sld [smem:$0x3FB0];
	_ =	sdelay $0x3  }
0x37: {  	[smem:$0x3FB0] =	sst s10  }
0x38: {  	s10 =	sld [smem:$0x3FB1]  }
0x39: {  	_ = 	snop;
	(pc) =	sbr.ind lr, $3  }
0x3a: {  	_ = 	snop  }
0x3b: {  	_ = 	snop  }
0x3c: {  	p2 =	seq.s32 s10, $0x1;
	s10 =	sld [smem:$0x3FB0]  }
0x3d: {  	_ =	shalt  }
0x3e: {  	_ =	shalt  }
0x3f: {  	_ =	shalt  }
0x40: {  	_ =	shalt  }
0x41: {  	_ =	shalt  }
0x42: {  	_ =	shalt  }
0x43: {  	_ =	shalt  }
0x44: {  	_ =	shalt  }
0x45: {  	_ =	shalt  }
0x46: {  	_ =	shalt  }
0x47: {  	_ =	shalt  }
0x48: {  	_ =	shalt  }
0x49: {  	_ =	shalt  }
0x4a: {  	_ =	shalt  }
0x4b: {  	_ =	shalt  }
0x4c: {  	_ =	shalt  }
0x4d: {  	_ =	shalt  }
0x4e: {  	_ =	shalt  }
0x4f: {  	_ =	shalt  }
0x50: {  	_ =	shalt  }
0x51: {  	_ =	shalt  }
0x52: {  	_ =	shalt  }
0x53: {  	_ =	shalt  }
0x54: {  	_ =	shalt  }
0x55: {  	_ =	shalt  }
0x56: {  	_ =	shalt  }
0x57: {  	_ =	shalt  }
0x58: {  	_ =	shalt  }
0x59: {  	_ =	shalt  }
0x5a: {  	_ =	shalt  }
0x5b: {  	_ =	shalt  }
0x5c: {  	_ =	shalt  }
0x5d: {  	_ =	shalt  }
0x5e: {  	_ =	shalt  }
0x5f: {  	_ =	shalt  }
0x60: {  	_ =	shalt  }
0x61: {  	_ =	shalt  }
0x62: {  	_ =	shalt  }
0x63: {  	_ =	shalt  }
0x64: {  	_ =	shalt  }
0x65: {  	_ =	shalt  }
0x66: {  	_ =	shalt  }
0x67: {  	_ =	shalt  }
0x68: {  	_ =	shalt  }
0x69: {  	_ =	shalt  }
0x6a: {  	_ =	shalt  }
0x6b: {  	_ =	shalt  }
0x6c: {  	_ =	shalt  }
0x6d: {  	_ =	shalt  }
0x6e: {  	_ =	shalt  }
0x6f: {  	_ =	shalt  }
0x70: {  	_ =	shalt  }
0x71: {  	_ =	shalt  }
0x72: {  	_ =	shalt  }
0x73: {  	_ =	shalt  }
0x74: {  	_ =	shalt  }
0x75: {  	_ =	shalt  }
0x76: {  	_ =	shalt  }
0x77: {  	_ =	shalt  }
0x78: {  	_ =	shalt  }
0x79: {  	_ =	shalt  }
0x7a: {  	_ =	shalt  }
0x7b: {  	_ =	shalt  }
0x7c: {  	_ =	shalt  }
0x7d: {  	_ =	shalt  }
0x7e: {  	_ =	shalt  }
0x7f: {  	_ =	shalt  }
0x80: {  	_ =	shalt  }
0x81: {  	_ =	shalt  }
0x82: {  	_ =	shalt  }
0x83: {  	_ =	shalt  }
0x84: {  	_ =	shalt  }
0x85: {  	_ =	shalt  }
0x86: {  	_ =	shalt  }
0x87: {  	_ =	shalt  }
.Lfunc_end0:
.L_simem_size_0:
called_computation.4_lowered:
.L_overlay_start_0:
0x88: {  	s2 =	sld [smem:$0x3FD9]  }
0x89: {  	s3 =	sld [smem:$0x3FFE];
	_ =	sdelay $0x1  }
0x8a: {  	s1 =	srdreg.scid  }
0x8b: {  	s0 =	sand.u32 $0x1, s1  }
0x8c: {  	s16 =	sshll.u32 s0, $0xA;
	s2 =	sadd.s32 s3, s2  }
0x8d: {  	s2 =	sadd.s32 s2, s16  }
0x8e: {  	[smem:$0x3FBC] =	sst s2  }
0x8f: {  	_ = 	snop  }
0x90: {  	(tm) =	ssettm $0x1  }
0x91: {  	s17 =	sld [smem:$0x3FFB];
	_ =	sdelay $0x3  }
0x92: {  	_ =	strace s17  }
0x93: {  	s2 =	sld [smem:$0x3FFC];
	_ =	sdelay $0x3  }
0x94: {  	_ =	strace s2  }
0x95: {  	s2 =	sld [smem:$0x3FFD];
	_ =	sdelay $0x3  }
0x96: {  	_ =	strace s2  }
0x97: {  	_ =	strace $0x8FFFFFFF  }
0x98: {  	s18 =	sld [smem:$0x3FDB];
	_ =	sdelay $0x1  }
0x99: {  	s19 =	simm.s32 $_scs_section_size  }
0x9a: {  	s4 =	simm.s32 $_size__tile_overlayer_lowered;
	s5 =	simm.s32 $_tile_overlayer_lowered  }
0x9b: {  	s22 =	simm.s32 $0x1BFF;
	s21 =	sshll.u32 s5, $0x1;
	s2 =	sadd.s32 s19, s18  }
0x9c: {  	s6 =	simm.s32 $0x0;
	s20 =	sshll.u32 s4, $0x1;
	s4 =	sadd.s32 s21, s2  }
0x9d: {  	[timem:s6], [sflag:s22] =	dma.local [hbm:s4], s20  }
0x9e: {  	_ =	swait.ge [sflag:s22], s20  }
0x9f: {  	s3 =	ssub.s32 $0x0, s20;
	[sflag:s22] =	ssyncset.done $0x0  }
0xa0: {  	[sflag:s22] =	ssyncadd.s32 s3;
	_ =	sdelay $0x1  }
0xa1: {  	s23 =	simm.s32 $0x1B8B  }
0xa2: {  	_ =	swait.ge [sflag:s23], $0x1  }
0xa3: {  	[sflag:s23] =	ssyncset.done $0x0  }
0xa4: {  	s25 =	simm.s32 $0x1B8E;
	s24 =	sld [smem:$0x3FFE];
	[sflag:s23] =	ssyncadd.s32 $0xFFFFFFFF  }
0xa5: {  	s26 =	simm.s32 $execute0_lowered;
	[smem:$0x3FD2] =	sst s25  }
0xa6: {  	s4 =	sshll.u32 s26, $0x1;
	_ =	strace $0x80000052;
	[dreg:$0x1] =	wrdreg $0xFFFFFFFF  }
0xa7: {  	s28 =	simm.s32 $_size_execute0_lowered;
	s2 =	sadd.s32 s2, s4;
	[dreg:$0x0] =	wrdreg $0x0  }
0xa8: {  	s4 =	sshll.u32 s28, $0x1;
	[dreg:$0x2] =	wrdreg s2  }
0xa9: {  	[dreg:$0x3] =	wrdreg s4  }
0xaa: {  	[dreg:$0x4] =	wrdreg $0xC0  }
0xab: {  	_ =	task [dreg:s6], $0x5FFFF  }
0xac: {  	[dreg:$0x1] =	wrdreg $0xFFFFFFFF  }
0xad: {  	[dreg:$0x0] =	wrdreg $0x60  }
0xae: {  	[dreg:$0x2] =	wrdreg s24  }
0xaf: {  	[dreg:$0x3] =	wrdreg $0x90000  }
0xb0: {  	[dreg:$0x4] =	wrdreg $0x9  }
0xb1: {  	_ =	task.clear_ibuf [dreg:s6], $0x5FFFF;
	_ =	strace $0x90000052  }
0xb2: {  	s29 =	simm.s32 $0x9;
	_ =	strace $0x80000054  }
0xb3: {  	_ =	swait.ge [sflag:s29], $0x1  }
0xb4: {  	[sflag:s29] =	ssyncadd.s32 $0xFFFFFFFF  }
0xb5: {  	_ =	strace $0x90000054  }
0xb6: {  	_ =	sfence  }
0xb7: {  	s30 =	sld [smem:$0x0];
	_ =	sdelay $0x2  }
0xb8: {  	s31 =	sshll.u32 s1, $0xD;
	s1 =	sshrl.u32 s1, $0x2  }
0xb9: {  	s3 =	sand.u32 $0x4000, s31;
	s1 =	sadd.s32 s1, s30  }
0xba: {  	s0 =	sor.u32 s3, s0;
	s1 =	sshll.u32 s1, $0x11  }
0xbb: {  	s0 =	sor.u32 s1, s0  }
0xbc: {  	s0 =	sadd.s32 $0x8F2B, s0  }
0xbd: {  	[sflag:s0] =	ssyncadd.remote.s32 $0x1  }
0xbe: {  	_ =	sfence.sel $0xFFFF  }
0xbf: {  	[dreg:$0x0] =	wrdreg $0xFFFFFFFF;
	(pc) =	sbr.abs _section_cstart, $3  }
0xc0: {  	[dreg:$0x1] =	wrdreg $0xFFFFFFFF  }
0xc1: {  	_ =	task.clear_ibuf [dreg:s6], $0x2FFFF;
	_ =	strace $0x9FFFFFFF  }
0xc2: {  	(tm) =	ssettm $0x7FFFFFFF  }
0xc3: {  	_ =	shalt  }
tec
execute0_lowered:
.L_overlay_start_1:
0x0: {  	(tag) =	ssettag $0x1  }
0x1: {  	s7 =	rddreg [dreg:$0x0]  }
0x2: {  	s2 =	rddreg [dreg:$0x1]  }
0x3: {  	s0 =	rddreg [dreg:$0x2];
	s3 =	simm.s32 $0x0;
	s1 =	stileid.u32  }
0x4: {  	s4 =	srdreg.scid;
	s16 =	simm.s32 $0x1000;
	s17 =	simm.s32 $0x5000  }
0x5: {  	s18 =	simm.s32 $0x2;
	[smem:$0x7FF] =	sst s3;
	s8 =	smul.u32 $0x14000, s1  }
0x6: {  	s9 =	sand.u32 $0x1, s4;
	s4 =	sadd.s32 $0x40E00, s7;
	s12 =	smul.u32 $0x50000, s1  }
0x7: {  	s5 =	sadd.s32 $0x91600, s7;
	s6 =	sadd.s32 $0x4E00, s7;
	s31 =	smul.u32 $0x5, s1  }
0x8: {  	s30 =	sshll.u32 s1, $0x6;
	_ =	strace $0x80000053;
	s10 =	smul.u32 $0x140000, s9  }
0x9: {  	s29 =	ssub.s32 $0x2, s9;
	p0 =	seq.s32 s9, $0x1;
	s9 =	smul.u32 $0xF, s1  }
0xa: {  	s11 =	sshrl.u32 s8, $0x3;
	s13 =	sshrl.u32 s29, $0x1;
	s12 =	sshrl.u32 s12, $0x2  }
.Ltmp0:
0xb: {  	s11 =	sadd.s32 s11, s7;
	s8 =	sadd.s32 s8, s10;
	(pc) =	sbr.rel .LBB2_1-.Ltmp0, $4  }
0xc: {  	s13 =	ssub.s32 s29, s13;
	s15 =	sadd.s32 s12, s2;
	s10 =	sadd.s32 $0xF0, s31  }
0xd: {  	s8 =	sshrl.u32 s8, $0x3;
	s12 =	smax.u32 s13, $0x1;
	s13 =	sshrl.u32 s15, $0x3  }
0xe: {  	s15 =	simm.s32 $0x80;
	s14 =	sadd.s32 s8, s7;
	s7 =	sadd.s32 $0x18E00, s11  }
0xf: {  	s8 =	sor.u32 $0x1C03, s30;
	s11 =	sadd.s32 $0xCD600, s14;
	s14 =	simm.s32 $0x3  }
.LBB2_12:
0x10: {  	s3 =	sadd.s32 $0x1, s3  }
0x11: {  	p1 =	sne.s32 s3, s12  }
.Ltmp1:
0x12: {  	[bflag:$0x0] =	sbarrier.arrive $0xFFFF;
	(pc) =	sbr.rel @!p1 .LBB2_13-.Ltmp1, $4  }
0x13: {  	[hbm:s11], [sflag:s8] =	dma.local [spmem:s13], $0x2800  }
0x14: {  	_ =	swait.ge [sflag:s14], $0x2800  }
0x15: {  	[sflag:s14] =	ssyncset.done $0x0  }
0x16: {  	[sflag:s14] =	ssyncadd.s32 $0xFFFFD800  }
.LBB2_1:
0x17: {  	[spmem:s13], [sflag:s8] =	dma.local [hbm:s7], $0x2800  }
.Ltmp2:
0x18: {  	_ =	swait.ge [sflag:s14], $0x2800;
	(pc) =	sbr.rel @p0 .LBB2_7-.Ltmp2, $4  }
.Ltmp3:
0x19: {  	[sflag:s14] =	ssyncset.done $0x0;
	(pc) =	sbr.rel @!p0 .LBB2_2-.Ltmp3, $4  }
0x1a: {  	[sflag:s14] =	ssyncadd.s32 $0xFFFFD800  }
0x1b: {  	[bflag:$0x0] =	sbarrier.arrive $0xFFFF  }
0x1c: {  	s19 =	simm.s32 $0x0;
	s20 =	simm.s32 $0x0  }
0x1d: {  	_ = 	snop  }
.LBB2_11:
0x1e: {  	s20 =	sadd.s32 $0x1, s20  }
0x1f: {  	p1 =	sne.s32 s20, $0x5  }
.Ltmp4:
0x20: {  	_ = 	snop;
	(pc) =	sbr.rel @!p1 .LBB2_12-.Ltmp4, $1  }
0x21: {  	_ =	sdelay $0x3  }
.LBB2_7:
0x22: {  	s19 =	sadd.s32 s20, s10  }
0x23: {  	s21 =	sshll.u32 s19, $0x8  }
0x24: {  	s19 =	simm.s32 $0x0;
	s22 =	sadd.s32 s5, s21  }
0x25: {  	[tilespmem:s19], [sflag:$0x3] =	stream.linear.gather [hbm4b:s22+s19], $0x800, $0x38;
	[tilespmem:$0x1D000] =	vst v63  }
0x26: {  	_ =	swait.ge [sflag:s14], $0x800  }
0x27: {  	[sflag:s14] =	ssyncset.done $0x0  }
0x28: {  	s31 =	sadd.s32 s6, s21;
	s21 =	simm.s32 $0x800;
	[sflag:s14] =	ssyncadd.s32 $0xFFFFF800  }
0x29: {  	[tilespmem:s21], [sflag:$0x3] =	stream.linear.gather [hbm4b:s31+s19], $0x800, $0x38;
	[tilespmem:$0x1D000] =	vst v63  }
0x2a: {  	_ =	swait.ge [sflag:s14], $0x800  }
.Ltmp5:
0x2b: {  	[sflag:s14] =	ssyncset.done $0x0;
	(pc) =	sbr.rel .LBB2_8-.Ltmp5, $4  }
0x2c: {  	[sflag:s14] =	ssyncadd.s32 $0xFFFFF800  }
0x2d: {  	[tilespmem:s16], [sflag:$0x1] =	stream.indirect.gather [hbm4b:s4+s15], $0x80, s19, s15, $0xb8;
	[tilespmem:$0x1D000] =	vst v63  }
0x2e: {  	s22 =	simm.s32 $0x100  }
0x2f: {  	[tilespmem:s17], [sflag:$0x2] =	stream.indirect.gather [hbm4b:s4+s15], $0x80, s15, s15, $0xb8;
	[tilespmem:$0x1D000] =	vst v63  }
.LBB2_10:
0x30: {  	s19 =	sadd.s32 $0x1, s19  }
0x31: {  	p1 =	sne.s32 s19, $0x10  }
.Ltmp6:
0x32: {  	_ = 	snop;
	(pc) =	sbr.rel @!p1 .LBB2_11-.Ltmp6, $2  }
0x33: {  	_ =	sdelay $0x2  }
0x34: {  	s21 =	sadd.s32 $0x80, s21;
	s22 =	sadd.s32 $0x80, s22  }
.LBB2_8:
0x35: {  	s23 =	sand.u32 $0x1, s19  }
0x36: {  	p1 =	seq.s32 s23, $0x1  }
0x37: {  	s24 =	simm.s32 @!p1 $0x1  }
0x38: {  	_ =	swait.ge @!p1 [sflag:s24], $0x4000  }
0x39: {  	[sflag:s24] =	ssyncset.done @!p1 $0x0  }
0x3a: {  	s25 =	simm.s32 @!p1 $0x1000;
	[sflag:s24] =	ssyncadd.s32 @!p1 $0xFFFFC000;
	s24 =	simm.s32 @!p1 $0x80  }
0x3b: {  	[spmem:s2] =	stream.indirect.scatter.add.f32 @!p1 [tilespmem:s25], [sflag:$0x3], $0x80, s21, s24, $0xb8;
	[tilespmem:$0x1D000] =	vst v63  }
0x3c: {  	s24 =	simm.s32 @!p1 $0x3  }
0x3d: {  	p2 =	sgt.u32 @!p1 s19, $0xD;
	_ =	swait.ge @!p1 [sflag:s24], $0x4000  }
0x3e: {  	p2 =	por p2, p1;
	[sflag:s24] =	ssyncset.done @!p1 $0x0  }
0x3f: {  	s25 =	simm.s32 @!p2 $0x1000;
	[sflag:s24] =	ssyncadd.s32 @!p1 $0xFFFFC000;
	s24 =	simm.s32 @!p2 $0x80  }
0x40: {  	[tilespmem:s25], [sflag:$0x1] =	stream.indirect.gather @!p2 [hbm4b:s4+s24], $0x80, s22, s24, $0xb8;
	[tilespmem:$0x1D000] =	vst v63  }
0x41: {  	p2 =	seq.s32 @!p1 s23, $0x0  }
0x42: {  	p1 =	por p1, !p2  }
.Ltmp7:
0x43: {  	_ = 	snop;
	(pc) =	sbr.rel @!p1 .LBB2_10-.Ltmp7, $1  }
0x44: {  	_ =	sdelay $0x3  }
0x45: {  	_ =	swait.ge [sflag:s18], $0x4000  }
0x46: {  	[sflag:s18] =	ssyncset.done $0x0  }
0x47: {  	[sflag:s18] =	ssyncadd.s32 $0xFFFFC000  }
0x48: {  	[spmem:s2] =	stream.indirect.scatter.add.f32 [tilespmem:s17], [sflag:$0x3], $0x80, s21, s15, $0xb8;
	[tilespmem:$0x1D000] =	vst v63  }
.Ltmp8:
0x49: {  	_ = 	snop;
	(pc) =	sbr.rel .LBB2_10-.Ltmp8, $4  }
0x4a: {  	_ =	swait.ge [sflag:s14], $0x4000  }
0x4b: {  	p1 =	sgt.u32 s19, $0xD;
	[sflag:s14] =	ssyncset.done $0x0  }
0x4c: {  	s23 =	simm.s32 @!p1 $0x80;
	s24 =	simm.s32 @!p1 $0x5000;
	[sflag:s14] =	ssyncadd.s32 $0xFFFFC000  }
0x4d: {  	[tilespmem:s24], [sflag:$0x2] =	stream.indirect.gather @!p1 [hbm4b:s4+s23], $0x80, s22, s23, $0xb8;
	[tilespmem:$0x1D000] =	vst v63  }
.LBB2_6:
0x4e: {  	s19 =	sadd.s32 $0x1, s19  }
0x4f: {  	p1 =	seq.s32 s19, $0xF  }
.Ltmp9:
0x50: {  	_ = 	snop;
	(pc) =	sbr.rel @p1 .LBB2_12-.Ltmp9, $1  }
0x51: {  	_ =	sdelay $0x3  }
.LBB2_2:
0x52: {  	s20 =	sadd.s32 s9, s19  }
0x53: {  	s21 =	sshll.u32 s20, $0x8  }
0x54: {  	s20 =	simm.s32 $0x0;
	s22 =	sadd.s32 s5, s21  }
0x55: {  	[tilespmem:s20], [sflag:$0x3] =	stream.linear.gather [hbm4b:s22+s20], $0x800, $0x38;
	[tilespmem:$0x1D000] =	vst v63  }
0x56: {  	_ =	swait.ge [sflag:s14], $0x800  }
0x57: {  	[sflag:s14] =	ssyncset.done $0x0  }
0x58: {  	s31 =	sadd.s32 s6, s21;
	s21 =	simm.s32 $0x800;
	[sflag:s14] =	ssyncadd.s32 $0xFFFFF800  }
0x59: {  	[tilespmem:s21], [sflag:$0x3] =	stream.linear.gather [hbm4b:s31+s20], $0x800, $0x38;
	[tilespmem:$0x1D000] =	vst v63  }
0x5a: {  	_ =	swait.ge [sflag:s14], $0x800  }
.Ltmp10:
0x5b: {  	[sflag:s14] =	ssyncset.done $0x0;
	(pc) =	sbr.rel .LBB2_3-.Ltmp10, $4  }
0x5c: {  	[sflag:s14] =	ssyncadd.s32 $0xFFFFF800  }
0x5d: {  	[tilespmem:s16], [sflag:$0x1] =	stream.indirect.gather [hbm4b:s4+s15], $0x80, s20, s15, $0xb8;
	[tilespmem:$0x1D000] =	vst v63  }
0x5e: {  	s22 =	simm.s32 $0x100  }
0x5f: {  	[tilespmem:s17], [sflag:$0x2] =	stream.indirect.gather [hbm4b:s4+s15], $0x80, s15, s15, $0xb8;
	[tilespmem:$0x1D000] =	vst v63  }
.LBB2_5:
0x60: {  	s20 =	sadd.s32 $0x1, s20  }
0x61: {  	p1 =	sne.s32 s20, $0x10  }
.Ltmp11:
0x62: {  	_ = 	snop;
	(pc) =	sbr.rel @!p1 .LBB2_6-.Ltmp11, $2  }
0x63: {  	_ =	sdelay $0x2  }
0x64: {  	s21 =	sadd.s32 $0x80, s21;
	s22 =	sadd.s32 $0x80, s22  }
.LBB2_3:
0x65: {  	s23 =	sand.u32 $0x1, s20  }
0x66: {  	p1 =	seq.s32 s23, $0x1  }
0x67: {  	s24 =	simm.s32 @!p1 $0x1  }
0x68: {  	_ =	swait.ge @!p1 [sflag:s24], $0x4000  }
0x69: {  	[sflag:s24] =	ssyncset.done @!p1 $0x0  }
0x6a: {  	s25 =	simm.s32 @!p1 $0x1000;
	[sflag:s24] =	ssyncadd.s32 @!p1 $0xFFFFC000;
	s24 =	simm.s32 @!p1 $0x80  }
0x6b: {  	[spmem:s2] =	stream.indirect.scatter.add.f32 @!p1 [tilespmem:s25], [sflag:$0x3], $0x80, s21, s24, $0xb8;
	[tilespmem:$0x1D000] =	vst v63  }
0x6c: {  	s24 =	simm.s32 @!p1 $0x3  }
0x6d: {  	p2 =	sgt.u32 @!p1 s20, $0xD;
	_ =	swait.ge @!p1 [sflag:s24], $0x4000  }
0x6e: {  	p2 =	por p2, p1;
	[sflag:s24] =	ssyncset.done @!p1 $0x0  }
0x6f: {  	s25 =	simm.s32 @!p2 $0x1000;
	[sflag:s24] =	ssyncadd.s32 @!p1 $0xFFFFC000;
	s24 =	simm.s32 @!p2 $0x80  }
0x70: {  	[tilespmem:s25], [sflag:$0x1] =	stream.indirect.gather @!p2 [hbm4b:s4+s24], $0x80, s22, s24, $0xb8;
	[tilespmem:$0x1D000] =	vst v63  }
0x71: {  	p2 =	seq.s32 @!p1 s23, $0x0  }
0x72: {  	p1 =	por p1, !p2  }
.Ltmp12:
0x73: {  	_ = 	snop;
	(pc) =	sbr.rel @!p1 .LBB2_5-.Ltmp12, $1  }
0x74: {  	_ =	sdelay $0x3  }
0x75: {  	_ =	swait.ge [sflag:s18], $0x4000  }
0x76: {  	[sflag:s18] =	ssyncset.done $0x0  }
0x77: {  	[sflag:s18] =	ssyncadd.s32 $0xFFFFC000  }
0x78: {  	[spmem:s2] =	stream.indirect.scatter.add.f32 [tilespmem:s17], [sflag:$0x3], $0x80, s21, s15, $0xb8;
	[tilespmem:$0x1D000] =	vst v63  }
.Ltmp13:
0x79: {  	_ = 	snop;
	(pc) =	sbr.rel .LBB2_5-.Ltmp13, $4  }
0x7a: {  	_ =	swait.ge [sflag:s14], $0x4000  }
0x7b: {  	p1 =	sgt.u32 s20, $0xD;
	[sflag:s14] =	ssyncset.done $0x0  }
0x7c: {  	s23 =	simm.s32 @!p1 $0x80;
	s24 =	simm.s32 @!p1 $0x5000;
	[sflag:s14] =	ssyncadd.s32 $0xFFFFC000  }
0x7d: {  	[tilespmem:s24], [sflag:$0x2] =	stream.indirect.gather @!p1 [hbm4b:s4+s23], $0x80, s22, s23, $0xb8;
	[tilespmem:$0x1D000] =	vst v63  }
.LBB2_13:
0x7e: {  	_ =	sfence.sel $0x180000  }
0x7f: {  	[bflag:$0x0] =	sbarrier.arrive $0xFFFF  }
0x80: {  	p0 =	sne.s32 s1, $0x0;
	_ =	strace $0x90000053  }
0x81: {  	s0 =	sadd.s32 @!p0 $0x100000, s0;
	[bflag:$0x2] =	sbarrier.arrive $0xFFFF  }
0x82: {  	[sflag:s0] =	ssyncadd.tile.s32 @!p0 $0x1;
	_ =	shalt  }
.Lfunc_end2:
_tile_overlayer_lowered:
.L_overlay_start_2:
0x83: {  	(tag) =	ssettag $0x2  }
0x84: {  	s0 =	rddreg [dreg:$0x0];
	s2 =	stileid.u32  }
0x85: {  	s1 =	rddreg [dreg:$0x1];
	p0 =	sne.s32 s2, $0x0  }
0x86: {  	s3 =	rddreg [dreg:$0x2];
	[bflag:$0x3] =	sbarrier.arrive $0xFFFF;
	s2 =	simm.s32 @!p0 $0x1C03  }
0x87: {  	[timem:s3], [sflag:s2] =	dma.local @!p0 [hbm:s0], s1  }
0x88: {  	s0 =	simm.s32 @!p0 $0x3  }
0x89: {  	_ =	swait.ge @!p0 [sflag:s0], s1  }
0x8a: {  	s1 =	ssub.s32 @!p0 $0x0, s1;
	[sflag:s0] =	ssyncset.done @!p0 $0x0  }
0x8b: {  	[sflag:s0] =	ssyncadd.s32 @!p0 s1  }
0x8c: {  	[bflag:$0x3] =	sbarrier.arrive $0xFFFF  }
0x8d: {  	_ =	shalt  }

// kernel: kernel.30.cloned.1.call-start
scs
__scs_entry_jumppad:
0x0: {  	(pc) =	sbr.rel $0x88, $3  }
0x1: {  	(tag) =	ssettag $0x0;
	lr =	simm.s32 $0x1  }
0x2: {  	[smem:$0x3F95] =	sst lr;
	_ =	strace $0xD0000000  }
0x3: {  	_ = 	snop  }
0x4: {  	_ = 	snop  }
0x5: {  	_ = 	snop  }
0x6: {  	_ = 	snop  }
0x7: {  	_ = 	snop  }
__scs_overlays_trampoline_lowered:
0x8: {  	[smem:$0x3FA4] =	sst s0  }
0x9: {  	[smem:$0x3FA5] =	sst s1  }
0xa: {  	[smem:$0x3FA6] =	sst s2  }
0xb: {  	[smem:$0x3FA7] =	sst s3  }
0xc: {  	[smem:$0x3FA8] =	sst s4  }
0xd: {  	[smem:$0x3FA9] =	sst s5  }
0xe: {  	[smem:$0x3FAA] =	sst s6  }
0xf: {  	[smem:$0x3FAB] =	sst s7  }
0x10: {  	[smem:$0x3FAC] =	sst s8  }
0x11: {  	[smem:$0x3FAD] =	sst s9;
	s0 =	simm.s32 @!p0 $0x0  }
0x12: {  	s1 =	sld [smem:$0x3F93];
	s0 =	simm.s32 @p0 $0x1  }
0x13: {  	[smem:$0x3FAE] =	sst s0;
	s0 =	simm.s32 @!p1 $0x0  }
0x14: {  	s2 =	sld [smem:$0x3F92];
	s0 =	simm.s32 @p1 $0x1  }
0x15: {  	[smem:$0x3FAF] =	sst s0;
	s0 =	simm.s32 @!p2 $0x0  }
0x16: {  	s3 =	sld [smem:$0x3FDB];
	s0 =	simm.s32 @p2 $0x1  }
0x17: {  	s4 =	simm.s32 $0x1BF5;
	[smem:$0x3FB1] =	sst s0  }
0x18: {  	s0 =	sld [smem:$0x3F94];
	_ =	swait.ge [sflag:s4], $0x0  }
0x19: {  	s7 =	sld [smem:$0x3F95]  }
0x1a: {  	s8 =	sadd.s32 $0xFFFFE003, lr  }
0x1b: {  	s9 =	sadd.s32 $0xFFFFFEF7, lr;
	s5 =	simm.s32 $0xFFFFFFFF;
	p2 =	slt.u32 s8, $0xFFFFF086  }
0x1c: {  	p1 =	slt.u32 s9, $0xF7A;
	s5 =	simm.s32 @!p2 $0x0  }
0x1d: {  	s5 =	simm.s32 @p1 $0x1;
	p0 =	seq.s32 s7, s2  }
0x1e: {  	s7 =	smul.u32 @!p0 $0xF7A, s2;
	p2 =	seq.s32 @!p0 s5, $0x0  }
0x1f: {  	s9 =	smul.u32 $0xF7A, s1;
	s8 =	simm.s32 @!p0 $0x1BF5;
	p2 =	por !p2, p0  }
0x20: {  	[sflag:s8] =	ssyncset.s32 @!p0 $0xFFFFF086;
	s6 =	sadd.s32 @!p0 s3, s7;
	s7 =	simm.s32 @!p0 $0x108  }
0x21: {  	s3 =	sadd.s32 s3, s9;
	s6 =	sadd.s32 @!p0 $0x88, s6;
	s7 =	simm.s32 @p2 $0x1082  }
0x22: {  	[simem:s7], [sflag:s8] =	dma.local @!p0 [hbm:s6], $0xF7A  }
0x23: {  	s9 =	sor.u32 $0xD0000000, s2;
	s6 =	simm.s32 $0x108;
	_ =	swait.ge @!p0 [sflag:s8], $0x0  }
0x24: {  	s3 =	sadd.s32 $0x88, s3;
	s6 =	simm.s32 @!p1 $0x1082;
	[sflag:s4] =	ssyncset.s32 $0xFFFFF086  }
0x25: {  	[simem:s6], [sflag:s4] =	dma.local [hbm:s3], $0xF7A  }
0x26: {  	[smem:$0x3F95] =	sst s1;
	(tag) =	ssettag s2;
	_ =	strace s9  }
0x27: {  	s1 =	sld [smem:$0x3FA5]  }
0x28: {  	s2 =	sld [smem:$0x3FA6]  }
0x29: {  	s4 =	sld [smem:$0x3FA8]  }
0x2a: {  	p0 =	seq.s32 s5, $0x0;
	s5 =	sld [smem:$0x3FA9]  }
0x2b: {  	s6 =	sld [smem:$0x3FAA]  }
0x2c: {  	s7 =	sld [smem:$0x3FAB]  }
0x2d: {  	s3 =	simm.s32 $0x108;
	s8 =	sld [smem:$0x3FAC]  }
0x2e: {  	s3 =	simm.s32 @!p0 $0x1082;
	s9 =	sld [smem:$0x3FAD]  }
0x2f: {  	lr =	sadd.s32 s0, s3;
	s0 =	sld [smem:$0x3FA4]  }
0x30: {  	s3 =	sld [smem:$0x3FA7]  }
0x31: {  	[smem:$0x3FB0] =	sst s10  }
0x32: {  	s10 =	sld [smem:$0x3FAE];
	_ =	sdelay $0x3  }
0x33: {  	p0 =	seq.s32 s10, $0x1;
	s10 =	sld [smem:$0x3FB0];
	_ =	sdelay $0x3  }
0x34: {  	[smem:$0x3FB0] =	sst s10  }
0x35: {  	s10 =	sld [smem:$0x3FAF];
	_ =	sdelay $0x3  }
0x36: {  	p1 =	seq.s32 s10, $0x1;
	s10 =	sld [smem:$0x3FB0];
	_ =	sdelay $0x3  }
0x37: {  	[smem:$0x3FB0] =	sst s10  }
0x38: {  	s10 =	sld [smem:$0x3FB1]  }
0x39: {  	_ = 	snop;
	(pc) =	sbr.ind lr, $3  }
0x3a: {  	_ = 	snop  }
0x3b: {  	_ = 	snop  }
0x3c: {  	p2 =	seq.s32 s10, $0x1;
	s10 =	sld [smem:$0x3FB0]  }
0x3d: {  	_ =	shalt  }
0x3e: {  	_ =	shalt  }
0x3f: {  	_ =	shalt  }
0x40: {  	_ =	shalt  }
0x41: {  	_ =	shalt  }
0x42: {  	_ =	shalt  }
0x43: {  	_ =	shalt  }
0x44: {  	_ =	shalt  }
0x45: {  	_ =	shalt  }
0x46: {  	_ =	shalt  }
0x47: {  	_ =	shalt  }
0x48: {  	_ =	shalt  }
0x49: {  	_ =	shalt  }
0x4a: {  	_ =	shalt  }
0x4b: {  	_ =	shalt  }
0x4c: {  	_ =	shalt  }
0x4d: {  	_ =	shalt  }
0x4e: {  	_ =	shalt  }
0x4f: {  	_ =	shalt  }
0x50: {  	_ =	shalt  }
0x51: {  	_ =	shalt  }
0x52: {  	_ =	shalt  }
0x53: {  	_ =	shalt  }
0x54: {  	_ =	shalt  }
0x55: {  	_ =	shalt  }
0x56: {  	_ =	shalt  }
0x57: {  	_ =	shalt  }
0x58: {  	_ =	shalt  }
0x59: {  	_ =	shalt  }
0x5a: {  	_ =	shalt  }
0x5b: {  	_ =	shalt  }
0x5c: {  	_ =	shalt  }
0x5d: {  	_ =	shalt  }
0x5e: {  	_ =	shalt  }
0x5f: {  	_ =	shalt  }
0x60: {  	_ =	shalt  }
0x61: {  	_ =	shalt  }
0x62: {  	_ =	shalt  }
0x63: {  	_ =	shalt  }
0x64: {  	_ =	shalt  }
0x65: {  	_ =	shalt  }
0x66: {  	_ =	shalt  }
0x67: {  	_ =	shalt  }
0x68: {  	_ =	shalt  }
0x69: {  	_ =	shalt  }
0x6a: {  	_ =	shalt  }
0x6b: {  	_ =	shalt  }
0x6c: {  	_ =	shalt  }
0x6d: {  	_ =	shalt  }
0x6e: {  	_ =	shalt  }
0x6f: {  	_ =	shalt  }
0x70: {  	_ =	shalt  }
0x71: {  	_ =	shalt  }
0x72: {  	_ =	shalt  }
0x73: {  	_ =	shalt  }
0x74: {  	_ =	shalt  }
0x75: {  	_ =	shalt  }
0x76: {  	_ =	shalt  }
0x77: {  	_ =	shalt  }
0x78: {  	_ =	shalt  }
0x79: {  	_ =	shalt  }
0x7a: {  	_ =	shalt  }
0x7b: {  	_ =	shalt  }
0x7c: {  	_ =	shalt  }
0x7d: {  	_ =	shalt  }
0x7e: {  	_ =	shalt  }
0x7f: {  	_ =	shalt  }
0x80: {  	_ =	shalt  }
0x81: {  	_ =	shalt  }
0x82: {  	_ =	shalt  }
0x83: {  	_ =	shalt  }
0x84: {  	_ =	shalt  }
0x85: {  	_ =	shalt  }
0x86: {  	_ =	shalt  }
0x87: {  	_ =	shalt  }
.Lfunc_end0:
.L_simem_size_0:
called_computation.5_lowered:
.L_overlay_start_0:
0x88: {  	s2 =	sld [smem:$0x3FD9]  }
0x89: {  	s3 =	sld [smem:$0x3FFE];
	_ =	sdelay $0x1  }
0x8a: {  	s1 =	srdreg.scid  }
0x8b: {  	s0 =	sand.u32 $0x1, s1  }
0x8c: {  	s16 =	sshll.u32 s0, $0xA;
	s2 =	sadd.s32 s3, s2  }
0x8d: {  	s2 =	sadd.s32 s2, s16  }
0x8e: {  	[smem:$0x3FBC] =	sst s2  }
0x8f: {  	_ = 	snop  }
0x90: {  	(tm) =	ssettm $0x1  }
0x91: {  	s17 =	sld [smem:$0x3FFB];
	_ =	sdelay $0x3  }
0x92: {  	_ =	strace s17  }
0x93: {  	s2 =	sld [smem:$0x3FFC];
	_ =	sdelay $0x3  }
0x94: {  	_ =	strace s2  }
0x95: {  	s2 =	sld [smem:$0x3FFD];
	_ =	sdelay $0x3  }
0x96: {  	_ =	strace s2  }
0x97: {  	_ =	strace $0x8FFFFFFF  }
0x98: {  	s18 =	sld [smem:$0x3FDB];
	_ =	sdelay $0x1  }
0x99: {  	s19 =	simm.s32 $_scs_section_size  }
0x9a: {  	s4 =	simm.s32 $_size__tile_overlayer_lowered;
	s5 =	simm.s32 $_tile_overlayer_lowered  }
0x9b: {  	s22 =	simm.s32 $0x1BFF;
	s21 =	sshll.u32 s5, $0x1;
	s2 =	sadd.s32 s19, s18  }
0x9c: {  	s6 =	simm.s32 $0x0;
	s20 =	sshll.u32 s4, $0x1;
	s4 =	sadd.s32 s21, s2  }
0x9d: {  	[timem:s6], [sflag:s22] =	dma.local [hbm:s4], s20  }
0x9e: {  	_ =	swait.ge [sflag:s22], s20  }
0x9f: {  	s3 =	ssub.s32 $0x0, s20;
	[sflag:s22] =	ssyncset.done $0x0  }
0xa0: {  	[sflag:s22] =	ssyncadd.s32 s3;
	_ =	sdelay $0x1  }
0xa1: {  	s23 =	simm.s32 $0x1B8B  }
0xa2: {  	_ =	swait.ge [sflag:s23], $0x1  }
0xa3: {  	[sflag:s23] =	ssyncset.done $0x0  }
0xa4: {  	s25 =	simm.s32 $0x1B8E;
	s24 =	sld [smem:$0x3FFE];
	[sflag:s23] =	ssyncadd.s32 $0xFFFFFFFF  }
0xa5: {  	s26 =	simm.s32 $execute0_lowered;
	[smem:$0x3FD2] =	sst s25  }
0xa6: {  	s4 =	sshll.u32 s26, $0x1;
	_ =	strace $0x80000055;
	[dreg:$0x1] =	wrdreg $0xFFFFFFFF  }
0xa7: {  	s28 =	simm.s32 $_size_execute0_lowered;
	s2 =	sadd.s32 s2, s4;
	[dreg:$0x0] =	wrdreg $0x0  }
0xa8: {  	s4 =	sshll.u32 s28, $0x1;
	[dreg:$0x2] =	wrdreg s2  }
0xa9: {  	[dreg:$0x3] =	wrdreg s4  }
0xaa: {  	[dreg:$0x4] =	wrdreg $0xC0  }
0xab: {  	_ =	task [dreg:s6], $0x5FFFF  }
0xac: {  	[dreg:$0x1] =	wrdreg $0xFFFFFFFF  }
0xad: {  	[dreg:$0x0] =	wrdreg $0x60  }
0xae: {  	[dreg:$0x2] =	wrdreg s24  }
0xaf: {  	[dreg:$0x3] =	wrdreg $0x90000  }
0xb0: {  	[dreg:$0x4] =	wrdreg $0x9  }
0xb1: {  	_ =	task.clear_ibuf [dreg:s6], $0x5FFFF;
	_ =	strace $0x90000055  }
0xb2: {  	s29 =	simm.s32 $0x9;
	_ =	strace $0x80000057  }
0xb3: {  	_ =	swait.ge [sflag:s29], $0x1  }
0xb4: {  	[sflag:s29] =	ssyncadd.s32 $0xFFFFFFFF  }
0xb5: {  	_ =	strace $0x90000057  }
0xb6: {  	_ =	sfence  }
0xb7: {  	s30 =	sld [smem:$0x0];
	_ =	sdelay $0x2  }
0xb8: {  	s31 =	sshll.u32 s1, $0xD;
	s1 =	sshrl.u32 s1, $0x2  }
0xb9: {  	s3 =	sand.u32 $0x4000, s31;
	s1 =	sadd.s32 s1, s30  }
0xba: {  	s0 =	sor.u32 s3, s0;
	s1 =	sshll.u32 s1, $0x11  }
0xbb: {  	s0 =	sor.u32 s1, s0  }
0xbc: {  	s0 =	sadd.s32 $0x8F2B, s0  }
0xbd: {  	[sflag:s0] =	ssyncadd.remote.s32 $0x1  }
0xbe: {  	_ =	sfence.sel $0xFFFF  }
0xbf: {  	[dreg:$0x0] =	wrdreg $0xFFFFFFFF;
	(pc) =	sbr.abs _section_cstart, $3  }
0xc0: {  	[dreg:$0x1] =	wrdreg $0xFFFFFFFF  }
0xc1: {  	_ =	task.clear_ibuf [dreg:s6], $0x2FFFF;
	_ =	strace $0x9FFFFFFF  }
0xc2: {  	(tm) =	ssettm $0x7FFFFFFF  }
0xc3: {  	_ =	shalt  }
tec
execute0_lowered:
.L_overlay_start_1:
0x0: {  	(tag) =	ssettag $0x1  }
0x1: {  	s7 =	rddreg [dreg:$0x0]  }
0x2: {  	s2 =	rddreg [dreg:$0x1]  }
0x3: {  	s0 =	rddreg [dreg:$0x2];
	s3 =	simm.s32 $0x0;
	s1 =	stileid.u32  }
0x4: {  	s4 =	srdreg.scid;
	s16 =	simm.s32 $0x1000;
	s17 =	simm.s32 $0x5000  }
0x5: {  	s18 =	simm.s32 $0x2;
	[smem:$0x7FF] =	sst s3;
	s8 =	smul.u32 $0x14000, s1  }
0x6: {  	s9 =	sand.u32 $0x1, s4;
	s4 =	sadd.s32 $0x40E00, s7;
	s12 =	smul.u32 $0x50000, s1  }
0x7: {  	s5 =	sadd.s32 $0x91600, s7;
	s6 =	sadd.s32 $0x4E00, s7;
	s31 =	smul.u32 $0x5, s1  }
0x8: {  	s30 =	sshll.u32 s1, $0x6;
	_ =	strace $0x80000056;
	s10 =	smul.u32 $0x140000, s9  }
0x9: {  	s29 =	ssub.s32 $0x2, s9;
	p0 =	seq.s32 s9, $0x1;
	s9 =	smul.u32 $0xF, s1  }
0xa: {  	s11 =	sshrl.u32 s8, $0x3;
	s13 =	sshrl.u32 s29, $0x1;
	s12 =	sshrl.u32 s12, $0x2  }
.Ltmp0:
0xb: {  	s11 =	sadd.s32 s11, s7;
	s8 =	sadd.s32 s8, s10;
	(pc) =	sbr.rel .LBB2_1-.Ltmp0, $4  }
0xc: {  	s13 =	ssub.s32 s29, s13;
	s15 =	sadd.s32 s12, s2;
	s10 =	sadd.s32 $0xF0, s31  }
0xd: {  	s8 =	sshrl.u32 s8, $0x3;
	s12 =	smax.u32 s13, $0x1;
	s13 =	sshrl.u32 s15, $0x3  }
0xe: {  	s15 =	simm.s32 $0x80;
	s14 =	sadd.s32 s8, s7;
	s7 =	sadd.s32 $0x18E00, s11  }
0xf: {  	s8 =	sor.u32 $0x1C03, s30;
	s11 =	sadd.s32 $0xCD600, s14;
	s14 =	simm.s32 $0x3  }
.LBB2_12:
0x10: {  	s3 =	sadd.s32 $0x1, s3  }
0x11: {  	p1 =	sne.s32 s3, s12  }
.Ltmp1:
0x12: {  	[bflag:$0x0] =	sbarrier.arrive $0xFFFF;
	(pc) =	sbr.rel @!p1 .LBB2_13-.Ltmp1, $4  }
0x13: {  	[hbm:s11], [sflag:s8] =	dma.local [spmem:s13], $0x2800  }
0x14: {  	_ =	swait.ge [sflag:s14], $0x2800  }
0x15: {  	[sflag:s14] =	ssyncset.done $0x0  }
0x16: {  	[sflag:s14] =	ssyncadd.s32 $0xFFFFD800  }
.LBB2_1:
0x17: {  	[spmem:s13], [sflag:s8] =	dma.local [hbm:s7], $0x2800  }
.Ltmp2:
0x18: {  	_ =	swait.ge [sflag:s14], $0x2800;
	(pc) =	sbr.rel @p0 .LBB2_7-.Ltmp2, $4  }
.Ltmp3:
0x19: {  	[sflag:s14] =	ssyncset.done $0x0;
	(pc) =	sbr.rel @!p0 .LBB2_2-.Ltmp3, $4  }
0x1a: {  	[sflag:s14] =	ssyncadd.s32 $0xFFFFD800  }
0x1b: {  	[bflag:$0x0] =	sbarrier.arrive $0xFFFF  }
0x1c: {  	s19 =	simm.s32 $0x0;
	s20 =	simm.s32 $0x0  }
0x1d: {  	_ = 	snop  }
.LBB2_11:
0x1e: {  	s20 =	sadd.s32 $0x1, s20  }
0x1f: {  	p1 =	sne.s32 s20, $0x5  }
.Ltmp4:
0x20: {  	_ = 	snop;
	(pc) =	sbr.rel @!p1 .LBB2_12-.Ltmp4, $1  }
0x21: {  	_ =	sdelay $0x3  }
.LBB2_7:
0x22: {  	s19 =	sadd.s32 s20, s10  }
0x23: {  	s21 =	sshll.u32 s19, $0x8  }
0x24: {  	s19 =	simm.s32 $0x0;
	s22 =	sadd.s32 s5, s21  }
0x25: {  	[tilespmem:s19], [sflag:$0x3] =	stream.linear.gather [hbm4b:s22+s19], $0x800, $0x38;
	[tilespmem:$0x1D000] =	vst v63  }
0x26: {  	_ =	swait.ge [sflag:s14], $0x800  }
0x27: {  	[sflag:s14] =	ssyncset.done $0x0  }
0x28: {  	s31 =	sadd.s32 s6, s21;
	s21 =	simm.s32 $0x800;
	[sflag:s14] =	ssyncadd.s32 $0xFFFFF800  }
0x29: {  	[tilespmem:s21], [sflag:$0x3] =	stream.linear.gather [hbm4b:s31+s19], $0x800, $0x38;
	[tilespmem:$0x1D000] =	vst v63  }
0x2a: {  	_ =	swait.ge [sflag:s14], $0x800  }
.Ltmp5:
0x2b: {  	[sflag:s14] =	ssyncset.done $0x0;
	(pc) =	sbr.rel .LBB2_8-.Ltmp5, $4  }
0x2c: {  	[sflag:s14] =	ssyncadd.s32 $0xFFFFF800  }
0x2d: {  	[tilespmem:s16], [sflag:$0x1] =	stream.indirect.gather [hbm4b:s4+s15], $0x80, s19, s15, $0xb8;
	[tilespmem:$0x1D000] =	vst v63  }
0x2e: {  	s22 =	simm.s32 $0x100  }
0x2f: {  	[tilespmem:s17], [sflag:$0x2] =	stream.indirect.gather [hbm4b:s4+s15], $0x80, s15, s15, $0xb8;
	[tilespmem:$0x1D000] =	vst v63  }
.LBB2_10:
0x30: {  	s19 =	sadd.s32 $0x1, s19  }
0x31: {  	p1 =	sne.s32 s19, $0x10  }
.Ltmp6:
0x32: {  	_ = 	snop;
	(pc) =	sbr.rel @!p1 .LBB2_11-.Ltmp6, $2  }
0x33: {  	_ =	sdelay $0x2  }
0x34: {  	s21 =	sadd.s32 $0x80, s21;
	s22 =	sadd.s32 $0x80, s22  }
.LBB2_8:
0x35: {  	s23 =	sand.u32 $0x1, s19  }
0x36: {  	p1 =	seq.s32 s23, $0x1  }
0x37: {  	s24 =	simm.s32 @!p1 $0x1  }
0x38: {  	_ =	swait.ge @!p1 [sflag:s24], $0x4000  }
0x39: {  	[sflag:s24] =	ssyncset.done @!p1 $0x0  }
0x3a: {  	s25 =	simm.s32 @!p1 $0x1000;
	[sflag:s24] =	ssyncadd.s32 @!p1 $0xFFFFC000;
	s24 =	simm.s32 @!p1 $0x80  }
0x3b: {  	[spmem:s2] =	stream.indirect.scatter.add.f32 @!p1 [tilespmem:s25], [sflag:$0x3], $0x80, s21, s24, $0xb8;
	[tilespmem:$0x1D000] =	vst v63  }
0x3c: {  	s24 =	simm.s32 @!p1 $0x3  }
0x3d: {  	p2 =	sgt.u32 @!p1 s19, $0xD;
	_ =	swait.ge @!p1 [sflag:s24], $0x4000  }
0x3e: {  	p2 =	por p2, p1;
	[sflag:s24] =	ssyncset.done @!p1 $0x0  }
0x3f: {  	s25 =	simm.s32 @!p2 $0x1000;
	[sflag:s24] =	ssyncadd.s32 @!p1 $0xFFFFC000;
	s24 =	simm.s32 @!p2 $0x80  }
0x40: {  	[tilespmem:s25], [sflag:$0x1] =	stream.indirect.gather @!p2 [hbm4b:s4+s24], $0x80, s22, s24, $0xb8;
	[tilespmem:$0x1D000] =	vst v63  }
0x41: {  	p2 =	seq.s32 @!p1 s23, $0x0  }
0x42: {  	p1 =	por p1, !p2  }
.Ltmp7:
0x43: {  	_ = 	snop;
	(pc) =	sbr.rel @!p1 .LBB2_10-.Ltmp7, $1  }
0x44: {  	_ =	sdelay $0x3  }
0x45: {  	_ =	swait.ge [sflag:s18], $0x4000  }
0x46: {  	[sflag:s18] =	ssyncset.done $0x0  }
0x47: {  	[sflag:s18] =	ssyncadd.s32 $0xFFFFC000  }
0x48: {  	[spmem:s2] =	stream.indirect.scatter.add.f32 [tilespmem:s17], [sflag:$0x3], $0x80, s21, s15, $0xb8;
	[tilespmem:$0x1D000] =	vst v63  }
.Ltmp8:
0x49: {  	_ = 	snop;
	(pc) =	sbr.rel .LBB2_10-.Ltmp8, $4  }
0x4a: {  	_ =	swait.ge [sflag:s14], $0x4000  }
0x4b: {  	p1 =	sgt.u32 s19, $0xD;
	[sflag:s14] =	ssyncset.done $0x0  }
0x4c: {  	s23 =	simm.s32 @!p1 $0x80;
	s24 =	simm.s32 @!p1 $0x5000;
	[sflag:s14] =	ssyncadd.s32 $0xFFFFC000  }
0x4d: {  	[tilespmem:s24], [sflag:$0x2] =	stream.indirect.gather @!p1 [hbm4b:s4+s23], $0x80, s22, s23, $0xb8;
	[tilespmem:$0x1D000] =	vst v63  }
.LBB2_6:
0x4e: {  	s19 =	sadd.s32 $0x1, s19  }
0x4f: {  	p1 =	seq.s32 s19, $0xF  }
.Ltmp9:
0x50: {  	_ = 	snop;
	(pc) =	sbr.rel @p1 .LBB2_12-.Ltmp9, $1  }
0x51: {  	_ =	sdelay $0x3  }
.LBB2_2:
0x52: {  	s20 =	sadd.s32 s9, s19  }
0x53: {  	s21 =	sshll.u32 s20, $0x8  }
0x54: {  	s20 =	simm.s32 $0x0;
	s22 =	sadd.s32 s5, s21  }
0x55: {  	[tilespmem:s20], [sflag:$0x3] =	stream.linear.gather [hbm4b:s22+s20], $0x800, $0x38;
	[tilespmem:$0x1D000] =	vst v63  }
0x56: {  	_ =	swait.ge [sflag:s14], $0x800  }
0x57: {  	[sflag:s14] =	ssyncset.done $0x0  }
0x58: {  	s31 =	sadd.s32 s6, s21;
	s21 =	simm.s32 $0x800;
	[sflag:s14] =	ssyncadd.s32 $0xFFFFF800  }
0x59: {  	[tilespmem:s21], [sflag:$0x3] =	stream.linear.gather [hbm4b:s31+s20], $0x800, $0x38;
	[tilespmem:$0x1D000] =	vst v63  }
0x5a: {  	_ =	swait.ge [sflag:s14], $0x800  }
.Ltmp10:
0x5b: {  	[sflag:s14] =	ssyncset.done $0x0;
	(pc) =	sbr.rel .LBB2_3-.Ltmp10, $4  }
0x5c: {  	[sflag:s14] =	ssyncadd.s32 $0xFFFFF800  }
0x5d: {  	[tilespmem:s16], [sflag:$0x1] =	stream.indirect.gather [hbm4b:s4+s15], $0x80, s20, s15, $0xb8;
	[tilespmem:$0x1D000] =	vst v63  }
0x5e: {  	s22 =	simm.s32 $0x100  }
0x5f: {  	[tilespmem:s17], [sflag:$0x2] =	stream.indirect.gather [hbm4b:s4+s15], $0x80, s15, s15, $0xb8;
	[tilespmem:$0x1D000] =	vst v63  }
.LBB2_5:
0x60: {  	s20 =	sadd.s32 $0x1, s20  }
0x61: {  	p1 =	sne.s32 s20, $0x10  }
.Ltmp11:
0x62: {  	_ = 	snop;
	(pc) =	sbr.rel @!p1 .LBB2_6-.Ltmp11, $2  }
0x63: {  	_ =	sdelay $0x2  }
0x64: {  	s21 =	sadd.s32 $0x80, s21;
	s22 =	sadd.s32 $0x80, s22  }
.LBB2_3:
0x65: {  	s23 =	sand.u32 $0x1, s20  }
0x66: {  	p1 =	seq.s32 s23, $0x1  }
0x67: {  	s24 =	simm.s32 @!p1 $0x1  }
0x68: {  	_ =	swait.ge @!p1 [sflag:s24], $0x4000  }
0x69: {  	[sflag:s24] =	ssyncset.done @!p1 $0x0  }
0x6a: {  	s25 =	simm.s32 @!p1 $0x1000;
	[sflag:s24] =	ssyncadd.s32 @!p1 $0xFFFFC000;
	s24 =	simm.s32 @!p1 $0x80  }
0x6b: {  	[spmem:s2] =	stream.indirect.scatter.add.f32 @!p1 [tilespmem:s25], [sflag:$0x3], $0x80, s21, s24, $0xb8;
	[tilespmem:$0x1D000] =	vst v63  }
0x6c: {  	s24 =	simm.s32 @!p1 $0x3  }
0x6d: {  	p2 =	sgt.u32 @!p1 s20, $0xD;
	_ =	swait.ge @!p1 [sflag:s24], $0x4000  }
0x6e: {  	p2 =	por p2, p1;
	[sflag:s24] =	ssyncset.done @!p1 $0x0  }
0x6f: {  	s25 =	simm.s32 @!p2 $0x1000;
	[sflag:s24] =	ssyncadd.s32 @!p1 $0xFFFFC000;
	s24 =	simm.s32 @!p2 $0x80  }
0x70: {  	[tilespmem:s25], [sflag:$0x1] =	stream.indirect.gather @!p2 [hbm4b:s4+s24], $0x80, s22, s24, $0xb8;
	[tilespmem:$0x1D000] =	vst v63  }
0x71: {  	p2 =	seq.s32 @!p1 s23, $0x0  }
0x72: {  	p1 =	por p1, !p2  }
.Ltmp12:
0x73: {  	_ = 	snop;
	(pc) =	sbr.rel @!p1 .LBB2_5-.Ltmp12, $1  }
0x74: {  	_ =	sdelay $0x3  }
0x75: {  	_ =	swait.ge [sflag:s18], $0x4000  }
0x76: {  	[sflag:s18] =	ssyncset.done $0x0  }
0x77: {  	[sflag:s18] =	ssyncadd.s32 $0xFFFFC000  }
0x78: {  	[spmem:s2] =	stream.indirect.scatter.add.f32 [tilespmem:s17], [sflag:$0x3], $0x80, s21, s15, $0xb8;
	[tilespmem:$0x1D000] =	vst v63  }
.Ltmp13:
0x79: {  	_ = 	snop;
	(pc) =	sbr.rel .LBB2_5-.Ltmp13, $4  }
0x7a: {  	_ =	swait.ge [sflag:s14], $0x4000  }
0x7b: {  	p1 =	sgt.u32 s20, $0xD;
	[sflag:s14] =	ssyncset.done $0x0  }
0x7c: {  	s23 =	simm.s32 @!p1 $0x80;
	s24 =	simm.s32 @!p1 $0x5000;
	[sflag:s14] =	ssyncadd.s32 $0xFFFFC000  }
0x7d: {  	[tilespmem:s24], [sflag:$0x2] =	stream.indirect.gather @!p1 [hbm4b:s4+s23], $0x80, s22, s23, $0xb8;
	[tilespmem:$0x1D000] =	vst v63  }
.LBB2_13:
0x7e: {  	_ =	sfence.sel $0x180000  }
0x7f: {  	[bflag:$0x0] =	sbarrier.arrive $0xFFFF  }
0x80: {  	p0 =	sne.s32 s1, $0x0;
	_ =	strace $0x90000056  }
0x81: {  	s0 =	sadd.s32 @!p0 $0x100000, s0;
	[bflag:$0x2] =	sbarrier.arrive $0xFFFF  }
0x82: {  	[sflag:s0] =	ssyncadd.tile.s32 @!p0 $0x1;
	_ =	shalt  }
.Lfunc_end2:
_tile_overlayer_lowered:
.L_overlay_start_2:
0x83: {  	(tag) =	ssettag $0x2  }
0x84: {  	s0 =	rddreg [dreg:$0x0];
	s2 =	stileid.u32  }
0x85: {  	s1 =	rddreg [dreg:$0x1];
	p0 =	sne.s32 s2, $0x0  }
0x86: {  	s3 =	rddreg [dreg:$0x2];
	[bflag:$0x3] =	sbarrier.arrive $0xFFFF;
	s2 =	simm.s32 @!p0 $0x1C03  }
0x87: {  	[timem:s3], [sflag:s2] =	dma.local @!p0 [hbm:s0], s1  }
0x88: {  	s0 =	simm.s32 @!p0 $0x3  }
0x89: {  	_ =	swait.ge @!p0 [sflag:s0], s1  }
0x8a: {  	s1 =	ssub.s32 @!p0 $0x0, s1;
	[sflag:s0] =	ssyncset.done @!p0 $0x0  }
0x8b: {  	[sflag:s0] =	ssyncadd.s32 @!p0 s1  }
0x8c: {  	[bflag:$0x3] =	sbarrier.arrive $0xFFFF  }
0x8d: {  	_ =	shalt  }

</sc_bundles>
